<compile_context>
chip_gen: v7x
topology: tpu7x:2x2x1
jax: 0.10.2.dev20260603
libtpu: 0.0.44.dev20260713+nightly
codegen_flags: <defaults>
</compile_context>

<pallas_src>
import functools
import math

import jax
import jax.numpy as jnp
from jax import lax
from jax.experimental import pallas as pl
from jax.experimental.pallas import tpu as pltpu
from jax.experimental.pallas import tpu_sc as plsc

_SMOOTHING = 0.1
_PAD_IDX = 0

_VTC = 57600
_TC_VB = 3840
_VSC_END = 99968


def _sc_partials(pred2, tgt, eps, c_row):
    N, V = pred2.shape
    info = plsc.get_sparse_core_info()
    NW = info.num_cores * info.num_subcores
    NC = info.num_cores
    rpw = N // NW
    NT = (_VSC_END - _VTC) // 128
    CT = 29
    NFULL = (NT - 1) // CT
    CHUNKS = [CT] * NFULL + [NT - NFULL * CT]
    NCH = len(CHUNKS)
    CW = CT * 128

    mesh = plsc.VectorSubcoreMesh(core_axis_name="c", subcore_axis_name="s")

    @functools.partial(
        pl.kernel,
        mesh=mesh,
        out_type=jax.ShapeDtypeStruct((NW, 16), jnp.float32),
        scratch_types=[
            pltpu.VMEM((16,), jnp.int32),
            pltpu.VMEM((rpw, rpw, 128), jnp.float32),
            pltpu.VMEM((rpw, 128), jnp.float32),
            pltpu.VMEM((16,), jnp.float32),
            pltpu.VMEM((rpw, CW), jnp.float32),
            pltpu.VMEM((rpw, CW), jnp.float32),
            pltpu.VMEM((rpw, CW), jnp.float32),
            pltpu.VMEM((rpw, CW), jnp.float32),
            pltpu.SemaphoreType.DMA,
            pltpu.SemaphoreType.DMA,
            pltpu.SemaphoreType.DMA,
            pltpu.SemaphoreType.DMA,
            pltpu.SemaphoreType.DMA,
        ],
    )
    def sc(pred_hbm, tgt_hbm, out_hbm, tgt_v, tval_v, pad_v, out_v,
           buf0, buf1, buf2, buf3, sem0, sem1, sem2, sem3, gsem):
        wid = lax.axis_index("s") * NC + lax.axis_index("c")
        base = pl.multiple_of(wid * rpw, rpw)
        pltpu.sync_copy(tgt_hbm.at[pl.ds(base, rpw)], tgt_v.at[pl.ds(0, rpw)])
        t = tgt_v[...]
        lane = lax.iota(jnp.int32, 16)

        gpad = pltpu.async_copy(
            pred_hbm.at[pl.ds(base, rpw), pl.ds(0, 128)], pad_v, gsem)
        gts = []
        for j in range(rpw):
            c0 = pl.multiple_of((t[j] // 128) * 128, 128)
            gts.append(pltpu.async_copy(
                pred_hbm.at[pl.ds(base, rpw), pl.ds(c0, 128)],
                tval_v.at[j], gsem))

        bufs = (buf0, buf1, buf2, buf3)
        sems = (sem0, sem1, sem2, sem3)
        ND = len(bufs)
        offs = [_VTC + sum(CHUNKS[:k]) * 128 for k in range(NCH)]

        def issue(k):
            w = CHUNKS[k] * 128
            src = pred_hbm.at[pl.ds(base, rpw), pl.ds(offs[k], w)]
            if CHUNKS[k] == CT:
                return pltpu.async_copy(src, bufs[k % ND], sems[k % ND])
            return pltpu.async_copy(src, bufs[k % ND].at[:, pl.ds(0, w)],
                                    sems[k % ND])

        handles = [None] * NCH
        for k in range(min(ND, NCH)):
            handles[k] = issue(k)

        zero = jnp.zeros((16,), jnp.float32)
        accs = (zero,) * rpw
        for k in range(NCH):
            handles[k].wait()
            buf = bufs[k % ND]
            nvr = CHUNKS[k] * 8

            @plsc.parallel_loop(0, nvr, 1, unroll=2, carry=accs)
            def red(i, a, buf=buf):
                return tuple(a[j] + buf[j, pl.ds(i * 16, 16)]
                             for j in range(rpw))

            accs = red
            if k + ND < NCH:
                handles[k + ND] = issue(k + ND)

        gpad.wait()
        for g in gts:
            g.wait()
        contrib = zero
        coef_t = eps - (1.0 - _SMOOTHING)
        for j in range(rpw):
            valid = t[j] != _PAD_IDX
            gsel = (t[j] % 128) // 16
            val = zero
            for g in range(8):
                val = val + jnp.where(gsel == g,
                                      tval_v[j, j, pl.ds(g * 16, 16)], zero)
            sparse = (jnp.where(lane == t[j] % 16, coef_t * val, 0.0)
                      + jnp.where(lane == 0,
                                  eps * pad_v[j, pl.ds(0, 16)] + c_row, 0.0))
            contrib = contrib + jnp.where(valid, sparse - eps * accs[j], zero)
        out_v[...] = contrib
        pltpu.sync_copy(out_v, out_hbm.at[wid])

    return sc(pred2, tgt)


def _tc_partial(p2, tail, t_col, eps):
    N = p2.shape[0]
    Vb = _TC_VB
    G = _VTC // Vb
    W = tail.shape[1]

    def body(t_ref, p_ref, tail_ref, out_ref):
        g = pl.program_id(0)
        x = p_ref[...]
        rows = jnp.dot(x, jnp.ones((Vb, 1), jnp.float32),
                       preferred_element_type=jnp.float32)
        m = t_ref[...] != _PAD_IDX
        val = -eps * jnp.sum(jnp.where(m, rows, 0.0))
        trows = jnp.dot(tail_ref[...], jnp.ones((W, 1), jnp.float32),
                        preferred_element_type=jnp.float32)
        tval = -eps * jnp.sum(jnp.where(m, trows, 0.0))
        val = val + jnp.where(g == 0, tval, 0.0)
        r0 = lax.broadcasted_iota(jnp.int32, (8, 128), 0) == 0
        l0 = lax.broadcasted_iota(jnp.int32, (8, 128), 1) == 0
        out_ref[...] = jnp.where(r0 & l0, val, 0.0)

    return pl.pallas_call(
        body,
        grid=(G,),
        in_specs=[
            pl.BlockSpec((N, 1), lambda g: (0, 0)),
            pl.BlockSpec((N, Vb), lambda g: (0, g)),
            pl.BlockSpec((N, W), lambda g: (0, 0)),
        ],
        out_specs=pl.BlockSpec((8, 128), lambda g: (g, 0)),
        out_shape=jax.ShapeDtypeStruct((8 * G, 128), jnp.float32),
        compiler_params=pltpu.CompilerParams(
            dimension_semantics=("parallel",)),
    )(t_col, p2, tail)


def _tc_combine(scp, tpart):

    def body(scp_ref, tp_ref, out_ref):
        out_ref[0, 0] = jnp.sum(scp_ref[...]) + jnp.sum(tp_ref[...])

    return pl.pallas_call(
        body,
        in_specs=[
            pl.BlockSpec(memory_space=pltpu.VMEM),
            pl.BlockSpec(memory_space=pltpu.VMEM),
        ],
        out_specs=pl.BlockSpec(memory_space=pltpu.SMEM),
        out_shape=jax.ShapeDtypeStruct((1, 1), jnp.float32),
    )(scp, tpart)


def kernel(pred, target):
    B, S, V = pred.shape
    N = B * S
    p2 = pred.reshape(N, V)
    t = target.reshape(N).astype(jnp.int32)
    eps = _SMOOTHING / (V - 2)
    c_row = (_SMOOTHING * math.log(eps)
             + (1.0 - _SMOOTHING) * math.log(1.0 - _SMOOTHING))
    scp = _sc_partials(p2, t, eps, c_row)
    tpart = _tc_partial(p2, p2[:, _VSC_END:], t.reshape(N, 1), eps)
    out = _tc_combine(scp, tpart)
    return out[0, 0]

# --- scband reference (transcript-rebuilt; emitter-appended) ---
"""Pipeline reference for scband-label-smoothing-86517821215619 (READ-ONLY COPY).

The authoritative reference and input builder live on the scoring server;
editing this copy changes nothing except your own understanding.
"""

import jax, jax.numpy as jnp
import numpy as np

SMOOTHING = 0.1
PAD_IDX = 0


def setup_inputs(seed: int = 0) -> dict:
    key = jax.random.key(seed)
    k1, k2 = jax.random.split(key)
    pred = jax.random.normal(k1, (8, 32, 100000), dtype=jnp.float32)
    target = jax.random.randint(k2, (8, 32), 0, 100000, dtype=jnp.int32)
    return {"pred": pred, "target": target}


def reference(pred, target):
    B, S, V = pred.shape
    p = pred.reshape(-1, V)
    t = target.reshape(-1).astype(jnp.int32)
    N = p.shape[0]
    # dist = smoothing * ones / (V - 2)
    dist = jnp.full((N, V), SMOOTHING / (V - 2), dtype=p.dtype)
    # dist.scatter_(1, target.unsqueeze(-1), 1 - smoothing)
    dist = dist.at[jnp.arange(N), t].set(1.0 - SMOOTHING)
    # dist[:, pad_idx] = 0
    dist = dist.at[:, PAD_IDX].set(0.0)
    # zero out rows where target == pad_idx (index_fill_)
    dist = jnp.where((t == PAD_IDX)[:, None], 0.0, dist)
    # F.kl_div(pred, dist, reduction='sum') = sum(dist * (log(dist) - pred)), 0 where dist == 0
    loss = jnp.sum(jax.scipy.special.xlogy(dist, dist) - dist * p)
    return loss

if __name__ == "__main__":
    import jax
    _d = setup_inputs()
    print(jax.jit(kernel)(*tuple(_d.values())))

</pallas_src>

<mosaic_0001>
#map = affine_map<(d0, d1) -> (0, 0)>
#map1 = affine_map<(d0, d1) -> (0)>
module attributes {stable_mosaic.version = 14 : i64} {
  func.func @sc(%arg0: i32, %arg1: i32, %arg2: memref<256x100000xf32, #tpu.memory_space<hbm>>, %arg3: memref<256xi32, #tpu.memory_space<hbm>>, %arg4: memref<32x16xf32, #tpu.memory_space<hbm>>, %arg5: memref<16xi32, #tpu.memory_space<vmem>>, %arg6: memref<8x8x128xf32, #tpu.memory_space<vmem>>, %arg7: memref<8x128xf32, #tpu.memory_space<vmem>>, %arg8: memref<16xf32, #tpu.memory_space<vmem>>, %arg9: memref<8x3712xf32, #tpu.memory_space<vmem>>, %arg10: memref<8x3712xf32, #tpu.memory_space<vmem>>, %arg11: memref<8x3712xf32, #tpu.memory_space<vmem>>, %arg12: memref<8x3712xf32, #tpu.memory_space<vmem>>, %arg13: memref<!tpu.dma_semaphore, #tpu.memory_space<semaphore_mem>>, %arg14: memref<!tpu.dma_semaphore, #tpu.memory_space<semaphore_mem>>, %arg15: memref<!tpu.dma_semaphore, #tpu.memory_space<semaphore_mem>>, %arg16: memref<!tpu.dma_semaphore, #tpu.memory_space<semaphore_mem>>, %arg17: memref<!tpu.dma_semaphore, #tpu.memory_space<semaphore_mem>>) attributes {dimension_semantics = [#tpu.dimension_semantics<core_parallel>, #tpu.dimension_semantics<subcore_parallel>], iteration_bounds = array<i64: 2, 16>, scalar_prefetch = 0 : i64, scratch_operands = 13 : i64, tpu.core_type = #tpu.core_type<sc_vector_subcore>, window_params = [{transform_indices = #map}, {transform_indices = #map1}, {transform_indices = #map}]} {
    %mul3A = arith.constant 2 : i32
    %mul3A_0 = arith.muli %arg1, %mul3A : i32
    %add3A = arith.addi %mul3A_0, %arg0 : i32
    %mul3A_1 = arith.constant 8 : i32
    %mul3A_2 = arith.muli %add3A, %mul3A_1 : i32
    %multiple_of3A = tpu.assume_multiple %mul3A_2, 8 : i32
    "tpu.region"() ({
      %run_scoped3A = tpu.sem_alloc : memref<!tpu.dma_semaphore, #tpu.memory_space<semaphore_mem>>
      %dma_start3A_2038 = arith.constant 0 : i32
      %dma_start3A_2039 = tpu.memref_slice %arg5[%dma_start3A_2038] : memref<16xi32, #tpu.memory_space<vmem>> -> memref<8xi32, #tpu.memory_space<vmem>>
      %dma_start3A_2040 = tpu.memref_slice %arg3[%multiple_of3A] : memref<256xi32, #tpu.memory_space<hbm>> -> memref<8xi32, #tpu.memory_space<hbm>>
      %dma_start3A_2041 = arith.constant 0 : i32
      %dma_start3A_2042 = tpu.memref_slice %arg5[%dma_start3A_2041] : memref<16xi32, #tpu.memory_space<vmem>> -> memref<8xi32, #tpu.memory_space<vmem>>
      %dma_start3A_2043 = tpu.memref_slice %arg3[%multiple_of3A] : memref<256xi32, #tpu.memory_space<hbm>> -> memref<8xi32, #tpu.memory_space<hbm>>
      tpu.enqueue_dma source(%dma_start3A_2043 : memref<8xi32, #tpu.memory_space<hbm>>) target(%dma_start3A_2042 : memref<8xi32, #tpu.memory_space<vmem>>) target_semaphore(%run_scoped3A : memref<!tpu.dma_semaphore, #tpu.memory_space<semaphore_mem>>)
      %dma_wait3A_2044 = arith.constant 0 : i32
      %dma_wait3A_2045 = tpu.memref_slice %arg5[%dma_wait3A_2044] : memref<16xi32, #tpu.memory_space<vmem>> -> memref<8xi32, #tpu.memory_space<vmem>>
      %dma_wait3A_2046 = tpu.memref_slice %arg3[%multiple_of3A] : memref<256xi32, #tpu.memory_space<hbm>> -> memref<8xi32, #tpu.memory_space<hbm>>
      %dma_wait3A_2047 = arith.constant 0 : i32
      %dma_wait3A_2048 = tpu.memref_slice %arg5[%dma_wait3A_2047] : memref<16xi32, #tpu.memory_space<vmem>> -> memref<8xi32, #tpu.memory_space<vmem>>
      %dma_wait3A_2049 = tpu.memref_slice %arg3[%multiple_of3A] : memref<256xi32, #tpu.memory_space<hbm>> -> memref<8xi32, #tpu.memory_space<hbm>>
      tpu.wait_dma2 semaphore(%run_scoped3A : memref<!tpu.dma_semaphore, #tpu.memory_space<semaphore_mem>>) src(%dma_wait3A_2049 : memref<8xi32, #tpu.memory_space<hbm>>) dst(%dma_wait3A_2048 : memref<8xi32, #tpu.memory_space<vmem>>)
      tpu.yield
    }) : () -> ()
    %get3A = arith.constant 0 : index
    %get3A_3 = tpu.vector_load %arg5[%get3A] {strides = array<i32>} : memref<16xi32, #tpu.memory_space<vmem>>, vector<16xi32>,
    %get3A_4 = vector.shape_cast %get3A_3 : vector<16xi32> to vector<16xi32>
    %iota3A = tpu.iota {dimensions = array<i32: 0>} : vector<16xi32>
    %dma_start3A = arith.constant 0 : i32
    %dma_start3A_5 = tpu.memref_slice %arg2[%multiple_of3A, %dma_start3A] : memref<256x100000xf32, #tpu.memory_space<hbm>> -> memref<8x128xf32, #tpu.memory_space<hbm>>
    %dma_start3A_6 = arith.constant 0 : i32
    %dma_start3A_7 = tpu.memref_slice %arg2[%multiple_of3A, %dma_start3A_6] : memref<256x100000xf32, #tpu.memory_space<hbm>> -> memref<8x128xf32, #tpu.memory_space<hbm>>
    tpu.enqueue_dma source(%dma_start3A_7 : memref<8x128xf32, #tpu.memory_space<hbm>>) target(%arg7 : memref<8x128xf32, #tpu.memory_space<vmem>>) target_semaphore(%arg17 : memref<!tpu.dma_semaphore, #tpu.memory_space<semaphore_mem>>)
    %slice3A = vector.extract_strided_slice %get3A_4 {offsets = [0], sizes = [1], strides = [1]} : vector<16xi32> to vector<1xi32>
    %squeeze3A = vector.extract %slice3A[0] : i32 from vector<1xi32>
    %jit3A = arith.constant 128 : i32
    %div3A = arith.divsi %squeeze3A, %jit3A : i32
    %sign3A = arith.constant 0 : i32
    %sign3A_8 = arith.cmpi sgt, %squeeze3A, %sign3A : i32
    %sign3A_9 = arith.extui %sign3A_8 : i1 to i32
    %sign3A_10 = arith.constant 0 : i32
    %sign3A_11 = arith.cmpi slt, %squeeze3A, %sign3A_10 : i32
    %sign3A_12 = arith.extui %sign3A_11 : i1 to i32
    %sign3A_13 = arith.subi %sign3A_9, %sign3A_12 : i32
    %sign3A_14 = arith.constant 0 : i32
    %sign3A_15 = arith.cmpi sgt, %jit3A, %sign3A_14 : i32
    %sign3A_16 = arith.extui %sign3A_15 : i1 to i32
    %sign3A_17 = arith.constant 0 : i32
    %sign3A_18 = arith.cmpi slt, %jit3A, %sign3A_17 : i32
    %sign3A_19 = arith.extui %sign3A_18 : i1 to i32
    %sign3A_20 = arith.subi %sign3A_16, %sign3A_19 : i32
    %ne3A = arith.cmpi ne, %sign3A_13, %sign3A_20 : i32
    %rem3A = arith.remsi %squeeze3A, %jit3A : i32
    %ne3A_21 = arith.constant 0 : i32
    %ne3A_22 = arith.cmpi ne, %rem3A, %ne3A_21 : i32
    %and3A = arith.andi %ne3A, %ne3A_22 : i1
    %sub3A = arith.constant 1 : i32
    %sub3A_23 = arith.subi %div3A, %sub3A : i32
    %select_n3A = arith.select %and3A, %sub3A_23, %div3A : i32
    %mul3A_24 = arith.constant 128 : i32
    %mul3A_25 = arith.muli %select_n3A, %mul3A_24 : i32
    %multiple_of3A_26 = tpu.assume_multiple %mul3A_25, 128 : i32
    %dma_start3A_27 = arith.constant 0 : i32
    %dma_start3A_28 = arith.constant 0 : i32
    %dma_start3A_29 = arith.constant 0 : i32
    %dma_start3A_30 = tpu.memref_slice %arg6[%dma_start3A_27, %dma_start3A_28, %dma_start3A_29] : memref<8x8x128xf32, #tpu.memory_space<vmem>> -> memref<1x8x128xf32, #tpu.memory_space<vmem>>
    %dma_start3A_31 = tpu.memref_squeeze %dma_start3A_30 : memref<1x8x128xf32, #tpu.memory_space<vmem>> -> memref<8x128xf32, #tpu.memory_space<vmem>>
    %dma_start3A_32 = tpu.memref_slice %arg2[%multiple_of3A, %multiple_of3A_26] : memref<256x100000xf32, #tpu.memory_space<hbm>> -> memref<8x128xf32, #tpu.memory_space<hbm>>
    %dma_start3A_33 = arith.constant 0 : i32
    %dma_start3A_34 = arith.constant 0 : i32
    %dma_start3A_35 = tpu.memref_slice %arg6[%dma_start3A_27, %dma_start3A_33, %dma_start3A_34] : memref<8x8x128xf32, #tpu.memory_space<vmem>> -> memref<1x8x128xf32, #tpu.memory_space<vmem>>
    %dma_start3A_36 = tpu.memref_squeeze %dma_start3A_35 : memref<1x8x128xf32, #tpu.memory_space<vmem>> -> memref<8x128xf32, #tpu.memory_space<vmem>>
    %dma_start3A_37 = tpu.memref_slice %arg2[%multiple_of3A, %multiple_of3A_26] : memref<256x100000xf32, #tpu.memory_space<hbm>> -> memref<8x128xf32, #tpu.memory_space<hbm>>
    tpu.enqueue_dma source(%dma_start3A_37 : memref<8x128xf32, #tpu.memory_space<hbm>>) target(%dma_start3A_36 : memref<8x128xf32, #tpu.memory_space<vmem>>) target_semaphore(%arg17 : memref<!tpu.dma_semaphore, #tpu.memory_space<semaphore_mem>>)
    %slice3A_38 = vector.extract_strided_slice %get3A_4 {offsets = [1], sizes = [1], strides = [1]} : vector<16xi32> to vector<1xi32>
    %squeeze3A_39 = vector.extract %slice3A_38[0] : i32 from vector<1xi32>
    %jit3A_40 = arith.constant 128 : i32
    %div3A_41 = arith.divsi %squeeze3A_39, %jit3A_40 : i32
    %sign3A_42 = arith.constant 0 : i32
    %sign3A_43 = arith.cmpi sgt, %squeeze3A_39, %sign3A_42 : i32
    %sign3A_44 = arith.extui %sign3A_43 : i1 to i32
    %sign3A_45 = arith.constant 0 : i32
    %sign3A_46 = arith.cmpi slt, %squeeze3A_39, %sign3A_45 : i32
    %sign3A_47 = arith.extui %sign3A_46 : i1 to i32
    %sign3A_48 = arith.subi %sign3A_44, %sign3A_47 : i32
    %sign3A_49 = arith.constant 0 : i32
    %sign3A_50 = arith.cmpi sgt, %jit3A_40, %sign3A_49 : i32
    %sign3A_51 = arith.extui %sign3A_50 : i1 to i32
    %sign3A_52 = arith.constant 0 : i32
    %sign3A_53 = arith.cmpi slt, %jit3A_40, %sign3A_52 : i32
    %sign3A_54 = arith.extui %sign3A_53 : i1 to i32
    %sign3A_55 = arith.subi %sign3A_51, %sign3A_54 : i32
    %ne3A_56 = arith.cmpi ne, %sign3A_48, %sign3A_55 : i32
    %rem3A_57 = arith.remsi %squeeze3A_39, %jit3A_40 : i32
    %ne3A_58 = arith.constant 0 : i32
    %ne3A_59 = arith.cmpi ne, %rem3A_57, %ne3A_58 : i32
    %and3A_60 = arith.andi %ne3A_56, %ne3A_59 : i1
    %sub3A_61 = arith.constant 1 : i32
    %sub3A_62 = arith.subi %div3A_41, %sub3A_61 : i32
    %select_n3A_63 = arith.select %and3A_60, %sub3A_62, %div3A_41 : i32
    %mul3A_64 = arith.constant 128 : i32
    %mul3A_65 = arith.muli %select_n3A_63, %mul3A_64 : i32
    %multiple_of3A_66 = tpu.assume_multiple %mul3A_65, 128 : i32
    %dma_start3A_67 = arith.constant 1 : i32
    %dma_start3A_68 = arith.constant 0 : i32
    %dma_start3A_69 = arith.constant 0 : i32
    %dma_start3A_70 = tpu.memref_slice %arg6[%dma_start3A_67, %dma_start3A_68, %dma_start3A_69] : memref<8x8x128xf32, #tpu.memory_space<vmem>> -> memref<1x8x128xf32, #tpu.memory_space<vmem>>
    %dma_start3A_71 = tpu.memref_squeeze %dma_start3A_70 : memref<1x8x128xf32, #tpu.memory_space<vmem>> -> memref<8x128xf32, #tpu.memory_space<vmem>>
    %dma_start3A_72 = tpu.memref_slice %arg2[%multiple_of3A, %multiple_of3A_66] : memref<256x100000xf32, #tpu.memory_space<hbm>> -> memref<8x128xf32, #tpu.memory_space<hbm>>
    %dma_start3A_73 = arith.constant 0 : i32
    %dma_start3A_74 = arith.constant 0 : i32
    %dma_start3A_75 = tpu.memref_slice %arg6[%dma_start3A_67, %dma_start3A_73, %dma_start3A_74] : memref<8x8x128xf32, #tpu.memory_space<vmem>> -> memref<1x8x128xf32, #tpu.memory_space<vmem>>
    %dma_start3A_76 = tpu.memref_squeeze %dma_start3A_75 : memref<1x8x128xf32, #tpu.memory_space<vmem>> -> memref<8x128xf32, #tpu.memory_space<vmem>>
    %dma_start3A_77 = tpu.memref_slice %arg2[%multiple_of3A, %multiple_of3A_66] : memref<256x100000xf32, #tpu.memory_space<hbm>> -> memref<8x128xf32, #tpu.memory_space<hbm>>
    tpu.enqueue_dma source(%dma_start3A_77 : memref<8x128xf32, #tpu.memory_space<hbm>>) target(%dma_start3A_76 : memref<8x128xf32, #tpu.memory_space<vmem>>) target_semaphore(%arg17 : memref<!tpu.dma_semaphore, #tpu.memory_space<semaphore_mem>>)
    %slice3A_78 = vector.extract_strided_slice %get3A_4 {offsets = [2], sizes = [1], strides = [1]} : vector<16xi32> to vector<1xi32>
    %squeeze3A_79 = vector.extract %slice3A_78[0] : i32 from vector<1xi32>
    %jit3A_80 = arith.constant 128 : i32
    %div3A_81 = arith.divsi %squeeze3A_79, %jit3A_80 : i32
    %sign3A_82 = arith.constant 0 : i32
    %sign3A_83 = arith.cmpi sgt, %squeeze3A_79, %sign3A_82 : i32
    %sign3A_84 = arith.extui %sign3A_83 : i1 to i32
    %sign3A_85 = arith.constant 0 : i32
    %sign3A_86 = arith.cmpi slt, %squeeze3A_79, %sign3A_85 : i32
    %sign3A_87 = arith.extui %sign3A_86 : i1 to i32
    %sign3A_88 = arith.subi %sign3A_84, %sign3A_87 : i32
    %sign3A_89 = arith.constant 0 : i32
    %sign3A_90 = arith.cmpi sgt, %jit3A_80, %sign3A_89 : i32
    %sign3A_91 = arith.extui %sign3A_90 : i1 to i32
    %sign3A_92 = arith.constant 0 : i32
    %sign3A_93 = arith.cmpi slt, %jit3A_80, %sign3A_92 : i32
    %sign3A_94 = arith.extui %sign3A_93 : i1 to i32
    %sign3A_95 = arith.subi %sign3A_91, %sign3A_94 : i32
    %ne3A_96 = arith.cmpi ne, %sign3A_88, %sign3A_95 : i32
    %rem3A_97 = arith.remsi %squeeze3A_79, %jit3A_80 : i32
    %ne3A_98 = arith.constant 0 : i32
    %ne3A_99 = arith.cmpi ne, %rem3A_97, %ne3A_98 : i32
    %and3A_100 = arith.andi %ne3A_96, %ne3A_99 : i1
    %sub3A_101 = arith.constant 1 : i32
    %sub3A_102 = arith.subi %div3A_81, %sub3A_101 : i32
    %select_n3A_103 = arith.select %and3A_100, %sub3A_102, %div3A_81 : i32
    %mul3A_104 = arith.constant 128 : i32
    %mul3A_105 = arith.muli %select_n3A_103, %mul3A_104 : i32
    %multiple_of3A_106 = tpu.assume_multiple %mul3A_105, 128 : i32
    %dma_start3A_107 = arith.constant 2 : i32
    %dma_start3A_108 = arith.constant 0 : i32
    %dma_start3A_109 = arith.constant 0 : i32
    %dma_start3A_110 = tpu.memref_slice %arg6[%dma_start3A_107, %dma_start3A_108, %dma_start3A_109] : memref<8x8x128xf32, #tpu.memory_space<vmem>> -> memref<1x8x128xf32, #tpu.memory_space<vmem>>
    %dma_start3A_111 = tpu.memref_squeeze %dma_start3A_110 : memref<1x8x128xf32, #tpu.memory_space<vmem>> -> memref<8x128xf32, #tpu.memory_space<vmem>>
    %dma_start3A_112 = tpu.memref_slice %arg2[%multiple_of3A, %multiple_of3A_106] : memref<256x100000xf32, #tpu.memory_space<hbm>> -> memref<8x128xf32, #tpu.memory_space<hbm>>
    %dma_start3A_113 = arith.constant 0 : i32
    %dma_start3A_114 = arith.constant 0 : i32
    %dma_start3A_115 = tpu.memref_slice %arg6[%dma_start3A_107, %dma_start3A_113, %dma_start3A_114] : memref<8x8x128xf32, #tpu.memory_space<vmem>> -> memref<1x8x128xf32, #tpu.memory_space<vmem>>
    %dma_start3A_116 = tpu.memref_squeeze %dma_start3A_115 : memref<1x8x128xf32, #tpu.memory_space<vmem>> -> memref<8x128xf32, #tpu.memory_space<vmem>>
    %dma_start3A_117 = tpu.memref_slice %arg2[%multiple_of3A, %multiple_of3A_106] : memref<256x100000xf32, #tpu.memory_space<hbm>> -> memref<8x128xf32, #tpu.memory_space<hbm>>
    tpu.enqueue_dma source(%dma_start3A_117 : memref<8x128xf32, #tpu.memory_space<hbm>>) target(%dma_start3A_116 : memref<8x128xf32, #tpu.memory_space<vmem>>) target_semaphore(%arg17 : memref<!tpu.dma_semaphore, #tpu.memory_space<semaphore_mem>>)
    %slice3A_118 = vector.extract_strided_slice %get3A_4 {offsets = [3], sizes = [1], strides = [1]} : vector<16xi32> to vector<1xi32>
    %squeeze3A_119 = vector.extract %slice3A_118[0] : i32 from vector<1xi32>
    %jit3A_120 = arith.constant 128 : i32
    %div3A_121 = arith.divsi %squeeze3A_119, %jit3A_120 : i32
    %sign3A_122 = arith.constant 0 : i32
    %sign3A_123 = arith.cmpi sgt, %squeeze3A_119, %sign3A_122 : i32
    %sign3A_124 = arith.extui %sign3A_123 : i1 to i32
    %sign3A_125 = arith.constant 0 : i32
    %sign3A_126 = arith.cmpi slt, %squeeze3A_119, %sign3A_125 : i32
    %sign3A_127 = arith.extui %sign3A_126 : i1 to i32
    %sign3A_128 = arith.subi %sign3A_124, %sign3A_127 : i32
    %sign3A_129 = arith.constant 0 : i32
    %sign3A_130 = arith.cmpi sgt, %jit3A_120, %sign3A_129 : i32
    %sign3A_131 = arith.extui %sign3A_130 : i1 to i32
    %sign3A_132 = arith.constant 0 : i32
    %sign3A_133 = arith.cmpi slt, %jit3A_120, %sign3A_132 : i32
    %sign3A_134 = arith.extui %sign3A_133 : i1 to i32
    %sign3A_135 = arith.subi %sign3A_131, %sign3A_134 : i32
    %ne3A_136 = arith.cmpi ne, %sign3A_128, %sign3A_135 : i32
    %rem3A_137 = arith.remsi %squeeze3A_119, %jit3A_120 : i32
    %ne3A_138 = arith.constant 0 : i32
    %ne3A_139 = arith.cmpi ne, %rem3A_137, %ne3A_138 : i32
    %and3A_140 = arith.andi %ne3A_136, %ne3A_139 : i1
    %sub3A_141 = arith.constant 1 : i32
    %sub3A_142 = arith.subi %div3A_121, %sub3A_141 : i32
    %select_n3A_143 = arith.select %and3A_140, %sub3A_142, %div3A_121 : i32
    %mul3A_144 = arith.constant 128 : i32
    %mul3A_145 = arith.muli %select_n3A_143, %mul3A_144 : i32
    %multiple_of3A_146 = tpu.assume_multiple %mul3A_145, 128 : i32
    %dma_start3A_147 = arith.constant 3 : i32
    %dma_start3A_148 = arith.constant 0 : i32
    %dma_start3A_149 = arith.constant 0 : i32
    %dma_start3A_150 = tpu.memref_slice %arg6[%dma_start3A_147, %dma_start3A_148, %dma_start3A_149] : memref<8x8x128xf32, #tpu.memory_space<vmem>> -> memref<1x8x128xf32, #tpu.memory_space<vmem>>
    %dma_start3A_151 = tpu.memref_squeeze %dma_start3A_150 : memref<1x8x128xf32, #tpu.memory_space<vmem>> -> memref<8x128xf32, #tpu.memory_space<vmem>>
    %dma_start3A_152 = tpu.memref_slice %arg2[%multiple_of3A, %multiple_of3A_146] : memref<256x100000xf32, #tpu.memory_space<hbm>> -> memref<8x128xf32, #tpu.memory_space<hbm>>
    %dma_start3A_153 = arith.constant 0 : i32
    %dma_start3A_154 = arith.constant 0 : i32
    %dma_start3A_155 = tpu.memref_slice %arg6[%dma_start3A_147, %dma_start3A_153, %dma_start3A_154] : memref<8x8x128xf32, #tpu.memory_space<vmem>> -> memref<1x8x128xf32, #tpu.memory_space<vmem>>
    %dma_start3A_156 = tpu.memref_squeeze %dma_start3A_155 : memref<1x8x128xf32, #tpu.memory_space<vmem>> -> memref<8x128xf32, #tpu.memory_space<vmem>>
    %dma_start3A_157 = tpu.memref_slice %arg2[%multiple_of3A, %multiple_of3A_146] : memref<256x100000xf32, #tpu.memory_space<hbm>> -> memref<8x128xf32, #tpu.memory_space<hbm>>
    tpu.enqueue_dma source(%dma_start3A_157 : memref<8x128xf32, #tpu.memory_space<hbm>>) target(%dma_start3A_156 : memref<8x128xf32, #tpu.memory_space<vmem>>) target_semaphore(%arg17 : memref<!tpu.dma_semaphore, #tpu.memory_space<semaphore_mem>>)
    %slice3A_158 = vector.extract_strided_slice %get3A_4 {offsets = [4], sizes = [1], strides = [1]} : vector<16xi32> to vector<1xi32>
    %squeeze3A_159 = vector.extract %slice3A_158[0] : i32 from vector<1xi32>
    %jit3A_160 = arith.constant 128 : i32
    %div3A_161 = arith.divsi %squeeze3A_159, %jit3A_160 : i32
    %sign3A_162 = arith.constant 0 : i32
    %sign3A_163 = arith.cmpi sgt, %squeeze3A_159, %sign3A_162 : i32
    %sign3A_164 = arith.extui %sign3A_163 : i1 to i32
    %sign3A_165 = arith.constant 0 : i32
    %sign3A_166 = arith.cmpi slt, %squeeze3A_159, %sign3A_165 : i32
    %sign3A_167 = arith.extui %sign3A_166 : i1 to i32
    %sign3A_168 = arith.subi %sign3A_164, %sign3A_167 : i32
    %sign3A_169 = arith.constant 0 : i32
    %sign3A_170 = arith.cmpi sgt, %jit3A_160, %sign3A_169 : i32
    %sign3A_171 = arith.extui %sign3A_170 : i1 to i32
    %sign3A_172 = arith.constant 0 : i32
    %sign3A_173 = arith.cmpi slt, %jit3A_160, %sign3A_172 : i32
    %sign3A_174 = arith.extui %sign3A_173 : i1 to i32
    %sign3A_175 = arith.subi %sign3A_171, %sign3A_174 : i32
    %ne3A_176 = arith.cmpi ne, %sign3A_168, %sign3A_175 : i32
    %rem3A_177 = arith.remsi %squeeze3A_159, %jit3A_160 : i32
    %ne3A_178 = arith.constant 0 : i32
    %ne3A_179 = arith.cmpi ne, %rem3A_177, %ne3A_178 : i32
    %and3A_180 = arith.andi %ne3A_176, %ne3A_179 : i1
    %sub3A_181 = arith.constant 1 : i32
    %sub3A_182 = arith.subi %div3A_161, %sub3A_181 : i32
    %select_n3A_183 = arith.select %and3A_180, %sub3A_182, %div3A_161 : i32
    %mul3A_184 = arith.constant 128 : i32
    %mul3A_185 = arith.muli %select_n3A_183, %mul3A_184 : i32
    %multiple_of3A_186 = tpu.assume_multiple %mul3A_185, 128 : i32
    %dma_start3A_187 = arith.constant 4 : i32
    %dma_start3A_188 = arith.constant 0 : i32
    %dma_start3A_189 = arith.constant 0 : i32
    %dma_start3A_190 = tpu.memref_slice %arg6[%dma_start3A_187, %dma_start3A_188, %dma_start3A_189] : memref<8x8x128xf32, #tpu.memory_space<vmem>> -> memref<1x8x128xf32, #tpu.memory_space<vmem>>
    %dma_start3A_191 = tpu.memref_squeeze %dma_start3A_190 : memref<1x8x128xf32, #tpu.memory_space<vmem>> -> memref<8x128xf32, #tpu.memory_space<vmem>>
    %dma_start3A_192 = tpu.memref_slice %arg2[%multiple_of3A, %multiple_of3A_186] : memref<256x100000xf32, #tpu.memory_space<hbm>> -> memref<8x128xf32, #tpu.memory_space<hbm>>
    %dma_start3A_193 = arith.constant 0 : i32
    %dma_start3A_194 = arith.constant 0 : i32
    %dma_start3A_195 = tpu.memref_slice %arg6[%dma_start3A_187, %dma_start3A_193, %dma_start3A_194] : memref<8x8x128xf32, #tpu.memory_space<vmem>> -> memref<1x8x128xf32, #tpu.memory_space<vmem>>
    %dma_start3A_196 = tpu.memref_squeeze %dma_start3A_195 : memref<1x8x128xf32, #tpu.memory_space<vmem>> -> memref<8x128xf32, #tpu.memory_space<vmem>>
    %dma_start3A_197 = tpu.memref_slice %arg2[%multiple_of3A, %multiple_of3A_186] : memref<256x100000xf32, #tpu.memory_space<hbm>> -> memref<8x128xf32, #tpu.memory_space<hbm>>
    tpu.enqueue_dma source(%dma_start3A_197 : memref<8x128xf32, #tpu.memory_space<hbm>>) target(%dma_start3A_196 : memref<8x128xf32, #tpu.memory_space<vmem>>) target_semaphore(%arg17 : memref<!tpu.dma_semaphore, #tpu.memory_space<semaphore_mem>>)
    %slice3A_198 = vector.extract_strided_slice %get3A_4 {offsets = [5], sizes = [1], strides = [1]} : vector<16xi32> to vector<1xi32>
    %squeeze3A_199 = vector.extract %slice3A_198[0] : i32 from vector<1xi32>
    %jit3A_200 = arith.constant 128 : i32
    %div3A_201 = arith.divsi %squeeze3A_199, %jit3A_200 : i32
    %sign3A_202 = arith.constant 0 : i32
    %sign3A_203 = arith.cmpi sgt, %squeeze3A_199, %sign3A_202 : i32
    %sign3A_204 = arith.extui %sign3A_203 : i1 to i32
    %sign3A_205 = arith.constant 0 : i32
    %sign3A_206 = arith.cmpi slt, %squeeze3A_199, %sign3A_205 : i32
    %sign3A_207 = arith.extui %sign3A_206 : i1 to i32
    %sign3A_208 = arith.subi %sign3A_204, %sign3A_207 : i32
    %sign3A_209 = arith.constant 0 : i32
    %sign3A_210 = arith.cmpi sgt, %jit3A_200, %sign3A_209 : i32
    %sign3A_211 = arith.extui %sign3A_210 : i1 to i32
    %sign3A_212 = arith.constant 0 : i32
    %sign3A_213 = arith.cmpi slt, %jit3A_200, %sign3A_212 : i32
    %sign3A_214 = arith.extui %sign3A_213 : i1 to i32
    %sign3A_215 = arith.subi %sign3A_211, %sign3A_214 : i32
    %ne3A_216 = arith.cmpi ne, %sign3A_208, %sign3A_215 : i32
    %rem3A_217 = arith.remsi %squeeze3A_199, %jit3A_200 : i32
    %ne3A_218 = arith.constant 0 : i32
    %ne3A_219 = arith.cmpi ne, %rem3A_217, %ne3A_218 : i32
    %and3A_220 = arith.andi %ne3A_216, %ne3A_219 : i1
    %sub3A_221 = arith.constant 1 : i32
    %sub3A_222 = arith.subi %div3A_201, %sub3A_221 : i32
    %select_n3A_223 = arith.select %and3A_220, %sub3A_222, %div3A_201 : i32
    %mul3A_224 = arith.constant 128 : i32
    %mul3A_225 = arith.muli %select_n3A_223, %mul3A_224 : i32
    %multiple_of3A_226 = tpu.assume_multiple %mul3A_225, 128 : i32
    %dma_start3A_227 = arith.constant 5 : i32
    %dma_start3A_228 = arith.constant 0 : i32
    %dma_start3A_229 = arith.constant 0 : i32
    %dma_start3A_230 = tpu.memref_slice %arg6[%dma_start3A_227, %dma_start3A_228, %dma_start3A_229] : memref<8x8x128xf32, #tpu.memory_space<vmem>> -> memref<1x8x128xf32, #tpu.memory_space<vmem>>
    %dma_start3A_231 = tpu.memref_squeeze %dma_start3A_230 : memref<1x8x128xf32, #tpu.memory_space<vmem>> -> memref<8x128xf32, #tpu.memory_space<vmem>>
    %dma_start3A_232 = tpu.memref_slice %arg2[%multiple_of3A, %multiple_of3A_226] : memref<256x100000xf32, #tpu.memory_space<hbm>> -> memref<8x128xf32, #tpu.memory_space<hbm>>
    %dma_start3A_233 = arith.constant 0 : i32
    %dma_start3A_234 = arith.constant 0 : i32
    %dma_start3A_235 = tpu.memref_slice %arg6[%dma_start3A_227, %dma_start3A_233, %dma_start3A_234] : memref<8x8x128xf32, #tpu.memory_space<vmem>> -> memref<1x8x128xf32, #tpu.memory_space<vmem>>
    %dma_start3A_236 = tpu.memref_squeeze %dma_start3A_235 : memref<1x8x128xf32, #tpu.memory_space<vmem>> -> memref<8x128xf32, #tpu.memory_space<vmem>>
    %dma_start3A_237 = tpu.memref_slice %arg2[%multiple_of3A, %multiple_of3A_226] : memref<256x100000xf32, #tpu.memory_space<hbm>> -> memref<8x128xf32, #tpu.memory_space<hbm>>
    tpu.enqueue_dma source(%dma_start3A_237 : memref<8x128xf32, #tpu.memory_space<hbm>>) target(%dma_start3A_236 : memref<8x128xf32, #tpu.memory_space<vmem>>) target_semaphore(%arg17 : memref<!tpu.dma_semaphore, #tpu.memory_space<semaphore_mem>>)
    %slice3A_238 = vector.extract_strided_slice %get3A_4 {offsets = [6], sizes = [1], strides = [1]} : vector<16xi32> to vector<1xi32>
    %squeeze3A_239 = vector.extract %slice3A_238[0] : i32 from vector<1xi32>
    %jit3A_240 = arith.constant 128 : i32
    %div3A_241 = arith.divsi %squeeze3A_239, %jit3A_240 : i32
    %sign3A_242 = arith.constant 0 : i32
    %sign3A_243 = arith.cmpi sgt, %squeeze3A_239, %sign3A_242 : i32
    %sign3A_244 = arith.extui %sign3A_243 : i1 to i32
    %sign3A_245 = arith.constant 0 : i32
    %sign3A_246 = arith.cmpi slt, %squeeze3A_239, %sign3A_245 : i32
    %sign3A_247 = arith.extui %sign3A_246 : i1 to i32
    %sign3A_248 = arith.subi %sign3A_244, %sign3A_247 : i32
    %sign3A_249 = arith.constant 0 : i32
    %sign3A_250 = arith.cmpi sgt, %jit3A_240, %sign3A_249 : i32
    %sign3A_251 = arith.extui %sign3A_250 : i1 to i32
    %sign3A_252 = arith.constant 0 : i32
    %sign3A_253 = arith.cmpi slt, %jit3A_240, %sign3A_252 : i32
    %sign3A_254 = arith.extui %sign3A_253 : i1 to i32
    %sign3A_255 = arith.subi %sign3A_251, %sign3A_254 : i32
    %ne3A_256 = arith.cmpi ne, %sign3A_248, %sign3A_255 : i32
    %rem3A_257 = arith.remsi %squeeze3A_239, %jit3A_240 : i32
    %ne3A_258 = arith.constant 0 : i32
    %ne3A_259 = arith.cmpi ne, %rem3A_257, %ne3A_258 : i32
    %and3A_260 = arith.andi %ne3A_256, %ne3A_259 : i1
    %sub3A_261 = arith.constant 1 : i32
    %sub3A_262 = arith.subi %div3A_241, %sub3A_261 : i32
    %select_n3A_263 = arith.select %and3A_260, %sub3A_262, %div3A_241 : i32
    %mul3A_264 = arith.constant 128 : i32
    %mul3A_265 = arith.muli %select_n3A_263, %mul3A_264 : i32
    %multiple_of3A_266 = tpu.assume_multiple %mul3A_265, 128 : i32
    %dma_start3A_267 = arith.constant 6 : i32
    %dma_start3A_268 = arith.constant 0 : i32
    %dma_start3A_269 = arith.constant 0 : i32
    %dma_start3A_270 = tpu.memref_slice %arg6[%dma_start3A_267, %dma_start3A_268, %dma_start3A_269] : memref<8x8x128xf32, #tpu.memory_space<vmem>> -> memref<1x8x128xf32, #tpu.memory_space<vmem>>
    %dma_start3A_271 = tpu.memref_squeeze %dma_start3A_270 : memref<1x8x128xf32, #tpu.memory_space<vmem>> -> memref<8x128xf32, #tpu.memory_space<vmem>>
    %dma_start3A_272 = tpu.memref_slice %arg2[%multiple_of3A, %multiple_of3A_266] : memref<256x100000xf32, #tpu.memory_space<hbm>> -> memref<8x128xf32, #tpu.memory_space<hbm>>
    %dma_start3A_273 = arith.constant 0 : i32
    %dma_start3A_274 = arith.constant 0 : i32
    %dma_start3A_275 = tpu.memref_slice %arg6[%dma_start3A_267, %dma_start3A_273, %dma_start3A_274] : memref<8x8x128xf32, #tpu.memory_space<vmem>> -> memref<1x8x128xf32, #tpu.memory_space<vmem>>
    %dma_start3A_276 = tpu.memref_squeeze %dma_start3A_275 : memref<1x8x128xf32, #tpu.memory_space<vmem>> -> memref<8x128xf32, #tpu.memory_space<vmem>>
    %dma_start3A_277 = tpu.memref_slice %arg2[%multiple_of3A, %multiple_of3A_266] : memref<256x100000xf32, #tpu.memory_space<hbm>> -> memref<8x128xf32, #tpu.memory_space<hbm>>
    tpu.enqueue_dma source(%dma_start3A_277 : memref<8x128xf32, #tpu.memory_space<hbm>>) target(%dma_start3A_276 : memref<8x128xf32, #tpu.memory_space<vmem>>) target_semaphore(%arg17 : memref<!tpu.dma_semaphore, #tpu.memory_space<semaphore_mem>>)
    %slice3A_278 = vector.extract_strided_slice %get3A_4 {offsets = [7], sizes = [1], strides = [1]} : vector<16xi32> to vector<1xi32>
    %squeeze3A_279 = vector.extract %slice3A_278[0] : i32 from vector<1xi32>
    %jit3A_280 = arith.constant 128 : i32
    %div3A_281 = arith.divsi %squeeze3A_279, %jit3A_280 : i32
    %sign3A_282 = arith.constant 0 : i32
    %sign3A_283 = arith.cmpi sgt, %squeeze3A_279, %sign3A_282 : i32
    %sign3A_284 = arith.extui %sign3A_283 : i1 to i32
    %sign3A_285 = arith.constant 0 : i32
    %sign3A_286 = arith.cmpi slt, %squeeze3A_279, %sign3A_285 : i32
    %sign3A_287 = arith.extui %sign3A_286 : i1 to i32
    %sign3A_288 = arith.subi %sign3A_284, %sign3A_287 : i32
    %sign3A_289 = arith.constant 0 : i32
    %sign3A_290 = arith.cmpi sgt, %jit3A_280, %sign3A_289 : i32
    %sign3A_291 = arith.extui %sign3A_290 : i1 to i32
    %sign3A_292 = arith.constant 0 : i32
    %sign3A_293 = arith.cmpi slt, %jit3A_280, %sign3A_292 : i32
    %sign3A_294 = arith.extui %sign3A_293 : i1 to i32
    %sign3A_295 = arith.subi %sign3A_291, %sign3A_294 : i32
    %ne3A_296 = arith.cmpi ne, %sign3A_288, %sign3A_295 : i32
    %rem3A_297 = arith.remsi %squeeze3A_279, %jit3A_280 : i32
    %ne3A_298 = arith.constant 0 : i32
    %ne3A_299 = arith.cmpi ne, %rem3A_297, %ne3A_298 : i32
    %and3A_300 = arith.andi %ne3A_296, %ne3A_299 : i1
    %sub3A_301 = arith.constant 1 : i32
    %sub3A_302 = arith.subi %div3A_281, %sub3A_301 : i32
    %select_n3A_303 = arith.select %and3A_300, %sub3A_302, %div3A_281 : i32
    %mul3A_304 = arith.constant 128 : i32
    %mul3A_305 = arith.muli %select_n3A_303, %mul3A_304 : i32
    %multiple_of3A_306 = tpu.assume_multiple %mul3A_305, 128 : i32
    %dma_start3A_307 = arith.constant 7 : i32
    %dma_start3A_308 = arith.constant 0 : i32
    %dma_start3A_309 = arith.constant 0 : i32
    %dma_start3A_310 = tpu.memref_slice %arg6[%dma_start3A_307, %dma_start3A_308, %dma_start3A_309] : memref<8x8x128xf32, #tpu.memory_space<vmem>> -> memref<1x8x128xf32, #tpu.memory_space<vmem>>
    %dma_start3A_311 = tpu.memref_squeeze %dma_start3A_310 : memref<1x8x128xf32, #tpu.memory_space<vmem>> -> memref<8x128xf32, #tpu.memory_space<vmem>>
    %dma_start3A_312 = tpu.memref_slice %arg2[%multiple_of3A, %multiple_of3A_306] : memref<256x100000xf32, #tpu.memory_space<hbm>> -> memref<8x128xf32, #tpu.memory_space<hbm>>
    %dma_start3A_313 = arith.constant 0 : i32
    %dma_start3A_314 = arith.constant 0 : i32
    %dma_start3A_315 = tpu.memref_slice %arg6[%dma_start3A_307, %dma_start3A_313, %dma_start3A_314] : memref<8x8x128xf32, #tpu.memory_space<vmem>> -> memref<1x8x128xf32, #tpu.memory_space<vmem>>
    %dma_start3A_316 = tpu.memref_squeeze %dma_start3A_315 : memref<1x8x128xf32, #tpu.memory_space<vmem>> -> memref<8x128xf32, #tpu.memory_space<vmem>>
    %dma_start3A_317 = tpu.memref_slice %arg2[%multiple_of3A, %multiple_of3A_306] : memref<256x100000xf32, #tpu.memory_space<hbm>> -> memref<8x128xf32, #tpu.memory_space<hbm>>
    tpu.enqueue_dma source(%dma_start3A_317 : memref<8x128xf32, #tpu.memory_space<hbm>>) target(%dma_start3A_316 : memref<8x128xf32, #tpu.memory_space<vmem>>) target_semaphore(%arg17 : memref<!tpu.dma_semaphore, #tpu.memory_space<semaphore_mem>>)
    %dma_start3A_318 = arith.constant 57600 : i32
    %dma_start3A_319 = tpu.memref_slice %arg2[%multiple_of3A, %dma_start3A_318] : memref<256x100000xf32, #tpu.memory_space<hbm>> -> memref<8x3712xf32, #tpu.memory_space<hbm>>
    %dma_start3A_320 = arith.constant 57600 : i32
    %dma_start3A_321 = tpu.memref_slice %arg2[%multiple_of3A, %dma_start3A_320] : memref<256x100000xf32, #tpu.memory_space<hbm>> -> memref<8x3712xf32, #tpu.memory_space<hbm>>
    tpu.enqueue_dma source(%dma_start3A_321 : memref<8x3712xf32, #tpu.memory_space<hbm>>) target(%arg9 : memref<8x3712xf32, #tpu.memory_space<vmem>>) target_semaphore(%arg13 : memref<!tpu.dma_semaphore, #tpu.memory_space<semaphore_mem>>)
    %dma_start3A_322 = arith.constant 61312 : i32
    %dma_start3A_323 = tpu.memref_slice %arg2[%multiple_of3A, %dma_start3A_322] : memref<256x100000xf32, #tpu.memory_space<hbm>> -> memref<8x3712xf32, #tpu.memory_space<hbm>>
    %dma_start3A_324 = arith.constant 61312 : i32
    %dma_start3A_325 = tpu.memref_slice %arg2[%multiple_of3A, %dma_start3A_324] : memref<256x100000xf32, #tpu.memory_space<hbm>> -> memref<8x3712xf32, #tpu.memory_space<hbm>>
    tpu.enqueue_dma source(%dma_start3A_325 : memref<8x3712xf32, #tpu.memory_space<hbm>>) target(%arg10 : memref<8x3712xf32, #tpu.memory_space<vmem>>) target_semaphore(%arg14 : memref<!tpu.dma_semaphore, #tpu.memory_space<semaphore_mem>>)
    %dma_start3A_326 = arith.constant 65024 : i32
    %dma_start3A_327 = tpu.memref_slice %arg2[%multiple_of3A, %dma_start3A_326] : memref<256x100000xf32, #tpu.memory_space<hbm>> -> memref<8x3712xf32, #tpu.memory_space<hbm>>
    %dma_start3A_328 = arith.constant 65024 : i32
    %dma_start3A_329 = tpu.memref_slice %arg2[%multiple_of3A, %dma_start3A_328] : memref<256x100000xf32, #tpu.memory_space<hbm>> -> memref<8x3712xf32, #tpu.memory_space<hbm>>
    tpu.enqueue_dma source(%dma_start3A_329 : memref<8x3712xf32, #tpu.memory_space<hbm>>) target(%arg11 : memref<8x3712xf32, #tpu.memory_space<vmem>>) target_semaphore(%arg15 : memref<!tpu.dma_semaphore, #tpu.memory_space<semaphore_mem>>)
    %dma_start3A_330 = arith.constant 68736 : i32
    %dma_start3A_331 = tpu.memref_slice %arg2[%multiple_of3A, %dma_start3A_330] : memref<256x100000xf32, #tpu.memory_space<hbm>> -> memref<8x3712xf32, #tpu.memory_space<hbm>>
    %dma_start3A_332 = arith.constant 68736 : i32
    %dma_start3A_333 = tpu.memref_slice %arg2[%multiple_of3A, %dma_start3A_332] : memref<256x100000xf32, #tpu.memory_space<hbm>> -> memref<8x3712xf32, #tpu.memory_space<hbm>>
    tpu.enqueue_dma source(%dma_start3A_333 : memref<8x3712xf32, #tpu.memory_space<hbm>>) target(%arg12 : memref<8x3712xf32, #tpu.memory_space<vmem>>) target_semaphore(%arg16 : memref<!tpu.dma_semaphore, #tpu.memory_space<semaphore_mem>>)
    %broadcast_in_dim3A = arith.constant 0.000000e+00 : f32
    %broadcast_in_dim3A_334 = vector.broadcast %broadcast_in_dim3A : f32 to vector<16xf32>
    %dma_wait3A = arith.constant 57600 : i32
    %dma_wait3A_335 = tpu.memref_slice %arg2[%multiple_of3A, %dma_wait3A] : memref<256x100000xf32, #tpu.memory_space<hbm>> -> memref<8x3712xf32, #tpu.memory_space<hbm>>
    %dma_wait3A_336 = arith.constant 57600 : i32
    %dma_wait3A_337 = tpu.memref_slice %arg2[%multiple_of3A, %dma_wait3A_336] : memref<256x100000xf32, #tpu.memory_space<hbm>> -> memref<8x3712xf32, #tpu.memory_space<hbm>>
    tpu.wait_dma2 semaphore(%arg13 : memref<!tpu.dma_semaphore, #tpu.memory_space<semaphore_mem>>) src(%dma_wait3A_337 : memref<8x3712xf32, #tpu.memory_space<hbm>>) dst(%arg9 : memref<8x3712xf32, #tpu.memory_space<vmem>>)
    %parallel_loop3A = arith.constant 0 : i32
    %parallel_loop3A_338 = arith.constant 232 : i32
    %parallel_loop3A_339 = arith.constant 1 : i32
    %parallel_loop3A_340:8 = scf.for %parallel_loop3A_2038 = %parallel_loop3A to %parallel_loop3A_338 step %parallel_loop3A_339 iter_args(%parallel_loop3A_2039 = %broadcast_in_dim3A_334, %parallel_loop3A_2040 = %broadcast_in_dim3A_334, %parallel_loop3A_2041 = %broadcast_in_dim3A_334, %parallel_loop3A_2042 = %broadcast_in_dim3A_334, %parallel_loop3A_2043 = %broadcast_in_dim3A_334, %parallel_loop3A_2044 = %broadcast_in_dim3A_334, %parallel_loop3A_2045 = %broadcast_in_dim3A_334, %parallel_loop3A_2046 = %broadcast_in_dim3A_334) -> (vector<16xf32>, vector<16xf32>, vector<16xf32>, vector<16xf32>, vector<16xf32>, vector<16xf32>, vector<16xf32>, vector<16xf32>)  : i32 {
      %parallel_loop3A_2047 = arith.constant 16 : i32
      %parallel_loop3A_2048 = arith.muli %parallel_loop3A_2038, %parallel_loop3A_2047 : i32
      %parallel_loop3A_2049 = arith.constant 0 : i32
      %parallel_loop3A_2050 = arith.index_cast %parallel_loop3A_2049 : i32 to index
      %parallel_loop3A_2051 = arith.index_cast %parallel_loop3A_2048 : i32 to index
      %parallel_loop3A_2052 = tpu.vector_load %arg9[%parallel_loop3A_2050, %parallel_loop3A_2051] {strides = array<i32>} : memref<8x3712xf32, #tpu.memory_space<vmem>>, vector<1x16xf32>,
      %parallel_loop3A_2053 = vector.shape_cast %parallel_loop3A_2052 : vector<1x16xf32> to vector<16xf32>
      %parallel_loop3A_2054 = arith.addf %parallel_loop3A_2039, %parallel_loop3A_2053 : vector<16xf32>
      %parallel_loop3A_2055 = arith.constant 16 : i32
      %parallel_loop3A_2056 = arith.muli %parallel_loop3A_2038, %parallel_loop3A_2055 : i32
      %parallel_loop3A_2057 = arith.constant 1 : i32
      %parallel_loop3A_2058 = arith.index_cast %parallel_loop3A_2057 : i32 to index
      %parallel_loop3A_2059 = arith.index_cast %parallel_loop3A_2056 : i32 to index
      %parallel_loop3A_2060 = tpu.vector_load %arg9[%parallel_loop3A_2058, %parallel_loop3A_2059] {strides = array<i32>} : memref<8x3712xf32, #tpu.memory_space<vmem>>, vector<1x16xf32>,
      %parallel_loop3A_2061 = vector.shape_cast %parallel_loop3A_2060 : vector<1x16xf32> to vector<16xf32>
      %parallel_loop3A_2062 = arith.addf %parallel_loop3A_2040, %parallel_loop3A_2061 : vector<16xf32>
      %parallel_loop3A_2063 = arith.constant 16 : i32
      %parallel_loop3A_2064 = arith.muli %parallel_loop3A_2038, %parallel_loop3A_2063 : i32
      %parallel_loop3A_2065 = arith.constant 2 : i32
      %parallel_loop3A_2066 = arith.index_cast %parallel_loop3A_2065 : i32 to index
      %parallel_loop3A_2067 = arith.index_cast %parallel_loop3A_2064 : i32 to index
      %parallel_loop3A_2068 = tpu.vector_load %arg9[%parallel_loop3A_2066, %parallel_loop3A_2067] {strides = array<i32>} : memref<8x3712xf32, #tpu.memory_space<vmem>>, vector<1x16xf32>,
      %parallel_loop3A_2069 = vector.shape_cast %parallel_loop3A_2068 : vector<1x16xf32> to vector<16xf32>
      %parallel_loop3A_2070 = arith.addf %parallel_loop3A_2041, %parallel_loop3A_2069 : vector<16xf32>
      %parallel_loop3A_2071 = arith.constant 16 : i32
      %parallel_loop3A_2072 = arith.muli %parallel_loop3A_2038, %parallel_loop3A_2071 : i32
      %parallel_loop3A_2073 = arith.constant 3 : i32
      %parallel_loop3A_2074 = arith.index_cast %parallel_loop3A_2073 : i32 to index
      %parallel_loop3A_2075 = arith.index_cast %parallel_loop3A_2072 : i32 to index
      %parallel_loop3A_2076 = tpu.vector_load %arg9[%parallel_loop3A_2074, %parallel_loop3A_2075] {strides = array<i32>} : memref<8x3712xf32, #tpu.memory_space<vmem>>, vector<1x16xf32>,
      %parallel_loop3A_2077 = vector.shape_cast %parallel_loop3A_2076 : vector<1x16xf32> to vector<16xf32>
      %parallel_loop3A_2078 = arith.addf %parallel_loop3A_2042, %parallel_loop3A_2077 : vector<16xf32>
      %parallel_loop3A_2079 = arith.constant 16 : i32
      %parallel_loop3A_2080 = arith.muli %parallel_loop3A_2038, %parallel_loop3A_2079 : i32
      %parallel_loop3A_2081 = arith.constant 4 : i32
      %parallel_loop3A_2082 = arith.index_cast %parallel_loop3A_2081 : i32 to index
      %parallel_loop3A_2083 = arith.index_cast %parallel_loop3A_2080 : i32 to index
      %parallel_loop3A_2084 = tpu.vector_load %arg9[%parallel_loop3A_2082, %parallel_loop3A_2083] {strides = array<i32>} : memref<8x3712xf32, #tpu.memory_space<vmem>>, vector<1x16xf32>,
      %parallel_loop3A_2085 = vector.shape_cast %parallel_loop3A_2084 : vector<1x16xf32> to vector<16xf32>
      %parallel_loop3A_2086 = arith.addf %parallel_loop3A_2043, %parallel_loop3A_2085 : vector<16xf32>
      %parallel_loop3A_2087 = arith.constant 16 : i32
      %parallel_loop3A_2088 = arith.muli %parallel_loop3A_2038, %parallel_loop3A_2087 : i32
      %parallel_loop3A_2089 = arith.constant 5 : i32
      %parallel_loop3A_2090 = arith.index_cast %parallel_loop3A_2089 : i32 to index
      %parallel_loop3A_2091 = arith.index_cast %parallel_loop3A_2088 : i32 to index
      %parallel_loop3A_2092 = tpu.vector_load %arg9[%parallel_loop3A_2090, %parallel_loop3A_2091] {strides = array<i32>} : memref<8x3712xf32, #tpu.memory_space<vmem>>, vector<1x16xf32>,
      %parallel_loop3A_2093 = vector.shape_cast %parallel_loop3A_2092 : vector<1x16xf32> to vector<16xf32>
      %parallel_loop3A_2094 = arith.addf %parallel_loop3A_2044, %parallel_loop3A_2093 : vector<16xf32>
      %parallel_loop3A_2095 = arith.constant 16 : i32
      %parallel_loop3A_2096 = arith.muli %parallel_loop3A_2038, %parallel_loop3A_2095 : i32
      %parallel_loop3A_2097 = arith.constant 6 : i32
      %parallel_loop3A_2098 = arith.index_cast %parallel_loop3A_2097 : i32 to index
      %parallel_loop3A_2099 = arith.index_cast %parallel_loop3A_2096 : i32 to index
      %parallel_loop3A_2100 = tpu.vector_load %arg9[%parallel_loop3A_2098, %parallel_loop3A_2099] {strides = array<i32>} : memref<8x3712xf32, #tpu.memory_space<vmem>>, vector<1x16xf32>,
      %parallel_loop3A_2101 = vector.shape_cast %parallel_loop3A_2100 : vector<1x16xf32> to vector<16xf32>
      %parallel_loop3A_2102 = arith.addf %parallel_loop3A_2045, %parallel_loop3A_2101 : vector<16xf32>
      %parallel_loop3A_2103 = arith.constant 16 : i32
      %parallel_loop3A_2104 = arith.muli %parallel_loop3A_2038, %parallel_loop3A_2103 : i32
      %parallel_loop3A_2105 = arith.constant 7 : i32
      %parallel_loop3A_2106 = arith.index_cast %parallel_loop3A_2105 : i32 to index
      %parallel_loop3A_2107 = arith.index_cast %parallel_loop3A_2104 : i32 to index
      %parallel_loop3A_2108 = tpu.vector_load %arg9[%parallel_loop3A_2106, %parallel_loop3A_2107] {strides = array<i32>} : memref<8x3712xf32, #tpu.memory_space<vmem>>, vector<1x16xf32>,
      %parallel_loop3A_2109 = vector.shape_cast %parallel_loop3A_2108 : vector<1x16xf32> to vector<16xf32>
      %parallel_loop3A_2110 = arith.addf %parallel_loop3A_2046, %parallel_loop3A_2109 : vector<16xf32>
      scf.yield %parallel_loop3A_2054, %parallel_loop3A_2062, %parallel_loop3A_2070, %parallel_loop3A_2078, %parallel_loop3A_2086, %parallel_loop3A_2094, %parallel_loop3A_2102, %parallel_loop3A_2110 : vector<16xf32>, vector<16xf32>, vector<16xf32>, vector<16xf32>, vector<16xf32>, vector<16xf32>, vector<16xf32>, vector<16xf32>
    } {sc.loop_unroll_factor = 2 : i64, sc.parallel_access}
    %dma_start3A_341 = arith.constant 72448 : i32
    %dma_start3A_342 = tpu.memref_slice %arg2[%multiple_of3A, %dma_start3A_341] : memref<256x100000xf32, #tpu.memory_space<hbm>> -> memref<8x3712xf32, #tpu.memory_space<hbm>>
    %dma_start3A_343 = arith.constant 72448 : i32
    %dma_start3A_344 = tpu.memref_slice %arg2[%multiple_of3A, %dma_start3A_343] : memref<256x100000xf32, #tpu.memory_space<hbm>> -> memref<8x3712xf32, #tpu.memory_space<hbm>>
    tpu.enqueue_dma source(%dma_start3A_344 : memref<8x3712xf32, #tpu.memory_space<hbm>>) target(%arg9 : memref<8x3712xf32, #tpu.memory_space<vmem>>) target_semaphore(%arg13 : memref<!tpu.dma_semaphore, #tpu.memory_space<semaphore_mem>>)
    %dma_wait3A_345 = arith.constant 61312 : i32
    %dma_wait3A_346 = tpu.memref_slice %arg2[%multiple_of3A, %dma_wait3A_345] : memref<256x100000xf32, #tpu.memory_space<hbm>> -> memref<8x3712xf32, #tpu.memory_space<hbm>>
    %dma_wait3A_347 = arith.constant 61312 : i32
    %dma_wait3A_348 = tpu.memref_slice %arg2[%multiple_of3A, %dma_wait3A_347] : memref<256x100000xf32, #tpu.memory_space<hbm>> -> memref<8x3712xf32, #tpu.memory_space<hbm>>
    tpu.wait_dma2 semaphore(%arg14 : memref<!tpu.dma_semaphore, #tpu.memory_space<semaphore_mem>>) src(%dma_wait3A_348 : memref<8x3712xf32, #tpu.memory_space<hbm>>) dst(%arg10 : memref<8x3712xf32, #tpu.memory_space<vmem>>)
    %parallel_loop3A_349 = arith.constant 0 : i32
    %parallel_loop3A_350 = arith.constant 232 : i32
    %parallel_loop3A_351 = arith.constant 1 : i32
    %parallel_loop3A_352:8 = scf.for %parallel_loop3A_2038 = %parallel_loop3A_349 to %parallel_loop3A_350 step %parallel_loop3A_351 iter_args(%parallel_loop3A_2039 = %parallel_loop3A_340#0, %parallel_loop3A_2040 = %parallel_loop3A_340#1, %parallel_loop3A_2041 = %parallel_loop3A_340#2, %parallel_loop3A_2042 = %parallel_loop3A_340#3, %parallel_loop3A_2043 = %parallel_loop3A_340#4, %parallel_loop3A_2044 = %parallel_loop3A_340#5, %parallel_loop3A_2045 = %parallel_loop3A_340#6, %parallel_loop3A_2046 = %parallel_loop3A_340#7) -> (vector<16xf32>, vector<16xf32>, vector<16xf32>, vector<16xf32>, vector<16xf32>, vector<16xf32>, vector<16xf32>, vector<16xf32>)  : i32 {
      %parallel_loop3A_2047 = arith.constant 16 : i32
      %parallel_loop3A_2048 = arith.muli %parallel_loop3A_2038, %parallel_loop3A_2047 : i32
      %parallel_loop3A_2049 = arith.constant 0 : i32
      %parallel_loop3A_2050 = arith.index_cast %parallel_loop3A_2049 : i32 to index
      %parallel_loop3A_2051 = arith.index_cast %parallel_loop3A_2048 : i32 to index
      %parallel_loop3A_2052 = tpu.vector_load %arg10[%parallel_loop3A_2050, %parallel_loop3A_2051] {strides = array<i32>} : memref<8x3712xf32, #tpu.memory_space<vmem>>, vector<1x16xf32>,
      %parallel_loop3A_2053 = vector.shape_cast %parallel_loop3A_2052 : vector<1x16xf32> to vector<16xf32>
      %parallel_loop3A_2054 = arith.addf %parallel_loop3A_2039, %parallel_loop3A_2053 : vector<16xf32>
      %parallel_loop3A_2055 = arith.constant 16 : i32
      %parallel_loop3A_2056 = arith.muli %parallel_loop3A_2038, %parallel_loop3A_2055 : i32
      %parallel_loop3A_2057 = arith.constant 1 : i32
      %parallel_loop3A_2058 = arith.index_cast %parallel_loop3A_2057 : i32 to index
      %parallel_loop3A_2059 = arith.index_cast %parallel_loop3A_2056 : i32 to index
      %parallel_loop3A_2060 = tpu.vector_load %arg10[%parallel_loop3A_2058, %parallel_loop3A_2059] {strides = array<i32>} : memref<8x3712xf32, #tpu.memory_space<vmem>>, vector<1x16xf32>,
      %parallel_loop3A_2061 = vector.shape_cast %parallel_loop3A_2060 : vector<1x16xf32> to vector<16xf32>
      %parallel_loop3A_2062 = arith.addf %parallel_loop3A_2040, %parallel_loop3A_2061 : vector<16xf32>
      %parallel_loop3A_2063 = arith.constant 16 : i32
      %parallel_loop3A_2064 = arith.muli %parallel_loop3A_2038, %parallel_loop3A_2063 : i32
      %parallel_loop3A_2065 = arith.constant 2 : i32
      %parallel_loop3A_2066 = arith.index_cast %parallel_loop3A_2065 : i32 to index
      %parallel_loop3A_2067 = arith.index_cast %parallel_loop3A_2064 : i32 to index
      %parallel_loop3A_2068 = tpu.vector_load %arg10[%parallel_loop3A_2066, %parallel_loop3A_2067] {strides = array<i32>} : memref<8x3712xf32, #tpu.memory_space<vmem>>, vector<1x16xf32>,
      %parallel_loop3A_2069 = vector.shape_cast %parallel_loop3A_2068 : vector<1x16xf32> to vector<16xf32>
      %parallel_loop3A_2070 = arith.addf %parallel_loop3A_2041, %parallel_loop3A_2069 : vector<16xf32>
      %parallel_loop3A_2071 = arith.constant 16 : i32
      %parallel_loop3A_2072 = arith.muli %parallel_loop3A_2038, %parallel_loop3A_2071 : i32
      %parallel_loop3A_2073 = arith.constant 3 : i32
      %parallel_loop3A_2074 = arith.index_cast %parallel_loop3A_2073 : i32 to index
      %parallel_loop3A_2075 = arith.index_cast %parallel_loop3A_2072 : i32 to index
      %parallel_loop3A_2076 = tpu.vector_load %arg10[%parallel_loop3A_2074, %parallel_loop3A_2075] {strides = array<i32>} : memref<8x3712xf32, #tpu.memory_space<vmem>>, vector<1x16xf32>,
      %parallel_loop3A_2077 = vector.shape_cast %parallel_loop3A_2076 : vector<1x16xf32> to vector<16xf32>
      %parallel_loop3A_2078 = arith.addf %parallel_loop3A_2042, %parallel_loop3A_2077 : vector<16xf32>
      %parallel_loop3A_2079 = arith.constant 16 : i32
      %parallel_loop3A_2080 = arith.muli %parallel_loop3A_2038, %parallel_loop3A_2079 : i32
      %parallel_loop3A_2081 = arith.constant 4 : i32
      %parallel_loop3A_2082 = arith.index_cast %parallel_loop3A_2081 : i32 to index
      %parallel_loop3A_2083 = arith.index_cast %parallel_loop3A_2080 : i32 to index
      %parallel_loop3A_2084 = tpu.vector_load %arg10[%parallel_loop3A_2082, %parallel_loop3A_2083] {strides = array<i32>} : memref<8x3712xf32, #tpu.memory_space<vmem>>, vector<1x16xf32>,
      %parallel_loop3A_2085 = vector.shape_cast %parallel_loop3A_2084 : vector<1x16xf32> to vector<16xf32>
      %parallel_loop3A_2086 = arith.addf %parallel_loop3A_2043, %parallel_loop3A_2085 : vector<16xf32>
      %parallel_loop3A_2087 = arith.constant 16 : i32
      %parallel_loop3A_2088 = arith.muli %parallel_loop3A_2038, %parallel_loop3A_2087 : i32
      %parallel_loop3A_2089 = arith.constant 5 : i32
      %parallel_loop3A_2090 = arith.index_cast %parallel_loop3A_2089 : i32 to index
      %parallel_loop3A_2091 = arith.index_cast %parallel_loop3A_2088 : i32 to index
      %parallel_loop3A_2092 = tpu.vector_load %arg10[%parallel_loop3A_2090, %parallel_loop3A_2091] {strides = array<i32>} : memref<8x3712xf32, #tpu.memory_space<vmem>>, vector<1x16xf32>,
      %parallel_loop3A_2093 = vector.shape_cast %parallel_loop3A_2092 : vector<1x16xf32> to vector<16xf32>
      %parallel_loop3A_2094 = arith.addf %parallel_loop3A_2044, %parallel_loop3A_2093 : vector<16xf32>
      %parallel_loop3A_2095 = arith.constant 16 : i32
      %parallel_loop3A_2096 = arith.muli %parallel_loop3A_2038, %parallel_loop3A_2095 : i32
      %parallel_loop3A_2097 = arith.constant 6 : i32
      %parallel_loop3A_2098 = arith.index_cast %parallel_loop3A_2097 : i32 to index
      %parallel_loop3A_2099 = arith.index_cast %parallel_loop3A_2096 : i32 to index
      %parallel_loop3A_2100 = tpu.vector_load %arg10[%parallel_loop3A_2098, %parallel_loop3A_2099] {strides = array<i32>} : memref<8x3712xf32, #tpu.memory_space<vmem>>, vector<1x16xf32>,
      %parallel_loop3A_2101 = vector.shape_cast %parallel_loop3A_2100 : vector<1x16xf32> to vector<16xf32>
      %parallel_loop3A_2102 = arith.addf %parallel_loop3A_2045, %parallel_loop3A_2101 : vector<16xf32>
      %parallel_loop3A_2103 = arith.constant 16 : i32
      %parallel_loop3A_2104 = arith.muli %parallel_loop3A_2038, %parallel_loop3A_2103 : i32
      %parallel_loop3A_2105 = arith.constant 7 : i32
      %parallel_loop3A_2106 = arith.index_cast %parallel_loop3A_2105 : i32 to index
      %parallel_loop3A_2107 = arith.index_cast %parallel_loop3A_2104 : i32 to index
      %parallel_loop3A_2108 = tpu.vector_load %arg10[%parallel_loop3A_2106, %parallel_loop3A_2107] {strides = array<i32>} : memref<8x3712xf32, #tpu.memory_space<vmem>>, vector<1x16xf32>,
      %parallel_loop3A_2109 = vector.shape_cast %parallel_loop3A_2108 : vector<1x16xf32> to vector<16xf32>
      %parallel_loop3A_2110 = arith.addf %parallel_loop3A_2046, %parallel_loop3A_2109 : vector<16xf32>
      scf.yield %parallel_loop3A_2054, %parallel_loop3A_2062, %parallel_loop3A_2070, %parallel_loop3A_2078, %parallel_loop3A_2086, %parallel_loop3A_2094, %parallel_loop3A_2102, %parallel_loop3A_2110 : vector<16xf32>, vector<16xf32>, vector<16xf32>, vector<16xf32>, vector<16xf32>, vector<16xf32>, vector<16xf32>, vector<16xf32>
    } {sc.loop_unroll_factor = 2 : i64, sc.parallel_access}
    %dma_start3A_353 = arith.constant 76160 : i32
    %dma_start3A_354 = tpu.memref_slice %arg2[%multiple_of3A, %dma_start3A_353] : memref<256x100000xf32, #tpu.memory_space<hbm>> -> memref<8x3712xf32, #tpu.memory_space<hbm>>
    %dma_start3A_355 = arith.constant 76160 : i32
    %dma_start3A_356 = tpu.memref_slice %arg2[%multiple_of3A, %dma_start3A_355] : memref<256x100000xf32, #tpu.memory_space<hbm>> -> memref<8x3712xf32, #tpu.memory_space<hbm>>
    tpu.enqueue_dma source(%dma_start3A_356 : memref<8x3712xf32, #tpu.memory_space<hbm>>) target(%arg10 : memref<8x3712xf32, #tpu.memory_space<vmem>>) target_semaphore(%arg14 : memref<!tpu.dma_semaphore, #tpu.memory_space<semaphore_mem>>)
    %dma_wait3A_357 = arith.constant 65024 : i32
    %dma_wait3A_358 = tpu.memref_slice %arg2[%multiple_of3A, %dma_wait3A_357] : memref<256x100000xf32, #tpu.memory_space<hbm>> -> memref<8x3712xf32, #tpu.memory_space<hbm>>
    %dma_wait3A_359 = arith.constant 65024 : i32
    %dma_wait3A_360 = tpu.memref_slice %arg2[%multiple_of3A, %dma_wait3A_359] : memref<256x100000xf32, #tpu.memory_space<hbm>> -> memref<8x3712xf32, #tpu.memory_space<hbm>>
    tpu.wait_dma2 semaphore(%arg15 : memref<!tpu.dma_semaphore, #tpu.memory_space<semaphore_mem>>) src(%dma_wait3A_360 : memref<8x3712xf32, #tpu.memory_space<hbm>>) dst(%arg11 : memref<8x3712xf32, #tpu.memory_space<vmem>>)
    %parallel_loop3A_361 = arith.constant 0 : i32
    %parallel_loop3A_362 = arith.constant 232 : i32
    %parallel_loop3A_363 = arith.constant 1 : i32
    %parallel_loop3A_364:8 = scf.for %parallel_loop3A_2038 = %parallel_loop3A_361 to %parallel_loop3A_362 step %parallel_loop3A_363 iter_args(%parallel_loop3A_2039 = %parallel_loop3A_352#0, %parallel_loop3A_2040 = %parallel_loop3A_352#1, %parallel_loop3A_2041 = %parallel_loop3A_352#2, %parallel_loop3A_2042 = %parallel_loop3A_352#3, %parallel_loop3A_2043 = %parallel_loop3A_352#4, %parallel_loop3A_2044 = %parallel_loop3A_352#5, %parallel_loop3A_2045 = %parallel_loop3A_352#6, %parallel_loop3A_2046 = %parallel_loop3A_352#7) -> (vector<16xf32>, vector<16xf32>, vector<16xf32>, vector<16xf32>, vector<16xf32>, vector<16xf32>, vector<16xf32>, vector<16xf32>)  : i32 {
      %parallel_loop3A_2047 = arith.constant 16 : i32
      %parallel_loop3A_2048 = arith.muli %parallel_loop3A_2038, %parallel_loop3A_2047 : i32
      %parallel_loop3A_2049 = arith.constant 0 : i32
      %parallel_loop3A_2050 = arith.index_cast %parallel_loop3A_2049 : i32 to index
      %parallel_loop3A_2051 = arith.index_cast %parallel_loop3A_2048 : i32 to index
      %parallel_loop3A_2052 = tpu.vector_load %arg11[%parallel_loop3A_2050, %parallel_loop3A_2051] {strides = array<i32>} : memref<8x3712xf32, #tpu.memory_space<vmem>>, vector<1x16xf32>,
      %parallel_loop3A_2053 = vector.shape_cast %parallel_loop3A_2052 : vector<1x16xf32> to vector<16xf32>
      %parallel_loop3A_2054 = arith.addf %parallel_loop3A_2039, %parallel_loop3A_2053 : vector<16xf32>
      %parallel_loop3A_2055 = arith.constant 16 : i32
      %parallel_loop3A_2056 = arith.muli %parallel_loop3A_2038, %parallel_loop3A_2055 : i32
      %parallel_loop3A_2057 = arith.constant 1 : i32
      %parallel_loop3A_2058 = arith.index_cast %parallel_loop3A_2057 : i32 to index
      %parallel_loop3A_2059 = arith.index_cast %parallel_loop3A_2056 : i32 to index
      %parallel_loop3A_2060 = tpu.vector_load %arg11[%parallel_loop3A_2058, %parallel_loop3A_2059] {strides = array<i32>} : memref<8x3712xf32, #tpu.memory_space<vmem>>, vector<1x16xf32>,
      %parallel_loop3A_2061 = vector.shape_cast %parallel_loop3A_2060 : vector<1x16xf32> to vector<16xf32>
      %parallel_loop3A_2062 = arith.addf %parallel_loop3A_2040, %parallel_loop3A_2061 : vector<16xf32>
      %parallel_loop3A_2063 = arith.constant 16 : i32
      %parallel_loop3A_2064 = arith.muli %parallel_loop3A_2038, %parallel_loop3A_2063 : i32
      %parallel_loop3A_2065 = arith.constant 2 : i32
      %parallel_loop3A_2066 = arith.index_cast %parallel_loop3A_2065 : i32 to index
      %parallel_loop3A_2067 = arith.index_cast %parallel_loop3A_2064 : i32 to index
      %parallel_loop3A_2068 = tpu.vector_load %arg11[%parallel_loop3A_2066, %parallel_loop3A_2067] {strides = array<i32>} : memref<8x3712xf32, #tpu.memory_space<vmem>>, vector<1x16xf32>,
      %parallel_loop3A_2069 = vector.shape_cast %parallel_loop3A_2068 : vector<1x16xf32> to vector<16xf32>
      %parallel_loop3A_2070 = arith.addf %parallel_loop3A_2041, %parallel_loop3A_2069 : vector<16xf32>
      %parallel_loop3A_2071 = arith.constant 16 : i32
      %parallel_loop3A_2072 = arith.muli %parallel_loop3A_2038, %parallel_loop3A_2071 : i32
      %parallel_loop3A_2073 = arith.constant 3 : i32
      %parallel_loop3A_2074 = arith.index_cast %parallel_loop3A_2073 : i32 to index
      %parallel_loop3A_2075 = arith.index_cast %parallel_loop3A_2072 : i32 to index
      %parallel_loop3A_2076 = tpu.vector_load %arg11[%parallel_loop3A_2074, %parallel_loop3A_2075] {strides = array<i32>} : memref<8x3712xf32, #tpu.memory_space<vmem>>, vector<1x16xf32>,
      %parallel_loop3A_2077 = vector.shape_cast %parallel_loop3A_2076 : vector<1x16xf32> to vector<16xf32>
      %parallel_loop3A_2078 = arith.addf %parallel_loop3A_2042, %parallel_loop3A_2077 : vector<16xf32>
      %parallel_loop3A_2079 = arith.constant 16 : i32
      %parallel_loop3A_2080 = arith.muli %parallel_loop3A_2038, %parallel_loop3A_2079 : i32
      %parallel_loop3A_2081 = arith.constant 4 : i32
      %parallel_loop3A_2082 = arith.index_cast %parallel_loop3A_2081 : i32 to index
      %parallel_loop3A_2083 = arith.index_cast %parallel_loop3A_2080 : i32 to index
      %parallel_loop3A_2084 = tpu.vector_load %arg11[%parallel_loop3A_2082, %parallel_loop3A_2083] {strides = array<i32>} : memref<8x3712xf32, #tpu.memory_space<vmem>>, vector<1x16xf32>,
      %parallel_loop3A_2085 = vector.shape_cast %parallel_loop3A_2084 : vector<1x16xf32> to vector<16xf32>
      %parallel_loop3A_2086 = arith.addf %parallel_loop3A_2043, %parallel_loop3A_2085 : vector<16xf32>
      %parallel_loop3A_2087 = arith.constant 16 : i32
      %parallel_loop3A_2088 = arith.muli %parallel_loop3A_2038, %parallel_loop3A_2087 : i32
      %parallel_loop3A_2089 = arith.constant 5 : i32
      %parallel_loop3A_2090 = arith.index_cast %parallel_loop3A_2089 : i32 to index
      %parallel_loop3A_2091 = arith.index_cast %parallel_loop3A_2088 : i32 to index
      %parallel_loop3A_2092 = tpu.vector_load %arg11[%parallel_loop3A_2090, %parallel_loop3A_2091] {strides = array<i32>} : memref<8x3712xf32, #tpu.memory_space<vmem>>, vector<1x16xf32>,
      %parallel_loop3A_2093 = vector.shape_cast %parallel_loop3A_2092 : vector<1x16xf32> to vector<16xf32>
      %parallel_loop3A_2094 = arith.addf %parallel_loop3A_2044, %parallel_loop3A_2093 : vector<16xf32>
      %parallel_loop3A_2095 = arith.constant 16 : i32
      %parallel_loop3A_2096 = arith.muli %parallel_loop3A_2038, %parallel_loop3A_2095 : i32
      %parallel_loop3A_2097 = arith.constant 6 : i32
      %parallel_loop3A_2098 = arith.index_cast %parallel_loop3A_2097 : i32 to index
      %parallel_loop3A_2099 = arith.index_cast %parallel_loop3A_2096 : i32 to index
      %parallel_loop3A_2100 = tpu.vector_load %arg11[%parallel_loop3A_2098, %parallel_loop3A_2099] {strides = array<i32>} : memref<8x3712xf32, #tpu.memory_space<vmem>>, vector<1x16xf32>,
      %parallel_loop3A_2101 = vector.shape_cast %parallel_loop3A_2100 : vector<1x16xf32> to vector<16xf32>
      %parallel_loop3A_2102 = arith.addf %parallel_loop3A_2045, %parallel_loop3A_2101 : vector<16xf32>
      %parallel_loop3A_2103 = arith.constant 16 : i32
      %parallel_loop3A_2104 = arith.muli %parallel_loop3A_2038, %parallel_loop3A_2103 : i32
      %parallel_loop3A_2105 = arith.constant 7 : i32
      %parallel_loop3A_2106 = arith.index_cast %parallel_loop3A_2105 : i32 to index
      %parallel_loop3A_2107 = arith.index_cast %parallel_loop3A_2104 : i32 to index
      %parallel_loop3A_2108 = tpu.vector_load %arg11[%parallel_loop3A_2106, %parallel_loop3A_2107] {strides = array<i32>} : memref<8x3712xf32, #tpu.memory_space<vmem>>, vector<1x16xf32>,
      %parallel_loop3A_2109 = vector.shape_cast %parallel_loop3A_2108 : vector<1x16xf32> to vector<16xf32>
      %parallel_loop3A_2110 = arith.addf %parallel_loop3A_2046, %parallel_loop3A_2109 : vector<16xf32>
      scf.yield %parallel_loop3A_2054, %parallel_loop3A_2062, %parallel_loop3A_2070, %parallel_loop3A_2078, %parallel_loop3A_2086, %parallel_loop3A_2094, %parallel_loop3A_2102, %parallel_loop3A_2110 : vector<16xf32>, vector<16xf32>, vector<16xf32>, vector<16xf32>, vector<16xf32>, vector<16xf32>, vector<16xf32>, vector<16xf32>
    } {sc.loop_unroll_factor = 2 : i64, sc.parallel_access}
    %dma_start3A_365 = arith.constant 79872 : i32
    %dma_start3A_366 = tpu.memref_slice %arg2[%multiple_of3A, %dma_start3A_365] : memref<256x100000xf32, #tpu.memory_space<hbm>> -> memref<8x3712xf32, #tpu.memory_space<hbm>>
    %dma_start3A_367 = arith.constant 79872 : i32
    %dma_start3A_368 = tpu.memref_slice %arg2[%multiple_of3A, %dma_start3A_367] : memref<256x100000xf32, #tpu.memory_space<hbm>> -> memref<8x3712xf32, #tpu.memory_space<hbm>>
    tpu.enqueue_dma source(%dma_start3A_368 : memref<8x3712xf32, #tpu.memory_space<hbm>>) target(%arg11 : memref<8x3712xf32, #tpu.memory_space<vmem>>) target_semaphore(%arg15 : memref<!tpu.dma_semaphore, #tpu.memory_space<semaphore_mem>>)
    %dma_wait3A_369 = arith.constant 68736 : i32
    %dma_wait3A_370 = tpu.memref_slice %arg2[%multiple_of3A, %dma_wait3A_369] : memref<256x100000xf32, #tpu.memory_space<hbm>> -> memref<8x3712xf32, #tpu.memory_space<hbm>>
    %dma_wait3A_371 = arith.constant 68736 : i32
    %dma_wait3A_372 = tpu.memref_slice %arg2[%multiple_of3A, %dma_wait3A_371] : memref<256x100000xf32, #tpu.memory_space<hbm>> -> memref<8x3712xf32, #tpu.memory_space<hbm>>
    tpu.wait_dma2 semaphore(%arg16 : memref<!tpu.dma_semaphore, #tpu.memory_space<semaphore_mem>>) src(%dma_wait3A_372 : memref<8x3712xf32, #tpu.memory_space<hbm>>) dst(%arg12 : memref<8x3712xf32, #tpu.memory_space<vmem>>)
    %parallel_loop3A_373 = arith.constant 0 : i32
    %parallel_loop3A_374 = arith.constant 232 : i32
    %parallel_loop3A_375 = arith.constant 1 : i32
    %parallel_loop3A_376:8 = scf.for %parallel_loop3A_2038 = %parallel_loop3A_373 to %parallel_loop3A_374 step %parallel_loop3A_375 iter_args(%parallel_loop3A_2039 = %parallel_loop3A_364#0, %parallel_loop3A_2040 = %parallel_loop3A_364#1, %parallel_loop3A_2041 = %parallel_loop3A_364#2, %parallel_loop3A_2042 = %parallel_loop3A_364#3, %parallel_loop3A_2043 = %parallel_loop3A_364#4, %parallel_loop3A_2044 = %parallel_loop3A_364#5, %parallel_loop3A_2045 = %parallel_loop3A_364#6, %parallel_loop3A_2046 = %parallel_loop3A_364#7) -> (vector<16xf32>, vector<16xf32>, vector<16xf32>, vector<16xf32>, vector<16xf32>, vector<16xf32>, vector<16xf32>, vector<16xf32>)  : i32 {
      %parallel_loop3A_2047 = arith.constant 16 : i32
      %parallel_loop3A_2048 = arith.muli %parallel_loop3A_2038, %parallel_loop3A_2047 : i32
      %parallel_loop3A_2049 = arith.constant 0 : i32
      %parallel_loop3A_2050 = arith.index_cast %parallel_loop3A_2049 : i32 to index
      %parallel_loop3A_2051 = arith.index_cast %parallel_loop3A_2048 : i32 to index
      %parallel_loop3A_2052 = tpu.vector_load %arg12[%parallel_loop3A_2050, %parallel_loop3A_2051] {strides = array<i32>} : memref<8x3712xf32, #tpu.memory_space<vmem>>, vector<1x16xf32>,
      %parallel_loop3A_2053 = vector.shape_cast %parallel_loop3A_2052 : vector<1x16xf32> to vector<16xf32>
      %parallel_loop3A_2054 = arith.addf %parallel_loop3A_2039, %parallel_loop3A_2053 : vector<16xf32>
      %parallel_loop3A_2055 = arith.constant 16 : i32
      %parallel_loop3A_2056 = arith.muli %parallel_loop3A_2038, %parallel_loop3A_2055 : i32
      %parallel_loop3A_2057 = arith.constant 1 : i32
      %parallel_loop3A_2058 = arith.index_cast %parallel_loop3A_2057 : i32 to index
      %parallel_loop3A_2059 = arith.index_cast %parallel_loop3A_2056 : i32 to index
      %parallel_loop3A_2060 = tpu.vector_load %arg12[%parallel_loop3A_2058, %parallel_loop3A_2059] {strides = array<i32>} : memref<8x3712xf32, #tpu.memory_space<vmem>>, vector<1x16xf32>,
      %parallel_loop3A_2061 = vector.shape_cast %parallel_loop3A_2060 : vector<1x16xf32> to vector<16xf32>
      %parallel_loop3A_2062 = arith.addf %parallel_loop3A_2040, %parallel_loop3A_2061 : vector<16xf32>
      %parallel_loop3A_2063 = arith.constant 16 : i32
      %parallel_loop3A_2064 = arith.muli %parallel_loop3A_2038, %parallel_loop3A_2063 : i32
      %parallel_loop3A_2065 = arith.constant 2 : i32
      %parallel_loop3A_2066 = arith.index_cast %parallel_loop3A_2065 : i32 to index
      %parallel_loop3A_2067 = arith.index_cast %parallel_loop3A_2064 : i32 to index
      %parallel_loop3A_2068 = tpu.vector_load %arg12[%parallel_loop3A_2066, %parallel_loop3A_2067] {strides = array<i32>} : memref<8x3712xf32, #tpu.memory_space<vmem>>, vector<1x16xf32>,
      %parallel_loop3A_2069 = vector.shape_cast %parallel_loop3A_2068 : vector<1x16xf32> to vector<16xf32>
      %parallel_loop3A_2070 = arith.addf %parallel_loop3A_2041, %parallel_loop3A_2069 : vector<16xf32>
      %parallel_loop3A_2071 = arith.constant 16 : i32
      %parallel_loop3A_2072 = arith.muli %parallel_loop3A_2038, %parallel_loop3A_2071 : i32
      %parallel_loop3A_2073 = arith.constant 3 : i32
      %parallel_loop3A_2074 = arith.index_cast %parallel_loop3A_2073 : i32 to index
      %parallel_loop3A_2075 = arith.index_cast %parallel_loop3A_2072 : i32 to index
      %parallel_loop3A_2076 = tpu.vector_load %arg12[%parallel_loop3A_2074, %parallel_loop3A_2075] {strides = array<i32>} : memref<8x3712xf32, #tpu.memory_space<vmem>>, vector<1x16xf32>,
      %parallel_loop3A_2077 = vector.shape_cast %parallel_loop3A_2076 : vector<1x16xf32> to vector<16xf32>
      %parallel_loop3A_2078 = arith.addf %parallel_loop3A_2042, %parallel_loop3A_2077 : vector<16xf32>
      %parallel_loop3A_2079 = arith.constant 16 : i32
      %parallel_loop3A_2080 = arith.muli %parallel_loop3A_2038, %parallel_loop3A_2079 : i32
      %parallel_loop3A_2081 = arith.constant 4 : i32
      %parallel_loop3A_2082 = arith.index_cast %parallel_loop3A_2081 : i32 to index
      %parallel_loop3A_2083 = arith.index_cast %parallel_loop3A_2080 : i32 to index
      %parallel_loop3A_2084 = tpu.vector_load %arg12[%parallel_loop3A_2082, %parallel_loop3A_2083] {strides = array<i32>} : memref<8x3712xf32, #tpu.memory_space<vmem>>, vector<1x16xf32>,
      %parallel_loop3A_2085 = vector.shape_cast %parallel_loop3A_2084 : vector<1x16xf32> to vector<16xf32>
      %parallel_loop3A_2086 = arith.addf %parallel_loop3A_2043, %parallel_loop3A_2085 : vector<16xf32>
      %parallel_loop3A_2087 = arith.constant 16 : i32
      %parallel_loop3A_2088 = arith.muli %parallel_loop3A_2038, %parallel_loop3A_2087 : i32
      %parallel_loop3A_2089 = arith.constant 5 : i32
      %parallel_loop3A_2090 = arith.index_cast %parallel_loop3A_2089 : i32 to index
      %parallel_loop3A_2091 = arith.index_cast %parallel_loop3A_2088 : i32 to index
      %parallel_loop3A_2092 = tpu.vector_load %arg12[%parallel_loop3A_2090, %parallel_loop3A_2091] {strides = array<i32>} : memref<8x3712xf32, #tpu.memory_space<vmem>>, vector<1x16xf32>,
      %parallel_loop3A_2093 = vector.shape_cast %parallel_loop3A_2092 : vector<1x16xf32> to vector<16xf32>
      %parallel_loop3A_2094 = arith.addf %parallel_loop3A_2044, %parallel_loop3A_2093 : vector<16xf32>
      %parallel_loop3A_2095 = arith.constant 16 : i32
      %parallel_loop3A_2096 = arith.muli %parallel_loop3A_2038, %parallel_loop3A_2095 : i32
      %parallel_loop3A_2097 = arith.constant 6 : i32
      %parallel_loop3A_2098 = arith.index_cast %parallel_loop3A_2097 : i32 to index
      %parallel_loop3A_2099 = arith.index_cast %parallel_loop3A_2096 : i32 to index
      %parallel_loop3A_2100 = tpu.vector_load %arg12[%parallel_loop3A_2098, %parallel_loop3A_2099] {strides = array<i32>} : memref<8x3712xf32, #tpu.memory_space<vmem>>, vector<1x16xf32>,
      %parallel_loop3A_2101 = vector.shape_cast %parallel_loop3A_2100 : vector<1x16xf32> to vector<16xf32>
      %parallel_loop3A_2102 = arith.addf %parallel_loop3A_2045, %parallel_loop3A_2101 : vector<16xf32>
      %parallel_loop3A_2103 = arith.constant 16 : i32
      %parallel_loop3A_2104 = arith.muli %parallel_loop3A_2038, %parallel_loop3A_2103 : i32
      %parallel_loop3A_2105 = arith.constant 7 : i32
      %parallel_loop3A_2106 = arith.index_cast %parallel_loop3A_2105 : i32 to index
      %parallel_loop3A_2107 = arith.index_cast %parallel_loop3A_2104 : i32 to index
      %parallel_loop3A_2108 = tpu.vector_load %arg12[%parallel_loop3A_2106, %parallel_loop3A_2107] {strides = array<i32>} : memref<8x3712xf32, #tpu.memory_space<vmem>>, vector<1x16xf32>,
      %parallel_loop3A_2109 = vector.shape_cast %parallel_loop3A_2108 : vector<1x16xf32> to vector<16xf32>
      %parallel_loop3A_2110 = arith.addf %parallel_loop3A_2046, %parallel_loop3A_2109 : vector<16xf32>
      scf.yield %parallel_loop3A_2054, %parallel_loop3A_2062, %parallel_loop3A_2070, %parallel_loop3A_2078, %parallel_loop3A_2086, %parallel_loop3A_2094, %parallel_loop3A_2102, %parallel_loop3A_2110 : vector<16xf32>, vector<16xf32>, vector<16xf32>, vector<16xf32>, vector<16xf32>, vector<16xf32>, vector<16xf32>, vector<16xf32>
    } {sc.loop_unroll_factor = 2 : i64, sc.parallel_access}
    %dma_start3A_377 = arith.constant 83584 : i32
    %dma_start3A_378 = tpu.memref_slice %arg2[%multiple_of3A, %dma_start3A_377] : memref<256x100000xf32, #tpu.memory_space<hbm>> -> memref<8x3712xf32, #tpu.memory_space<hbm>>
    %dma_start3A_379 = arith.constant 83584 : i32
    %dma_start3A_380 = tpu.memref_slice %arg2[%multiple_of3A, %dma_start3A_379] : memref<256x100000xf32, #tpu.memory_space<hbm>> -> memref<8x3712xf32, #tpu.memory_space<hbm>>
    tpu.enqueue_dma source(%dma_start3A_380 : memref<8x3712xf32, #tpu.memory_space<hbm>>) target(%arg12 : memref<8x3712xf32, #tpu.memory_space<vmem>>) target_semaphore(%arg16 : memref<!tpu.dma_semaphore, #tpu.memory_space<semaphore_mem>>)
    %dma_wait3A_381 = arith.constant 72448 : i32
    %dma_wait3A_382 = tpu.memref_slice %arg2[%multiple_of3A, %dma_wait3A_381] : memref<256x100000xf32, #tpu.memory_space<hbm>> -> memref<8x3712xf32, #tpu.memory_space<hbm>>
    %dma_wait3A_383 = arith.constant 72448 : i32
    %dma_wait3A_384 = tpu.memref_slice %arg2[%multiple_of3A, %dma_wait3A_383] : memref<256x100000xf32, #tpu.memory_space<hbm>> -> memref<8x3712xf32, #tpu.memory_space<hbm>>
    tpu.wait_dma2 semaphore(%arg13 : memref<!tpu.dma_semaphore, #tpu.memory_space<semaphore_mem>>) src(%dma_wait3A_384 : memref<8x3712xf32, #tpu.memory_space<hbm>>) dst(%arg9 : memref<8x3712xf32, #tpu.memory_space<vmem>>)
    %parallel_loop3A_385 = arith.constant 0 : i32
    %parallel_loop3A_386 = arith.constant 232 : i32
    %parallel_loop3A_387 = arith.constant 1 : i32
    %parallel_loop3A_388:8 = scf.for %parallel_loop3A_2038 = %parallel_loop3A_385 to %parallel_loop3A_386 step %parallel_loop3A_387 iter_args(%parallel_loop3A_2039 = %parallel_loop3A_376#0, %parallel_loop3A_2040 = %parallel_loop3A_376#1, %parallel_loop3A_2041 = %parallel_loop3A_376#2, %parallel_loop3A_2042 = %parallel_loop3A_376#3, %parallel_loop3A_2043 = %parallel_loop3A_376#4, %parallel_loop3A_2044 = %parallel_loop3A_376#5, %parallel_loop3A_2045 = %parallel_loop3A_376#6, %parallel_loop3A_2046 = %parallel_loop3A_376#7) -> (vector<16xf32>, vector<16xf32>, vector<16xf32>, vector<16xf32>, vector<16xf32>, vector<16xf32>, vector<16xf32>, vector<16xf32>)  : i32 {
      %parallel_loop3A_2047 = arith.constant 16 : i32
      %parallel_loop3A_2048 = arith.muli %parallel_loop3A_2038, %parallel_loop3A_2047 : i32
      %parallel_loop3A_2049 = arith.constant 0 : i32
      %parallel_loop3A_2050 = arith.index_cast %parallel_loop3A_2049 : i32 to index
      %parallel_loop3A_2051 = arith.index_cast %parallel_loop3A_2048 : i32 to index
      %parallel_loop3A_2052 = tpu.vector_load %arg9[%parallel_loop3A_2050, %parallel_loop3A_2051] {strides = array<i32>} : memref<8x3712xf32, #tpu.memory_space<vmem>>, vector<1x16xf32>,
      %parallel_loop3A_2053 = vector.shape_cast %parallel_loop3A_2052 : vector<1x16xf32> to vector<16xf32>
      %parallel_loop3A_2054 = arith.addf %parallel_loop3A_2039, %parallel_loop3A_2053 : vector<16xf32>
      %parallel_loop3A_2055 = arith.constant 16 : i32
      %parallel_loop3A_2056 = arith.muli %parallel_loop3A_2038, %parallel_loop3A_2055 : i32
      %parallel_loop3A_2057 = arith.constant 1 : i32
      %parallel_loop3A_2058 = arith.index_cast %parallel_loop3A_2057 : i32 to index
      %parallel_loop3A_2059 = arith.index_cast %parallel_loop3A_2056 : i32 to index
      %parallel_loop3A_2060 = tpu.vector_load %arg9[%parallel_loop3A_2058, %parallel_loop3A_2059] {strides = array<i32>} : memref<8x3712xf32, #tpu.memory_space<vmem>>, vector<1x16xf32>,
      %parallel_loop3A_2061 = vector.shape_cast %parallel_loop3A_2060 : vector<1x16xf32> to vector<16xf32>
      %parallel_loop3A_2062 = arith.addf %parallel_loop3A_2040, %parallel_loop3A_2061 : vector<16xf32>
      %parallel_loop3A_2063 = arith.constant 16 : i32
      %parallel_loop3A_2064 = arith.muli %parallel_loop3A_2038, %parallel_loop3A_2063 : i32
      %parallel_loop3A_2065 = arith.constant 2 : i32
      %parallel_loop3A_2066 = arith.index_cast %parallel_loop3A_2065 : i32 to index
      %parallel_loop3A_2067 = arith.index_cast %parallel_loop3A_2064 : i32 to index
      %parallel_loop3A_2068 = tpu.vector_load %arg9[%parallel_loop3A_2066, %parallel_loop3A_2067] {strides = array<i32>} : memref<8x3712xf32, #tpu.memory_space<vmem>>, vector<1x16xf32>,
      %parallel_loop3A_2069 = vector.shape_cast %parallel_loop3A_2068 : vector<1x16xf32> to vector<16xf32>
      %parallel_loop3A_2070 = arith.addf %parallel_loop3A_2041, %parallel_loop3A_2069 : vector<16xf32>
      %parallel_loop3A_2071 = arith.constant 16 : i32
      %parallel_loop3A_2072 = arith.muli %parallel_loop3A_2038, %parallel_loop3A_2071 : i32
      %parallel_loop3A_2073 = arith.constant 3 : i32
      %parallel_loop3A_2074 = arith.index_cast %parallel_loop3A_2073 : i32 to index
      %parallel_loop3A_2075 = arith.index_cast %parallel_loop3A_2072 : i32 to index
      %parallel_loop3A_2076 = tpu.vector_load %arg9[%parallel_loop3A_2074, %parallel_loop3A_2075] {strides = array<i32>} : memref<8x3712xf32, #tpu.memory_space<vmem>>, vector<1x16xf32>,
      %parallel_loop3A_2077 = vector.shape_cast %parallel_loop3A_2076 : vector<1x16xf32> to vector<16xf32>
      %parallel_loop3A_2078 = arith.addf %parallel_loop3A_2042, %parallel_loop3A_2077 : vector<16xf32>
      %parallel_loop3A_2079 = arith.constant 16 : i32
      %parallel_loop3A_2080 = arith.muli %parallel_loop3A_2038, %parallel_loop3A_2079 : i32
      %parallel_loop3A_2081 = arith.constant 4 : i32
      %parallel_loop3A_2082 = arith.index_cast %parallel_loop3A_2081 : i32 to index
      %parallel_loop3A_2083 = arith.index_cast %parallel_loop3A_2080 : i32 to index
      %parallel_loop3A_2084 = tpu.vector_load %arg9[%parallel_loop3A_2082, %parallel_loop3A_2083] {strides = array<i32>} : memref<8x3712xf32, #tpu.memory_space<vmem>>, vector<1x16xf32>,
      %parallel_loop3A_2085 = vector.shape_cast %parallel_loop3A_2084 : vector<1x16xf32> to vector<16xf32>
      %parallel_loop3A_2086 = arith.addf %parallel_loop3A_2043, %parallel_loop3A_2085 : vector<16xf32>
      %parallel_loop3A_2087 = arith.constant 16 : i32
      %parallel_loop3A_2088 = arith.muli %parallel_loop3A_2038, %parallel_loop3A_2087 : i32
      %parallel_loop3A_2089 = arith.constant 5 : i32
      %parallel_loop3A_2090 = arith.index_cast %parallel_loop3A_2089 : i32 to index
      %parallel_loop3A_2091 = arith.index_cast %parallel_loop3A_2088 : i32 to index
      %parallel_loop3A_2092 = tpu.vector_load %arg9[%parallel_loop3A_2090, %parallel_loop3A_2091] {strides = array<i32>} : memref<8x3712xf32, #tpu.memory_space<vmem>>, vector<1x16xf32>,
      %parallel_loop3A_2093 = vector.shape_cast %parallel_loop3A_2092 : vector<1x16xf32> to vector<16xf32>
      %parallel_loop3A_2094 = arith.addf %parallel_loop3A_2044, %parallel_loop3A_2093 : vector<16xf32>
      %parallel_loop3A_2095 = arith.constant 16 : i32
      %parallel_loop3A_2096 = arith.muli %parallel_loop3A_2038, %parallel_loop3A_2095 : i32
      %parallel_loop3A_2097 = arith.constant 6 : i32
      %parallel_loop3A_2098 = arith.index_cast %parallel_loop3A_2097 : i32 to index
      %parallel_loop3A_2099 = arith.index_cast %parallel_loop3A_2096 : i32 to index
      %parallel_loop3A_2100 = tpu.vector_load %arg9[%parallel_loop3A_2098, %parallel_loop3A_2099] {strides = array<i32>} : memref<8x3712xf32, #tpu.memory_space<vmem>>, vector<1x16xf32>,
      %parallel_loop3A_2101 = vector.shape_cast %parallel_loop3A_2100 : vector<1x16xf32> to vector<16xf32>
      %parallel_loop3A_2102 = arith.addf %parallel_loop3A_2045, %parallel_loop3A_2101 : vector<16xf32>
      %parallel_loop3A_2103 = arith.constant 16 : i32
      %parallel_loop3A_2104 = arith.muli %parallel_loop3A_2038, %parallel_loop3A_2103 : i32
      %parallel_loop3A_2105 = arith.constant 7 : i32
      %parallel_loop3A_2106 = arith.index_cast %parallel_loop3A_2105 : i32 to index
      %parallel_loop3A_2107 = arith.index_cast %parallel_loop3A_2104 : i32 to index
      %parallel_loop3A_2108 = tpu.vector_load %arg9[%parallel_loop3A_2106, %parallel_loop3A_2107] {strides = array<i32>} : memref<8x3712xf32, #tpu.memory_space<vmem>>, vector<1x16xf32>,
      %parallel_loop3A_2109 = vector.shape_cast %parallel_loop3A_2108 : vector<1x16xf32> to vector<16xf32>
      %parallel_loop3A_2110 = arith.addf %parallel_loop3A_2046, %parallel_loop3A_2109 : vector<16xf32>
      scf.yield %parallel_loop3A_2054, %parallel_loop3A_2062, %parallel_loop3A_2070, %parallel_loop3A_2078, %parallel_loop3A_2086, %parallel_loop3A_2094, %parallel_loop3A_2102, %parallel_loop3A_2110 : vector<16xf32>, vector<16xf32>, vector<16xf32>, vector<16xf32>, vector<16xf32>, vector<16xf32>, vector<16xf32>, vector<16xf32>
    } {sc.loop_unroll_factor = 2 : i64, sc.parallel_access}
    %dma_start3A_389 = arith.constant 87296 : i32
    %dma_start3A_390 = tpu.memref_slice %arg2[%multiple_of3A, %dma_start3A_389] : memref<256x100000xf32, #tpu.memory_space<hbm>> -> memref<8x3712xf32, #tpu.memory_space<hbm>>
    %dma_start3A_391 = arith.constant 87296 : i32
    %dma_start3A_392 = tpu.memref_slice %arg2[%multiple_of3A, %dma_start3A_391] : memref<256x100000xf32, #tpu.memory_space<hbm>> -> memref<8x3712xf32, #tpu.memory_space<hbm>>
    tpu.enqueue_dma source(%dma_start3A_392 : memref<8x3712xf32, #tpu.memory_space<hbm>>) target(%arg9 : memref<8x3712xf32, #tpu.memory_space<vmem>>) target_semaphore(%arg13 : memref<!tpu.dma_semaphore, #tpu.memory_space<semaphore_mem>>)
    %dma_wait3A_393 = arith.constant 76160 : i32
    %dma_wait3A_394 = tpu.memref_slice %arg2[%multiple_of3A, %dma_wait3A_393] : memref<256x100000xf32, #tpu.memory_space<hbm>> -> memref<8x3712xf32, #tpu.memory_space<hbm>>
    %dma_wait3A_395 = arith.constant 76160 : i32
    %dma_wait3A_396 = tpu.memref_slice %arg2[%multiple_of3A, %dma_wait3A_395] : memref<256x100000xf32, #tpu.memory_space<hbm>> -> memref<8x3712xf32, #tpu.memory_space<hbm>>
    tpu.wait_dma2 semaphore(%arg14 : memref<!tpu.dma_semaphore, #tpu.memory_space<semaphore_mem>>) src(%dma_wait3A_396 : memref<8x3712xf32, #tpu.memory_space<hbm>>) dst(%arg10 : memref<8x3712xf32, #tpu.memory_space<vmem>>)
    %parallel_loop3A_397 = arith.constant 0 : i32
    %parallel_loop3A_398 = arith.constant 232 : i32
    %parallel_loop3A_399 = arith.constant 1 : i32
    %parallel_loop3A_400:8 = scf.for %parallel_loop3A_2038 = %parallel_loop3A_397 to %parallel_loop3A_398 step %parallel_loop3A_399 iter_args(%parallel_loop3A_2039 = %parallel_loop3A_388#0, %parallel_loop3A_2040 = %parallel_loop3A_388#1, %parallel_loop3A_2041 = %parallel_loop3A_388#2, %parallel_loop3A_2042 = %parallel_loop3A_388#3, %parallel_loop3A_2043 = %parallel_loop3A_388#4, %parallel_loop3A_2044 = %parallel_loop3A_388#5, %parallel_loop3A_2045 = %parallel_loop3A_388#6, %parallel_loop3A_2046 = %parallel_loop3A_388#7) -> (vector<16xf32>, vector<16xf32>, vector<16xf32>, vector<16xf32>, vector<16xf32>, vector<16xf32>, vector<16xf32>, vector<16xf32>)  : i32 {
      %parallel_loop3A_2047 = arith.constant 16 : i32
      %parallel_loop3A_2048 = arith.muli %parallel_loop3A_2038, %parallel_loop3A_2047 : i32
      %parallel_loop3A_2049 = arith.constant 0 : i32
      %parallel_loop3A_2050 = arith.index_cast %parallel_loop3A_2049 : i32 to index
      %parallel_loop3A_2051 = arith.index_cast %parallel_loop3A_2048 : i32 to index
      %parallel_loop3A_2052 = tpu.vector_load %arg10[%parallel_loop3A_2050, %parallel_loop3A_2051] {strides = array<i32>} : memref<8x3712xf32, #tpu.memory_space<vmem>>, vector<1x16xf32>,
      %parallel_loop3A_2053 = vector.shape_cast %parallel_loop3A_2052 : vector<1x16xf32> to vector<16xf32>
      %parallel_loop3A_2054 = arith.addf %parallel_loop3A_2039, %parallel_loop3A_2053 : vector<16xf32>
      %parallel_loop3A_2055 = arith.constant 16 : i32
      %parallel_loop3A_2056 = arith.muli %parallel_loop3A_2038, %parallel_loop3A_2055 : i32
      %parallel_loop3A_2057 = arith.constant 1 : i32
      %parallel_loop3A_2058 = arith.index_cast %parallel_loop3A_2057 : i32 to index
      %parallel_loop3A_2059 = arith.index_cast %parallel_loop3A_2056 : i32 to index
      %parallel_loop3A_2060 = tpu.vector_load %arg10[%parallel_loop3A_2058, %parallel_loop3A_2059] {strides = array<i32>} : memref<8x3712xf32, #tpu.memory_space<vmem>>, vector<1x16xf32>,
      %parallel_loop3A_2061 = vector.shape_cast %parallel_loop3A_2060 : vector<1x16xf32> to vector<16xf32>
      %parallel_loop3A_2062 = arith.addf %parallel_loop3A_2040, %parallel_loop3A_2061 : vector<16xf32>
      %parallel_loop3A_2063 = arith.constant 16 : i32
      %parallel_loop3A_2064 = arith.muli %parallel_loop3A_2038, %parallel_loop3A_2063 : i32
      %parallel_loop3A_2065 = arith.constant 2 : i32
      %parallel_loop3A_2066 = arith.index_cast %parallel_loop3A_2065 : i32 to index
      %parallel_loop3A_2067 = arith.index_cast %parallel_loop3A_2064 : i32 to index
      %parallel_loop3A_2068 = tpu.vector_load %arg10[%parallel_loop3A_2066, %parallel_loop3A_2067] {strides = array<i32>} : memref<8x3712xf32, #tpu.memory_space<vmem>>, vector<1x16xf32>,
      %parallel_loop3A_2069 = vector.shape_cast %parallel_loop3A_2068 : vector<1x16xf32> to vector<16xf32>
      %parallel_loop3A_2070 = arith.addf %parallel_loop3A_2041, %parallel_loop3A_2069 : vector<16xf32>
      %parallel_loop3A_2071 = arith.constant 16 : i32
      %parallel_loop3A_2072 = arith.muli %parallel_loop3A_2038, %parallel_loop3A_2071 : i32
      %parallel_loop3A_2073 = arith.constant 3 : i32
      %parallel_loop3A_2074 = arith.index_cast %parallel_loop3A_2073 : i32 to index
      %parallel_loop3A_2075 = arith.index_cast %parallel_loop3A_2072 : i32 to index
      %parallel_loop3A_2076 = tpu.vector_load %arg10[%parallel_loop3A_2074, %parallel_loop3A_2075] {strides = array<i32>} : memref<8x3712xf32, #tpu.memory_space<vmem>>, vector<1x16xf32>,
      %parallel_loop3A_2077 = vector.shape_cast %parallel_loop3A_2076 : vector<1x16xf32> to vector<16xf32>
      %parallel_loop3A_2078 = arith.addf %parallel_loop3A_2042, %parallel_loop3A_2077 : vector<16xf32>
      %parallel_loop3A_2079 = arith.constant 16 : i32
      %parallel_loop3A_2080 = arith.muli %parallel_loop3A_2038, %parallel_loop3A_2079 : i32
      %parallel_loop3A_2081 = arith.constant 4 : i32
      %parallel_loop3A_2082 = arith.index_cast %parallel_loop3A_2081 : i32 to index
      %parallel_loop3A_2083 = arith.index_cast %parallel_loop3A_2080 : i32 to index
      %parallel_loop3A_2084 = tpu.vector_load %arg10[%parallel_loop3A_2082, %parallel_loop3A_2083] {strides = array<i32>} : memref<8x3712xf32, #tpu.memory_space<vmem>>, vector<1x16xf32>,
      %parallel_loop3A_2085 = vector.shape_cast %parallel_loop3A_2084 : vector<1x16xf32> to vector<16xf32>
      %parallel_loop3A_2086 = arith.addf %parallel_loop3A_2043, %parallel_loop3A_2085 : vector<16xf32>
      %parallel_loop3A_2087 = arith.constant 16 : i32
      %parallel_loop3A_2088 = arith.muli %parallel_loop3A_2038, %parallel_loop3A_2087 : i32
      %parallel_loop3A_2089 = arith.constant 5 : i32
      %parallel_loop3A_2090 = arith.index_cast %parallel_loop3A_2089 : i32 to index
      %parallel_loop3A_2091 = arith.index_cast %parallel_loop3A_2088 : i32 to index
      %parallel_loop3A_2092 = tpu.vector_load %arg10[%parallel_loop3A_2090, %parallel_loop3A_2091] {strides = array<i32>} : memref<8x3712xf32, #tpu.memory_space<vmem>>, vector<1x16xf32>,
      %parallel_loop3A_2093 = vector.shape_cast %parallel_loop3A_2092 : vector<1x16xf32> to vector<16xf32>
      %parallel_loop3A_2094 = arith.addf %parallel_loop3A_2044, %parallel_loop3A_2093 : vector<16xf32>
      %parallel_loop3A_2095 = arith.constant 16 : i32
      %parallel_loop3A_2096 = arith.muli %parallel_loop3A_2038, %parallel_loop3A_2095 : i32
      %parallel_loop3A_2097 = arith.constant 6 : i32
      %parallel_loop3A_2098 = arith.index_cast %parallel_loop3A_2097 : i32 to index
      %parallel_loop3A_2099 = arith.index_cast %parallel_loop3A_2096 : i32 to index
      %parallel_loop3A_2100 = tpu.vector_load %arg10[%parallel_loop3A_2098, %parallel_loop3A_2099] {strides = array<i32>} : memref<8x3712xf32, #tpu.memory_space<vmem>>, vector<1x16xf32>,
      %parallel_loop3A_2101 = vector.shape_cast %parallel_loop3A_2100 : vector<1x16xf32> to vector<16xf32>
      %parallel_loop3A_2102 = arith.addf %parallel_loop3A_2045, %parallel_loop3A_2101 : vector<16xf32>
      %parallel_loop3A_2103 = arith.constant 16 : i32
      %parallel_loop3A_2104 = arith.muli %parallel_loop3A_2038, %parallel_loop3A_2103 : i32
      %parallel_loop3A_2105 = arith.constant 7 : i32
      %parallel_loop3A_2106 = arith.index_cast %parallel_loop3A_2105 : i32 to index
      %parallel_loop3A_2107 = arith.index_cast %parallel_loop3A_2104 : i32 to index
      %parallel_loop3A_2108 = tpu.vector_load %arg10[%parallel_loop3A_2106, %parallel_loop3A_2107] {strides = array<i32>} : memref<8x3712xf32, #tpu.memory_space<vmem>>, vector<1x16xf32>,
      %parallel_loop3A_2109 = vector.shape_cast %parallel_loop3A_2108 : vector<1x16xf32> to vector<16xf32>
      %parallel_loop3A_2110 = arith.addf %parallel_loop3A_2046, %parallel_loop3A_2109 : vector<16xf32>
      scf.yield %parallel_loop3A_2054, %parallel_loop3A_2062, %parallel_loop3A_2070, %parallel_loop3A_2078, %parallel_loop3A_2086, %parallel_loop3A_2094, %parallel_loop3A_2102, %parallel_loop3A_2110 : vector<16xf32>, vector<16xf32>, vector<16xf32>, vector<16xf32>, vector<16xf32>, vector<16xf32>, vector<16xf32>, vector<16xf32>
    } {sc.loop_unroll_factor = 2 : i64, sc.parallel_access}
    %dma_start3A_401 = arith.constant 91008 : i32
    %dma_start3A_402 = tpu.memref_slice %arg2[%multiple_of3A, %dma_start3A_401] : memref<256x100000xf32, #tpu.memory_space<hbm>> -> memref<8x3712xf32, #tpu.memory_space<hbm>>
    %dma_start3A_403 = arith.constant 91008 : i32
    %dma_start3A_404 = tpu.memref_slice %arg2[%multiple_of3A, %dma_start3A_403] : memref<256x100000xf32, #tpu.memory_space<hbm>> -> memref<8x3712xf32, #tpu.memory_space<hbm>>
    tpu.enqueue_dma source(%dma_start3A_404 : memref<8x3712xf32, #tpu.memory_space<hbm>>) target(%arg10 : memref<8x3712xf32, #tpu.memory_space<vmem>>) target_semaphore(%arg14 : memref<!tpu.dma_semaphore, #tpu.memory_space<semaphore_mem>>)
    %dma_wait3A_405 = arith.constant 79872 : i32
    %dma_wait3A_406 = tpu.memref_slice %arg2[%multiple_of3A, %dma_wait3A_405] : memref<256x100000xf32, #tpu.memory_space<hbm>> -> memref<8x3712xf32, #tpu.memory_space<hbm>>
    %dma_wait3A_407 = arith.constant 79872 : i32
    %dma_wait3A_408 = tpu.memref_slice %arg2[%multiple_of3A, %dma_wait3A_407] : memref<256x100000xf32, #tpu.memory_space<hbm>> -> memref<8x3712xf32, #tpu.memory_space<hbm>>
    tpu.wait_dma2 semaphore(%arg15 : memref<!tpu.dma_semaphore, #tpu.memory_space<semaphore_mem>>) src(%dma_wait3A_408 : memref<8x3712xf32, #tpu.memory_space<hbm>>) dst(%arg11 : memref<8x3712xf32, #tpu.memory_space<vmem>>)
    %parallel_loop3A_409 = arith.constant 0 : i32
    %parallel_loop3A_410 = arith.constant 232 : i32
    %parallel_loop3A_411 = arith.constant 1 : i32
    %parallel_loop3A_412:8 = scf.for %parallel_loop3A_2038 = %parallel_loop3A_409 to %parallel_loop3A_410 step %parallel_loop3A_411 iter_args(%parallel_loop3A_2039 = %parallel_loop3A_400#0, %parallel_loop3A_2040 = %parallel_loop3A_400#1, %parallel_loop3A_2041 = %parallel_loop3A_400#2, %parallel_loop3A_2042 = %parallel_loop3A_400#3, %parallel_loop3A_2043 = %parallel_loop3A_400#4, %parallel_loop3A_2044 = %parallel_loop3A_400#5, %parallel_loop3A_2045 = %parallel_loop3A_400#6, %parallel_loop3A_2046 = %parallel_loop3A_400#7) -> (vector<16xf32>, vector<16xf32>, vector<16xf32>, vector<16xf32>, vector<16xf32>, vector<16xf32>, vector<16xf32>, vector<16xf32>)  : i32 {
      %parallel_loop3A_2047 = arith.constant 16 : i32
      %parallel_loop3A_2048 = arith.muli %parallel_loop3A_2038, %parallel_loop3A_2047 : i32
      %parallel_loop3A_2049 = arith.constant 0 : i32
      %parallel_loop3A_2050 = arith.index_cast %parallel_loop3A_2049 : i32 to index
      %parallel_loop3A_2051 = arith.index_cast %parallel_loop3A_2048 : i32 to index
      %parallel_loop3A_2052 = tpu.vector_load %arg11[%parallel_loop3A_2050, %parallel_loop3A_2051] {strides = array<i32>} : memref<8x3712xf32, #tpu.memory_space<vmem>>, vector<1x16xf32>,
      %parallel_loop3A_2053 = vector.shape_cast %parallel_loop3A_2052 : vector<1x16xf32> to vector<16xf32>
      %parallel_loop3A_2054 = arith.addf %parallel_loop3A_2039, %parallel_loop3A_2053 : vector<16xf32>
      %parallel_loop3A_2055 = arith.constant 16 : i32
      %parallel_loop3A_2056 = arith.muli %parallel_loop3A_2038, %parallel_loop3A_2055 : i32
      %parallel_loop3A_2057 = arith.constant 1 : i32
      %parallel_loop3A_2058 = arith.index_cast %parallel_loop3A_2057 : i32 to index
      %parallel_loop3A_2059 = arith.index_cast %parallel_loop3A_2056 : i32 to index
      %parallel_loop3A_2060 = tpu.vector_load %arg11[%parallel_loop3A_2058, %parallel_loop3A_2059] {strides = array<i32>} : memref<8x3712xf32, #tpu.memory_space<vmem>>, vector<1x16xf32>,
      %parallel_loop3A_2061 = vector.shape_cast %parallel_loop3A_2060 : vector<1x16xf32> to vector<16xf32>
      %parallel_loop3A_2062 = arith.addf %parallel_loop3A_2040, %parallel_loop3A_2061 : vector<16xf32>
      %parallel_loop3A_2063 = arith.constant 16 : i32
      %parallel_loop3A_2064 = arith.muli %parallel_loop3A_2038, %parallel_loop3A_2063 : i32
      %parallel_loop3A_2065 = arith.constant 2 : i32
      %parallel_loop3A_2066 = arith.index_cast %parallel_loop3A_2065 : i32 to index
      %parallel_loop3A_2067 = arith.index_cast %parallel_loop3A_2064 : i32 to index
      %parallel_loop3A_2068 = tpu.vector_load %arg11[%parallel_loop3A_2066, %parallel_loop3A_2067] {strides = array<i32>} : memref<8x3712xf32, #tpu.memory_space<vmem>>, vector<1x16xf32>,
      %parallel_loop3A_2069 = vector.shape_cast %parallel_loop3A_2068 : vector<1x16xf32> to vector<16xf32>
      %parallel_loop3A_2070 = arith.addf %parallel_loop3A_2041, %parallel_loop3A_2069 : vector<16xf32>
      %parallel_loop3A_2071 = arith.constant 16 : i32
      %parallel_loop3A_2072 = arith.muli %parallel_loop3A_2038, %parallel_loop3A_2071 : i32
      %parallel_loop3A_2073 = arith.constant 3 : i32
      %parallel_loop3A_2074 = arith.index_cast %parallel_loop3A_2073 : i32 to index
      %parallel_loop3A_2075 = arith.index_cast %parallel_loop3A_2072 : i32 to index
      %parallel_loop3A_2076 = tpu.vector_load %arg11[%parallel_loop3A_2074, %parallel_loop3A_2075] {strides = array<i32>} : memref<8x3712xf32, #tpu.memory_space<vmem>>, vector<1x16xf32>,
      %parallel_loop3A_2077 = vector.shape_cast %parallel_loop3A_2076 : vector<1x16xf32> to vector<16xf32>
      %parallel_loop3A_2078 = arith.addf %parallel_loop3A_2042, %parallel_loop3A_2077 : vector<16xf32>
      %parallel_loop3A_2079 = arith.constant 16 : i32
      %parallel_loop3A_2080 = arith.muli %parallel_loop3A_2038, %parallel_loop3A_2079 : i32
      %parallel_loop3A_2081 = arith.constant 4 : i32
      %parallel_loop3A_2082 = arith.index_cast %parallel_loop3A_2081 : i32 to index
      %parallel_loop3A_2083 = arith.index_cast %parallel_loop3A_2080 : i32 to index
      %parallel_loop3A_2084 = tpu.vector_load %arg11[%parallel_loop3A_2082, %parallel_loop3A_2083] {strides = array<i32>} : memref<8x3712xf32, #tpu.memory_space<vmem>>, vector<1x16xf32>,
      %parallel_loop3A_2085 = vector.shape_cast %parallel_loop3A_2084 : vector<1x16xf32> to vector<16xf32>
      %parallel_loop3A_2086 = arith.addf %parallel_loop3A_2043, %parallel_loop3A_2085 : vector<16xf32>
      %parallel_loop3A_2087 = arith.constant 16 : i32
      %parallel_loop3A_2088 = arith.muli %parallel_loop3A_2038, %parallel_loop3A_2087 : i32
      %parallel_loop3A_2089 = arith.constant 5 : i32
      %parallel_loop3A_2090 = arith.index_cast %parallel_loop3A_2089 : i32 to index
      %parallel_loop3A_2091 = arith.index_cast %parallel_loop3A_2088 : i32 to index
      %parallel_loop3A_2092 = tpu.vector_load %arg11[%parallel_loop3A_2090, %parallel_loop3A_2091] {strides = array<i32>} : memref<8x3712xf32, #tpu.memory_space<vmem>>, vector<1x16xf32>,
      %parallel_loop3A_2093 = vector.shape_cast %parallel_loop3A_2092 : vector<1x16xf32> to vector<16xf32>
      %parallel_loop3A_2094 = arith.addf %parallel_loop3A_2044, %parallel_loop3A_2093 : vector<16xf32>
      %parallel_loop3A_2095 = arith.constant 16 : i32
      %parallel_loop3A_2096 = arith.muli %parallel_loop3A_2038, %parallel_loop3A_2095 : i32
      %parallel_loop3A_2097 = arith.constant 6 : i32
      %parallel_loop3A_2098 = arith.index_cast %parallel_loop3A_2097 : i32 to index
      %parallel_loop3A_2099 = arith.index_cast %parallel_loop3A_2096 : i32 to index
      %parallel_loop3A_2100 = tpu.vector_load %arg11[%parallel_loop3A_2098, %parallel_loop3A_2099] {strides = array<i32>} : memref<8x3712xf32, #tpu.memory_space<vmem>>, vector<1x16xf32>,
      %parallel_loop3A_2101 = vector.shape_cast %parallel_loop3A_2100 : vector<1x16xf32> to vector<16xf32>
      %parallel_loop3A_2102 = arith.addf %parallel_loop3A_2045, %parallel_loop3A_2101 : vector<16xf32>
      %parallel_loop3A_2103 = arith.constant 16 : i32
      %parallel_loop3A_2104 = arith.muli %parallel_loop3A_2038, %parallel_loop3A_2103 : i32
      %parallel_loop3A_2105 = arith.constant 7 : i32
      %parallel_loop3A_2106 = arith.index_cast %parallel_loop3A_2105 : i32 to index
      %parallel_loop3A_2107 = arith.index_cast %parallel_loop3A_2104 : i32 to index
      %parallel_loop3A_2108 = tpu.vector_load %arg11[%parallel_loop3A_2106, %parallel_loop3A_2107] {strides = array<i32>} : memref<8x3712xf32, #tpu.memory_space<vmem>>, vector<1x16xf32>,
      %parallel_loop3A_2109 = vector.shape_cast %parallel_loop3A_2108 : vector<1x16xf32> to vector<16xf32>
      %parallel_loop3A_2110 = arith.addf %parallel_loop3A_2046, %parallel_loop3A_2109 : vector<16xf32>
      scf.yield %parallel_loop3A_2054, %parallel_loop3A_2062, %parallel_loop3A_2070, %parallel_loop3A_2078, %parallel_loop3A_2086, %parallel_loop3A_2094, %parallel_loop3A_2102, %parallel_loop3A_2110 : vector<16xf32>, vector<16xf32>, vector<16xf32>, vector<16xf32>, vector<16xf32>, vector<16xf32>, vector<16xf32>, vector<16xf32>
    } {sc.loop_unroll_factor = 2 : i64, sc.parallel_access}
    %dma_start3A_413 = arith.constant 94720 : i32
    %dma_start3A_414 = tpu.memref_slice %arg2[%multiple_of3A, %dma_start3A_413] : memref<256x100000xf32, #tpu.memory_space<hbm>> -> memref<8x3712xf32, #tpu.memory_space<hbm>>
    %dma_start3A_415 = arith.constant 94720 : i32
    %dma_start3A_416 = tpu.memref_slice %arg2[%multiple_of3A, %dma_start3A_415] : memref<256x100000xf32, #tpu.memory_space<hbm>> -> memref<8x3712xf32, #tpu.memory_space<hbm>>
    tpu.enqueue_dma source(%dma_start3A_416 : memref<8x3712xf32, #tpu.memory_space<hbm>>) target(%arg11 : memref<8x3712xf32, #tpu.memory_space<vmem>>) target_semaphore(%arg15 : memref<!tpu.dma_semaphore, #tpu.memory_space<semaphore_mem>>)
    %dma_wait3A_417 = arith.constant 83584 : i32
    %dma_wait3A_418 = tpu.memref_slice %arg2[%multiple_of3A, %dma_wait3A_417] : memref<256x100000xf32, #tpu.memory_space<hbm>> -> memref<8x3712xf32, #tpu.memory_space<hbm>>
    %dma_wait3A_419 = arith.constant 83584 : i32
    %dma_wait3A_420 = tpu.memref_slice %arg2[%multiple_of3A, %dma_wait3A_419] : memref<256x100000xf32, #tpu.memory_space<hbm>> -> memref<8x3712xf32, #tpu.memory_space<hbm>>
    tpu.wait_dma2 semaphore(%arg16 : memref<!tpu.dma_semaphore, #tpu.memory_space<semaphore_mem>>) src(%dma_wait3A_420 : memref<8x3712xf32, #tpu.memory_space<hbm>>) dst(%arg12 : memref<8x3712xf32, #tpu.memory_space<vmem>>)
    %parallel_loop3A_421 = arith.constant 0 : i32
    %parallel_loop3A_422 = arith.constant 232 : i32
    %parallel_loop3A_423 = arith.constant 1 : i32
    %parallel_loop3A_424:8 = scf.for %parallel_loop3A_2038 = %parallel_loop3A_421 to %parallel_loop3A_422 step %parallel_loop3A_423 iter_args(%parallel_loop3A_2039 = %parallel_loop3A_412#0, %parallel_loop3A_2040 = %parallel_loop3A_412#1, %parallel_loop3A_2041 = %parallel_loop3A_412#2, %parallel_loop3A_2042 = %parallel_loop3A_412#3, %parallel_loop3A_2043 = %parallel_loop3A_412#4, %parallel_loop3A_2044 = %parallel_loop3A_412#5, %parallel_loop3A_2045 = %parallel_loop3A_412#6, %parallel_loop3A_2046 = %parallel_loop3A_412#7) -> (vector<16xf32>, vector<16xf32>, vector<16xf32>, vector<16xf32>, vector<16xf32>, vector<16xf32>, vector<16xf32>, vector<16xf32>)  : i32 {
      %parallel_loop3A_2047 = arith.constant 16 : i32
      %parallel_loop3A_2048 = arith.muli %parallel_loop3A_2038, %parallel_loop3A_2047 : i32
      %parallel_loop3A_2049 = arith.constant 0 : i32
      %parallel_loop3A_2050 = arith.index_cast %parallel_loop3A_2049 : i32 to index
      %parallel_loop3A_2051 = arith.index_cast %parallel_loop3A_2048 : i32 to index
      %parallel_loop3A_2052 = tpu.vector_load %arg12[%parallel_loop3A_2050, %parallel_loop3A_2051] {strides = array<i32>} : memref<8x3712xf32, #tpu.memory_space<vmem>>, vector<1x16xf32>,
      %parallel_loop3A_2053 = vector.shape_cast %parallel_loop3A_2052 : vector<1x16xf32> to vector<16xf32>
      %parallel_loop3A_2054 = arith.addf %parallel_loop3A_2039, %parallel_loop3A_2053 : vector<16xf32>
      %parallel_loop3A_2055 = arith.constant 16 : i32
      %parallel_loop3A_2056 = arith.muli %parallel_loop3A_2038, %parallel_loop3A_2055 : i32
      %parallel_loop3A_2057 = arith.constant 1 : i32
      %parallel_loop3A_2058 = arith.index_cast %parallel_loop3A_2057 : i32 to index
      %parallel_loop3A_2059 = arith.index_cast %parallel_loop3A_2056 : i32 to index
      %parallel_loop3A_2060 = tpu.vector_load %arg12[%parallel_loop3A_2058, %parallel_loop3A_2059] {strides = array<i32>} : memref<8x3712xf32, #tpu.memory_space<vmem>>, vector<1x16xf32>,
      %parallel_loop3A_2061 = vector.shape_cast %parallel_loop3A_2060 : vector<1x16xf32> to vector<16xf32>
      %parallel_loop3A_2062 = arith.addf %parallel_loop3A_2040, %parallel_loop3A_2061 : vector<16xf32>
      %parallel_loop3A_2063 = arith.constant 16 : i32
      %parallel_loop3A_2064 = arith.muli %parallel_loop3A_2038, %parallel_loop3A_2063 : i32
      %parallel_loop3A_2065 = arith.constant 2 : i32
      %parallel_loop3A_2066 = arith.index_cast %parallel_loop3A_2065 : i32 to index
      %parallel_loop3A_2067 = arith.index_cast %parallel_loop3A_2064 : i32 to index
      %parallel_loop3A_2068 = tpu.vector_load %arg12[%parallel_loop3A_2066, %parallel_loop3A_2067] {strides = array<i32>} : memref<8x3712xf32, #tpu.memory_space<vmem>>, vector<1x16xf32>,
      %parallel_loop3A_2069 = vector.shape_cast %parallel_loop3A_2068 : vector<1x16xf32> to vector<16xf32>
      %parallel_loop3A_2070 = arith.addf %parallel_loop3A_2041, %parallel_loop3A_2069 : vector<16xf32>
      %parallel_loop3A_2071 = arith.constant 16 : i32
      %parallel_loop3A_2072 = arith.muli %parallel_loop3A_2038, %parallel_loop3A_2071 : i32
      %parallel_loop3A_2073 = arith.constant 3 : i32
      %parallel_loop3A_2074 = arith.index_cast %parallel_loop3A_2073 : i32 to index
      %parallel_loop3A_2075 = arith.index_cast %parallel_loop3A_2072 : i32 to index
      %parallel_loop3A_2076 = tpu.vector_load %arg12[%parallel_loop3A_2074, %parallel_loop3A_2075] {strides = array<i32>} : memref<8x3712xf32, #tpu.memory_space<vmem>>, vector<1x16xf32>,
      %parallel_loop3A_2077 = vector.shape_cast %parallel_loop3A_2076 : vector<1x16xf32> to vector<16xf32>
      %parallel_loop3A_2078 = arith.addf %parallel_loop3A_2042, %parallel_loop3A_2077 : vector<16xf32>
      %parallel_loop3A_2079 = arith.constant 16 : i32
      %parallel_loop3A_2080 = arith.muli %parallel_loop3A_2038, %parallel_loop3A_2079 : i32
      %parallel_loop3A_2081 = arith.constant 4 : i32
      %parallel_loop3A_2082 = arith.index_cast %parallel_loop3A_2081 : i32 to index
      %parallel_loop3A_2083 = arith.index_cast %parallel_loop3A_2080 : i32 to index
      %parallel_loop3A_2084 = tpu.vector_load %arg12[%parallel_loop3A_2082, %parallel_loop3A_2083] {strides = array<i32>} : memref<8x3712xf32, #tpu.memory_space<vmem>>, vector<1x16xf32>,
      %parallel_loop3A_2085 = vector.shape_cast %parallel_loop3A_2084 : vector<1x16xf32> to vector<16xf32>
      %parallel_loop3A_2086 = arith.addf %parallel_loop3A_2043, %parallel_loop3A_2085 : vector<16xf32>
      %parallel_loop3A_2087 = arith.constant 16 : i32
      %parallel_loop3A_2088 = arith.muli %parallel_loop3A_2038, %parallel_loop3A_2087 : i32
      %parallel_loop3A_2089 = arith.constant 5 : i32
      %parallel_loop3A_2090 = arith.index_cast %parallel_loop3A_2089 : i32 to index
      %parallel_loop3A_2091 = arith.index_cast %parallel_loop3A_2088 : i32 to index
      %parallel_loop3A_2092 = tpu.vector_load %arg12[%parallel_loop3A_2090, %parallel_loop3A_2091] {strides = array<i32>} : memref<8x3712xf32, #tpu.memory_space<vmem>>, vector<1x16xf32>,
      %parallel_loop3A_2093 = vector.shape_cast %parallel_loop3A_2092 : vector<1x16xf32> to vector<16xf32>
      %parallel_loop3A_2094 = arith.addf %parallel_loop3A_2044, %parallel_loop3A_2093 : vector<16xf32>
      %parallel_loop3A_2095 = arith.constant 16 : i32
      %parallel_loop3A_2096 = arith.muli %parallel_loop3A_2038, %parallel_loop3A_2095 : i32
      %parallel_loop3A_2097 = arith.constant 6 : i32
      %parallel_loop3A_2098 = arith.index_cast %parallel_loop3A_2097 : i32 to index
      %parallel_loop3A_2099 = arith.index_cast %parallel_loop3A_2096 : i32 to index
      %parallel_loop3A_2100 = tpu.vector_load %arg12[%parallel_loop3A_2098, %parallel_loop3A_2099] {strides = array<i32>} : memref<8x3712xf32, #tpu.memory_space<vmem>>, vector<1x16xf32>,
      %parallel_loop3A_2101 = vector.shape_cast %parallel_loop3A_2100 : vector<1x16xf32> to vector<16xf32>
      %parallel_loop3A_2102 = arith.addf %parallel_loop3A_2045, %parallel_loop3A_2101 : vector<16xf32>
      %parallel_loop3A_2103 = arith.constant 16 : i32
      %parallel_loop3A_2104 = arith.muli %parallel_loop3A_2038, %parallel_loop3A_2103 : i32
      %parallel_loop3A_2105 = arith.constant 7 : i32
      %parallel_loop3A_2106 = arith.index_cast %parallel_loop3A_2105 : i32 to index
      %parallel_loop3A_2107 = arith.index_cast %parallel_loop3A_2104 : i32 to index
      %parallel_loop3A_2108 = tpu.vector_load %arg12[%parallel_loop3A_2106, %parallel_loop3A_2107] {strides = array<i32>} : memref<8x3712xf32, #tpu.memory_space<vmem>>, vector<1x16xf32>,
      %parallel_loop3A_2109 = vector.shape_cast %parallel_loop3A_2108 : vector<1x16xf32> to vector<16xf32>
      %parallel_loop3A_2110 = arith.addf %parallel_loop3A_2046, %parallel_loop3A_2109 : vector<16xf32>
      scf.yield %parallel_loop3A_2054, %parallel_loop3A_2062, %parallel_loop3A_2070, %parallel_loop3A_2078, %parallel_loop3A_2086, %parallel_loop3A_2094, %parallel_loop3A_2102, %parallel_loop3A_2110 : vector<16xf32>, vector<16xf32>, vector<16xf32>, vector<16xf32>, vector<16xf32>, vector<16xf32>, vector<16xf32>, vector<16xf32>
    } {sc.loop_unroll_factor = 2 : i64, sc.parallel_access}
    %dma_start3A_425 = arith.constant 0 : i32
    %dma_start3A_426 = arith.constant 0 : i32
    %dma_start3A_427 = tpu.memref_slice %arg12[%dma_start3A_425, %dma_start3A_426] : memref<8x3712xf32, #tpu.memory_space<vmem>> -> memref<8x1536xf32, #tpu.memory_space<vmem>>
    %dma_start3A_428 = arith.constant 98432 : i32
    %dma_start3A_429 = tpu.memref_slice %arg2[%multiple_of3A, %dma_start3A_428] : memref<256x100000xf32, #tpu.memory_space<hbm>> -> memref<8x1536xf32, #tpu.memory_space<hbm>>
    %dma_start3A_430 = arith.constant 0 : i32
    %dma_start3A_431 = arith.constant 0 : i32
    %dma_start3A_432 = tpu.memref_slice %arg12[%dma_start3A_430, %dma_start3A_431] : memref<8x3712xf32, #tpu.memory_space<vmem>> -> memref<8x1536xf32, #tpu.memory_space<vmem>>
    %dma_start3A_433 = arith.constant 98432 : i32
    %dma_start3A_434 = tpu.memref_slice %arg2[%multiple_of3A, %dma_start3A_433] : memref<256x100000xf32, #tpu.memory_space<hbm>> -> memref<8x1536xf32, #tpu.memory_space<hbm>>
    tpu.enqueue_dma source(%dma_start3A_434 : memref<8x1536xf32, #tpu.memory_space<hbm>>) target(%dma_start3A_432 : memref<8x1536xf32, #tpu.memory_space<vmem>>) target_semaphore(%arg16 : memref<!tpu.dma_semaphore, #tpu.memory_space<semaphore_mem>>)
    %dma_wait3A_435 = arith.constant 87296 : i32
    %dma_wait3A_436 = tpu.memref_slice %arg2[%multiple_of3A, %dma_wait3A_435] : memref<256x100000xf32, #tpu.memory_space<hbm>> -> memref<8x3712xf32, #tpu.memory_space<hbm>>
    %dma_wait3A_437 = arith.constant 87296 : i32
    %dma_wait3A_438 = tpu.memref_slice %arg2[%multiple_of3A, %dma_wait3A_437] : memref<256x100000xf32, #tpu.memory_space<hbm>> -> memref<8x3712xf32, #tpu.memory_space<hbm>>
    tpu.wait_dma2 semaphore(%arg13 : memref<!tpu.dma_semaphore, #tpu.memory_space<semaphore_mem>>) src(%dma_wait3A_438 : memref<8x3712xf32, #tpu.memory_space<hbm>>) dst(%arg9 : memref<8x3712xf32, #tpu.memory_space<vmem>>)
    %parallel_loop3A_439 = arith.constant 0 : i32
    %parallel_loop3A_440 = arith.constant 232 : i32
    %parallel_loop3A_441 = arith.constant 1 : i32
    %parallel_loop3A_442:8 = scf.for %parallel_loop3A_2038 = %parallel_loop3A_439 to %parallel_loop3A_440 step %parallel_loop3A_441 iter_args(%parallel_loop3A_2039 = %parallel_loop3A_424#0, %parallel_loop3A_2040 = %parallel_loop3A_424#1, %parallel_loop3A_2041 = %parallel_loop3A_424#2, %parallel_loop3A_2042 = %parallel_loop3A_424#3, %parallel_loop3A_2043 = %parallel_loop3A_424#4, %parallel_loop3A_2044 = %parallel_loop3A_424#5, %parallel_loop3A_2045 = %parallel_loop3A_424#6, %parallel_loop3A_2046 = %parallel_loop3A_424#7) -> (vector<16xf32>, vector<16xf32>, vector<16xf32>, vector<16xf32>, vector<16xf32>, vector<16xf32>, vector<16xf32>, vector<16xf32>)  : i32 {
      %parallel_loop3A_2047 = arith.constant 16 : i32
      %parallel_loop3A_2048 = arith.muli %parallel_loop3A_2038, %parallel_loop3A_2047 : i32
      %parallel_loop3A_2049 = arith.constant 0 : i32
      %parallel_loop3A_2050 = arith.index_cast %parallel_loop3A_2049 : i32 to index
      %parallel_loop3A_2051 = arith.index_cast %parallel_loop3A_2048 : i32 to index
      %parallel_loop3A_2052 = tpu.vector_load %arg9[%parallel_loop3A_2050, %parallel_loop3A_2051] {strides = array<i32>} : memref<8x3712xf32, #tpu.memory_space<vmem>>, vector<1x16xf32>,
      %parallel_loop3A_2053 = vector.shape_cast %parallel_loop3A_2052 : vector<1x16xf32> to vector<16xf32>
      %parallel_loop3A_2054 = arith.addf %parallel_loop3A_2039, %parallel_loop3A_2053 : vector<16xf32>
      %parallel_loop3A_2055 = arith.constant 16 : i32
      %parallel_loop3A_2056 = arith.muli %parallel_loop3A_2038, %parallel_loop3A_2055 : i32
      %parallel_loop3A_2057 = arith.constant 1 : i32
      %parallel_loop3A_2058 = arith.index_cast %parallel_loop3A_2057 : i32 to index
      %parallel_loop3A_2059 = arith.index_cast %parallel_loop3A_2056 : i32 to index
      %parallel_loop3A_2060 = tpu.vector_load %arg9[%parallel_loop3A_2058, %parallel_loop3A_2059] {strides = array<i32>} : memref<8x3712xf32, #tpu.memory_space<vmem>>, vector<1x16xf32>,
      %parallel_loop3A_2061 = vector.shape_cast %parallel_loop3A_2060 : vector<1x16xf32> to vector<16xf32>
      %parallel_loop3A_2062 = arith.addf %parallel_loop3A_2040, %parallel_loop3A_2061 : vector<16xf32>
      %parallel_loop3A_2063 = arith.constant 16 : i32
      %parallel_loop3A_2064 = arith.muli %parallel_loop3A_2038, %parallel_loop3A_2063 : i32
      %parallel_loop3A_2065 = arith.constant 2 : i32
      %parallel_loop3A_2066 = arith.index_cast %parallel_loop3A_2065 : i32 to index
      %parallel_loop3A_2067 = arith.index_cast %parallel_loop3A_2064 : i32 to index
      %parallel_loop3A_2068 = tpu.vector_load %arg9[%parallel_loop3A_2066, %parallel_loop3A_2067] {strides = array<i32>} : memref<8x3712xf32, #tpu.memory_space<vmem>>, vector<1x16xf32>,
      %parallel_loop3A_2069 = vector.shape_cast %parallel_loop3A_2068 : vector<1x16xf32> to vector<16xf32>
      %parallel_loop3A_2070 = arith.addf %parallel_loop3A_2041, %parallel_loop3A_2069 : vector<16xf32>
      %parallel_loop3A_2071 = arith.constant 16 : i32
      %parallel_loop3A_2072 = arith.muli %parallel_loop3A_2038, %parallel_loop3A_2071 : i32
      %parallel_loop3A_2073 = arith.constant 3 : i32
      %parallel_loop3A_2074 = arith.index_cast %parallel_loop3A_2073 : i32 to index
      %parallel_loop3A_2075 = arith.index_cast %parallel_loop3A_2072 : i32 to index
      %parallel_loop3A_2076 = tpu.vector_load %arg9[%parallel_loop3A_2074, %parallel_loop3A_2075] {strides = array<i32>} : memref<8x3712xf32, #tpu.memory_space<vmem>>, vector<1x16xf32>,
      %parallel_loop3A_2077 = vector.shape_cast %parallel_loop3A_2076 : vector<1x16xf32> to vector<16xf32>
      %parallel_loop3A_2078 = arith.addf %parallel_loop3A_2042, %parallel_loop3A_2077 : vector<16xf32>
      %parallel_loop3A_2079 = arith.constant 16 : i32
      %parallel_loop3A_2080 = arith.muli %parallel_loop3A_2038, %parallel_loop3A_2079 : i32
      %parallel_loop3A_2081 = arith.constant 4 : i32
      %parallel_loop3A_2082 = arith.index_cast %parallel_loop3A_2081 : i32 to index
      %parallel_loop3A_2083 = arith.index_cast %parallel_loop3A_2080 : i32 to index
      %parallel_loop3A_2084 = tpu.vector_load %arg9[%parallel_loop3A_2082, %parallel_loop3A_2083] {strides = array<i32>} : memref<8x3712xf32, #tpu.memory_space<vmem>>, vector<1x16xf32>,
      %parallel_loop3A_2085 = vector.shape_cast %parallel_loop3A_2084 : vector<1x16xf32> to vector<16xf32>
      %parallel_loop3A_2086 = arith.addf %parallel_loop3A_2043, %parallel_loop3A_2085 : vector<16xf32>
      %parallel_loop3A_2087 = arith.constant 16 : i32
      %parallel_loop3A_2088 = arith.muli %parallel_loop3A_2038, %parallel_loop3A_2087 : i32
      %parallel_loop3A_2089 = arith.constant 5 : i32
      %parallel_loop3A_2090 = arith.index_cast %parallel_loop3A_2089 : i32 to index
      %parallel_loop3A_2091 = arith.index_cast %parallel_loop3A_2088 : i32 to index
      %parallel_loop3A_2092 = tpu.vector_load %arg9[%parallel_loop3A_2090, %parallel_loop3A_2091] {strides = array<i32>} : memref<8x3712xf32, #tpu.memory_space<vmem>>, vector<1x16xf32>,
      %parallel_loop3A_2093 = vector.shape_cast %parallel_loop3A_2092 : vector<1x16xf32> to vector<16xf32>
      %parallel_loop3A_2094 = arith.addf %parallel_loop3A_2044, %parallel_loop3A_2093 : vector<16xf32>
      %parallel_loop3A_2095 = arith.constant 16 : i32
      %parallel_loop3A_2096 = arith.muli %parallel_loop3A_2038, %parallel_loop3A_2095 : i32
      %parallel_loop3A_2097 = arith.constant 6 : i32
      %parallel_loop3A_2098 = arith.index_cast %parallel_loop3A_2097 : i32 to index
      %parallel_loop3A_2099 = arith.index_cast %parallel_loop3A_2096 : i32 to index
      %parallel_loop3A_2100 = tpu.vector_load %arg9[%parallel_loop3A_2098, %parallel_loop3A_2099] {strides = array<i32>} : memref<8x3712xf32, #tpu.memory_space<vmem>>, vector<1x16xf32>,
      %parallel_loop3A_2101 = vector.shape_cast %parallel_loop3A_2100 : vector<1x16xf32> to vector<16xf32>
      %parallel_loop3A_2102 = arith.addf %parallel_loop3A_2045, %parallel_loop3A_2101 : vector<16xf32>
      %parallel_loop3A_2103 = arith.constant 16 : i32
      %parallel_loop3A_2104 = arith.muli %parallel_loop3A_2038, %parallel_loop3A_2103 : i32
      %parallel_loop3A_2105 = arith.constant 7 : i32
      %parallel_loop3A_2106 = arith.index_cast %parallel_loop3A_2105 : i32 to index
      %parallel_loop3A_2107 = arith.index_cast %parallel_loop3A_2104 : i32 to index
      %parallel_loop3A_2108 = tpu.vector_load %arg9[%parallel_loop3A_2106, %parallel_loop3A_2107] {strides = array<i32>} : memref<8x3712xf32, #tpu.memory_space<vmem>>, vector<1x16xf32>,
      %parallel_loop3A_2109 = vector.shape_cast %parallel_loop3A_2108 : vector<1x16xf32> to vector<16xf32>
      %parallel_loop3A_2110 = arith.addf %parallel_loop3A_2046, %parallel_loop3A_2109 : vector<16xf32>
      scf.yield %parallel_loop3A_2054, %parallel_loop3A_2062, %parallel_loop3A_2070, %parallel_loop3A_2078, %parallel_loop3A_2086, %parallel_loop3A_2094, %parallel_loop3A_2102, %parallel_loop3A_2110 : vector<16xf32>, vector<16xf32>, vector<16xf32>, vector<16xf32>, vector<16xf32>, vector<16xf32>, vector<16xf32>, vector<16xf32>
    } {sc.loop_unroll_factor = 2 : i64, sc.parallel_access}
    %dma_wait3A_443 = arith.constant 91008 : i32
    %dma_wait3A_444 = tpu.memref_slice %arg2[%multiple_of3A, %dma_wait3A_443] : memref<256x100000xf32, #tpu.memory_space<hbm>> -> memref<8x3712xf32, #tpu.memory_space<hbm>>
    %dma_wait3A_445 = arith.constant 91008 : i32
    %dma_wait3A_446 = tpu.memref_slice %arg2[%multiple_of3A, %dma_wait3A_445] : memref<256x100000xf32, #tpu.memory_space<hbm>> -> memref<8x3712xf32, #tpu.memory_space<hbm>>
    tpu.wait_dma2 semaphore(%arg14 : memref<!tpu.dma_semaphore, #tpu.memory_space<semaphore_mem>>) src(%dma_wait3A_446 : memref<8x3712xf32, #tpu.memory_space<hbm>>) dst(%arg10 : memref<8x3712xf32, #tpu.memory_space<vmem>>)
    %parallel_loop3A_447 = arith.constant 0 : i32
    %parallel_loop3A_448 = arith.constant 232 : i32
    %parallel_loop3A_449 = arith.constant 1 : i32
    %parallel_loop3A_450:8 = scf.for %parallel_loop3A_2038 = %parallel_loop3A_447 to %parallel_loop3A_448 step %parallel_loop3A_449 iter_args(%parallel_loop3A_2039 = %parallel_loop3A_442#0, %parallel_loop3A_2040 = %parallel_loop3A_442#1, %parallel_loop3A_2041 = %parallel_loop3A_442#2, %parallel_loop3A_2042 = %parallel_loop3A_442#3, %parallel_loop3A_2043 = %parallel_loop3A_442#4, %parallel_loop3A_2044 = %parallel_loop3A_442#5, %parallel_loop3A_2045 = %parallel_loop3A_442#6, %parallel_loop3A_2046 = %parallel_loop3A_442#7) -> (vector<16xf32>, vector<16xf32>, vector<16xf32>, vector<16xf32>, vector<16xf32>, vector<16xf32>, vector<16xf32>, vector<16xf32>)  : i32 {
      %parallel_loop3A_2047 = arith.constant 16 : i32
      %parallel_loop3A_2048 = arith.muli %parallel_loop3A_2038, %parallel_loop3A_2047 : i32
      %parallel_loop3A_2049 = arith.constant 0 : i32
      %parallel_loop3A_2050 = arith.index_cast %parallel_loop3A_2049 : i32 to index
      %parallel_loop3A_2051 = arith.index_cast %parallel_loop3A_2048 : i32 to index
      %parallel_loop3A_2052 = tpu.vector_load %arg10[%parallel_loop3A_2050, %parallel_loop3A_2051] {strides = array<i32>} : memref<8x3712xf32, #tpu.memory_space<vmem>>, vector<1x16xf32>,
      %parallel_loop3A_2053 = vector.shape_cast %parallel_loop3A_2052 : vector<1x16xf32> to vector<16xf32>
      %parallel_loop3A_2054 = arith.addf %parallel_loop3A_2039, %parallel_loop3A_2053 : vector<16xf32>
      %parallel_loop3A_2055 = arith.constant 16 : i32
      %parallel_loop3A_2056 = arith.muli %parallel_loop3A_2038, %parallel_loop3A_2055 : i32
      %parallel_loop3A_2057 = arith.constant 1 : i32
      %parallel_loop3A_2058 = arith.index_cast %parallel_loop3A_2057 : i32 to index
      %parallel_loop3A_2059 = arith.index_cast %parallel_loop3A_2056 : i32 to index
      %parallel_loop3A_2060 = tpu.vector_load %arg10[%parallel_loop3A_2058, %parallel_loop3A_2059] {strides = array<i32>} : memref<8x3712xf32, #tpu.memory_space<vmem>>, vector<1x16xf32>,
      %parallel_loop3A_2061 = vector.shape_cast %parallel_loop3A_2060 : vector<1x16xf32> to vector<16xf32>
      %parallel_loop3A_2062 = arith.addf %parallel_loop3A_2040, %parallel_loop3A_2061 : vector<16xf32>
      %parallel_loop3A_2063 = arith.constant 16 : i32
      %parallel_loop3A_2064 = arith.muli %parallel_loop3A_2038, %parallel_loop3A_2063 : i32
      %parallel_loop3A_2065 = arith.constant 2 : i32
      %parallel_loop3A_2066 = arith.index_cast %parallel_loop3A_2065 : i32 to index
      %parallel_loop3A_2067 = arith.index_cast %parallel_loop3A_2064 : i32 to index
      %parallel_loop3A_2068 = tpu.vector_load %arg10[%parallel_loop3A_2066, %parallel_loop3A_2067] {strides = array<i32>} : memref<8x3712xf32, #tpu.memory_space<vmem>>, vector<1x16xf32>,
      %parallel_loop3A_2069 = vector.shape_cast %parallel_loop3A_2068 : vector<1x16xf32> to vector<16xf32>
      %parallel_loop3A_2070 = arith.addf %parallel_loop3A_2041, %parallel_loop3A_2069 : vector<16xf32>
      %parallel_loop3A_2071 = arith.constant 16 : i32
      %parallel_loop3A_2072 = arith.muli %parallel_loop3A_2038, %parallel_loop3A_2071 : i32
      %parallel_loop3A_2073 = arith.constant 3 : i32
      %parallel_loop3A_2074 = arith.index_cast %parallel_loop3A_2073 : i32 to index
      %parallel_loop3A_2075 = arith.index_cast %parallel_loop3A_2072 : i32 to index
      %parallel_loop3A_2076 = tpu.vector_load %arg10[%parallel_loop3A_2074, %parallel_loop3A_2075] {strides = array<i32>} : memref<8x3712xf32, #tpu.memory_space<vmem>>, vector<1x16xf32>,
      %parallel_loop3A_2077 = vector.shape_cast %parallel_loop3A_2076 : vector<1x16xf32> to vector<16xf32>
      %parallel_loop3A_2078 = arith.addf %parallel_loop3A_2042, %parallel_loop3A_2077 : vector<16xf32>
      %parallel_loop3A_2079 = arith.constant 16 : i32
      %parallel_loop3A_2080 = arith.muli %parallel_loop3A_2038, %parallel_loop3A_2079 : i32
      %parallel_loop3A_2081 = arith.constant 4 : i32
      %parallel_loop3A_2082 = arith.index_cast %parallel_loop3A_2081 : i32 to index
      %parallel_loop3A_2083 = arith.index_cast %parallel_loop3A_2080 : i32 to index
      %parallel_loop3A_2084 = tpu.vector_load %arg10[%parallel_loop3A_2082, %parallel_loop3A_2083] {strides = array<i32>} : memref<8x3712xf32, #tpu.memory_space<vmem>>, vector<1x16xf32>,
      %parallel_loop3A_2085 = vector.shape_cast %parallel_loop3A_2084 : vector<1x16xf32> to vector<16xf32>
      %parallel_loop3A_2086 = arith.addf %parallel_loop3A_2043, %parallel_loop3A_2085 : vector<16xf32>
      %parallel_loop3A_2087 = arith.constant 16 : i32
      %parallel_loop3A_2088 = arith.muli %parallel_loop3A_2038, %parallel_loop3A_2087 : i32
      %parallel_loop3A_2089 = arith.constant 5 : i32
      %parallel_loop3A_2090 = arith.index_cast %parallel_loop3A_2089 : i32 to index
      %parallel_loop3A_2091 = arith.index_cast %parallel_loop3A_2088 : i32 to index
      %parallel_loop3A_2092 = tpu.vector_load %arg10[%parallel_loop3A_2090, %parallel_loop3A_2091] {strides = array<i32>} : memref<8x3712xf32, #tpu.memory_space<vmem>>, vector<1x16xf32>,
      %parallel_loop3A_2093 = vector.shape_cast %parallel_loop3A_2092 : vector<1x16xf32> to vector<16xf32>
      %parallel_loop3A_2094 = arith.addf %parallel_loop3A_2044, %parallel_loop3A_2093 : vector<16xf32>
      %parallel_loop3A_2095 = arith.constant 16 : i32
      %parallel_loop3A_2096 = arith.muli %parallel_loop3A_2038, %parallel_loop3A_2095 : i32
      %parallel_loop3A_2097 = arith.constant 6 : i32
      %parallel_loop3A_2098 = arith.index_cast %parallel_loop3A_2097 : i32 to index
      %parallel_loop3A_2099 = arith.index_cast %parallel_loop3A_2096 : i32 to index
      %parallel_loop3A_2100 = tpu.vector_load %arg10[%parallel_loop3A_2098, %parallel_loop3A_2099] {strides = array<i32>} : memref<8x3712xf32, #tpu.memory_space<vmem>>, vector<1x16xf32>,
      %parallel_loop3A_2101 = vector.shape_cast %parallel_loop3A_2100 : vector<1x16xf32> to vector<16xf32>
      %parallel_loop3A_2102 = arith.addf %parallel_loop3A_2045, %parallel_loop3A_2101 : vector<16xf32>
      %parallel_loop3A_2103 = arith.constant 16 : i32
      %parallel_loop3A_2104 = arith.muli %parallel_loop3A_2038, %parallel_loop3A_2103 : i32
      %parallel_loop3A_2105 = arith.constant 7 : i32
      %parallel_loop3A_2106 = arith.index_cast %parallel_loop3A_2105 : i32 to index
      %parallel_loop3A_2107 = arith.index_cast %parallel_loop3A_2104 : i32 to index
      %parallel_loop3A_2108 = tpu.vector_load %arg10[%parallel_loop3A_2106, %parallel_loop3A_2107] {strides = array<i32>} : memref<8x3712xf32, #tpu.memory_space<vmem>>, vector<1x16xf32>,
      %parallel_loop3A_2109 = vector.shape_cast %parallel_loop3A_2108 : vector<1x16xf32> to vector<16xf32>
      %parallel_loop3A_2110 = arith.addf %parallel_loop3A_2046, %parallel_loop3A_2109 : vector<16xf32>
      scf.yield %parallel_loop3A_2054, %parallel_loop3A_2062, %parallel_loop3A_2070, %parallel_loop3A_2078, %parallel_loop3A_2086, %parallel_loop3A_2094, %parallel_loop3A_2102, %parallel_loop3A_2110 : vector<16xf32>, vector<16xf32>, vector<16xf32>, vector<16xf32>, vector<16xf32>, vector<16xf32>, vector<16xf32>, vector<16xf32>
    } {sc.loop_unroll_factor = 2 : i64, sc.parallel_access}
    %dma_wait3A_451 = arith.constant 94720 : i32
    %dma_wait3A_452 = tpu.memref_slice %arg2[%multiple_of3A, %dma_wait3A_451] : memref<256x100000xf32, #tpu.memory_space<hbm>> -> memref<8x3712xf32, #tpu.memory_space<hbm>>
    %dma_wait3A_453 = arith.constant 94720 : i32
    %dma_wait3A_454 = tpu.memref_slice %arg2[%multiple_of3A, %dma_wait3A_453] : memref<256x100000xf32, #tpu.memory_space<hbm>> -> memref<8x3712xf32, #tpu.memory_space<hbm>>
    tpu.wait_dma2 semaphore(%arg15 : memref<!tpu.dma_semaphore, #tpu.memory_space<semaphore_mem>>) src(%dma_wait3A_454 : memref<8x3712xf32, #tpu.memory_space<hbm>>) dst(%arg11 : memref<8x3712xf32, #tpu.memory_space<vmem>>)
    %parallel_loop3A_455 = arith.constant 0 : i32
    %parallel_loop3A_456 = arith.constant 232 : i32
    %parallel_loop3A_457 = arith.constant 1 : i32
    %parallel_loop3A_458:8 = scf.for %parallel_loop3A_2038 = %parallel_loop3A_455 to %parallel_loop3A_456 step %parallel_loop3A_457 iter_args(%parallel_loop3A_2039 = %parallel_loop3A_450#0, %parallel_loop3A_2040 = %parallel_loop3A_450#1, %parallel_loop3A_2041 = %parallel_loop3A_450#2, %parallel_loop3A_2042 = %parallel_loop3A_450#3, %parallel_loop3A_2043 = %parallel_loop3A_450#4, %parallel_loop3A_2044 = %parallel_loop3A_450#5, %parallel_loop3A_2045 = %parallel_loop3A_450#6, %parallel_loop3A_2046 = %parallel_loop3A_450#7) -> (vector<16xf32>, vector<16xf32>, vector<16xf32>, vector<16xf32>, vector<16xf32>, vector<16xf32>, vector<16xf32>, vector<16xf32>)  : i32 {
      %parallel_loop3A_2047 = arith.constant 16 : i32
      %parallel_loop3A_2048 = arith.muli %parallel_loop3A_2038, %parallel_loop3A_2047 : i32
      %parallel_loop3A_2049 = arith.constant 0 : i32
      %parallel_loop3A_2050 = arith.index_cast %parallel_loop3A_2049 : i32 to index
      %parallel_loop3A_2051 = arith.index_cast %parallel_loop3A_2048 : i32 to index
      %parallel_loop3A_2052 = tpu.vector_load %arg11[%parallel_loop3A_2050, %parallel_loop3A_2051] {strides = array<i32>} : memref<8x3712xf32, #tpu.memory_space<vmem>>, vector<1x16xf32>,
      %parallel_loop3A_2053 = vector.shape_cast %parallel_loop3A_2052 : vector<1x16xf32> to vector<16xf32>
      %parallel_loop3A_2054 = arith.addf %parallel_loop3A_2039, %parallel_loop3A_2053 : vector<16xf32>
      %parallel_loop3A_2055 = arith.constant 16 : i32
      %parallel_loop3A_2056 = arith.muli %parallel_loop3A_2038, %parallel_loop3A_2055 : i32
      %parallel_loop3A_2057 = arith.constant 1 : i32
      %parallel_loop3A_2058 = arith.index_cast %parallel_loop3A_2057 : i32 to index
      %parallel_loop3A_2059 = arith.index_cast %parallel_loop3A_2056 : i32 to index
      %parallel_loop3A_2060 = tpu.vector_load %arg11[%parallel_loop3A_2058, %parallel_loop3A_2059] {strides = array<i32>} : memref<8x3712xf32, #tpu.memory_space<vmem>>, vector<1x16xf32>,
      %parallel_loop3A_2061 = vector.shape_cast %parallel_loop3A_2060 : vector<1x16xf32> to vector<16xf32>
      %parallel_loop3A_2062 = arith.addf %parallel_loop3A_2040, %parallel_loop3A_2061 : vector<16xf32>
      %parallel_loop3A_2063 = arith.constant 16 : i32
      %parallel_loop3A_2064 = arith.muli %parallel_loop3A_2038, %parallel_loop3A_2063 : i32
      %parallel_loop3A_2065 = arith.constant 2 : i32
      %parallel_loop3A_2066 = arith.index_cast %parallel_loop3A_2065 : i32 to index
      %parallel_loop3A_2067 = arith.index_cast %parallel_loop3A_2064 : i32 to index
      %parallel_loop3A_2068 = tpu.vector_load %arg11[%parallel_loop3A_2066, %parallel_loop3A_2067] {strides = array<i32>} : memref<8x3712xf32, #tpu.memory_space<vmem>>, vector<1x16xf32>,
      %parallel_loop3A_2069 = vector.shape_cast %parallel_loop3A_2068 : vector<1x16xf32> to vector<16xf32>
      %parallel_loop3A_2070 = arith.addf %parallel_loop3A_2041, %parallel_loop3A_2069 : vector<16xf32>
      %parallel_loop3A_2071 = arith.constant 16 : i32
      %parallel_loop3A_2072 = arith.muli %parallel_loop3A_2038, %parallel_loop3A_2071 : i32
      %parallel_loop3A_2073 = arith.constant 3 : i32
      %parallel_loop3A_2074 = arith.index_cast %parallel_loop3A_2073 : i32 to index
      %parallel_loop3A_2075 = arith.index_cast %parallel_loop3A_2072 : i32 to index
      %parallel_loop3A_2076 = tpu.vector_load %arg11[%parallel_loop3A_2074, %parallel_loop3A_2075] {strides = array<i32>} : memref<8x3712xf32, #tpu.memory_space<vmem>>, vector<1x16xf32>,
      %parallel_loop3A_2077 = vector.shape_cast %parallel_loop3A_2076 : vector<1x16xf32> to vector<16xf32>
      %parallel_loop3A_2078 = arith.addf %parallel_loop3A_2042, %parallel_loop3A_2077 : vector<16xf32>
      %parallel_loop3A_2079 = arith.constant 16 : i32
      %parallel_loop3A_2080 = arith.muli %parallel_loop3A_2038, %parallel_loop3A_2079 : i32
      %parallel_loop3A_2081 = arith.constant 4 : i32
      %parallel_loop3A_2082 = arith.index_cast %parallel_loop3A_2081 : i32 to index
      %parallel_loop3A_2083 = arith.index_cast %parallel_loop3A_2080 : i32 to index
      %parallel_loop3A_2084 = tpu.vector_load %arg11[%parallel_loop3A_2082, %parallel_loop3A_2083] {strides = array<i32>} : memref<8x3712xf32, #tpu.memory_space<vmem>>, vector<1x16xf32>,
      %parallel_loop3A_2085 = vector.shape_cast %parallel_loop3A_2084 : vector<1x16xf32> to vector<16xf32>
      %parallel_loop3A_2086 = arith.addf %parallel_loop3A_2043, %parallel_loop3A_2085 : vector<16xf32>
      %parallel_loop3A_2087 = arith.constant 16 : i32
      %parallel_loop3A_2088 = arith.muli %parallel_loop3A_2038, %parallel_loop3A_2087 : i32
      %parallel_loop3A_2089 = arith.constant 5 : i32
      %parallel_loop3A_2090 = arith.index_cast %parallel_loop3A_2089 : i32 to index
      %parallel_loop3A_2091 = arith.index_cast %parallel_loop3A_2088 : i32 to index
      %parallel_loop3A_2092 = tpu.vector_load %arg11[%parallel_loop3A_2090, %parallel_loop3A_2091] {strides = array<i32>} : memref<8x3712xf32, #tpu.memory_space<vmem>>, vector<1x16xf32>,
      %parallel_loop3A_2093 = vector.shape_cast %parallel_loop3A_2092 : vector<1x16xf32> to vector<16xf32>
      %parallel_loop3A_2094 = arith.addf %parallel_loop3A_2044, %parallel_loop3A_2093 : vector<16xf32>
      %parallel_loop3A_2095 = arith.constant 16 : i32
      %parallel_loop3A_2096 = arith.muli %parallel_loop3A_2038, %parallel_loop3A_2095 : i32
      %parallel_loop3A_2097 = arith.constant 6 : i32
      %parallel_loop3A_2098 = arith.index_cast %parallel_loop3A_2097 : i32 to index
      %parallel_loop3A_2099 = arith.index_cast %parallel_loop3A_2096 : i32 to index
      %parallel_loop3A_2100 = tpu.vector_load %arg11[%parallel_loop3A_2098, %parallel_loop3A_2099] {strides = array<i32>} : memref<8x3712xf32, #tpu.memory_space<vmem>>, vector<1x16xf32>,
      %parallel_loop3A_2101 = vector.shape_cast %parallel_loop3A_2100 : vector<1x16xf32> to vector<16xf32>
      %parallel_loop3A_2102 = arith.addf %parallel_loop3A_2045, %parallel_loop3A_2101 : vector<16xf32>
      %parallel_loop3A_2103 = arith.constant 16 : i32
      %parallel_loop3A_2104 = arith.muli %parallel_loop3A_2038, %parallel_loop3A_2103 : i32
      %parallel_loop3A_2105 = arith.constant 7 : i32
      %parallel_loop3A_2106 = arith.index_cast %parallel_loop3A_2105 : i32 to index
      %parallel_loop3A_2107 = arith.index_cast %parallel_loop3A_2104 : i32 to index
      %parallel_loop3A_2108 = tpu.vector_load %arg11[%parallel_loop3A_2106, %parallel_loop3A_2107] {strides = array<i32>} : memref<8x3712xf32, #tpu.memory_space<vmem>>, vector<1x16xf32>,
      %parallel_loop3A_2109 = vector.shape_cast %parallel_loop3A_2108 : vector<1x16xf32> to vector<16xf32>
      %parallel_loop3A_2110 = arith.addf %parallel_loop3A_2046, %parallel_loop3A_2109 : vector<16xf32>
      scf.yield %parallel_loop3A_2054, %parallel_loop3A_2062, %parallel_loop3A_2070, %parallel_loop3A_2078, %parallel_loop3A_2086, %parallel_loop3A_2094, %parallel_loop3A_2102, %parallel_loop3A_2110 : vector<16xf32>, vector<16xf32>, vector<16xf32>, vector<16xf32>, vector<16xf32>, vector<16xf32>, vector<16xf32>, vector<16xf32>
    } {sc.loop_unroll_factor = 2 : i64, sc.parallel_access}
    %dma_wait3A_459 = arith.constant 0 : i32
    %dma_wait3A_460 = arith.constant 0 : i32
    %dma_wait3A_461 = tpu.memref_slice %arg12[%dma_wait3A_459, %dma_wait3A_460] : memref<8x3712xf32, #tpu.memory_space<vmem>> -> memref<8x1536xf32, #tpu.memory_space<vmem>>
    %dma_wait3A_462 = arith.constant 98432 : i32
    %dma_wait3A_463 = tpu.memref_slice %arg2[%multiple_of3A, %dma_wait3A_462] : memref<256x100000xf32, #tpu.memory_space<hbm>> -> memref<8x1536xf32, #tpu.memory_space<hbm>>
    %dma_wait3A_464 = arith.constant 0 : i32
    %dma_wait3A_465 = arith.constant 0 : i32
    %dma_wait3A_466 = tpu.memref_slice %arg12[%dma_wait3A_464, %dma_wait3A_465] : memref<8x3712xf32, #tpu.memory_space<vmem>> -> memref<8x1536xf32, #tpu.memory_space<vmem>>
    %dma_wait3A_467 = arith.constant 98432 : i32
    %dma_wait3A_468 = tpu.memref_slice %arg2[%multiple_of3A, %dma_wait3A_467] : memref<256x100000xf32, #tpu.memory_space<hbm>> -> memref<8x1536xf32, #tpu.memory_space<hbm>>
    tpu.wait_dma2 semaphore(%arg16 : memref<!tpu.dma_semaphore, #tpu.memory_space<semaphore_mem>>) src(%dma_wait3A_468 : memref<8x1536xf32, #tpu.memory_space<hbm>>) dst(%dma_wait3A_466 : memref<8x1536xf32, #tpu.memory_space<vmem>>)
    %parallel_loop3A_469 = arith.constant 0 : i32
    %parallel_loop3A_470 = arith.constant 96 : i32
    %parallel_loop3A_471 = arith.constant 1 : i32
    %parallel_loop3A_472:8 = scf.for %parallel_loop3A_2038 = %parallel_loop3A_469 to %parallel_loop3A_470 step %parallel_loop3A_471 iter_args(%parallel_loop3A_2039 = %parallel_loop3A_458#0, %parallel_loop3A_2040 = %parallel_loop3A_458#1, %parallel_loop3A_2041 = %parallel_loop3A_458#2, %parallel_loop3A_2042 = %parallel_loop3A_458#3, %parallel_loop3A_2043 = %parallel_loop3A_458#4, %parallel_loop3A_2044 = %parallel_loop3A_458#5, %parallel_loop3A_2045 = %parallel_loop3A_458#6, %parallel_loop3A_2046 = %parallel_loop3A_458#7) -> (vector<16xf32>, vector<16xf32>, vector<16xf32>, vector<16xf32>, vector<16xf32>, vector<16xf32>, vector<16xf32>, vector<16xf32>)  : i32 {
      %parallel_loop3A_2047 = arith.constant 16 : i32
      %parallel_loop3A_2048 = arith.muli %parallel_loop3A_2038, %parallel_loop3A_2047 : i32
      %parallel_loop3A_2049 = arith.constant 0 : i32
      %parallel_loop3A_2050 = arith.index_cast %parallel_loop3A_2049 : i32 to index
      %parallel_loop3A_2051 = arith.index_cast %parallel_loop3A_2048 : i32 to index
      %parallel_loop3A_2052 = tpu.vector_load %arg12[%parallel_loop3A_2050, %parallel_loop3A_2051] {strides = array<i32>} : memref<8x3712xf32, #tpu.memory_space<vmem>>, vector<1x16xf32>,
      %parallel_loop3A_2053 = vector.shape_cast %parallel_loop3A_2052 : vector<1x16xf32> to vector<16xf32>
      %parallel_loop3A_2054 = arith.addf %parallel_loop3A_2039, %parallel_loop3A_2053 : vector<16xf32>
      %parallel_loop3A_2055 = arith.constant 16 : i32
      %parallel_loop3A_2056 = arith.muli %parallel_loop3A_2038, %parallel_loop3A_2055 : i32
      %parallel_loop3A_2057 = arith.constant 1 : i32
      %parallel_loop3A_2058 = arith.index_cast %parallel_loop3A_2057 : i32 to index
      %parallel_loop3A_2059 = arith.index_cast %parallel_loop3A_2056 : i32 to index
      %parallel_loop3A_2060 = tpu.vector_load %arg12[%parallel_loop3A_2058, %parallel_loop3A_2059] {strides = array<i32>} : memref<8x3712xf32, #tpu.memory_space<vmem>>, vector<1x16xf32>,
      %parallel_loop3A_2061 = vector.shape_cast %parallel_loop3A_2060 : vector<1x16xf32> to vector<16xf32>
      %parallel_loop3A_2062 = arith.addf %parallel_loop3A_2040, %parallel_loop3A_2061 : vector<16xf32>
      %parallel_loop3A_2063 = arith.constant 16 : i32
      %parallel_loop3A_2064 = arith.muli %parallel_loop3A_2038, %parallel_loop3A_2063 : i32
      %parallel_loop3A_2065 = arith.constant 2 : i32
      %parallel_loop3A_2066 = arith.index_cast %parallel_loop3A_2065 : i32 to index
      %parallel_loop3A_2067 = arith.index_cast %parallel_loop3A_2064 : i32 to index
      %parallel_loop3A_2068 = tpu.vector_load %arg12[%parallel_loop3A_2066, %parallel_loop3A_2067] {strides = array<i32>} : memref<8x3712xf32, #tpu.memory_space<vmem>>, vector<1x16xf32>,
      %parallel_loop3A_2069 = vector.shape_cast %parallel_loop3A_2068 : vector<1x16xf32> to vector<16xf32>
      %parallel_loop3A_2070 = arith.addf %parallel_loop3A_2041, %parallel_loop3A_2069 : vector<16xf32>
      %parallel_loop3A_2071 = arith.constant 16 : i32
      %parallel_loop3A_2072 = arith.muli %parallel_loop3A_2038, %parallel_loop3A_2071 : i32
      %parallel_loop3A_2073 = arith.constant 3 : i32
      %parallel_loop3A_2074 = arith.index_cast %parallel_loop3A_2073 : i32 to index
      %parallel_loop3A_2075 = arith.index_cast %parallel_loop3A_2072 : i32 to index
      %parallel_loop3A_2076 = tpu.vector_load %arg12[%parallel_loop3A_2074, %parallel_loop3A_2075] {strides = array<i32>} : memref<8x3712xf32, #tpu.memory_space<vmem>>, vector<1x16xf32>,
      %parallel_loop3A_2077 = vector.shape_cast %parallel_loop3A_2076 : vector<1x16xf32> to vector<16xf32>
      %parallel_loop3A_2078 = arith.addf %parallel_loop3A_2042, %parallel_loop3A_2077 : vector<16xf32>
      %parallel_loop3A_2079 = arith.constant 16 : i32
      %parallel_loop3A_2080 = arith.muli %parallel_loop3A_2038, %parallel_loop3A_2079 : i32
      %parallel_loop3A_2081 = arith.constant 4 : i32
      %parallel_loop3A_2082 = arith.index_cast %parallel_loop3A_2081 : i32 to index
      %parallel_loop3A_2083 = arith.index_cast %parallel_loop3A_2080 : i32 to index
      %parallel_loop3A_2084 = tpu.vector_load %arg12[%parallel_loop3A_2082, %parallel_loop3A_2083] {strides = array<i32>} : memref<8x3712xf32, #tpu.memory_space<vmem>>, vector<1x16xf32>,
      %parallel_loop3A_2085 = vector.shape_cast %parallel_loop3A_2084 : vector<1x16xf32> to vector<16xf32>
      %parallel_loop3A_2086 = arith.addf %parallel_loop3A_2043, %parallel_loop3A_2085 : vector<16xf32>
      %parallel_loop3A_2087 = arith.constant 16 : i32
      %parallel_loop3A_2088 = arith.muli %parallel_loop3A_2038, %parallel_loop3A_2087 : i32
      %parallel_loop3A_2089 = arith.constant 5 : i32
      %parallel_loop3A_2090 = arith.index_cast %parallel_loop3A_2089 : i32 to index
      %parallel_loop3A_2091 = arith.index_cast %parallel_loop3A_2088 : i32 to index
      %parallel_loop3A_2092 = tpu.vector_load %arg12[%parallel_loop3A_2090, %parallel_loop3A_2091] {strides = array<i32>} : memref<8x3712xf32, #tpu.memory_space<vmem>>, vector<1x16xf32>,
      %parallel_loop3A_2093 = vector.shape_cast %parallel_loop3A_2092 : vector<1x16xf32> to vector<16xf32>
      %parallel_loop3A_2094 = arith.addf %parallel_loop3A_2044, %parallel_loop3A_2093 : vector<16xf32>
      %parallel_loop3A_2095 = arith.constant 16 : i32
      %parallel_loop3A_2096 = arith.muli %parallel_loop3A_2038, %parallel_loop3A_2095 : i32
      %parallel_loop3A_2097 = arith.constant 6 : i32
      %parallel_loop3A_2098 = arith.index_cast %parallel_loop3A_2097 : i32 to index
      %parallel_loop3A_2099 = arith.index_cast %parallel_loop3A_2096 : i32 to index
      %parallel_loop3A_2100 = tpu.vector_load %arg12[%parallel_loop3A_2098, %parallel_loop3A_2099] {strides = array<i32>} : memref<8x3712xf32, #tpu.memory_space<vmem>>, vector<1x16xf32>,
      %parallel_loop3A_2101 = vector.shape_cast %parallel_loop3A_2100 : vector<1x16xf32> to vector<16xf32>
      %parallel_loop3A_2102 = arith.addf %parallel_loop3A_2045, %parallel_loop3A_2101 : vector<16xf32>
      %parallel_loop3A_2103 = arith.constant 16 : i32
      %parallel_loop3A_2104 = arith.muli %parallel_loop3A_2038, %parallel_loop3A_2103 : i32
      %parallel_loop3A_2105 = arith.constant 7 : i32
      %parallel_loop3A_2106 = arith.index_cast %parallel_loop3A_2105 : i32 to index
      %parallel_loop3A_2107 = arith.index_cast %parallel_loop3A_2104 : i32 to index
      %parallel_loop3A_2108 = tpu.vector_load %arg12[%parallel_loop3A_2106, %parallel_loop3A_2107] {strides = array<i32>} : memref<8x3712xf32, #tpu.memory_space<vmem>>, vector<1x16xf32>,
      %parallel_loop3A_2109 = vector.shape_cast %parallel_loop3A_2108 : vector<1x16xf32> to vector<16xf32>
      %parallel_loop3A_2110 = arith.addf %parallel_loop3A_2046, %parallel_loop3A_2109 : vector<16xf32>
      scf.yield %parallel_loop3A_2054, %parallel_loop3A_2062, %parallel_loop3A_2070, %parallel_loop3A_2078, %parallel_loop3A_2086, %parallel_loop3A_2094, %parallel_loop3A_2102, %parallel_loop3A_2110 : vector<16xf32>, vector<16xf32>, vector<16xf32>, vector<16xf32>, vector<16xf32>, vector<16xf32>, vector<16xf32>, vector<16xf32>
    } {sc.loop_unroll_factor = 2 : i64, sc.parallel_access}
    %dma_wait3A_473 = arith.constant 0 : i32
    %dma_wait3A_474 = tpu.memref_slice %arg2[%multiple_of3A, %dma_wait3A_473] : memref<256x100000xf32, #tpu.memory_space<hbm>> -> memref<8x128xf32, #tpu.memory_space<hbm>>
    %dma_wait3A_475 = arith.constant 0 : i32
    %dma_wait3A_476 = tpu.memref_slice %arg2[%multiple_of3A, %dma_wait3A_475] : memref<256x100000xf32, #tpu.memory_space<hbm>> -> memref<8x128xf32, #tpu.memory_space<hbm>>
    tpu.wait_dma2 semaphore(%arg17 : memref<!tpu.dma_semaphore, #tpu.memory_space<semaphore_mem>>) src(%dma_wait3A_476 : memref<8x128xf32, #tpu.memory_space<hbm>>) dst(%arg7 : memref<8x128xf32, #tpu.memory_space<vmem>>)
    %dma_wait3A_477 = arith.constant 0 : i32
    %dma_wait3A_478 = arith.constant 0 : i32
    %dma_wait3A_479 = arith.constant 0 : i32
    %dma_wait3A_480 = tpu.memref_slice %arg6[%dma_wait3A_477, %dma_wait3A_478, %dma_wait3A_479] : memref<8x8x128xf32, #tpu.memory_space<vmem>> -> memref<1x8x128xf32, #tpu.memory_space<vmem>>
    %dma_wait3A_481 = tpu.memref_squeeze %dma_wait3A_480 : memref<1x8x128xf32, #tpu.memory_space<vmem>> -> memref<8x128xf32, #tpu.memory_space<vmem>>
    %dma_wait3A_482 = tpu.memref_slice %arg2[%multiple_of3A, %multiple_of3A_26] : memref<256x100000xf32, #tpu.memory_space<hbm>> -> memref<8x128xf32, #tpu.memory_space<hbm>>
    %dma_wait3A_483 = arith.constant 0 : i32
    %dma_wait3A_484 = arith.constant 0 : i32
    %dma_wait3A_485 = tpu.memref_slice %arg6[%dma_wait3A_477, %dma_wait3A_483, %dma_wait3A_484] : memref<8x8x128xf32, #tpu.memory_space<vmem>> -> memref<1x8x128xf32, #tpu.memory_space<vmem>>
    %dma_wait3A_486 = tpu.memref_squeeze %dma_wait3A_485 : memref<1x8x128xf32, #tpu.memory_space<vmem>> -> memref<8x128xf32, #tpu.memory_space<vmem>>
    %dma_wait3A_487 = tpu.memref_slice %arg2[%multiple_of3A, %multiple_of3A_26] : memref<256x100000xf32, #tpu.memory_space<hbm>> -> memref<8x128xf32, #tpu.memory_space<hbm>>
    tpu.wait_dma2 semaphore(%arg17 : memref<!tpu.dma_semaphore, #tpu.memory_space<semaphore_mem>>) src(%dma_wait3A_487 : memref<8x128xf32, #tpu.memory_space<hbm>>) dst(%dma_wait3A_486 : memref<8x128xf32, #tpu.memory_space<vmem>>)
    %dma_wait3A_488 = arith.constant 1 : i32
    %dma_wait3A_489 = arith.constant 0 : i32
    %dma_wait3A_490 = arith.constant 0 : i32
    %dma_wait3A_491 = tpu.memref_slice %arg6[%dma_wait3A_488, %dma_wait3A_489, %dma_wait3A_490] : memref<8x8x128xf32, #tpu.memory_space<vmem>> -> memref<1x8x128xf32, #tpu.memory_space<vmem>>
    %dma_wait3A_492 = tpu.memref_squeeze %dma_wait3A_491 : memref<1x8x128xf32, #tpu.memory_space<vmem>> -> memref<8x128xf32, #tpu.memory_space<vmem>>
    %dma_wait3A_493 = tpu.memref_slice %arg2[%multiple_of3A, %multiple_of3A_66] : memref<256x100000xf32, #tpu.memory_space<hbm>> -> memref<8x128xf32, #tpu.memory_space<hbm>>
    %dma_wait3A_494 = arith.constant 0 : i32
    %dma_wait3A_495 = arith.constant 0 : i32
    %dma_wait3A_496 = tpu.memref_slice %arg6[%dma_wait3A_488, %dma_wait3A_494, %dma_wait3A_495] : memref<8x8x128xf32, #tpu.memory_space<vmem>> -> memref<1x8x128xf32, #tpu.memory_space<vmem>>
    %dma_wait3A_497 = tpu.memref_squeeze %dma_wait3A_496 : memref<1x8x128xf32, #tpu.memory_space<vmem>> -> memref<8x128xf32, #tpu.memory_space<vmem>>
    %dma_wait3A_498 = tpu.memref_slice %arg2[%multiple_of3A, %multiple_of3A_66] : memref<256x100000xf32, #tpu.memory_space<hbm>> -> memref<8x128xf32, #tpu.memory_space<hbm>>
    tpu.wait_dma2 semaphore(%arg17 : memref<!tpu.dma_semaphore, #tpu.memory_space<semaphore_mem>>) src(%dma_wait3A_498 : memref<8x128xf32, #tpu.memory_space<hbm>>) dst(%dma_wait3A_497 : memref<8x128xf32, #tpu.memory_space<vmem>>)
    %dma_wait3A_499 = arith.constant 2 : i32
    %dma_wait3A_500 = arith.constant 0 : i32
    %dma_wait3A_501 = arith.constant 0 : i32
    %dma_wait3A_502 = tpu.memref_slice %arg6[%dma_wait3A_499, %dma_wait3A_500, %dma_wait3A_501] : memref<8x8x128xf32, #tpu.memory_space<vmem>> -> memref<1x8x128xf32, #tpu.memory_space<vmem>>
    %dma_wait3A_503 = tpu.memref_squeeze %dma_wait3A_502 : memref<1x8x128xf32, #tpu.memory_space<vmem>> -> memref<8x128xf32, #tpu.memory_space<vmem>>
    %dma_wait3A_504 = tpu.memref_slice %arg2[%multiple_of3A, %multiple_of3A_106] : memref<256x100000xf32, #tpu.memory_space<hbm>> -> memref<8x128xf32, #tpu.memory_space<hbm>>
    %dma_wait3A_505 = arith.constant 0 : i32
    %dma_wait3A_506 = arith.constant 0 : i32
    %dma_wait3A_507 = tpu.memref_slice %arg6[%dma_wait3A_499, %dma_wait3A_505, %dma_wait3A_506] : memref<8x8x128xf32, #tpu.memory_space<vmem>> -> memref<1x8x128xf32, #tpu.memory_space<vmem>>
    %dma_wait3A_508 = tpu.memref_squeeze %dma_wait3A_507 : memref<1x8x128xf32, #tpu.memory_space<vmem>> -> memref<8x128xf32, #tpu.memory_space<vmem>>
    %dma_wait3A_509 = tpu.memref_slice %arg2[%multiple_of3A, %multiple_of3A_106] : memref<256x100000xf32, #tpu.memory_space<hbm>> -> memref<8x128xf32, #tpu.memory_space<hbm>>
    tpu.wait_dma2 semaphore(%arg17 : memref<!tpu.dma_semaphore, #tpu.memory_space<semaphore_mem>>) src(%dma_wait3A_509 : memref<8x128xf32, #tpu.memory_space<hbm>>) dst(%dma_wait3A_508 : memref<8x128xf32, #tpu.memory_space<vmem>>)
    %dma_wait3A_510 = arith.constant 3 : i32
    %dma_wait3A_511 = arith.constant 0 : i32
    %dma_wait3A_512 = arith.constant 0 : i32
    %dma_wait3A_513 = tpu.memref_slice %arg6[%dma_wait3A_510, %dma_wait3A_511, %dma_wait3A_512] : memref<8x8x128xf32, #tpu.memory_space<vmem>> -> memref<1x8x128xf32, #tpu.memory_space<vmem>>
    %dma_wait3A_514 = tpu.memref_squeeze %dma_wait3A_513 : memref<1x8x128xf32, #tpu.memory_space<vmem>> -> memref<8x128xf32, #tpu.memory_space<vmem>>
    %dma_wait3A_515 = tpu.memref_slice %arg2[%multiple_of3A, %multiple_of3A_146] : memref<256x100000xf32, #tpu.memory_space<hbm>> -> memref<8x128xf32, #tpu.memory_space<hbm>>
    %dma_wait3A_516 = arith.constant 0 : i32
    %dma_wait3A_517 = arith.constant 0 : i32
    %dma_wait3A_518 = tpu.memref_slice %arg6[%dma_wait3A_510, %dma_wait3A_516, %dma_wait3A_517] : memref<8x8x128xf32, #tpu.memory_space<vmem>> -> memref<1x8x128xf32, #tpu.memory_space<vmem>>
    %dma_wait3A_519 = tpu.memref_squeeze %dma_wait3A_518 : memref<1x8x128xf32, #tpu.memory_space<vmem>> -> memref<8x128xf32, #tpu.memory_space<vmem>>
    %dma_wait3A_520 = tpu.memref_slice %arg2[%multiple_of3A, %multiple_of3A_146] : memref<256x100000xf32, #tpu.memory_space<hbm>> -> memref<8x128xf32, #tpu.memory_space<hbm>>
    tpu.wait_dma2 semaphore(%arg17 : memref<!tpu.dma_semaphore, #tpu.memory_space<semaphore_mem>>) src(%dma_wait3A_520 : memref<8x128xf32, #tpu.memory_space<hbm>>) dst(%dma_wait3A_519 : memref<8x128xf32, #tpu.memory_space<vmem>>)
    %dma_wait3A_521 = arith.constant 4 : i32
    %dma_wait3A_522 = arith.constant 0 : i32
    %dma_wait3A_523 = arith.constant 0 : i32
    %dma_wait3A_524 = tpu.memref_slice %arg6[%dma_wait3A_521, %dma_wait3A_522, %dma_wait3A_523] : memref<8x8x128xf32, #tpu.memory_space<vmem>> -> memref<1x8x128xf32, #tpu.memory_space<vmem>>
    %dma_wait3A_525 = tpu.memref_squeeze %dma_wait3A_524 : memref<1x8x128xf32, #tpu.memory_space<vmem>> -> memref<8x128xf32, #tpu.memory_space<vmem>>
    %dma_wait3A_526 = tpu.memref_slice %arg2[%multiple_of3A, %multiple_of3A_186] : memref<256x100000xf32, #tpu.memory_space<hbm>> -> memref<8x128xf32, #tpu.memory_space<hbm>>
    %dma_wait3A_527 = arith.constant 0 : i32
    %dma_wait3A_528 = arith.constant 0 : i32
    %dma_wait3A_529 = tpu.memref_slice %arg6[%dma_wait3A_521, %dma_wait3A_527, %dma_wait3A_528] : memref<8x8x128xf32, #tpu.memory_space<vmem>> -> memref<1x8x128xf32, #tpu.memory_space<vmem>>
    %dma_wait3A_530 = tpu.memref_squeeze %dma_wait3A_529 : memref<1x8x128xf32, #tpu.memory_space<vmem>> -> memref<8x128xf32, #tpu.memory_space<vmem>>
    %dma_wait3A_531 = tpu.memref_slice %arg2[%multiple_of3A, %multiple_of3A_186] : memref<256x100000xf32, #tpu.memory_space<hbm>> -> memref<8x128xf32, #tpu.memory_space<hbm>>
    tpu.wait_dma2 semaphore(%arg17 : memref<!tpu.dma_semaphore, #tpu.memory_space<semaphore_mem>>) src(%dma_wait3A_531 : memref<8x128xf32, #tpu.memory_space<hbm>>) dst(%dma_wait3A_530 : memref<8x128xf32, #tpu.memory_space<vmem>>)
    %dma_wait3A_532 = arith.constant 5 : i32
    %dma_wait3A_533 = arith.constant 0 : i32
    %dma_wait3A_534 = arith.constant 0 : i32
    %dma_wait3A_535 = tpu.memref_slice %arg6[%dma_wait3A_532, %dma_wait3A_533, %dma_wait3A_534] : memref<8x8x128xf32, #tpu.memory_space<vmem>> -> memref<1x8x128xf32, #tpu.memory_space<vmem>>
    %dma_wait3A_536 = tpu.memref_squeeze %dma_wait3A_535 : memref<1x8x128xf32, #tpu.memory_space<vmem>> -> memref<8x128xf32, #tpu.memory_space<vmem>>
    %dma_wait3A_537 = tpu.memref_slice %arg2[%multiple_of3A, %multiple_of3A_226] : memref<256x100000xf32, #tpu.memory_space<hbm>> -> memref<8x128xf32, #tpu.memory_space<hbm>>
    %dma_wait3A_538 = arith.constant 0 : i32
    %dma_wait3A_539 = arith.constant 0 : i32
    %dma_wait3A_540 = tpu.memref_slice %arg6[%dma_wait3A_532, %dma_wait3A_538, %dma_wait3A_539] : memref<8x8x128xf32, #tpu.memory_space<vmem>> -> memref<1x8x128xf32, #tpu.memory_space<vmem>>
    %dma_wait3A_541 = tpu.memref_squeeze %dma_wait3A_540 : memref<1x8x128xf32, #tpu.memory_space<vmem>> -> memref<8x128xf32, #tpu.memory_space<vmem>>
    %dma_wait3A_542 = tpu.memref_slice %arg2[%multiple_of3A, %multiple_of3A_226] : memref<256x100000xf32, #tpu.memory_space<hbm>> -> memref<8x128xf32, #tpu.memory_space<hbm>>
    tpu.wait_dma2 semaphore(%arg17 : memref<!tpu.dma_semaphore, #tpu.memory_space<semaphore_mem>>) src(%dma_wait3A_542 : memref<8x128xf32, #tpu.memory_space<hbm>>) dst(%dma_wait3A_541 : memref<8x128xf32, #tpu.memory_space<vmem>>)
    %dma_wait3A_543 = arith.constant 6 : i32
    %dma_wait3A_544 = arith.constant 0 : i32
    %dma_wait3A_545 = arith.constant 0 : i32
    %dma_wait3A_546 = tpu.memref_slice %arg6[%dma_wait3A_543, %dma_wait3A_544, %dma_wait3A_545] : memref<8x8x128xf32, #tpu.memory_space<vmem>> -> memref<1x8x128xf32, #tpu.memory_space<vmem>>
    %dma_wait3A_547 = tpu.memref_squeeze %dma_wait3A_546 : memref<1x8x128xf32, #tpu.memory_space<vmem>> -> memref<8x128xf32, #tpu.memory_space<vmem>>
    %dma_wait3A_548 = tpu.memref_slice %arg2[%multiple_of3A, %multiple_of3A_266] : memref<256x100000xf32, #tpu.memory_space<hbm>> -> memref<8x128xf32, #tpu.memory_space<hbm>>
    %dma_wait3A_549 = arith.constant 0 : i32
    %dma_wait3A_550 = arith.constant 0 : i32
    %dma_wait3A_551 = tpu.memref_slice %arg6[%dma_wait3A_543, %dma_wait3A_549, %dma_wait3A_550] : memref<8x8x128xf32, #tpu.memory_space<vmem>> -> memref<1x8x128xf32, #tpu.memory_space<vmem>>
    %dma_wait3A_552 = tpu.memref_squeeze %dma_wait3A_551 : memref<1x8x128xf32, #tpu.memory_space<vmem>> -> memref<8x128xf32, #tpu.memory_space<vmem>>
    %dma_wait3A_553 = tpu.memref_slice %arg2[%multiple_of3A, %multiple_of3A_266] : memref<256x100000xf32, #tpu.memory_space<hbm>> -> memref<8x128xf32, #tpu.memory_space<hbm>>
    tpu.wait_dma2 semaphore(%arg17 : memref<!tpu.dma_semaphore, #tpu.memory_space<semaphore_mem>>) src(%dma_wait3A_553 : memref<8x128xf32, #tpu.memory_space<hbm>>) dst(%dma_wait3A_552 : memref<8x128xf32, #tpu.memory_space<vmem>>)
    %dma_wait3A_554 = arith.constant 7 : i32
    %dma_wait3A_555 = arith.constant 0 : i32
    %dma_wait3A_556 = arith.constant 0 : i32
    %dma_wait3A_557 = tpu.memref_slice %arg6[%dma_wait3A_554, %dma_wait3A_555, %dma_wait3A_556] : memref<8x8x128xf32, #tpu.memory_space<vmem>> -> memref<1x8x128xf32, #tpu.memory_space<vmem>>
    %dma_wait3A_558 = tpu.memref_squeeze %dma_wait3A_557 : memref<1x8x128xf32, #tpu.memory_space<vmem>> -> memref<8x128xf32, #tpu.memory_space<vmem>>
    %dma_wait3A_559 = tpu.memref_slice %arg2[%multiple_of3A, %multiple_of3A_306] : memref<256x100000xf32, #tpu.memory_space<hbm>> -> memref<8x128xf32, #tpu.memory_space<hbm>>
    %dma_wait3A_560 = arith.constant 0 : i32
    %dma_wait3A_561 = arith.constant 0 : i32
    %dma_wait3A_562 = tpu.memref_slice %arg6[%dma_wait3A_554, %dma_wait3A_560, %dma_wait3A_561] : memref<8x8x128xf32, #tpu.memory_space<vmem>> -> memref<1x8x128xf32, #tpu.memory_space<vmem>>
    %dma_wait3A_563 = tpu.memref_squeeze %dma_wait3A_562 : memref<1x8x128xf32, #tpu.memory_space<vmem>> -> memref<8x128xf32, #tpu.memory_space<vmem>>
    %dma_wait3A_564 = tpu.memref_slice %arg2[%multiple_of3A, %multiple_of3A_306] : memref<256x100000xf32, #tpu.memory_space<hbm>> -> memref<8x128xf32, #tpu.memory_space<hbm>>
    tpu.wait_dma2 semaphore(%arg17 : memref<!tpu.dma_semaphore, #tpu.memory_space<semaphore_mem>>) src(%dma_wait3A_564 : memref<8x128xf32, #tpu.memory_space<hbm>>) dst(%dma_wait3A_563 : memref<8x128xf32, #tpu.memory_space<vmem>>)
    %slice3A_565 = vector.extract_strided_slice %get3A_4 {offsets = [0], sizes = [1], strides = [1]} : vector<16xi32> to vector<1xi32>
    %squeeze3A_566 = vector.extract %slice3A_565[0] : i32 from vector<1xi32>
    %ne3A_567 = arith.constant 0 : i32
    %ne3A_568 = arith.cmpi ne, %squeeze3A_566, %ne3A_567 : i32
    %slice3A_569 = vector.extract_strided_slice %get3A_4 {offsets = [0], sizes = [1], strides = [1]} : vector<16xi32> to vector<1xi32>
    %squeeze3A_570 = vector.extract %slice3A_569[0] : i32 from vector<1xi32>
    %jit3A_571 = arith.constant 128 : i32
    %eq3A = arith.constant 0 : i32
    %eq3A_572 = arith.cmpi eq, %jit3A_571, %eq3A : i32
    %jit3A_573 = arith.constant 1 : i32
    %select_n3A_574 = arith.select %eq3A_572, %jit3A_573, %jit3A_571 : i32
    %rem3A_575 = arith.remsi %squeeze3A_570, %select_n3A_574 : i32
    %ne3A_576 = arith.constant 0 : i32
    %ne3A_577 = arith.cmpi ne, %rem3A_575, %ne3A_576 : i32
    %lt3A = arith.constant 0 : i32
    %lt3A_578 = arith.cmpi slt, %rem3A_575, %lt3A : i32
    %lt3A_579 = arith.constant 0 : i32
    %lt3A_580 = arith.cmpi slt, %select_n3A_574, %lt3A_579 : i32
    %ne3A_581 = arith.xori %lt3A_578, %lt3A_580 : i1
    %and3A_582 = arith.andi %ne3A_581, %ne3A_577 : i1
    %add3A_583 = arith.addi %rem3A_575, %select_n3A_574 : i32
    %select_n3A_584 = arith.select %and3A_582, %add3A_583, %rem3A_575 : i32
    %jit3A_585 = arith.constant 16 : i32
    %div3A_586 = arith.divsi %select_n3A_584, %jit3A_585 : i32
    %sign3A_587 = arith.constant 0 : i32
    %sign3A_588 = arith.cmpi sgt, %select_n3A_584, %sign3A_587 : i32
    %sign3A_589 = arith.extui %sign3A_588 : i1 to i32
    %sign3A_590 = arith.constant 0 : i32
    %sign3A_591 = arith.cmpi slt, %select_n3A_584, %sign3A_590 : i32
    %sign3A_592 = arith.extui %sign3A_591 : i1 to i32
    %sign3A_593 = arith.subi %sign3A_589, %sign3A_592 : i32
    %sign3A_594 = arith.constant 0 : i32
    %sign3A_595 = arith.cmpi sgt, %jit3A_585, %sign3A_594 : i32
    %sign3A_596 = arith.extui %sign3A_595 : i1 to i32
    %sign3A_597 = arith.constant 0 : i32
    %sign3A_598 = arith.cmpi slt, %jit3A_585, %sign3A_597 : i32
    %sign3A_599 = arith.extui %sign3A_598 : i1 to i32
    %sign3A_600 = arith.subi %sign3A_596, %sign3A_599 : i32
    %ne3A_601 = arith.cmpi ne, %sign3A_593, %sign3A_600 : i32
    %rem3A_602 = arith.remsi %select_n3A_584, %jit3A_585 : i32
    %ne3A_603 = arith.constant 0 : i32
    %ne3A_604 = arith.cmpi ne, %rem3A_602, %ne3A_603 : i32
    %and3A_605 = arith.andi %ne3A_601, %ne3A_604 : i1
    %sub3A_606 = arith.constant 1 : i32
    %sub3A_607 = arith.subi %div3A_586, %sub3A_606 : i32
    %select_n3A_608 = arith.select %and3A_605, %sub3A_607, %div3A_586 : i32
    %eq3A_609 = arith.constant 0 : i32
    %eq3A_610 = arith.cmpi eq, %select_n3A_608, %eq3A_609 : i32
    %get3A_611 = arith.constant 0 : i32
    %get3A_612 = arith.constant 0 : i32
    %get3A_613 = arith.index_cast %get3A_611 : i32 to index
    %get3A_614 = arith.index_cast %get3A_612 : i32 to index
    %get3A_615 = arith.constant 0 : index
    %get3A_616 = tpu.vector_load %arg6[%get3A_613, %get3A_614, %get3A_615] {strides = array<i32>} : memref<8x8x128xf32, #tpu.memory_space<vmem>>, vector<1x1x16xf32>,
    %get3A_617 = vector.shape_cast %get3A_616 : vector<1x1x16xf32> to vector<16xf32>
    %select_n3A_618 = arith.select %eq3A_610, %get3A_617, %broadcast_in_dim3A_334 : vector<16xf32>
    %add3A_619 = arith.addf %broadcast_in_dim3A_334, %select_n3A_618 : vector<16xf32>
    %eq3A_620 = arith.constant 1 : i32
    %eq3A_621 = arith.cmpi eq, %select_n3A_608, %eq3A_620 : i32
    %get3A_622 = arith.constant 0 : i32
    %get3A_623 = arith.constant 0 : i32
    %get3A_624 = arith.index_cast %get3A_622 : i32 to index
    %get3A_625 = arith.index_cast %get3A_623 : i32 to index
    %get3A_626 = arith.constant 16 : index
    %get3A_627 = tpu.vector_load %arg6[%get3A_624, %get3A_625, %get3A_626] {strides = array<i32>} : memref<8x8x128xf32, #tpu.memory_space<vmem>>, vector<1x1x16xf32>,
    %get3A_628 = vector.shape_cast %get3A_627 : vector<1x1x16xf32> to vector<16xf32>
    %select_n3A_629 = arith.select %eq3A_621, %get3A_628, %broadcast_in_dim3A_334 : vector<16xf32>
    %add3A_630 = arith.addf %add3A_619, %select_n3A_629 : vector<16xf32>
    %eq3A_631 = arith.constant 2 : i32
    %eq3A_632 = arith.cmpi eq, %select_n3A_608, %eq3A_631 : i32
    %get3A_633 = arith.constant 0 : i32
    %get3A_634 = arith.constant 0 : i32
    %get3A_635 = arith.index_cast %get3A_633 : i32 to index
    %get3A_636 = arith.index_cast %get3A_634 : i32 to index
    %get3A_637 = arith.constant 32 : index
    %get3A_638 = tpu.vector_load %arg6[%get3A_635, %get3A_636, %get3A_637] {strides = array<i32>} : memref<8x8x128xf32, #tpu.memory_space<vmem>>, vector<1x1x16xf32>,
    %get3A_639 = vector.shape_cast %get3A_638 : vector<1x1x16xf32> to vector<16xf32>
    %select_n3A_640 = arith.select %eq3A_632, %get3A_639, %broadcast_in_dim3A_334 : vector<16xf32>
    %add3A_641 = arith.addf %add3A_630, %select_n3A_640 : vector<16xf32>
    %eq3A_642 = arith.constant 3 : i32
    %eq3A_643 = arith.cmpi eq, %select_n3A_608, %eq3A_642 : i32
    %get3A_644 = arith.constant 0 : i32
    %get3A_645 = arith.constant 0 : i32
    %get3A_646 = arith.index_cast %get3A_644 : i32 to index
    %get3A_647 = arith.index_cast %get3A_645 : i32 to index
    %get3A_648 = arith.constant 48 : index
    %get3A_649 = tpu.vector_load %arg6[%get3A_646, %get3A_647, %get3A_648] {strides = array<i32>} : memref<8x8x128xf32, #tpu.memory_space<vmem>>, vector<1x1x16xf32>,
    %get3A_650 = vector.shape_cast %get3A_649 : vector<1x1x16xf32> to vector<16xf32>
    %select_n3A_651 = arith.select %eq3A_643, %get3A_650, %broadcast_in_dim3A_334 : vector<16xf32>
    %add3A_652 = arith.addf %add3A_641, %select_n3A_651 : vector<16xf32>
    %eq3A_653 = arith.constant 4 : i32
    %eq3A_654 = arith.cmpi eq, %select_n3A_608, %eq3A_653 : i32
    %get3A_655 = arith.constant 0 : i32
    %get3A_656 = arith.constant 0 : i32
    %get3A_657 = arith.index_cast %get3A_655 : i32 to index
    %get3A_658 = arith.index_cast %get3A_656 : i32 to index
    %get3A_659 = arith.constant 64 : index
    %get3A_660 = tpu.vector_load %arg6[%get3A_657, %get3A_658, %get3A_659] {strides = array<i32>} : memref<8x8x128xf32, #tpu.memory_space<vmem>>, vector<1x1x16xf32>,
    %get3A_661 = vector.shape_cast %get3A_660 : vector<1x1x16xf32> to vector<16xf32>
    %select_n3A_662 = arith.select %eq3A_654, %get3A_661, %broadcast_in_dim3A_334 : vector<16xf32>
    %add3A_663 = arith.addf %add3A_652, %select_n3A_662 : vector<16xf32>
    %eq3A_664 = arith.constant 5 : i32
    %eq3A_665 = arith.cmpi eq, %select_n3A_608, %eq3A_664 : i32
    %get3A_666 = arith.constant 0 : i32
    %get3A_667 = arith.constant 0 : i32
    %get3A_668 = arith.index_cast %get3A_666 : i32 to index
    %get3A_669 = arith.index_cast %get3A_667 : i32 to index
    %get3A_670 = arith.constant 80 : index
    %get3A_671 = tpu.vector_load %arg6[%get3A_668, %get3A_669, %get3A_670] {strides = array<i32>} : memref<8x8x128xf32, #tpu.memory_space<vmem>>, vector<1x1x16xf32>,
    %get3A_672 = vector.shape_cast %get3A_671 : vector<1x1x16xf32> to vector<16xf32>
    %select_n3A_673 = arith.select %eq3A_665, %get3A_672, %broadcast_in_dim3A_334 : vector<16xf32>
    %add3A_674 = arith.addf %add3A_663, %select_n3A_673 : vector<16xf32>
    %eq3A_675 = arith.constant 6 : i32
    %eq3A_676 = arith.cmpi eq, %select_n3A_608, %eq3A_675 : i32
    %get3A_677 = arith.constant 0 : i32
    %get3A_678 = arith.constant 0 : i32
    %get3A_679 = arith.index_cast %get3A_677 : i32 to index
    %get3A_680 = arith.index_cast %get3A_678 : i32 to index
    %get3A_681 = arith.constant 96 : index
    %get3A_682 = tpu.vector_load %arg6[%get3A_679, %get3A_680, %get3A_681] {strides = array<i32>} : memref<8x8x128xf32, #tpu.memory_space<vmem>>, vector<1x1x16xf32>,
    %get3A_683 = vector.shape_cast %get3A_682 : vector<1x1x16xf32> to vector<16xf32>
    %select_n3A_684 = arith.select %eq3A_676, %get3A_683, %broadcast_in_dim3A_334 : vector<16xf32>
    %add3A_685 = arith.addf %add3A_674, %select_n3A_684 : vector<16xf32>
    %eq3A_686 = arith.constant 7 : i32
    %eq3A_687 = arith.cmpi eq, %select_n3A_608, %eq3A_686 : i32
    %get3A_688 = arith.constant 0 : i32
    %get3A_689 = arith.constant 0 : i32
    %get3A_690 = arith.index_cast %get3A_688 : i32 to index
    %get3A_691 = arith.index_cast %get3A_689 : i32 to index
    %get3A_692 = arith.constant 112 : index
    %get3A_693 = tpu.vector_load %arg6[%get3A_690, %get3A_691, %get3A_692] {strides = array<i32>} : memref<8x8x128xf32, #tpu.memory_space<vmem>>, vector<1x1x16xf32>,
    %get3A_694 = vector.shape_cast %get3A_693 : vector<1x1x16xf32> to vector<16xf32>
    %select_n3A_695 = arith.select %eq3A_687, %get3A_694, %broadcast_in_dim3A_334 : vector<16xf32>
    %add3A_696 = arith.addf %add3A_685, %select_n3A_695 : vector<16xf32>
    %slice3A_697 = vector.extract_strided_slice %get3A_4 {offsets = [0], sizes = [1], strides = [1]} : vector<16xi32> to vector<1xi32>
    %squeeze3A_698 = vector.extract %slice3A_697[0] : i32 from vector<1xi32>
    %jit3A_699 = arith.constant 16 : i32
    %eq3A_700 = arith.constant 0 : i32
    %eq3A_701 = arith.cmpi eq, %jit3A_699, %eq3A_700 : i32
    %jit3A_702 = arith.constant 1 : i32
    %select_n3A_703 = arith.select %eq3A_701, %jit3A_702, %jit3A_699 : i32
    %rem3A_704 = arith.remsi %squeeze3A_698, %select_n3A_703 : i32
    %ne3A_705 = arith.constant 0 : i32
    %ne3A_706 = arith.cmpi ne, %rem3A_704, %ne3A_705 : i32
    %lt3A_707 = arith.constant 0 : i32
    %lt3A_708 = arith.cmpi slt, %rem3A_704, %lt3A_707 : i32
    %lt3A_709 = arith.constant 0 : i32
    %lt3A_710 = arith.cmpi slt, %select_n3A_703, %lt3A_709 : i32
    %ne3A_711 = arith.xori %lt3A_708, %lt3A_710 : i1
    %and3A_712 = arith.andi %ne3A_711, %ne3A_706 : i1
    %add3A_713 = arith.addi %rem3A_704, %select_n3A_703 : i32
    %select_n3A_714 = arith.select %and3A_712, %add3A_713, %rem3A_704 : i32
    %eq3A_715 = vector.broadcast %select_n3A_714 : i32 to vector<16xi32>
    %eq3A_716 = arith.cmpi eq, %iota3A, %eq3A_715 : vector<16xi32>
    %mul3A_717 = arith.constant -8.999990e-01 : f32
    %mul3A_718 = vector.broadcast %mul3A_717 : f32 to vector<16xf32>
    %mul3A_719 = arith.mulf %mul3A_718, %add3A_696 : vector<16xf32>
    %jit3A_720 = arith.constant 0.000000e+00 : f32
    %broadcast_in_dim3A_721 = vector.broadcast %jit3A_720 : f32 to vector<16xf32>
    %select_n3A_722 = arith.select %eq3A_716, %mul3A_719, %broadcast_in_dim3A_721 : vector<16xi1>, vector<16xf32>
    %eq3A_723 = arith.constant 0 : i32
    %eq3A_724 = vector.broadcast %eq3A_723 : i32 to vector<16xi32>
    %eq3A_725 = arith.cmpi eq, %iota3A, %eq3A_724 : vector<16xi32>
    %get3A_726 = arith.constant 0 : i32
    %get3A_727 = arith.index_cast %get3A_726 : i32 to index
    %get3A_728 = arith.constant 0 : index
    %get3A_729 = tpu.vector_load %arg7[%get3A_727, %get3A_728] {strides = array<i32>} : memref<8x128xf32, #tpu.memory_space<vmem>>, vector<1x16xf32>,
    %get3A_730 = vector.shape_cast %get3A_729 : vector<1x16xf32> to vector<16xf32>
    %mul3A_731 = arith.constant 1.000020e-06 : f32
    %mul3A_732 = vector.broadcast %mul3A_731 : f32 to vector<16xf32>
    %mul3A_733 = arith.mulf %mul3A_732, %get3A_730 : vector<16xf32>
    %add3A_734 = arith.constant -1.47637355 : f32
    %add3A_735 = vector.broadcast %add3A_734 : f32 to vector<16xf32>
    %add3A_736 = arith.addf %mul3A_733, %add3A_735 : vector<16xf32>
    %jit3A_737 = arith.constant 0.000000e+00 : f32
    %broadcast_in_dim3A_738 = vector.broadcast %jit3A_737 : f32 to vector<16xf32>
    %select_n3A_739 = arith.select %eq3A_725, %add3A_736, %broadcast_in_dim3A_738 : vector<16xi1>, vector<16xf32>
    %add3A_740 = arith.addf %select_n3A_722, %select_n3A_739 : vector<16xf32>
    %mul3A_741 = arith.constant 1.000020e-06 : f32
    %mul3A_742 = vector.broadcast %mul3A_741 : f32 to vector<16xf32>
    %mul3A_743 = arith.mulf %mul3A_742, %parallel_loop3A_472#0 : vector<16xf32>
    %sub3A_744 = arith.subf %add3A_740, %mul3A_743 : vector<16xf32>
    %select_n3A_745 = arith.select %ne3A_568, %sub3A_744, %broadcast_in_dim3A_334 : vector<16xf32>
    %add3A_746 = arith.addf %broadcast_in_dim3A_334, %select_n3A_745 : vector<16xf32>
    %slice3A_747 = vector.extract_strided_slice %get3A_4 {offsets = [1], sizes = [1], strides = [1]} : vector<16xi32> to vector<1xi32>
    %squeeze3A_748 = vector.extract %slice3A_747[0] : i32 from vector<1xi32>
    %ne3A_749 = arith.constant 0 : i32
    %ne3A_750 = arith.cmpi ne, %squeeze3A_748, %ne3A_749 : i32
    %slice3A_751 = vector.extract_strided_slice %get3A_4 {offsets = [1], sizes = [1], strides = [1]} : vector<16xi32> to vector<1xi32>
    %squeeze3A_752 = vector.extract %slice3A_751[0] : i32 from vector<1xi32>
    %jit3A_753 = arith.constant 128 : i32
    %eq3A_754 = arith.constant 0 : i32
    %eq3A_755 = arith.cmpi eq, %jit3A_753, %eq3A_754 : i32
    %jit3A_756 = arith.constant 1 : i32
    %select_n3A_757 = arith.select %eq3A_755, %jit3A_756, %jit3A_753 : i32
    %rem3A_758 = arith.remsi %squeeze3A_752, %select_n3A_757 : i32
    %ne3A_759 = arith.constant 0 : i32
    %ne3A_760 = arith.cmpi ne, %rem3A_758, %ne3A_759 : i32
    %lt3A_761 = arith.constant 0 : i32
    %lt3A_762 = arith.cmpi slt, %rem3A_758, %lt3A_761 : i32
    %lt3A_763 = arith.constant 0 : i32
    %lt3A_764 = arith.cmpi slt, %select_n3A_757, %lt3A_763 : i32
    %ne3A_765 = arith.xori %lt3A_762, %lt3A_764 : i1
    %and3A_766 = arith.andi %ne3A_765, %ne3A_760 : i1
    %add3A_767 = arith.addi %rem3A_758, %select_n3A_757 : i32
    %select_n3A_768 = arith.select %and3A_766, %add3A_767, %rem3A_758 : i32
    %jit3A_769 = arith.constant 16 : i32
    %div3A_770 = arith.divsi %select_n3A_768, %jit3A_769 : i32
    %sign3A_771 = arith.constant 0 : i32
    %sign3A_772 = arith.cmpi sgt, %select_n3A_768, %sign3A_771 : i32
    %sign3A_773 = arith.extui %sign3A_772 : i1 to i32
    %sign3A_774 = arith.constant 0 : i32
    %sign3A_775 = arith.cmpi slt, %select_n3A_768, %sign3A_774 : i32
    %sign3A_776 = arith.extui %sign3A_775 : i1 to i32
    %sign3A_777 = arith.subi %sign3A_773, %sign3A_776 : i32
    %sign3A_778 = arith.constant 0 : i32
    %sign3A_779 = arith.cmpi sgt, %jit3A_769, %sign3A_778 : i32
    %sign3A_780 = arith.extui %sign3A_779 : i1 to i32
    %sign3A_781 = arith.constant 0 : i32
    %sign3A_782 = arith.cmpi slt, %jit3A_769, %sign3A_781 : i32
    %sign3A_783 = arith.extui %sign3A_782 : i1 to i32
    %sign3A_784 = arith.subi %sign3A_780, %sign3A_783 : i32
    %ne3A_785 = arith.cmpi ne, %sign3A_777, %sign3A_784 : i32
    %rem3A_786 = arith.remsi %select_n3A_768, %jit3A_769 : i32
    %ne3A_787 = arith.constant 0 : i32
    %ne3A_788 = arith.cmpi ne, %rem3A_786, %ne3A_787 : i32
    %and3A_789 = arith.andi %ne3A_785, %ne3A_788 : i1
    %sub3A_790 = arith.constant 1 : i32
    %sub3A_791 = arith.subi %div3A_770, %sub3A_790 : i32
    %select_n3A_792 = arith.select %and3A_789, %sub3A_791, %div3A_770 : i32
    %eq3A_793 = arith.constant 0 : i32
    %eq3A_794 = arith.cmpi eq, %select_n3A_792, %eq3A_793 : i32
    %get3A_795 = arith.constant 1 : i32
    %get3A_796 = arith.constant 1 : i32
    %get3A_797 = arith.index_cast %get3A_795 : i32 to index
    %get3A_798 = arith.index_cast %get3A_796 : i32 to index
    %get3A_799 = arith.constant 0 : index
    %get3A_800 = tpu.vector_load %arg6[%get3A_797, %get3A_798, %get3A_799] {strides = array<i32>} : memref<8x8x128xf32, #tpu.memory_space<vmem>>, vector<1x1x16xf32>,
    %get3A_801 = vector.shape_cast %get3A_800 : vector<1x1x16xf32> to vector<16xf32>
    %select_n3A_802 = arith.select %eq3A_794, %get3A_801, %broadcast_in_dim3A_334 : vector<16xf32>
    %add3A_803 = arith.addf %broadcast_in_dim3A_334, %select_n3A_802 : vector<16xf32>
    %eq3A_804 = arith.constant 1 : i32
    %eq3A_805 = arith.cmpi eq, %select_n3A_792, %eq3A_804 : i32
    %get3A_806 = arith.constant 1 : i32
    %get3A_807 = arith.constant 1 : i32
    %get3A_808 = arith.index_cast %get3A_806 : i32 to index
    %get3A_809 = arith.index_cast %get3A_807 : i32 to index
    %get3A_810 = arith.constant 16 : index
    %get3A_811 = tpu.vector_load %arg6[%get3A_808, %get3A_809, %get3A_810] {strides = array<i32>} : memref<8x8x128xf32, #tpu.memory_space<vmem>>, vector<1x1x16xf32>,
    %get3A_812 = vector.shape_cast %get3A_811 : vector<1x1x16xf32> to vector<16xf32>
    %select_n3A_813 = arith.select %eq3A_805, %get3A_812, %broadcast_in_dim3A_334 : vector<16xf32>
    %add3A_814 = arith.addf %add3A_803, %select_n3A_813 : vector<16xf32>
    %eq3A_815 = arith.constant 2 : i32
    %eq3A_816 = arith.cmpi eq, %select_n3A_792, %eq3A_815 : i32
    %get3A_817 = arith.constant 1 : i32
    %get3A_818 = arith.constant 1 : i32
    %get3A_819 = arith.index_cast %get3A_817 : i32 to index
    %get3A_820 = arith.index_cast %get3A_818 : i32 to index
    %get3A_821 = arith.constant 32 : index
    %get3A_822 = tpu.vector_load %arg6[%get3A_819, %get3A_820, %get3A_821] {strides = array<i32>} : memref<8x8x128xf32, #tpu.memory_space<vmem>>, vector<1x1x16xf32>,
    %get3A_823 = vector.shape_cast %get3A_822 : vector<1x1x16xf32> to vector<16xf32>
    %select_n3A_824 = arith.select %eq3A_816, %get3A_823, %broadcast_in_dim3A_334 : vector<16xf32>
    %add3A_825 = arith.addf %add3A_814, %select_n3A_824 : vector<16xf32>
    %eq3A_826 = arith.constant 3 : i32
    %eq3A_827 = arith.cmpi eq, %select_n3A_792, %eq3A_826 : i32
    %get3A_828 = arith.constant 1 : i32
    %get3A_829 = arith.constant 1 : i32
    %get3A_830 = arith.index_cast %get3A_828 : i32 to index
    %get3A_831 = arith.index_cast %get3A_829 : i32 to index
    %get3A_832 = arith.constant 48 : index
    %get3A_833 = tpu.vector_load %arg6[%get3A_830, %get3A_831, %get3A_832] {strides = array<i32>} : memref<8x8x128xf32, #tpu.memory_space<vmem>>, vector<1x1x16xf32>,
    %get3A_834 = vector.shape_cast %get3A_833 : vector<1x1x16xf32> to vector<16xf32>
    %select_n3A_835 = arith.select %eq3A_827, %get3A_834, %broadcast_in_dim3A_334 : vector<16xf32>
    %add3A_836 = arith.addf %add3A_825, %select_n3A_835 : vector<16xf32>
    %eq3A_837 = arith.constant 4 : i32
    %eq3A_838 = arith.cmpi eq, %select_n3A_792, %eq3A_837 : i32
    %get3A_839 = arith.constant 1 : i32
    %get3A_840 = arith.constant 1 : i32
    %get3A_841 = arith.index_cast %get3A_839 : i32 to index
    %get3A_842 = arith.index_cast %get3A_840 : i32 to index
    %get3A_843 = arith.constant 64 : index
    %get3A_844 = tpu.vector_load %arg6[%get3A_841, %get3A_842, %get3A_843] {strides = array<i32>} : memref<8x8x128xf32, #tpu.memory_space<vmem>>, vector<1x1x16xf32>,
    %get3A_845 = vector.shape_cast %get3A_844 : vector<1x1x16xf32> to vector<16xf32>
    %select_n3A_846 = arith.select %eq3A_838, %get3A_845, %broadcast_in_dim3A_334 : vector<16xf32>
    %add3A_847 = arith.addf %add3A_836, %select_n3A_846 : vector<16xf32>
    %eq3A_848 = arith.constant 5 : i32
    %eq3A_849 = arith.cmpi eq, %select_n3A_792, %eq3A_848 : i32
    %get3A_850 = arith.constant 1 : i32
    %get3A_851 = arith.constant 1 : i32
    %get3A_852 = arith.index_cast %get3A_850 : i32 to index
    %get3A_853 = arith.index_cast %get3A_851 : i32 to index
    %get3A_854 = arith.constant 80 : index
    %get3A_855 = tpu.vector_load %arg6[%get3A_852, %get3A_853, %get3A_854] {strides = array<i32>} : memref<8x8x128xf32, #tpu.memory_space<vmem>>, vector<1x1x16xf32>,
    %get3A_856 = vector.shape_cast %get3A_855 : vector<1x1x16xf32> to vector<16xf32>
    %select_n3A_857 = arith.select %eq3A_849, %get3A_856, %broadcast_in_dim3A_334 : vector<16xf32>
    %add3A_858 = arith.addf %add3A_847, %select_n3A_857 : vector<16xf32>
    %eq3A_859 = arith.constant 6 : i32
    %eq3A_860 = arith.cmpi eq, %select_n3A_792, %eq3A_859 : i32
    %get3A_861 = arith.constant 1 : i32
    %get3A_862 = arith.constant 1 : i32
    %get3A_863 = arith.index_cast %get3A_861 : i32 to index
    %get3A_864 = arith.index_cast %get3A_862 : i32 to index
    %get3A_865 = arith.constant 96 : index
    %get3A_866 = tpu.vector_load %arg6[%get3A_863, %get3A_864, %get3A_865] {strides = array<i32>} : memref<8x8x128xf32, #tpu.memory_space<vmem>>, vector<1x1x16xf32>,
    %get3A_867 = vector.shape_cast %get3A_866 : vector<1x1x16xf32> to vector<16xf32>
    %select_n3A_868 = arith.select %eq3A_860, %get3A_867, %broadcast_in_dim3A_334 : vector<16xf32>
    %add3A_869 = arith.addf %add3A_858, %select_n3A_868 : vector<16xf32>
    %eq3A_870 = arith.constant 7 : i32
    %eq3A_871 = arith.cmpi eq, %select_n3A_792, %eq3A_870 : i32
    %get3A_872 = arith.constant 1 : i32
    %get3A_873 = arith.constant 1 : i32
    %get3A_874 = arith.index_cast %get3A_872 : i32 to index
    %get3A_875 = arith.index_cast %get3A_873 : i32 to index
    %get3A_876 = arith.constant 112 : index
    %get3A_877 = tpu.vector_load %arg6[%get3A_874, %get3A_875, %get3A_876] {strides = array<i32>} : memref<8x8x128xf32, #tpu.memory_space<vmem>>, vector<1x1x16xf32>,
    %get3A_878 = vector.shape_cast %get3A_877 : vector<1x1x16xf32> to vector<16xf32>
    %select_n3A_879 = arith.select %eq3A_871, %get3A_878, %broadcast_in_dim3A_334 : vector<16xf32>
    %add3A_880 = arith.addf %add3A_869, %select_n3A_879 : vector<16xf32>
    %slice3A_881 = vector.extract_strided_slice %get3A_4 {offsets = [1], sizes = [1], strides = [1]} : vector<16xi32> to vector<1xi32>
    %squeeze3A_882 = vector.extract %slice3A_881[0] : i32 from vector<1xi32>
    %jit3A_883 = arith.constant 16 : i32
    %eq3A_884 = arith.constant 0 : i32
    %eq3A_885 = arith.cmpi eq, %jit3A_883, %eq3A_884 : i32
    %jit3A_886 = arith.constant 1 : i32
    %select_n3A_887 = arith.select %eq3A_885, %jit3A_886, %jit3A_883 : i32
    %rem3A_888 = arith.remsi %squeeze3A_882, %select_n3A_887 : i32
    %ne3A_889 = arith.constant 0 : i32
    %ne3A_890 = arith.cmpi ne, %rem3A_888, %ne3A_889 : i32
    %lt3A_891 = arith.constant 0 : i32
    %lt3A_892 = arith.cmpi slt, %rem3A_888, %lt3A_891 : i32
    %lt3A_893 = arith.constant 0 : i32
    %lt3A_894 = arith.cmpi slt, %select_n3A_887, %lt3A_893 : i32
    %ne3A_895 = arith.xori %lt3A_892, %lt3A_894 : i1
    %and3A_896 = arith.andi %ne3A_895, %ne3A_890 : i1
    %add3A_897 = arith.addi %rem3A_888, %select_n3A_887 : i32
    %select_n3A_898 = arith.select %and3A_896, %add3A_897, %rem3A_888 : i32
    %eq3A_899 = vector.broadcast %select_n3A_898 : i32 to vector<16xi32>
    %eq3A_900 = arith.cmpi eq, %iota3A, %eq3A_899 : vector<16xi32>
    %mul3A_901 = arith.constant -8.999990e-01 : f32
    %mul3A_902 = vector.broadcast %mul3A_901 : f32 to vector<16xf32>
    %mul3A_903 = arith.mulf %mul3A_902, %add3A_880 : vector<16xf32>
    %jit3A_904 = arith.constant 0.000000e+00 : f32
    %broadcast_in_dim3A_905 = vector.broadcast %jit3A_904 : f32 to vector<16xf32>
    %select_n3A_906 = arith.select %eq3A_900, %mul3A_903, %broadcast_in_dim3A_905 : vector<16xi1>, vector<16xf32>
    %eq3A_907 = arith.constant 0 : i32
    %eq3A_908 = vector.broadcast %eq3A_907 : i32 to vector<16xi32>
    %eq3A_909 = arith.cmpi eq, %iota3A, %eq3A_908 : vector<16xi32>
    %get3A_910 = arith.constant 1 : i32
    %get3A_911 = arith.index_cast %get3A_910 : i32 to index
    %get3A_912 = arith.constant 0 : index
    %get3A_913 = tpu.vector_load %arg7[%get3A_911, %get3A_912] {strides = array<i32>} : memref<8x128xf32, #tpu.memory_space<vmem>>, vector<1x16xf32>,
    %get3A_914 = vector.shape_cast %get3A_913 : vector<1x16xf32> to vector<16xf32>
    %mul3A_915 = arith.constant 1.000020e-06 : f32
    %mul3A_916 = vector.broadcast %mul3A_915 : f32 to vector<16xf32>
    %mul3A_917 = arith.mulf %mul3A_916, %get3A_914 : vector<16xf32>
    %add3A_918 = arith.constant -1.47637355 : f32
    %add3A_919 = vector.broadcast %add3A_918 : f32 to vector<16xf32>
    %add3A_920 = arith.addf %mul3A_917, %add3A_919 : vector<16xf32>
    %jit3A_921 = arith.constant 0.000000e+00 : f32
    %broadcast_in_dim3A_922 = vector.broadcast %jit3A_921 : f32 to vector<16xf32>
    %select_n3A_923 = arith.select %eq3A_909, %add3A_920, %broadcast_in_dim3A_922 : vector<16xi1>, vector<16xf32>
    %add3A_924 = arith.addf %select_n3A_906, %select_n3A_923 : vector<16xf32>
    %mul3A_925 = arith.constant 1.000020e-06 : f32
    %mul3A_926 = vector.broadcast %mul3A_925 : f32 to vector<16xf32>
    %mul3A_927 = arith.mulf %mul3A_926, %parallel_loop3A_472#1 : vector<16xf32>
    %sub3A_928 = arith.subf %add3A_924, %mul3A_927 : vector<16xf32>
    %select_n3A_929 = arith.select %ne3A_750, %sub3A_928, %broadcast_in_dim3A_334 : vector<16xf32>
    %add3A_930 = arith.addf %add3A_746, %select_n3A_929 : vector<16xf32>
    %slice3A_931 = vector.extract_strided_slice %get3A_4 {offsets = [2], sizes = [1], strides = [1]} : vector<16xi32> to vector<1xi32>
    %squeeze3A_932 = vector.extract %slice3A_931[0] : i32 from vector<1xi32>
    %ne3A_933 = arith.constant 0 : i32
    %ne3A_934 = arith.cmpi ne, %squeeze3A_932, %ne3A_933 : i32
    %slice3A_935 = vector.extract_strided_slice %get3A_4 {offsets = [2], sizes = [1], strides = [1]} : vector<16xi32> to vector<1xi32>
    %squeeze3A_936 = vector.extract %slice3A_935[0] : i32 from vector<1xi32>
    %jit3A_937 = arith.constant 128 : i32
    %eq3A_938 = arith.constant 0 : i32
    %eq3A_939 = arith.cmpi eq, %jit3A_937, %eq3A_938 : i32
    %jit3A_940 = arith.constant 1 : i32
    %select_n3A_941 = arith.select %eq3A_939, %jit3A_940, %jit3A_937 : i32
    %rem3A_942 = arith.remsi %squeeze3A_936, %select_n3A_941 : i32
    %ne3A_943 = arith.constant 0 : i32
    %ne3A_944 = arith.cmpi ne, %rem3A_942, %ne3A_943 : i32
    %lt3A_945 = arith.constant 0 : i32
    %lt3A_946 = arith.cmpi slt, %rem3A_942, %lt3A_945 : i32
    %lt3A_947 = arith.constant 0 : i32
    %lt3A_948 = arith.cmpi slt, %select_n3A_941, %lt3A_947 : i32
    %ne3A_949 = arith.xori %lt3A_946, %lt3A_948 : i1
    %and3A_950 = arith.andi %ne3A_949, %ne3A_944 : i1
    %add3A_951 = arith.addi %rem3A_942, %select_n3A_941 : i32
    %select_n3A_952 = arith.select %and3A_950, %add3A_951, %rem3A_942 : i32
    %jit3A_953 = arith.constant 16 : i32
    %div3A_954 = arith.divsi %select_n3A_952, %jit3A_953 : i32
    %sign3A_955 = arith.constant 0 : i32
    %sign3A_956 = arith.cmpi sgt, %select_n3A_952, %sign3A_955 : i32
    %sign3A_957 = arith.extui %sign3A_956 : i1 to i32
    %sign3A_958 = arith.constant 0 : i32
    %sign3A_959 = arith.cmpi slt, %select_n3A_952, %sign3A_958 : i32
    %sign3A_960 = arith.extui %sign3A_959 : i1 to i32
    %sign3A_961 = arith.subi %sign3A_957, %sign3A_960 : i32
    %sign3A_962 = arith.constant 0 : i32
    %sign3A_963 = arith.cmpi sgt, %jit3A_953, %sign3A_962 : i32
    %sign3A_964 = arith.extui %sign3A_963 : i1 to i32
    %sign3A_965 = arith.constant 0 : i32
    %sign3A_966 = arith.cmpi slt, %jit3A_953, %sign3A_965 : i32
    %sign3A_967 = arith.extui %sign3A_966 : i1 to i32
    %sign3A_968 = arith.subi %sign3A_964, %sign3A_967 : i32
    %ne3A_969 = arith.cmpi ne, %sign3A_961, %sign3A_968 : i32
    %rem3A_970 = arith.remsi %select_n3A_952, %jit3A_953 : i32
    %ne3A_971 = arith.constant 0 : i32
    %ne3A_972 = arith.cmpi ne, %rem3A_970, %ne3A_971 : i32
    %and3A_973 = arith.andi %ne3A_969, %ne3A_972 : i1
    %sub3A_974 = arith.constant 1 : i32
    %sub3A_975 = arith.subi %div3A_954, %sub3A_974 : i32
    %select_n3A_976 = arith.select %and3A_973, %sub3A_975, %div3A_954 : i32
    %eq3A_977 = arith.constant 0 : i32
    %eq3A_978 = arith.cmpi eq, %select_n3A_976, %eq3A_977 : i32
    %get3A_979 = arith.constant 2 : i32
    %get3A_980 = arith.constant 2 : i32
    %get3A_981 = arith.index_cast %get3A_979 : i32 to index
    %get3A_982 = arith.index_cast %get3A_980 : i32 to index
    %get3A_983 = arith.constant 0 : index
    %get3A_984 = tpu.vector_load %arg6[%get3A_981, %get3A_982, %get3A_983] {strides = array<i32>} : memref<8x8x128xf32, #tpu.memory_space<vmem>>, vector<1x1x16xf32>,
    %get3A_985 = vector.shape_cast %get3A_984 : vector<1x1x16xf32> to vector<16xf32>
    %select_n3A_986 = arith.select %eq3A_978, %get3A_985, %broadcast_in_dim3A_334 : vector<16xf32>
    %add3A_987 = arith.addf %broadcast_in_dim3A_334, %select_n3A_986 : vector<16xf32>
    %eq3A_988 = arith.constant 1 : i32
    %eq3A_989 = arith.cmpi eq, %select_n3A_976, %eq3A_988 : i32
    %get3A_990 = arith.constant 2 : i32
    %get3A_991 = arith.constant 2 : i32
    %get3A_992 = arith.index_cast %get3A_990 : i32 to index
    %get3A_993 = arith.index_cast %get3A_991 : i32 to index
    %get3A_994 = arith.constant 16 : index
    %get3A_995 = tpu.vector_load %arg6[%get3A_992, %get3A_993, %get3A_994] {strides = array<i32>} : memref<8x8x128xf32, #tpu.memory_space<vmem>>, vector<1x1x16xf32>,
    %get3A_996 = vector.shape_cast %get3A_995 : vector<1x1x16xf32> to vector<16xf32>
    %select_n3A_997 = arith.select %eq3A_989, %get3A_996, %broadcast_in_dim3A_334 : vector<16xf32>
    %add3A_998 = arith.addf %add3A_987, %select_n3A_997 : vector<16xf32>
    %eq3A_999 = arith.constant 2 : i32
    %eq3A_1000 = arith.cmpi eq, %select_n3A_976, %eq3A_999 : i32
    %get3A_1001 = arith.constant 2 : i32
    %get3A_1002 = arith.constant 2 : i32
    %get3A_1003 = arith.index_cast %get3A_1001 : i32 to index
    %get3A_1004 = arith.index_cast %get3A_1002 : i32 to index
    %get3A_1005 = arith.constant 32 : index
    %get3A_1006 = tpu.vector_load %arg6[%get3A_1003, %get3A_1004, %get3A_1005] {strides = array<i32>} : memref<8x8x128xf32, #tpu.memory_space<vmem>>, vector<1x1x16xf32>,
    %get3A_1007 = vector.shape_cast %get3A_1006 : vector<1x1x16xf32> to vector<16xf32>
    %select_n3A_1008 = arith.select %eq3A_1000, %get3A_1007, %broadcast_in_dim3A_334 : vector<16xf32>
    %add3A_1009 = arith.addf %add3A_998, %select_n3A_1008 : vector<16xf32>
    %eq3A_1010 = arith.constant 3 : i32
    %eq3A_1011 = arith.cmpi eq, %select_n3A_976, %eq3A_1010 : i32
    %get3A_1012 = arith.constant 2 : i32
    %get3A_1013 = arith.constant 2 : i32
    %get3A_1014 = arith.index_cast %get3A_1012 : i32 to index
    %get3A_1015 = arith.index_cast %get3A_1013 : i32 to index
    %get3A_1016 = arith.constant 48 : index
    %get3A_1017 = tpu.vector_load %arg6[%get3A_1014, %get3A_1015, %get3A_1016] {strides = array<i32>} : memref<8x8x128xf32, #tpu.memory_space<vmem>>, vector<1x1x16xf32>,
    %get3A_1018 = vector.shape_cast %get3A_1017 : vector<1x1x16xf32> to vector<16xf32>
    %select_n3A_1019 = arith.select %eq3A_1011, %get3A_1018, %broadcast_in_dim3A_334 : vector<16xf32>
    %add3A_1020 = arith.addf %add3A_1009, %select_n3A_1019 : vector<16xf32>
    %eq3A_1021 = arith.constant 4 : i32
    %eq3A_1022 = arith.cmpi eq, %select_n3A_976, %eq3A_1021 : i32
    %get3A_1023 = arith.constant 2 : i32
    %get3A_1024 = arith.constant 2 : i32
    %get3A_1025 = arith.index_cast %get3A_1023 : i32 to index
    %get3A_1026 = arith.index_cast %get3A_1024 : i32 to index
    %get3A_1027 = arith.constant 64 : index
    %get3A_1028 = tpu.vector_load %arg6[%get3A_1025, %get3A_1026, %get3A_1027] {strides = array<i32>} : memref<8x8x128xf32, #tpu.memory_space<vmem>>, vector<1x1x16xf32>,
    %get3A_1029 = vector.shape_cast %get3A_1028 : vector<1x1x16xf32> to vector<16xf32>
    %select_n3A_1030 = arith.select %eq3A_1022, %get3A_1029, %broadcast_in_dim3A_334 : vector<16xf32>
    %add3A_1031 = arith.addf %add3A_1020, %select_n3A_1030 : vector<16xf32>
    %eq3A_1032 = arith.constant 5 : i32
    %eq3A_1033 = arith.cmpi eq, %select_n3A_976, %eq3A_1032 : i32
    %get3A_1034 = arith.constant 2 : i32
    %get3A_1035 = arith.constant 2 : i32
    %get3A_1036 = arith.index_cast %get3A_1034 : i32 to index
    %get3A_1037 = arith.index_cast %get3A_1035 : i32 to index
    %get3A_1038 = arith.constant 80 : index
    %get3A_1039 = tpu.vector_load %arg6[%get3A_1036, %get3A_1037, %get3A_1038] {strides = array<i32>} : memref<8x8x128xf32, #tpu.memory_space<vmem>>, vector<1x1x16xf32>,
    %get3A_1040 = vector.shape_cast %get3A_1039 : vector<1x1x16xf32> to vector<16xf32>
    %select_n3A_1041 = arith.select %eq3A_1033, %get3A_1040, %broadcast_in_dim3A_334 : vector<16xf32>
    %add3A_1042 = arith.addf %add3A_1031, %select_n3A_1041 : vector<16xf32>
    %eq3A_1043 = arith.constant 6 : i32
    %eq3A_1044 = arith.cmpi eq, %select_n3A_976, %eq3A_1043 : i32
    %get3A_1045 = arith.constant 2 : i32
    %get3A_1046 = arith.constant 2 : i32
    %get3A_1047 = arith.index_cast %get3A_1045 : i32 to index
    %get3A_1048 = arith.index_cast %get3A_1046 : i32 to index
    %get3A_1049 = arith.constant 96 : index
    %get3A_1050 = tpu.vector_load %arg6[%get3A_1047, %get3A_1048, %get3A_1049] {strides = array<i32>} : memref<8x8x128xf32, #tpu.memory_space<vmem>>, vector<1x1x16xf32>,
    %get3A_1051 = vector.shape_cast %get3A_1050 : vector<1x1x16xf32> to vector<16xf32>
    %select_n3A_1052 = arith.select %eq3A_1044, %get3A_1051, %broadcast_in_dim3A_334 : vector<16xf32>
    %add3A_1053 = arith.addf %add3A_1042, %select_n3A_1052 : vector<16xf32>
    %eq3A_1054 = arith.constant 7 : i32
    %eq3A_1055 = arith.cmpi eq, %select_n3A_976, %eq3A_1054 : i32
    %get3A_1056 = arith.constant 2 : i32
    %get3A_1057 = arith.constant 2 : i32
    %get3A_1058 = arith.index_cast %get3A_1056 : i32 to index
    %get3A_1059 = arith.index_cast %get3A_1057 : i32 to index
    %get3A_1060 = arith.constant 112 : index
    %get3A_1061 = tpu.vector_load %arg6[%get3A_1058, %get3A_1059, %get3A_1060] {strides = array<i32>} : memref<8x8x128xf32, #tpu.memory_space<vmem>>, vector<1x1x16xf32>,
    %get3A_1062 = vector.shape_cast %get3A_1061 : vector<1x1x16xf32> to vector<16xf32>
    %select_n3A_1063 = arith.select %eq3A_1055, %get3A_1062, %broadcast_in_dim3A_334 : vector<16xf32>
    %add3A_1064 = arith.addf %add3A_1053, %select_n3A_1063 : vector<16xf32>
    %slice3A_1065 = vector.extract_strided_slice %get3A_4 {offsets = [2], sizes = [1], strides = [1]} : vector<16xi32> to vector<1xi32>
    %squeeze3A_1066 = vector.extract %slice3A_1065[0] : i32 from vector<1xi32>
    %jit3A_1067 = arith.constant 16 : i32
    %eq3A_1068 = arith.constant 0 : i32
    %eq3A_1069 = arith.cmpi eq, %jit3A_1067, %eq3A_1068 : i32
    %jit3A_1070 = arith.constant 1 : i32
    %select_n3A_1071 = arith.select %eq3A_1069, %jit3A_1070, %jit3A_1067 : i32
    %rem3A_1072 = arith.remsi %squeeze3A_1066, %select_n3A_1071 : i32
    %ne3A_1073 = arith.constant 0 : i32
    %ne3A_1074 = arith.cmpi ne, %rem3A_1072, %ne3A_1073 : i32
    %lt3A_1075 = arith.constant 0 : i32
    %lt3A_1076 = arith.cmpi slt, %rem3A_1072, %lt3A_1075 : i32
    %lt3A_1077 = arith.constant 0 : i32
    %lt3A_1078 = arith.cmpi slt, %select_n3A_1071, %lt3A_1077 : i32
    %ne3A_1079 = arith.xori %lt3A_1076, %lt3A_1078 : i1
    %and3A_1080 = arith.andi %ne3A_1079, %ne3A_1074 : i1
    %add3A_1081 = arith.addi %rem3A_1072, %select_n3A_1071 : i32
    %select_n3A_1082 = arith.select %and3A_1080, %add3A_1081, %rem3A_1072 : i32
    %eq3A_1083 = vector.broadcast %select_n3A_1082 : i32 to vector<16xi32>
    %eq3A_1084 = arith.cmpi eq, %iota3A, %eq3A_1083 : vector<16xi32>
    %mul3A_1085 = arith.constant -8.999990e-01 : f32
    %mul3A_1086 = vector.broadcast %mul3A_1085 : f32 to vector<16xf32>
    %mul3A_1087 = arith.mulf %mul3A_1086, %add3A_1064 : vector<16xf32>
    %jit3A_1088 = arith.constant 0.000000e+00 : f32
    %broadcast_in_dim3A_1089 = vector.broadcast %jit3A_1088 : f32 to vector<16xf32>
    %select_n3A_1090 = arith.select %eq3A_1084, %mul3A_1087, %broadcast_in_dim3A_1089 : vector<16xi1>, vector<16xf32>
    %eq3A_1091 = arith.constant 0 : i32
    %eq3A_1092 = vector.broadcast %eq3A_1091 : i32 to vector<16xi32>
    %eq3A_1093 = arith.cmpi eq, %iota3A, %eq3A_1092 : vector<16xi32>
    %get3A_1094 = arith.constant 2 : i32
    %get3A_1095 = arith.index_cast %get3A_1094 : i32 to index
    %get3A_1096 = arith.constant 0 : index
    %get3A_1097 = tpu.vector_load %arg7[%get3A_1095, %get3A_1096] {strides = array<i32>} : memref<8x128xf32, #tpu.memory_space<vmem>>, vector<1x16xf32>,
    %get3A_1098 = vector.shape_cast %get3A_1097 : vector<1x16xf32> to vector<16xf32>
    %mul3A_1099 = arith.constant 1.000020e-06 : f32
    %mul3A_1100 = vector.broadcast %mul3A_1099 : f32 to vector<16xf32>
    %mul3A_1101 = arith.mulf %mul3A_1100, %get3A_1098 : vector<16xf32>
    %add3A_1102 = arith.constant -1.47637355 : f32
    %add3A_1103 = vector.broadcast %add3A_1102 : f32 to vector<16xf32>
    %add3A_1104 = arith.addf %mul3A_1101, %add3A_1103 : vector<16xf32>
    %jit3A_1105 = arith.constant 0.000000e+00 : f32
    %broadcast_in_dim3A_1106 = vector.broadcast %jit3A_1105 : f32 to vector<16xf32>
    %select_n3A_1107 = arith.select %eq3A_1093, %add3A_1104, %broadcast_in_dim3A_1106 : vector<16xi1>, vector<16xf32>
    %add3A_1108 = arith.addf %select_n3A_1090, %select_n3A_1107 : vector<16xf32>
    %mul3A_1109 = arith.constant 1.000020e-06 : f32
    %mul3A_1110 = vector.broadcast %mul3A_1109 : f32 to vector<16xf32>
    %mul3A_1111 = arith.mulf %mul3A_1110, %parallel_loop3A_472#2 : vector<16xf32>
    %sub3A_1112 = arith.subf %add3A_1108, %mul3A_1111 : vector<16xf32>
    %select_n3A_1113 = arith.select %ne3A_934, %sub3A_1112, %broadcast_in_dim3A_334 : vector<16xf32>
    %add3A_1114 = arith.addf %add3A_930, %select_n3A_1113 : vector<16xf32>
    %slice3A_1115 = vector.extract_strided_slice %get3A_4 {offsets = [3], sizes = [1], strides = [1]} : vector<16xi32> to vector<1xi32>
    %squeeze3A_1116 = vector.extract %slice3A_1115[0] : i32 from vector<1xi32>
    %ne3A_1117 = arith.constant 0 : i32
    %ne3A_1118 = arith.cmpi ne, %squeeze3A_1116, %ne3A_1117 : i32
    %slice3A_1119 = vector.extract_strided_slice %get3A_4 {offsets = [3], sizes = [1], strides = [1]} : vector<16xi32> to vector<1xi32>
    %squeeze3A_1120 = vector.extract %slice3A_1119[0] : i32 from vector<1xi32>
    %jit3A_1121 = arith.constant 128 : i32
    %eq3A_1122 = arith.constant 0 : i32
    %eq3A_1123 = arith.cmpi eq, %jit3A_1121, %eq3A_1122 : i32
    %jit3A_1124 = arith.constant 1 : i32
    %select_n3A_1125 = arith.select %eq3A_1123, %jit3A_1124, %jit3A_1121 : i32
    %rem3A_1126 = arith.remsi %squeeze3A_1120, %select_n3A_1125 : i32
    %ne3A_1127 = arith.constant 0 : i32
    %ne3A_1128 = arith.cmpi ne, %rem3A_1126, %ne3A_1127 : i32
    %lt3A_1129 = arith.constant 0 : i32
    %lt3A_1130 = arith.cmpi slt, %rem3A_1126, %lt3A_1129 : i32
    %lt3A_1131 = arith.constant 0 : i32
    %lt3A_1132 = arith.cmpi slt, %select_n3A_1125, %lt3A_1131 : i32
    %ne3A_1133 = arith.xori %lt3A_1130, %lt3A_1132 : i1
    %and3A_1134 = arith.andi %ne3A_1133, %ne3A_1128 : i1
    %add3A_1135 = arith.addi %rem3A_1126, %select_n3A_1125 : i32
    %select_n3A_1136 = arith.select %and3A_1134, %add3A_1135, %rem3A_1126 : i32
    %jit3A_1137 = arith.constant 16 : i32
    %div3A_1138 = arith.divsi %select_n3A_1136, %jit3A_1137 : i32
    %sign3A_1139 = arith.constant 0 : i32
    %sign3A_1140 = arith.cmpi sgt, %select_n3A_1136, %sign3A_1139 : i32
    %sign3A_1141 = arith.extui %sign3A_1140 : i1 to i32
    %sign3A_1142 = arith.constant 0 : i32
    %sign3A_1143 = arith.cmpi slt, %select_n3A_1136, %sign3A_1142 : i32
    %sign3A_1144 = arith.extui %sign3A_1143 : i1 to i32
    %sign3A_1145 = arith.subi %sign3A_1141, %sign3A_1144 : i32
    %sign3A_1146 = arith.constant 0 : i32
    %sign3A_1147 = arith.cmpi sgt, %jit3A_1137, %sign3A_1146 : i32
    %sign3A_1148 = arith.extui %sign3A_1147 : i1 to i32
    %sign3A_1149 = arith.constant 0 : i32
    %sign3A_1150 = arith.cmpi slt, %jit3A_1137, %sign3A_1149 : i32
    %sign3A_1151 = arith.extui %sign3A_1150 : i1 to i32
    %sign3A_1152 = arith.subi %sign3A_1148, %sign3A_1151 : i32
    %ne3A_1153 = arith.cmpi ne, %sign3A_1145, %sign3A_1152 : i32
    %rem3A_1154 = arith.remsi %select_n3A_1136, %jit3A_1137 : i32
    %ne3A_1155 = arith.constant 0 : i32
    %ne3A_1156 = arith.cmpi ne, %rem3A_1154, %ne3A_1155 : i32
    %and3A_1157 = arith.andi %ne3A_1153, %ne3A_1156 : i1
    %sub3A_1158 = arith.constant 1 : i32
    %sub3A_1159 = arith.subi %div3A_1138, %sub3A_1158 : i32
    %select_n3A_1160 = arith.select %and3A_1157, %sub3A_1159, %div3A_1138 : i32
    %eq3A_1161 = arith.constant 0 : i32
    %eq3A_1162 = arith.cmpi eq, %select_n3A_1160, %eq3A_1161 : i32
    %get3A_1163 = arith.constant 3 : i32
    %get3A_1164 = arith.constant 3 : i32
    %get3A_1165 = arith.index_cast %get3A_1163 : i32 to index
    %get3A_1166 = arith.index_cast %get3A_1164 : i32 to index
    %get3A_1167 = arith.constant 0 : index
    %get3A_1168 = tpu.vector_load %arg6[%get3A_1165, %get3A_1166, %get3A_1167] {strides = array<i32>} : memref<8x8x128xf32, #tpu.memory_space<vmem>>, vector<1x1x16xf32>,
    %get3A_1169 = vector.shape_cast %get3A_1168 : vector<1x1x16xf32> to vector<16xf32>
    %select_n3A_1170 = arith.select %eq3A_1162, %get3A_1169, %broadcast_in_dim3A_334 : vector<16xf32>
    %add3A_1171 = arith.addf %broadcast_in_dim3A_334, %select_n3A_1170 : vector<16xf32>
    %eq3A_1172 = arith.constant 1 : i32
    %eq3A_1173 = arith.cmpi eq, %select_n3A_1160, %eq3A_1172 : i32
    %get3A_1174 = arith.constant 3 : i32
    %get3A_1175 = arith.constant 3 : i32
    %get3A_1176 = arith.index_cast %get3A_1174 : i32 to index
    %get3A_1177 = arith.index_cast %get3A_1175 : i32 to index
    %get3A_1178 = arith.constant 16 : index
    %get3A_1179 = tpu.vector_load %arg6[%get3A_1176, %get3A_1177, %get3A_1178] {strides = array<i32>} : memref<8x8x128xf32, #tpu.memory_space<vmem>>, vector<1x1x16xf32>,
    %get3A_1180 = vector.shape_cast %get3A_1179 : vector<1x1x16xf32> to vector<16xf32>
    %select_n3A_1181 = arith.select %eq3A_1173, %get3A_1180, %broadcast_in_dim3A_334 : vector<16xf32>
    %add3A_1182 = arith.addf %add3A_1171, %select_n3A_1181 : vector<16xf32>
    %eq3A_1183 = arith.constant 2 : i32
    %eq3A_1184 = arith.cmpi eq, %select_n3A_1160, %eq3A_1183 : i32
    %get3A_1185 = arith.constant 3 : i32
    %get3A_1186 = arith.constant 3 : i32
    %get3A_1187 = arith.index_cast %get3A_1185 : i32 to index
    %get3A_1188 = arith.index_cast %get3A_1186 : i32 to index
    %get3A_1189 = arith.constant 32 : index
    %get3A_1190 = tpu.vector_load %arg6[%get3A_1187, %get3A_1188, %get3A_1189] {strides = array<i32>} : memref<8x8x128xf32, #tpu.memory_space<vmem>>, vector<1x1x16xf32>,
    %get3A_1191 = vector.shape_cast %get3A_1190 : vector<1x1x16xf32> to vector<16xf32>
    %select_n3A_1192 = arith.select %eq3A_1184, %get3A_1191, %broadcast_in_dim3A_334 : vector<16xf32>
    %add3A_1193 = arith.addf %add3A_1182, %select_n3A_1192 : vector<16xf32>
    %eq3A_1194 = arith.constant 3 : i32
    %eq3A_1195 = arith.cmpi eq, %select_n3A_1160, %eq3A_1194 : i32
    %get3A_1196 = arith.constant 3 : i32
    %get3A_1197 = arith.constant 3 : i32
    %get3A_1198 = arith.index_cast %get3A_1196 : i32 to index
    %get3A_1199 = arith.index_cast %get3A_1197 : i32 to index
    %get3A_1200 = arith.constant 48 : index
    %get3A_1201 = tpu.vector_load %arg6[%get3A_1198, %get3A_1199, %get3A_1200] {strides = array<i32>} : memref<8x8x128xf32, #tpu.memory_space<vmem>>, vector<1x1x16xf32>,
    %get3A_1202 = vector.shape_cast %get3A_1201 : vector<1x1x16xf32> to vector<16xf32>
    %select_n3A_1203 = arith.select %eq3A_1195, %get3A_1202, %broadcast_in_dim3A_334 : vector<16xf32>
    %add3A_1204 = arith.addf %add3A_1193, %select_n3A_1203 : vector<16xf32>
    %eq3A_1205 = arith.constant 4 : i32
    %eq3A_1206 = arith.cmpi eq, %select_n3A_1160, %eq3A_1205 : i32
    %get3A_1207 = arith.constant 3 : i32
    %get3A_1208 = arith.constant 3 : i32
    %get3A_1209 = arith.index_cast %get3A_1207 : i32 to index
    %get3A_1210 = arith.index_cast %get3A_1208 : i32 to index
    %get3A_1211 = arith.constant 64 : index
    %get3A_1212 = tpu.vector_load %arg6[%get3A_1209, %get3A_1210, %get3A_1211] {strides = array<i32>} : memref<8x8x128xf32, #tpu.memory_space<vmem>>, vector<1x1x16xf32>,
    %get3A_1213 = vector.shape_cast %get3A_1212 : vector<1x1x16xf32> to vector<16xf32>
    %select_n3A_1214 = arith.select %eq3A_1206, %get3A_1213, %broadcast_in_dim3A_334 : vector<16xf32>
    %add3A_1215 = arith.addf %add3A_1204, %select_n3A_1214 : vector<16xf32>
    %eq3A_1216 = arith.constant 5 : i32
    %eq3A_1217 = arith.cmpi eq, %select_n3A_1160, %eq3A_1216 : i32
    %get3A_1218 = arith.constant 3 : i32
    %get3A_1219 = arith.constant 3 : i32
    %get3A_1220 = arith.index_cast %get3A_1218 : i32 to index
    %get3A_1221 = arith.index_cast %get3A_1219 : i32 to index
    %get3A_1222 = arith.constant 80 : index
    %get3A_1223 = tpu.vector_load %arg6[%get3A_1220, %get3A_1221, %get3A_1222] {strides = array<i32>} : memref<8x8x128xf32, #tpu.memory_space<vmem>>, vector<1x1x16xf32>,
    %get3A_1224 = vector.shape_cast %get3A_1223 : vector<1x1x16xf32> to vector<16xf32>
    %select_n3A_1225 = arith.select %eq3A_1217, %get3A_1224, %broadcast_in_dim3A_334 : vector<16xf32>
    %add3A_1226 = arith.addf %add3A_1215, %select_n3A_1225 : vector<16xf32>
    %eq3A_1227 = arith.constant 6 : i32
    %eq3A_1228 = arith.cmpi eq, %select_n3A_1160, %eq3A_1227 : i32
    %get3A_1229 = arith.constant 3 : i32
    %get3A_1230 = arith.constant 3 : i32
    %get3A_1231 = arith.index_cast %get3A_1229 : i32 to index
    %get3A_1232 = arith.index_cast %get3A_1230 : i32 to index
    %get3A_1233 = arith.constant 96 : index
    %get3A_1234 = tpu.vector_load %arg6[%get3A_1231, %get3A_1232, %get3A_1233] {strides = array<i32>} : memref<8x8x128xf32, #tpu.memory_space<vmem>>, vector<1x1x16xf32>,
    %get3A_1235 = vector.shape_cast %get3A_1234 : vector<1x1x16xf32> to vector<16xf32>
    %select_n3A_1236 = arith.select %eq3A_1228, %get3A_1235, %broadcast_in_dim3A_334 : vector<16xf32>
    %add3A_1237 = arith.addf %add3A_1226, %select_n3A_1236 : vector<16xf32>
    %eq3A_1238 = arith.constant 7 : i32
    %eq3A_1239 = arith.cmpi eq, %select_n3A_1160, %eq3A_1238 : i32
    %get3A_1240 = arith.constant 3 : i32
    %get3A_1241 = arith.constant 3 : i32
    %get3A_1242 = arith.index_cast %get3A_1240 : i32 to index
    %get3A_1243 = arith.index_cast %get3A_1241 : i32 to index
    %get3A_1244 = arith.constant 112 : index
    %get3A_1245 = tpu.vector_load %arg6[%get3A_1242, %get3A_1243, %get3A_1244] {strides = array<i32>} : memref<8x8x128xf32, #tpu.memory_space<vmem>>, vector<1x1x16xf32>,
    %get3A_1246 = vector.shape_cast %get3A_1245 : vector<1x1x16xf32> to vector<16xf32>
    %select_n3A_1247 = arith.select %eq3A_1239, %get3A_1246, %broadcast_in_dim3A_334 : vector<16xf32>
    %add3A_1248 = arith.addf %add3A_1237, %select_n3A_1247 : vector<16xf32>
    %slice3A_1249 = vector.extract_strided_slice %get3A_4 {offsets = [3], sizes = [1], strides = [1]} : vector<16xi32> to vector<1xi32>
    %squeeze3A_1250 = vector.extract %slice3A_1249[0] : i32 from vector<1xi32>
    %jit3A_1251 = arith.constant 16 : i32
    %eq3A_1252 = arith.constant 0 : i32
    %eq3A_1253 = arith.cmpi eq, %jit3A_1251, %eq3A_1252 : i32
    %jit3A_1254 = arith.constant 1 : i32
    %select_n3A_1255 = arith.select %eq3A_1253, %jit3A_1254, %jit3A_1251 : i32
    %rem3A_1256 = arith.remsi %squeeze3A_1250, %select_n3A_1255 : i32
    %ne3A_1257 = arith.constant 0 : i32
    %ne3A_1258 = arith.cmpi ne, %rem3A_1256, %ne3A_1257 : i32
    %lt3A_1259 = arith.constant 0 : i32
    %lt3A_1260 = arith.cmpi slt, %rem3A_1256, %lt3A_1259 : i32
    %lt3A_1261 = arith.constant 0 : i32
    %lt3A_1262 = arith.cmpi slt, %select_n3A_1255, %lt3A_1261 : i32
    %ne3A_1263 = arith.xori %lt3A_1260, %lt3A_1262 : i1
    %and3A_1264 = arith.andi %ne3A_1263, %ne3A_1258 : i1
    %add3A_1265 = arith.addi %rem3A_1256, %select_n3A_1255 : i32
    %select_n3A_1266 = arith.select %and3A_1264, %add3A_1265, %rem3A_1256 : i32
    %eq3A_1267 = vector.broadcast %select_n3A_1266 : i32 to vector<16xi32>
    %eq3A_1268 = arith.cmpi eq, %iota3A, %eq3A_1267 : vector<16xi32>
    %mul3A_1269 = arith.constant -8.999990e-01 : f32
    %mul3A_1270 = vector.broadcast %mul3A_1269 : f32 to vector<16xf32>
    %mul3A_1271 = arith.mulf %mul3A_1270, %add3A_1248 : vector<16xf32>
    %jit3A_1272 = arith.constant 0.000000e+00 : f32
    %broadcast_in_dim3A_1273 = vector.broadcast %jit3A_1272 : f32 to vector<16xf32>
    %select_n3A_1274 = arith.select %eq3A_1268, %mul3A_1271, %broadcast_in_dim3A_1273 : vector<16xi1>, vector<16xf32>
    %eq3A_1275 = arith.constant 0 : i32
    %eq3A_1276 = vector.broadcast %eq3A_1275 : i32 to vector<16xi32>
    %eq3A_1277 = arith.cmpi eq, %iota3A, %eq3A_1276 : vector<16xi32>
    %get3A_1278 = arith.constant 3 : i32
    %get3A_1279 = arith.index_cast %get3A_1278 : i32 to index
    %get3A_1280 = arith.constant 0 : index
    %get3A_1281 = tpu.vector_load %arg7[%get3A_1279, %get3A_1280] {strides = array<i32>} : memref<8x128xf32, #tpu.memory_space<vmem>>, vector<1x16xf32>,
    %get3A_1282 = vector.shape_cast %get3A_1281 : vector<1x16xf32> to vector<16xf32>
    %mul3A_1283 = arith.constant 1.000020e-06 : f32
    %mul3A_1284 = vector.broadcast %mul3A_1283 : f32 to vector<16xf32>
    %mul3A_1285 = arith.mulf %mul3A_1284, %get3A_1282 : vector<16xf32>
    %add3A_1286 = arith.constant -1.47637355 : f32
    %add3A_1287 = vector.broadcast %add3A_1286 : f32 to vector<16xf32>
    %add3A_1288 = arith.addf %mul3A_1285, %add3A_1287 : vector<16xf32>
    %jit3A_1289 = arith.constant 0.000000e+00 : f32
    %broadcast_in_dim3A_1290 = vector.broadcast %jit3A_1289 : f32 to vector<16xf32>
    %select_n3A_1291 = arith.select %eq3A_1277, %add3A_1288, %broadcast_in_dim3A_1290 : vector<16xi1>, vector<16xf32>
    %add3A_1292 = arith.addf %select_n3A_1274, %select_n3A_1291 : vector<16xf32>
    %mul3A_1293 = arith.constant 1.000020e-06 : f32
    %mul3A_1294 = vector.broadcast %mul3A_1293 : f32 to vector<16xf32>
    %mul3A_1295 = arith.mulf %mul3A_1294, %parallel_loop3A_472#3 : vector<16xf32>
    %sub3A_1296 = arith.subf %add3A_1292, %mul3A_1295 : vector<16xf32>
    %select_n3A_1297 = arith.select %ne3A_1118, %sub3A_1296, %broadcast_in_dim3A_334 : vector<16xf32>
    %add3A_1298 = arith.addf %add3A_1114, %select_n3A_1297 : vector<16xf32>
    %slice3A_1299 = vector.extract_strided_slice %get3A_4 {offsets = [4], sizes = [1], strides = [1]} : vector<16xi32> to vector<1xi32>
    %squeeze3A_1300 = vector.extract %slice3A_1299[0] : i32 from vector<1xi32>
    %ne3A_1301 = arith.constant 0 : i32
    %ne3A_1302 = arith.cmpi ne, %squeeze3A_1300, %ne3A_1301 : i32
    %slice3A_1303 = vector.extract_strided_slice %get3A_4 {offsets = [4], sizes = [1], strides = [1]} : vector<16xi32> to vector<1xi32>
    %squeeze3A_1304 = vector.extract %slice3A_1303[0] : i32 from vector<1xi32>
    %jit3A_1305 = arith.constant 128 : i32
    %eq3A_1306 = arith.constant 0 : i32
    %eq3A_1307 = arith.cmpi eq, %jit3A_1305, %eq3A_1306 : i32
    %jit3A_1308 = arith.constant 1 : i32
    %select_n3A_1309 = arith.select %eq3A_1307, %jit3A_1308, %jit3A_1305 : i32
    %rem3A_1310 = arith.remsi %squeeze3A_1304, %select_n3A_1309 : i32
    %ne3A_1311 = arith.constant 0 : i32
    %ne3A_1312 = arith.cmpi ne, %rem3A_1310, %ne3A_1311 : i32
    %lt3A_1313 = arith.constant 0 : i32
    %lt3A_1314 = arith.cmpi slt, %rem3A_1310, %lt3A_1313 : i32
    %lt3A_1315 = arith.constant 0 : i32
    %lt3A_1316 = arith.cmpi slt, %select_n3A_1309, %lt3A_1315 : i32
    %ne3A_1317 = arith.xori %lt3A_1314, %lt3A_1316 : i1
    %and3A_1318 = arith.andi %ne3A_1317, %ne3A_1312 : i1
    %add3A_1319 = arith.addi %rem3A_1310, %select_n3A_1309 : i32
    %select_n3A_1320 = arith.select %and3A_1318, %add3A_1319, %rem3A_1310 : i32
    %jit3A_1321 = arith.constant 16 : i32
    %div3A_1322 = arith.divsi %select_n3A_1320, %jit3A_1321 : i32
    %sign3A_1323 = arith.constant 0 : i32
    %sign3A_1324 = arith.cmpi sgt, %select_n3A_1320, %sign3A_1323 : i32
    %sign3A_1325 = arith.extui %sign3A_1324 : i1 to i32
    %sign3A_1326 = arith.constant 0 : i32
    %sign3A_1327 = arith.cmpi slt, %select_n3A_1320, %sign3A_1326 : i32
    %sign3A_1328 = arith.extui %sign3A_1327 : i1 to i32
    %sign3A_1329 = arith.subi %sign3A_1325, %sign3A_1328 : i32
    %sign3A_1330 = arith.constant 0 : i32
    %sign3A_1331 = arith.cmpi sgt, %jit3A_1321, %sign3A_1330 : i32
    %sign3A_1332 = arith.extui %sign3A_1331 : i1 to i32
    %sign3A_1333 = arith.constant 0 : i32
    %sign3A_1334 = arith.cmpi slt, %jit3A_1321, %sign3A_1333 : i32
    %sign3A_1335 = arith.extui %sign3A_1334 : i1 to i32
    %sign3A_1336 = arith.subi %sign3A_1332, %sign3A_1335 : i32
    %ne3A_1337 = arith.cmpi ne, %sign3A_1329, %sign3A_1336 : i32
    %rem3A_1338 = arith.remsi %select_n3A_1320, %jit3A_1321 : i32
    %ne3A_1339 = arith.constant 0 : i32
    %ne3A_1340 = arith.cmpi ne, %rem3A_1338, %ne3A_1339 : i32
    %and3A_1341 = arith.andi %ne3A_1337, %ne3A_1340 : i1
    %sub3A_1342 = arith.constant 1 : i32
    %sub3A_1343 = arith.subi %div3A_1322, %sub3A_1342 : i32
    %select_n3A_1344 = arith.select %and3A_1341, %sub3A_1343, %div3A_1322 : i32
    %eq3A_1345 = arith.constant 0 : i32
    %eq3A_1346 = arith.cmpi eq, %select_n3A_1344, %eq3A_1345 : i32
    %get3A_1347 = arith.constant 4 : i32
    %get3A_1348 = arith.constant 4 : i32
    %get3A_1349 = arith.index_cast %get3A_1347 : i32 to index
    %get3A_1350 = arith.index_cast %get3A_1348 : i32 to index
    %get3A_1351 = arith.constant 0 : index
    %get3A_1352 = tpu.vector_load %arg6[%get3A_1349, %get3A_1350, %get3A_1351] {strides = array<i32>} : memref<8x8x128xf32, #tpu.memory_space<vmem>>, vector<1x1x16xf32>,
    %get3A_1353 = vector.shape_cast %get3A_1352 : vector<1x1x16xf32> to vector<16xf32>
    %select_n3A_1354 = arith.select %eq3A_1346, %get3A_1353, %broadcast_in_dim3A_334 : vector<16xf32>
    %add3A_1355 = arith.addf %broadcast_in_dim3A_334, %select_n3A_1354 : vector<16xf32>
    %eq3A_1356 = arith.constant 1 : i32
    %eq3A_1357 = arith.cmpi eq, %select_n3A_1344, %eq3A_1356 : i32
    %get3A_1358 = arith.constant 4 : i32
    %get3A_1359 = arith.constant 4 : i32
    %get3A_1360 = arith.index_cast %get3A_1358 : i32 to index
    %get3A_1361 = arith.index_cast %get3A_1359 : i32 to index
    %get3A_1362 = arith.constant 16 : index
    %get3A_1363 = tpu.vector_load %arg6[%get3A_1360, %get3A_1361, %get3A_1362] {strides = array<i32>} : memref<8x8x128xf32, #tpu.memory_space<vmem>>, vector<1x1x16xf32>,
    %get3A_1364 = vector.shape_cast %get3A_1363 : vector<1x1x16xf32> to vector<16xf32>
    %select_n3A_1365 = arith.select %eq3A_1357, %get3A_1364, %broadcast_in_dim3A_334 : vector<16xf32>
    %add3A_1366 = arith.addf %add3A_1355, %select_n3A_1365 : vector<16xf32>
    %eq3A_1367 = arith.constant 2 : i32
    %eq3A_1368 = arith.cmpi eq, %select_n3A_1344, %eq3A_1367 : i32
    %get3A_1369 = arith.constant 4 : i32
    %get3A_1370 = arith.constant 4 : i32
    %get3A_1371 = arith.index_cast %get3A_1369 : i32 to index
    %get3A_1372 = arith.index_cast %get3A_1370 : i32 to index
    %get3A_1373 = arith.constant 32 : index
    %get3A_1374 = tpu.vector_load %arg6[%get3A_1371, %get3A_1372, %get3A_1373] {strides = array<i32>} : memref<8x8x128xf32, #tpu.memory_space<vmem>>, vector<1x1x16xf32>,
    %get3A_1375 = vector.shape_cast %get3A_1374 : vector<1x1x16xf32> to vector<16xf32>
    %select_n3A_1376 = arith.select %eq3A_1368, %get3A_1375, %broadcast_in_dim3A_334 : vector<16xf32>
    %add3A_1377 = arith.addf %add3A_1366, %select_n3A_1376 : vector<16xf32>
    %eq3A_1378 = arith.constant 3 : i32
    %eq3A_1379 = arith.cmpi eq, %select_n3A_1344, %eq3A_1378 : i32
    %get3A_1380 = arith.constant 4 : i32
    %get3A_1381 = arith.constant 4 : i32
    %get3A_1382 = arith.index_cast %get3A_1380 : i32 to index
    %get3A_1383 = arith.index_cast %get3A_1381 : i32 to index
    %get3A_1384 = arith.constant 48 : index
    %get3A_1385 = tpu.vector_load %arg6[%get3A_1382, %get3A_1383, %get3A_1384] {strides = array<i32>} : memref<8x8x128xf32, #tpu.memory_space<vmem>>, vector<1x1x16xf32>,
    %get3A_1386 = vector.shape_cast %get3A_1385 : vector<1x1x16xf32> to vector<16xf32>
    %select_n3A_1387 = arith.select %eq3A_1379, %get3A_1386, %broadcast_in_dim3A_334 : vector<16xf32>
    %add3A_1388 = arith.addf %add3A_1377, %select_n3A_1387 : vector<16xf32>
    %eq3A_1389 = arith.constant 4 : i32
    %eq3A_1390 = arith.cmpi eq, %select_n3A_1344, %eq3A_1389 : i32
    %get3A_1391 = arith.constant 4 : i32
    %get3A_1392 = arith.constant 4 : i32
    %get3A_1393 = arith.index_cast %get3A_1391 : i32 to index
    %get3A_1394 = arith.index_cast %get3A_1392 : i32 to index
    %get3A_1395 = arith.constant 64 : index
    %get3A_1396 = tpu.vector_load %arg6[%get3A_1393, %get3A_1394, %get3A_1395] {strides = array<i32>} : memref<8x8x128xf32, #tpu.memory_space<vmem>>, vector<1x1x16xf32>,
    %get3A_1397 = vector.shape_cast %get3A_1396 : vector<1x1x16xf32> to vector<16xf32>
    %select_n3A_1398 = arith.select %eq3A_1390, %get3A_1397, %broadcast_in_dim3A_334 : vector<16xf32>
    %add3A_1399 = arith.addf %add3A_1388, %select_n3A_1398 : vector<16xf32>
    %eq3A_1400 = arith.constant 5 : i32
    %eq3A_1401 = arith.cmpi eq, %select_n3A_1344, %eq3A_1400 : i32
    %get3A_1402 = arith.constant 4 : i32
    %get3A_1403 = arith.constant 4 : i32
    %get3A_1404 = arith.index_cast %get3A_1402 : i32 to index
    %get3A_1405 = arith.index_cast %get3A_1403 : i32 to index
    %get3A_1406 = arith.constant 80 : index
    %get3A_1407 = tpu.vector_load %arg6[%get3A_1404, %get3A_1405, %get3A_1406] {strides = array<i32>} : memref<8x8x128xf32, #tpu.memory_space<vmem>>, vector<1x1x16xf32>,
    %get3A_1408 = vector.shape_cast %get3A_1407 : vector<1x1x16xf32> to vector<16xf32>
    %select_n3A_1409 = arith.select %eq3A_1401, %get3A_1408, %broadcast_in_dim3A_334 : vector<16xf32>
    %add3A_1410 = arith.addf %add3A_1399, %select_n3A_1409 : vector<16xf32>
    %eq3A_1411 = arith.constant 6 : i32
    %eq3A_1412 = arith.cmpi eq, %select_n3A_1344, %eq3A_1411 : i32
    %get3A_1413 = arith.constant 4 : i32
    %get3A_1414 = arith.constant 4 : i32
    %get3A_1415 = arith.index_cast %get3A_1413 : i32 to index
    %get3A_1416 = arith.index_cast %get3A_1414 : i32 to index
    %get3A_1417 = arith.constant 96 : index
    %get3A_1418 = tpu.vector_load %arg6[%get3A_1415, %get3A_1416, %get3A_1417] {strides = array<i32>} : memref<8x8x128xf32, #tpu.memory_space<vmem>>, vector<1x1x16xf32>,
    %get3A_1419 = vector.shape_cast %get3A_1418 : vector<1x1x16xf32> to vector<16xf32>
    %select_n3A_1420 = arith.select %eq3A_1412, %get3A_1419, %broadcast_in_dim3A_334 : vector<16xf32>
    %add3A_1421 = arith.addf %add3A_1410, %select_n3A_1420 : vector<16xf32>
    %eq3A_1422 = arith.constant 7 : i32
    %eq3A_1423 = arith.cmpi eq, %select_n3A_1344, %eq3A_1422 : i32
    %get3A_1424 = arith.constant 4 : i32
    %get3A_1425 = arith.constant 4 : i32
    %get3A_1426 = arith.index_cast %get3A_1424 : i32 to index
    %get3A_1427 = arith.index_cast %get3A_1425 : i32 to index
    %get3A_1428 = arith.constant 112 : index
    %get3A_1429 = tpu.vector_load %arg6[%get3A_1426, %get3A_1427, %get3A_1428] {strides = array<i32>} : memref<8x8x128xf32, #tpu.memory_space<vmem>>, vector<1x1x16xf32>,
    %get3A_1430 = vector.shape_cast %get3A_1429 : vector<1x1x16xf32> to vector<16xf32>
    %select_n3A_1431 = arith.select %eq3A_1423, %get3A_1430, %broadcast_in_dim3A_334 : vector<16xf32>
    %add3A_1432 = arith.addf %add3A_1421, %select_n3A_1431 : vector<16xf32>
    %slice3A_1433 = vector.extract_strided_slice %get3A_4 {offsets = [4], sizes = [1], strides = [1]} : vector<16xi32> to vector<1xi32>
    %squeeze3A_1434 = vector.extract %slice3A_1433[0] : i32 from vector<1xi32>
    %jit3A_1435 = arith.constant 16 : i32
    %eq3A_1436 = arith.constant 0 : i32
    %eq3A_1437 = arith.cmpi eq, %jit3A_1435, %eq3A_1436 : i32
    %jit3A_1438 = arith.constant 1 : i32
    %select_n3A_1439 = arith.select %eq3A_1437, %jit3A_1438, %jit3A_1435 : i32
    %rem3A_1440 = arith.remsi %squeeze3A_1434, %select_n3A_1439 : i32
    %ne3A_1441 = arith.constant 0 : i32
    %ne3A_1442 = arith.cmpi ne, %rem3A_1440, %ne3A_1441 : i32
    %lt3A_1443 = arith.constant 0 : i32
    %lt3A_1444 = arith.cmpi slt, %rem3A_1440, %lt3A_1443 : i32
    %lt3A_1445 = arith.constant 0 : i32
    %lt3A_1446 = arith.cmpi slt, %select_n3A_1439, %lt3A_1445 : i32
    %ne3A_1447 = arith.xori %lt3A_1444, %lt3A_1446 : i1
    %and3A_1448 = arith.andi %ne3A_1447, %ne3A_1442 : i1
    %add3A_1449 = arith.addi %rem3A_1440, %select_n3A_1439 : i32
    %select_n3A_1450 = arith.select %and3A_1448, %add3A_1449, %rem3A_1440 : i32
    %eq3A_1451 = vector.broadcast %select_n3A_1450 : i32 to vector<16xi32>
    %eq3A_1452 = arith.cmpi eq, %iota3A, %eq3A_1451 : vector<16xi32>
    %mul3A_1453 = arith.constant -8.999990e-01 : f32
    %mul3A_1454 = vector.broadcast %mul3A_1453 : f32 to vector<16xf32>
    %mul3A_1455 = arith.mulf %mul3A_1454, %add3A_1432 : vector<16xf32>
    %jit3A_1456 = arith.constant 0.000000e+00 : f32
    %broadcast_in_dim3A_1457 = vector.broadcast %jit3A_1456 : f32 to vector<16xf32>
    %select_n3A_1458 = arith.select %eq3A_1452, %mul3A_1455, %broadcast_in_dim3A_1457 : vector<16xi1>, vector<16xf32>
    %eq3A_1459 = arith.constant 0 : i32
    %eq3A_1460 = vector.broadcast %eq3A_1459 : i32 to vector<16xi32>
    %eq3A_1461 = arith.cmpi eq, %iota3A, %eq3A_1460 : vector<16xi32>
    %get3A_1462 = arith.constant 4 : i32
    %get3A_1463 = arith.index_cast %get3A_1462 : i32 to index
    %get3A_1464 = arith.constant 0 : index
    %get3A_1465 = tpu.vector_load %arg7[%get3A_1463, %get3A_1464] {strides = array<i32>} : memref<8x128xf32, #tpu.memory_space<vmem>>, vector<1x16xf32>,
    %get3A_1466 = vector.shape_cast %get3A_1465 : vector<1x16xf32> to vector<16xf32>
    %mul3A_1467 = arith.constant 1.000020e-06 : f32
    %mul3A_1468 = vector.broadcast %mul3A_1467 : f32 to vector<16xf32>
    %mul3A_1469 = arith.mulf %mul3A_1468, %get3A_1466 : vector<16xf32>
    %add3A_1470 = arith.constant -1.47637355 : f32
    %add3A_1471 = vector.broadcast %add3A_1470 : f32 to vector<16xf32>
    %add3A_1472 = arith.addf %mul3A_1469, %add3A_1471 : vector<16xf32>
    %jit3A_1473 = arith.constant 0.000000e+00 : f32
    %broadcast_in_dim3A_1474 = vector.broadcast %jit3A_1473 : f32 to vector<16xf32>
    %select_n3A_1475 = arith.select %eq3A_1461, %add3A_1472, %broadcast_in_dim3A_1474 : vector<16xi1>, vector<16xf32>
    %add3A_1476 = arith.addf %select_n3A_1458, %select_n3A_1475 : vector<16xf32>
    %mul3A_1477 = arith.constant 1.000020e-06 : f32
    %mul3A_1478 = vector.broadcast %mul3A_1477 : f32 to vector<16xf32>
    %mul3A_1479 = arith.mulf %mul3A_1478, %parallel_loop3A_472#4 : vector<16xf32>
    %sub3A_1480 = arith.subf %add3A_1476, %mul3A_1479 : vector<16xf32>
    %select_n3A_1481 = arith.select %ne3A_1302, %sub3A_1480, %broadcast_in_dim3A_334 : vector<16xf32>
    %add3A_1482 = arith.addf %add3A_1298, %select_n3A_1481 : vector<16xf32>
    %slice3A_1483 = vector.extract_strided_slice %get3A_4 {offsets = [5], sizes = [1], strides = [1]} : vector<16xi32> to vector<1xi32>
    %squeeze3A_1484 = vector.extract %slice3A_1483[0] : i32 from vector<1xi32>
    %ne3A_1485 = arith.constant 0 : i32
    %ne3A_1486 = arith.cmpi ne, %squeeze3A_1484, %ne3A_1485 : i32
    %slice3A_1487 = vector.extract_strided_slice %get3A_4 {offsets = [5], sizes = [1], strides = [1]} : vector<16xi32> to vector<1xi32>
    %squeeze3A_1488 = vector.extract %slice3A_1487[0] : i32 from vector<1xi32>
    %jit3A_1489 = arith.constant 128 : i32
    %eq3A_1490 = arith.constant 0 : i32
    %eq3A_1491 = arith.cmpi eq, %jit3A_1489, %eq3A_1490 : i32
    %jit3A_1492 = arith.constant 1 : i32
    %select_n3A_1493 = arith.select %eq3A_1491, %jit3A_1492, %jit3A_1489 : i32
    %rem3A_1494 = arith.remsi %squeeze3A_1488, %select_n3A_1493 : i32
    %ne3A_1495 = arith.constant 0 : i32
    %ne3A_1496 = arith.cmpi ne, %rem3A_1494, %ne3A_1495 : i32
    %lt3A_1497 = arith.constant 0 : i32
    %lt3A_1498 = arith.cmpi slt, %rem3A_1494, %lt3A_1497 : i32
    %lt3A_1499 = arith.constant 0 : i32
    %lt3A_1500 = arith.cmpi slt, %select_n3A_1493, %lt3A_1499 : i32
    %ne3A_1501 = arith.xori %lt3A_1498, %lt3A_1500 : i1
    %and3A_1502 = arith.andi %ne3A_1501, %ne3A_1496 : i1
    %add3A_1503 = arith.addi %rem3A_1494, %select_n3A_1493 : i32
    %select_n3A_1504 = arith.select %and3A_1502, %add3A_1503, %rem3A_1494 : i32
    %jit3A_1505 = arith.constant 16 : i32
    %div3A_1506 = arith.divsi %select_n3A_1504, %jit3A_1505 : i32
    %sign3A_1507 = arith.constant 0 : i32
    %sign3A_1508 = arith.cmpi sgt, %select_n3A_1504, %sign3A_1507 : i32
    %sign3A_1509 = arith.extui %sign3A_1508 : i1 to i32
    %sign3A_1510 = arith.constant 0 : i32
    %sign3A_1511 = arith.cmpi slt, %select_n3A_1504, %sign3A_1510 : i32
    %sign3A_1512 = arith.extui %sign3A_1511 : i1 to i32
    %sign3A_1513 = arith.subi %sign3A_1509, %sign3A_1512 : i32
    %sign3A_1514 = arith.constant 0 : i32
    %sign3A_1515 = arith.cmpi sgt, %jit3A_1505, %sign3A_1514 : i32
    %sign3A_1516 = arith.extui %sign3A_1515 : i1 to i32
    %sign3A_1517 = arith.constant 0 : i32
    %sign3A_1518 = arith.cmpi slt, %jit3A_1505, %sign3A_1517 : i32
    %sign3A_1519 = arith.extui %sign3A_1518 : i1 to i32
    %sign3A_1520 = arith.subi %sign3A_1516, %sign3A_1519 : i32
    %ne3A_1521 = arith.cmpi ne, %sign3A_1513, %sign3A_1520 : i32
    %rem3A_1522 = arith.remsi %select_n3A_1504, %jit3A_1505 : i32
    %ne3A_1523 = arith.constant 0 : i32
    %ne3A_1524 = arith.cmpi ne, %rem3A_1522, %ne3A_1523 : i32
    %and3A_1525 = arith.andi %ne3A_1521, %ne3A_1524 : i1
    %sub3A_1526 = arith.constant 1 : i32
    %sub3A_1527 = arith.subi %div3A_1506, %sub3A_1526 : i32
    %select_n3A_1528 = arith.select %and3A_1525, %sub3A_1527, %div3A_1506 : i32
    %eq3A_1529 = arith.constant 0 : i32
    %eq3A_1530 = arith.cmpi eq, %select_n3A_1528, %eq3A_1529 : i32
    %get3A_1531 = arith.constant 5 : i32
    %get3A_1532 = arith.constant 5 : i32
    %get3A_1533 = arith.index_cast %get3A_1531 : i32 to index
    %get3A_1534 = arith.index_cast %get3A_1532 : i32 to index
    %get3A_1535 = arith.constant 0 : index
    %get3A_1536 = tpu.vector_load %arg6[%get3A_1533, %get3A_1534, %get3A_1535] {strides = array<i32>} : memref<8x8x128xf32, #tpu.memory_space<vmem>>, vector<1x1x16xf32>,
    %get3A_1537 = vector.shape_cast %get3A_1536 : vector<1x1x16xf32> to vector<16xf32>
    %select_n3A_1538 = arith.select %eq3A_1530, %get3A_1537, %broadcast_in_dim3A_334 : vector<16xf32>
    %add3A_1539 = arith.addf %broadcast_in_dim3A_334, %select_n3A_1538 : vector<16xf32>
    %eq3A_1540 = arith.constant 1 : i32
    %eq3A_1541 = arith.cmpi eq, %select_n3A_1528, %eq3A_1540 : i32
    %get3A_1542 = arith.constant 5 : i32
    %get3A_1543 = arith.constant 5 : i32
    %get3A_1544 = arith.index_cast %get3A_1542 : i32 to index
    %get3A_1545 = arith.index_cast %get3A_1543 : i32 to index
    %get3A_1546 = arith.constant 16 : index
    %get3A_1547 = tpu.vector_load %arg6[%get3A_1544, %get3A_1545, %get3A_1546] {strides = array<i32>} : memref<8x8x128xf32, #tpu.memory_space<vmem>>, vector<1x1x16xf32>,
    %get3A_1548 = vector.shape_cast %get3A_1547 : vector<1x1x16xf32> to vector<16xf32>
    %select_n3A_1549 = arith.select %eq3A_1541, %get3A_1548, %broadcast_in_dim3A_334 : vector<16xf32>
    %add3A_1550 = arith.addf %add3A_1539, %select_n3A_1549 : vector<16xf32>
    %eq3A_1551 = arith.constant 2 : i32
    %eq3A_1552 = arith.cmpi eq, %select_n3A_1528, %eq3A_1551 : i32
    %get3A_1553 = arith.constant 5 : i32
    %get3A_1554 = arith.constant 5 : i32
    %get3A_1555 = arith.index_cast %get3A_1553 : i32 to index
    %get3A_1556 = arith.index_cast %get3A_1554 : i32 to index
    %get3A_1557 = arith.constant 32 : index
    %get3A_1558 = tpu.vector_load %arg6[%get3A_1555, %get3A_1556, %get3A_1557] {strides = array<i32>} : memref<8x8x128xf32, #tpu.memory_space<vmem>>, vector<1x1x16xf32>,
    %get3A_1559 = vector.shape_cast %get3A_1558 : vector<1x1x16xf32> to vector<16xf32>
    %select_n3A_1560 = arith.select %eq3A_1552, %get3A_1559, %broadcast_in_dim3A_334 : vector<16xf32>
    %add3A_1561 = arith.addf %add3A_1550, %select_n3A_1560 : vector<16xf32>
    %eq3A_1562 = arith.constant 3 : i32
    %eq3A_1563 = arith.cmpi eq, %select_n3A_1528, %eq3A_1562 : i32
    %get3A_1564 = arith.constant 5 : i32
    %get3A_1565 = arith.constant 5 : i32
    %get3A_1566 = arith.index_cast %get3A_1564 : i32 to index
    %get3A_1567 = arith.index_cast %get3A_1565 : i32 to index
    %get3A_1568 = arith.constant 48 : index
    %get3A_1569 = tpu.vector_load %arg6[%get3A_1566, %get3A_1567, %get3A_1568] {strides = array<i32>} : memref<8x8x128xf32, #tpu.memory_space<vmem>>, vector<1x1x16xf32>,
    %get3A_1570 = vector.shape_cast %get3A_1569 : vector<1x1x16xf32> to vector<16xf32>
    %select_n3A_1571 = arith.select %eq3A_1563, %get3A_1570, %broadcast_in_dim3A_334 : vector<16xf32>
    %add3A_1572 = arith.addf %add3A_1561, %select_n3A_1571 : vector<16xf32>
    %eq3A_1573 = arith.constant 4 : i32
    %eq3A_1574 = arith.cmpi eq, %select_n3A_1528, %eq3A_1573 : i32
    %get3A_1575 = arith.constant 5 : i32
    %get3A_1576 = arith.constant 5 : i32
    %get3A_1577 = arith.index_cast %get3A_1575 : i32 to index
    %get3A_1578 = arith.index_cast %get3A_1576 : i32 to index
    %get3A_1579 = arith.constant 64 : index
    %get3A_1580 = tpu.vector_load %arg6[%get3A_1577, %get3A_1578, %get3A_1579] {strides = array<i32>} : memref<8x8x128xf32, #tpu.memory_space<vmem>>, vector<1x1x16xf32>,
    %get3A_1581 = vector.shape_cast %get3A_1580 : vector<1x1x16xf32> to vector<16xf32>
    %select_n3A_1582 = arith.select %eq3A_1574, %get3A_1581, %broadcast_in_dim3A_334 : vector<16xf32>
    %add3A_1583 = arith.addf %add3A_1572, %select_n3A_1582 : vector<16xf32>
    %eq3A_1584 = arith.constant 5 : i32
    %eq3A_1585 = arith.cmpi eq, %select_n3A_1528, %eq3A_1584 : i32
    %get3A_1586 = arith.constant 5 : i32
    %get3A_1587 = arith.constant 5 : i32
    %get3A_1588 = arith.index_cast %get3A_1586 : i32 to index
    %get3A_1589 = arith.index_cast %get3A_1587 : i32 to index
    %get3A_1590 = arith.constant 80 : index
    %get3A_1591 = tpu.vector_load %arg6[%get3A_1588, %get3A_1589, %get3A_1590] {strides = array<i32>} : memref<8x8x128xf32, #tpu.memory_space<vmem>>, vector<1x1x16xf32>,
    %get3A_1592 = vector.shape_cast %get3A_1591 : vector<1x1x16xf32> to vector<16xf32>
    %select_n3A_1593 = arith.select %eq3A_1585, %get3A_1592, %broadcast_in_dim3A_334 : vector<16xf32>
    %add3A_1594 = arith.addf %add3A_1583, %select_n3A_1593 : vector<16xf32>
    %eq3A_1595 = arith.constant 6 : i32
    %eq3A_1596 = arith.cmpi eq, %select_n3A_1528, %eq3A_1595 : i32
    %get3A_1597 = arith.constant 5 : i32
    %get3A_1598 = arith.constant 5 : i32
    %get3A_1599 = arith.index_cast %get3A_1597 : i32 to index
    %get3A_1600 = arith.index_cast %get3A_1598 : i32 to index
    %get3A_1601 = arith.constant 96 : index
    %get3A_1602 = tpu.vector_load %arg6[%get3A_1599, %get3A_1600, %get3A_1601] {strides = array<i32>} : memref<8x8x128xf32, #tpu.memory_space<vmem>>, vector<1x1x16xf32>,
    %get3A_1603 = vector.shape_cast %get3A_1602 : vector<1x1x16xf32> to vector<16xf32>
    %select_n3A_1604 = arith.select %eq3A_1596, %get3A_1603, %broadcast_in_dim3A_334 : vector<16xf32>
    %add3A_1605 = arith.addf %add3A_1594, %select_n3A_1604 : vector<16xf32>
    %eq3A_1606 = arith.constant 7 : i32
    %eq3A_1607 = arith.cmpi eq, %select_n3A_1528, %eq3A_1606 : i32
    %get3A_1608 = arith.constant 5 : i32
    %get3A_1609 = arith.constant 5 : i32
    %get3A_1610 = arith.index_cast %get3A_1608 : i32 to index
    %get3A_1611 = arith.index_cast %get3A_1609 : i32 to index
    %get3A_1612 = arith.constant 112 : index
    %get3A_1613 = tpu.vector_load %arg6[%get3A_1610, %get3A_1611, %get3A_1612] {strides = array<i32>} : memref<8x8x128xf32, #tpu.memory_space<vmem>>, vector<1x1x16xf32>,
    %get3A_1614 = vector.shape_cast %get3A_1613 : vector<1x1x16xf32> to vector<16xf32>
    %select_n3A_1615 = arith.select %eq3A_1607, %get3A_1614, %broadcast_in_dim3A_334 : vector<16xf32>
    %add3A_1616 = arith.addf %add3A_1605, %select_n3A_1615 : vector<16xf32>
    %slice3A_1617 = vector.extract_strided_slice %get3A_4 {offsets = [5], sizes = [1], strides = [1]} : vector<16xi32> to vector<1xi32>
    %squeeze3A_1618 = vector.extract %slice3A_1617[0] : i32 from vector<1xi32>
    %jit3A_1619 = arith.constant 16 : i32
    %eq3A_1620 = arith.constant 0 : i32
    %eq3A_1621 = arith.cmpi eq, %jit3A_1619, %eq3A_1620 : i32
    %jit3A_1622 = arith.constant 1 : i32
    %select_n3A_1623 = arith.select %eq3A_1621, %jit3A_1622, %jit3A_1619 : i32
    %rem3A_1624 = arith.remsi %squeeze3A_1618, %select_n3A_1623 : i32
    %ne3A_1625 = arith.constant 0 : i32
    %ne3A_1626 = arith.cmpi ne, %rem3A_1624, %ne3A_1625 : i32
    %lt3A_1627 = arith.constant 0 : i32
    %lt3A_1628 = arith.cmpi slt, %rem3A_1624, %lt3A_1627 : i32
    %lt3A_1629 = arith.constant 0 : i32
    %lt3A_1630 = arith.cmpi slt, %select_n3A_1623, %lt3A_1629 : i32
    %ne3A_1631 = arith.xori %lt3A_1628, %lt3A_1630 : i1
    %and3A_1632 = arith.andi %ne3A_1631, %ne3A_1626 : i1
    %add3A_1633 = arith.addi %rem3A_1624, %select_n3A_1623 : i32
    %select_n3A_1634 = arith.select %and3A_1632, %add3A_1633, %rem3A_1624 : i32
    %eq3A_1635 = vector.broadcast %select_n3A_1634 : i32 to vector<16xi32>
    %eq3A_1636 = arith.cmpi eq, %iota3A, %eq3A_1635 : vector<16xi32>
    %mul3A_1637 = arith.constant -8.999990e-01 : f32
    %mul3A_1638 = vector.broadcast %mul3A_1637 : f32 to vector<16xf32>
    %mul3A_1639 = arith.mulf %mul3A_1638, %add3A_1616 : vector<16xf32>
    %jit3A_1640 = arith.constant 0.000000e+00 : f32
    %broadcast_in_dim3A_1641 = vector.broadcast %jit3A_1640 : f32 to vector<16xf32>
    %select_n3A_1642 = arith.select %eq3A_1636, %mul3A_1639, %broadcast_in_dim3A_1641 : vector<16xi1>, vector<16xf32>
    %eq3A_1643 = arith.constant 0 : i32
    %eq3A_1644 = vector.broadcast %eq3A_1643 : i32 to vector<16xi32>
    %eq3A_1645 = arith.cmpi eq, %iota3A, %eq3A_1644 : vector<16xi32>
    %get3A_1646 = arith.constant 5 : i32
    %get3A_1647 = arith.index_cast %get3A_1646 : i32 to index
    %get3A_1648 = arith.constant 0 : index
    %get3A_1649 = tpu.vector_load %arg7[%get3A_1647, %get3A_1648] {strides = array<i32>} : memref<8x128xf32, #tpu.memory_space<vmem>>, vector<1x16xf32>,
    %get3A_1650 = vector.shape_cast %get3A_1649 : vector<1x16xf32> to vector<16xf32>
    %mul3A_1651 = arith.constant 1.000020e-06 : f32
    %mul3A_1652 = vector.broadcast %mul3A_1651 : f32 to vector<16xf32>
    %mul3A_1653 = arith.mulf %mul3A_1652, %get3A_1650 : vector<16xf32>
    %add3A_1654 = arith.constant -1.47637355 : f32
    %add3A_1655 = vector.broadcast %add3A_1654 : f32 to vector<16xf32>
    %add3A_1656 = arith.addf %mul3A_1653, %add3A_1655 : vector<16xf32>
    %jit3A_1657 = arith.constant 0.000000e+00 : f32
    %broadcast_in_dim3A_1658 = vector.broadcast %jit3A_1657 : f32 to vector<16xf32>
    %select_n3A_1659 = arith.select %eq3A_1645, %add3A_1656, %broadcast_in_dim3A_1658 : vector<16xi1>, vector<16xf32>
    %add3A_1660 = arith.addf %select_n3A_1642, %select_n3A_1659 : vector<16xf32>
    %mul3A_1661 = arith.constant 1.000020e-06 : f32
    %mul3A_1662 = vector.broadcast %mul3A_1661 : f32 to vector<16xf32>
    %mul3A_1663 = arith.mulf %mul3A_1662, %parallel_loop3A_472#5 : vector<16xf32>
    %sub3A_1664 = arith.subf %add3A_1660, %mul3A_1663 : vector<16xf32>
    %select_n3A_1665 = arith.select %ne3A_1486, %sub3A_1664, %broadcast_in_dim3A_334 : vector<16xf32>
    %add3A_1666 = arith.addf %add3A_1482, %select_n3A_1665 : vector<16xf32>
    %slice3A_1667 = vector.extract_strided_slice %get3A_4 {offsets = [6], sizes = [1], strides = [1]} : vector<16xi32> to vector<1xi32>
    %squeeze3A_1668 = vector.extract %slice3A_1667[0] : i32 from vector<1xi32>
    %ne3A_1669 = arith.constant 0 : i32
    %ne3A_1670 = arith.cmpi ne, %squeeze3A_1668, %ne3A_1669 : i32
    %slice3A_1671 = vector.extract_strided_slice %get3A_4 {offsets = [6], sizes = [1], strides = [1]} : vector<16xi32> to vector<1xi32>
    %squeeze3A_1672 = vector.extract %slice3A_1671[0] : i32 from vector<1xi32>
    %jit3A_1673 = arith.constant 128 : i32
    %eq3A_1674 = arith.constant 0 : i32
    %eq3A_1675 = arith.cmpi eq, %jit3A_1673, %eq3A_1674 : i32
    %jit3A_1676 = arith.constant 1 : i32
    %select_n3A_1677 = arith.select %eq3A_1675, %jit3A_1676, %jit3A_1673 : i32
    %rem3A_1678 = arith.remsi %squeeze3A_1672, %select_n3A_1677 : i32
    %ne3A_1679 = arith.constant 0 : i32
    %ne3A_1680 = arith.cmpi ne, %rem3A_1678, %ne3A_1679 : i32
    %lt3A_1681 = arith.constant 0 : i32
    %lt3A_1682 = arith.cmpi slt, %rem3A_1678, %lt3A_1681 : i32
    %lt3A_1683 = arith.constant 0 : i32
    %lt3A_1684 = arith.cmpi slt, %select_n3A_1677, %lt3A_1683 : i32
    %ne3A_1685 = arith.xori %lt3A_1682, %lt3A_1684 : i1
    %and3A_1686 = arith.andi %ne3A_1685, %ne3A_1680 : i1
    %add3A_1687 = arith.addi %rem3A_1678, %select_n3A_1677 : i32
    %select_n3A_1688 = arith.select %and3A_1686, %add3A_1687, %rem3A_1678 : i32
    %jit3A_1689 = arith.constant 16 : i32
    %div3A_1690 = arith.divsi %select_n3A_1688, %jit3A_1689 : i32
    %sign3A_1691 = arith.constant 0 : i32
    %sign3A_1692 = arith.cmpi sgt, %select_n3A_1688, %sign3A_1691 : i32
    %sign3A_1693 = arith.extui %sign3A_1692 : i1 to i32
    %sign3A_1694 = arith.constant 0 : i32
    %sign3A_1695 = arith.cmpi slt, %select_n3A_1688, %sign3A_1694 : i32
    %sign3A_1696 = arith.extui %sign3A_1695 : i1 to i32
    %sign3A_1697 = arith.subi %sign3A_1693, %sign3A_1696 : i32
    %sign3A_1698 = arith.constant 0 : i32
    %sign3A_1699 = arith.cmpi sgt, %jit3A_1689, %sign3A_1698 : i32
    %sign3A_1700 = arith.extui %sign3A_1699 : i1 to i32
    %sign3A_1701 = arith.constant 0 : i32
    %sign3A_1702 = arith.cmpi slt, %jit3A_1689, %sign3A_1701 : i32
    %sign3A_1703 = arith.extui %sign3A_1702 : i1 to i32
    %sign3A_1704 = arith.subi %sign3A_1700, %sign3A_1703 : i32
    %ne3A_1705 = arith.cmpi ne, %sign3A_1697, %sign3A_1704 : i32
    %rem3A_1706 = arith.remsi %select_n3A_1688, %jit3A_1689 : i32
    %ne3A_1707 = arith.constant 0 : i32
    %ne3A_1708 = arith.cmpi ne, %rem3A_1706, %ne3A_1707 : i32
    %and3A_1709 = arith.andi %ne3A_1705, %ne3A_1708 : i1
    %sub3A_1710 = arith.constant 1 : i32
    %sub3A_1711 = arith.subi %div3A_1690, %sub3A_1710 : i32
    %select_n3A_1712 = arith.select %and3A_1709, %sub3A_1711, %div3A_1690 : i32
    %eq3A_1713 = arith.constant 0 : i32
    %eq3A_1714 = arith.cmpi eq, %select_n3A_1712, %eq3A_1713 : i32
    %get3A_1715 = arith.constant 6 : i32
    %get3A_1716 = arith.constant 6 : i32
    %get3A_1717 = arith.index_cast %get3A_1715 : i32 to index
    %get3A_1718 = arith.index_cast %get3A_1716 : i32 to index
    %get3A_1719 = arith.constant 0 : index
    %get3A_1720 = tpu.vector_load %arg6[%get3A_1717, %get3A_1718, %get3A_1719] {strides = array<i32>} : memref<8x8x128xf32, #tpu.memory_space<vmem>>, vector<1x1x16xf32>,
    %get3A_1721 = vector.shape_cast %get3A_1720 : vector<1x1x16xf32> to vector<16xf32>
    %select_n3A_1722 = arith.select %eq3A_1714, %get3A_1721, %broadcast_in_dim3A_334 : vector<16xf32>
    %add3A_1723 = arith.addf %broadcast_in_dim3A_334, %select_n3A_1722 : vector<16xf32>
    %eq3A_1724 = arith.constant 1 : i32
    %eq3A_1725 = arith.cmpi eq, %select_n3A_1712, %eq3A_1724 : i32
    %get3A_1726 = arith.constant 6 : i32
    %get3A_1727 = arith.constant 6 : i32
    %get3A_1728 = arith.index_cast %get3A_1726 : i32 to index
    %get3A_1729 = arith.index_cast %get3A_1727 : i32 to index
    %get3A_1730 = arith.constant 16 : index
    %get3A_1731 = tpu.vector_load %arg6[%get3A_1728, %get3A_1729, %get3A_1730] {strides = array<i32>} : memref<8x8x128xf32, #tpu.memory_space<vmem>>, vector<1x1x16xf32>,
    %get3A_1732 = vector.shape_cast %get3A_1731 : vector<1x1x16xf32> to vector<16xf32>
    %select_n3A_1733 = arith.select %eq3A_1725, %get3A_1732, %broadcast_in_dim3A_334 : vector<16xf32>
    %add3A_1734 = arith.addf %add3A_1723, %select_n3A_1733 : vector<16xf32>
    %eq3A_1735 = arith.constant 2 : i32
    %eq3A_1736 = arith.cmpi eq, %select_n3A_1712, %eq3A_1735 : i32
    %get3A_1737 = arith.constant 6 : i32
    %get3A_1738 = arith.constant 6 : i32
    %get3A_1739 = arith.index_cast %get3A_1737 : i32 to index
    %get3A_1740 = arith.index_cast %get3A_1738 : i32 to index
    %get3A_1741 = arith.constant 32 : index
    %get3A_1742 = tpu.vector_load %arg6[%get3A_1739, %get3A_1740, %get3A_1741] {strides = array<i32>} : memref<8x8x128xf32, #tpu.memory_space<vmem>>, vector<1x1x16xf32>,
    %get3A_1743 = vector.shape_cast %get3A_1742 : vector<1x1x16xf32> to vector<16xf32>
    %select_n3A_1744 = arith.select %eq3A_1736, %get3A_1743, %broadcast_in_dim3A_334 : vector<16xf32>
    %add3A_1745 = arith.addf %add3A_1734, %select_n3A_1744 : vector<16xf32>
    %eq3A_1746 = arith.constant 3 : i32
    %eq3A_1747 = arith.cmpi eq, %select_n3A_1712, %eq3A_1746 : i32
    %get3A_1748 = arith.constant 6 : i32
    %get3A_1749 = arith.constant 6 : i32
    %get3A_1750 = arith.index_cast %get3A_1748 : i32 to index
    %get3A_1751 = arith.index_cast %get3A_1749 : i32 to index
    %get3A_1752 = arith.constant 48 : index
    %get3A_1753 = tpu.vector_load %arg6[%get3A_1750, %get3A_1751, %get3A_1752] {strides = array<i32>} : memref<8x8x128xf32, #tpu.memory_space<vmem>>, vector<1x1x16xf32>,
    %get3A_1754 = vector.shape_cast %get3A_1753 : vector<1x1x16xf32> to vector<16xf32>
    %select_n3A_1755 = arith.select %eq3A_1747, %get3A_1754, %broadcast_in_dim3A_334 : vector<16xf32>
    %add3A_1756 = arith.addf %add3A_1745, %select_n3A_1755 : vector<16xf32>
    %eq3A_1757 = arith.constant 4 : i32
    %eq3A_1758 = arith.cmpi eq, %select_n3A_1712, %eq3A_1757 : i32
    %get3A_1759 = arith.constant 6 : i32
    %get3A_1760 = arith.constant 6 : i32
    %get3A_1761 = arith.index_cast %get3A_1759 : i32 to index
    %get3A_1762 = arith.index_cast %get3A_1760 : i32 to index
    %get3A_1763 = arith.constant 64 : index
    %get3A_1764 = tpu.vector_load %arg6[%get3A_1761, %get3A_1762, %get3A_1763] {strides = array<i32>} : memref<8x8x128xf32, #tpu.memory_space<vmem>>, vector<1x1x16xf32>,
    %get3A_1765 = vector.shape_cast %get3A_1764 : vector<1x1x16xf32> to vector<16xf32>
    %select_n3A_1766 = arith.select %eq3A_1758, %get3A_1765, %broadcast_in_dim3A_334 : vector<16xf32>
    %add3A_1767 = arith.addf %add3A_1756, %select_n3A_1766 : vector<16xf32>
    %eq3A_1768 = arith.constant 5 : i32
    %eq3A_1769 = arith.cmpi eq, %select_n3A_1712, %eq3A_1768 : i32
    %get3A_1770 = arith.constant 6 : i32
    %get3A_1771 = arith.constant 6 : i32
    %get3A_1772 = arith.index_cast %get3A_1770 : i32 to index
    %get3A_1773 = arith.index_cast %get3A_1771 : i32 to index
    %get3A_1774 = arith.constant 80 : index
    %get3A_1775 = tpu.vector_load %arg6[%get3A_1772, %get3A_1773, %get3A_1774] {strides = array<i32>} : memref<8x8x128xf32, #tpu.memory_space<vmem>>, vector<1x1x16xf32>,
    %get3A_1776 = vector.shape_cast %get3A_1775 : vector<1x1x16xf32> to vector<16xf32>
    %select_n3A_1777 = arith.select %eq3A_1769, %get3A_1776, %broadcast_in_dim3A_334 : vector<16xf32>
    %add3A_1778 = arith.addf %add3A_1767, %select_n3A_1777 : vector<16xf32>
    %eq3A_1779 = arith.constant 6 : i32
    %eq3A_1780 = arith.cmpi eq, %select_n3A_1712, %eq3A_1779 : i32
    %get3A_1781 = arith.constant 6 : i32
    %get3A_1782 = arith.constant 6 : i32
    %get3A_1783 = arith.index_cast %get3A_1781 : i32 to index
    %get3A_1784 = arith.index_cast %get3A_1782 : i32 to index
    %get3A_1785 = arith.constant 96 : index
    %get3A_1786 = tpu.vector_load %arg6[%get3A_1783, %get3A_1784, %get3A_1785] {strides = array<i32>} : memref<8x8x128xf32, #tpu.memory_space<vmem>>, vector<1x1x16xf32>,
    %get3A_1787 = vector.shape_cast %get3A_1786 : vector<1x1x16xf32> to vector<16xf32>
    %select_n3A_1788 = arith.select %eq3A_1780, %get3A_1787, %broadcast_in_dim3A_334 : vector<16xf32>
    %add3A_1789 = arith.addf %add3A_1778, %select_n3A_1788 : vector<16xf32>
    %eq3A_1790 = arith.constant 7 : i32
    %eq3A_1791 = arith.cmpi eq, %select_n3A_1712, %eq3A_1790 : i32
    %get3A_1792 = arith.constant 6 : i32
    %get3A_1793 = arith.constant 6 : i32
    %get3A_1794 = arith.index_cast %get3A_1792 : i32 to index
    %get3A_1795 = arith.index_cast %get3A_1793 : i32 to index
    %get3A_1796 = arith.constant 112 : index
    %get3A_1797 = tpu.vector_load %arg6[%get3A_1794, %get3A_1795, %get3A_1796] {strides = array<i32>} : memref<8x8x128xf32, #tpu.memory_space<vmem>>, vector<1x1x16xf32>,
    %get3A_1798 = vector.shape_cast %get3A_1797 : vector<1x1x16xf32> to vector<16xf32>
    %select_n3A_1799 = arith.select %eq3A_1791, %get3A_1798, %broadcast_in_dim3A_334 : vector<16xf32>
    %add3A_1800 = arith.addf %add3A_1789, %select_n3A_1799 : vector<16xf32>
    %slice3A_1801 = vector.extract_strided_slice %get3A_4 {offsets = [6], sizes = [1], strides = [1]} : vector<16xi32> to vector<1xi32>
    %squeeze3A_1802 = vector.extract %slice3A_1801[0] : i32 from vector<1xi32>
    %jit3A_1803 = arith.constant 16 : i32
    %eq3A_1804 = arith.constant 0 : i32
    %eq3A_1805 = arith.cmpi eq, %jit3A_1803, %eq3A_1804 : i32
    %jit3A_1806 = arith.constant 1 : i32
    %select_n3A_1807 = arith.select %eq3A_1805, %jit3A_1806, %jit3A_1803 : i32
    %rem3A_1808 = arith.remsi %squeeze3A_1802, %select_n3A_1807 : i32
    %ne3A_1809 = arith.constant 0 : i32
    %ne3A_1810 = arith.cmpi ne, %rem3A_1808, %ne3A_1809 : i32
    %lt3A_1811 = arith.constant 0 : i32
    %lt3A_1812 = arith.cmpi slt, %rem3A_1808, %lt3A_1811 : i32
    %lt3A_1813 = arith.constant 0 : i32
    %lt3A_1814 = arith.cmpi slt, %select_n3A_1807, %lt3A_1813 : i32
    %ne3A_1815 = arith.xori %lt3A_1812, %lt3A_1814 : i1
    %and3A_1816 = arith.andi %ne3A_1815, %ne3A_1810 : i1
    %add3A_1817 = arith.addi %rem3A_1808, %select_n3A_1807 : i32
    %select_n3A_1818 = arith.select %and3A_1816, %add3A_1817, %rem3A_1808 : i32
    %eq3A_1819 = vector.broadcast %select_n3A_1818 : i32 to vector<16xi32>
    %eq3A_1820 = arith.cmpi eq, %iota3A, %eq3A_1819 : vector<16xi32>
    %mul3A_1821 = arith.constant -8.999990e-01 : f32
    %mul3A_1822 = vector.broadcast %mul3A_1821 : f32 to vector<16xf32>
    %mul3A_1823 = arith.mulf %mul3A_1822, %add3A_1800 : vector<16xf32>
    %jit3A_1824 = arith.constant 0.000000e+00 : f32
    %broadcast_in_dim3A_1825 = vector.broadcast %jit3A_1824 : f32 to vector<16xf32>
    %select_n3A_1826 = arith.select %eq3A_1820, %mul3A_1823, %broadcast_in_dim3A_1825 : vector<16xi1>, vector<16xf32>
    %eq3A_1827 = arith.constant 0 : i32
    %eq3A_1828 = vector.broadcast %eq3A_1827 : i32 to vector<16xi32>
    %eq3A_1829 = arith.cmpi eq, %iota3A, %eq3A_1828 : vector<16xi32>
    %get3A_1830 = arith.constant 6 : i32
    %get3A_1831 = arith.index_cast %get3A_1830 : i32 to index
    %get3A_1832 = arith.constant 0 : index
    %get3A_1833 = tpu.vector_load %arg7[%get3A_1831, %get3A_1832] {strides = array<i32>} : memref<8x128xf32, #tpu.memory_space<vmem>>, vector<1x16xf32>,
    %get3A_1834 = vector.shape_cast %get3A_1833 : vector<1x16xf32> to vector<16xf32>
    %mul3A_1835 = arith.constant 1.000020e-06 : f32
    %mul3A_1836 = vector.broadcast %mul3A_1835 : f32 to vector<16xf32>
    %mul3A_1837 = arith.mulf %mul3A_1836, %get3A_1834 : vector<16xf32>
    %add3A_1838 = arith.constant -1.47637355 : f32
    %add3A_1839 = vector.broadcast %add3A_1838 : f32 to vector<16xf32>
    %add3A_1840 = arith.addf %mul3A_1837, %add3A_1839 : vector<16xf32>
    %jit3A_1841 = arith.constant 0.000000e+00 : f32
    %broadcast_in_dim3A_1842 = vector.broadcast %jit3A_1841 : f32 to vector<16xf32>
    %select_n3A_1843 = arith.select %eq3A_1829, %add3A_1840, %broadcast_in_dim3A_1842 : vector<16xi1>, vector<16xf32>
    %add3A_1844 = arith.addf %select_n3A_1826, %select_n3A_1843 : vector<16xf32>
    %mul3A_1845 = arith.constant 1.000020e-06 : f32
    %mul3A_1846 = vector.broadcast %mul3A_1845 : f32 to vector<16xf32>
    %mul3A_1847 = arith.mulf %mul3A_1846, %parallel_loop3A_472#6 : vector<16xf32>
    %sub3A_1848 = arith.subf %add3A_1844, %mul3A_1847 : vector<16xf32>
    %select_n3A_1849 = arith.select %ne3A_1670, %sub3A_1848, %broadcast_in_dim3A_334 : vector<16xf32>
    %add3A_1850 = arith.addf %add3A_1666, %select_n3A_1849 : vector<16xf32>
    %slice3A_1851 = vector.extract_strided_slice %get3A_4 {offsets = [7], sizes = [1], strides = [1]} : vector<16xi32> to vector<1xi32>
    %squeeze3A_1852 = vector.extract %slice3A_1851[0] : i32 from vector<1xi32>
    %ne3A_1853 = arith.constant 0 : i32
    %ne3A_1854 = arith.cmpi ne, %squeeze3A_1852, %ne3A_1853 : i32
    %slice3A_1855 = vector.extract_strided_slice %get3A_4 {offsets = [7], sizes = [1], strides = [1]} : vector<16xi32> to vector<1xi32>
    %squeeze3A_1856 = vector.extract %slice3A_1855[0] : i32 from vector<1xi32>
    %jit3A_1857 = arith.constant 128 : i32
    %eq3A_1858 = arith.constant 0 : i32
    %eq3A_1859 = arith.cmpi eq, %jit3A_1857, %eq3A_1858 : i32
    %jit3A_1860 = arith.constant 1 : i32
    %select_n3A_1861 = arith.select %eq3A_1859, %jit3A_1860, %jit3A_1857 : i32
    %rem3A_1862 = arith.remsi %squeeze3A_1856, %select_n3A_1861 : i32
    %ne3A_1863 = arith.constant 0 : i32
    %ne3A_1864 = arith.cmpi ne, %rem3A_1862, %ne3A_1863 : i32
    %lt3A_1865 = arith.constant 0 : i32
    %lt3A_1866 = arith.cmpi slt, %rem3A_1862, %lt3A_1865 : i32
    %lt3A_1867 = arith.constant 0 : i32
    %lt3A_1868 = arith.cmpi slt, %select_n3A_1861, %lt3A_1867 : i32
    %ne3A_1869 = arith.xori %lt3A_1866, %lt3A_1868 : i1
    %and3A_1870 = arith.andi %ne3A_1869, %ne3A_1864 : i1
    %add3A_1871 = arith.addi %rem3A_1862, %select_n3A_1861 : i32
    %select_n3A_1872 = arith.select %and3A_1870, %add3A_1871, %rem3A_1862 : i32
    %jit3A_1873 = arith.constant 16 : i32
    %div3A_1874 = arith.divsi %select_n3A_1872, %jit3A_1873 : i32
    %sign3A_1875 = arith.constant 0 : i32
    %sign3A_1876 = arith.cmpi sgt, %select_n3A_1872, %sign3A_1875 : i32
    %sign3A_1877 = arith.extui %sign3A_1876 : i1 to i32
    %sign3A_1878 = arith.constant 0 : i32
    %sign3A_1879 = arith.cmpi slt, %select_n3A_1872, %sign3A_1878 : i32
    %sign3A_1880 = arith.extui %sign3A_1879 : i1 to i32
    %sign3A_1881 = arith.subi %sign3A_1877, %sign3A_1880 : i32
    %sign3A_1882 = arith.constant 0 : i32
    %sign3A_1883 = arith.cmpi sgt, %jit3A_1873, %sign3A_1882 : i32
    %sign3A_1884 = arith.extui %sign3A_1883 : i1 to i32
    %sign3A_1885 = arith.constant 0 : i32
    %sign3A_1886 = arith.cmpi slt, %jit3A_1873, %sign3A_1885 : i32
    %sign3A_1887 = arith.extui %sign3A_1886 : i1 to i32
    %sign3A_1888 = arith.subi %sign3A_1884, %sign3A_1887 : i32
    %ne3A_1889 = arith.cmpi ne, %sign3A_1881, %sign3A_1888 : i32
    %rem3A_1890 = arith.remsi %select_n3A_1872, %jit3A_1873 : i32
    %ne3A_1891 = arith.constant 0 : i32
    %ne3A_1892 = arith.cmpi ne, %rem3A_1890, %ne3A_1891 : i32
    %and3A_1893 = arith.andi %ne3A_1889, %ne3A_1892 : i1
    %sub3A_1894 = arith.constant 1 : i32
    %sub3A_1895 = arith.subi %div3A_1874, %sub3A_1894 : i32
    %select_n3A_1896 = arith.select %and3A_1893, %sub3A_1895, %div3A_1874 : i32
    %eq3A_1897 = arith.constant 0 : i32
    %eq3A_1898 = arith.cmpi eq, %select_n3A_1896, %eq3A_1897 : i32
    %get3A_1899 = arith.constant 7 : i32
    %get3A_1900 = arith.constant 7 : i32
    %get3A_1901 = arith.index_cast %get3A_1899 : i32 to index
    %get3A_1902 = arith.index_cast %get3A_1900 : i32 to index
    %get3A_1903 = arith.constant 0 : index
    %get3A_1904 = tpu.vector_load %arg6[%get3A_1901, %get3A_1902, %get3A_1903] {strides = array<i32>} : memref<8x8x128xf32, #tpu.memory_space<vmem>>, vector<1x1x16xf32>,
    %get3A_1905 = vector.shape_cast %get3A_1904 : vector<1x1x16xf32> to vector<16xf32>
    %select_n3A_1906 = arith.select %eq3A_1898, %get3A_1905, %broadcast_in_dim3A_334 : vector<16xf32>
    %add3A_1907 = arith.addf %broadcast_in_dim3A_334, %select_n3A_1906 : vector<16xf32>
    %eq3A_1908 = arith.constant 1 : i32
    %eq3A_1909 = arith.cmpi eq, %select_n3A_1896, %eq3A_1908 : i32
    %get3A_1910 = arith.constant 7 : i32
    %get3A_1911 = arith.constant 7 : i32
    %get3A_1912 = arith.index_cast %get3A_1910 : i32 to index
    %get3A_1913 = arith.index_cast %get3A_1911 : i32 to index
    %get3A_1914 = arith.constant 16 : index
    %get3A_1915 = tpu.vector_load %arg6[%get3A_1912, %get3A_1913, %get3A_1914] {strides = array<i32>} : memref<8x8x128xf32, #tpu.memory_space<vmem>>, vector<1x1x16xf32>,
    %get3A_1916 = vector.shape_cast %get3A_1915 : vector<1x1x16xf32> to vector<16xf32>
    %select_n3A_1917 = arith.select %eq3A_1909, %get3A_1916, %broadcast_in_dim3A_334 : vector<16xf32>
    %add3A_1918 = arith.addf %add3A_1907, %select_n3A_1917 : vector<16xf32>
    %eq3A_1919 = arith.constant 2 : i32
    %eq3A_1920 = arith.cmpi eq, %select_n3A_1896, %eq3A_1919 : i32
    %get3A_1921 = arith.constant 7 : i32
    %get3A_1922 = arith.constant 7 : i32
    %get3A_1923 = arith.index_cast %get3A_1921 : i32 to index
    %get3A_1924 = arith.index_cast %get3A_1922 : i32 to index
    %get3A_1925 = arith.constant 32 : index
    %get3A_1926 = tpu.vector_load %arg6[%get3A_1923, %get3A_1924, %get3A_1925] {strides = array<i32>} : memref<8x8x128xf32, #tpu.memory_space<vmem>>, vector<1x1x16xf32>,
    %get3A_1927 = vector.shape_cast %get3A_1926 : vector<1x1x16xf32> to vector<16xf32>
    %select_n3A_1928 = arith.select %eq3A_1920, %get3A_1927, %broadcast_in_dim3A_334 : vector<16xf32>
    %add3A_1929 = arith.addf %add3A_1918, %select_n3A_1928 : vector<16xf32>
    %eq3A_1930 = arith.constant 3 : i32
    %eq3A_1931 = arith.cmpi eq, %select_n3A_1896, %eq3A_1930 : i32
    %get3A_1932 = arith.constant 7 : i32
    %get3A_1933 = arith.constant 7 : i32
    %get3A_1934 = arith.index_cast %get3A_1932 : i32 to index
    %get3A_1935 = arith.index_cast %get3A_1933 : i32 to index
    %get3A_1936 = arith.constant 48 : index
    %get3A_1937 = tpu.vector_load %arg6[%get3A_1934, %get3A_1935, %get3A_1936] {strides = array<i32>} : memref<8x8x128xf32, #tpu.memory_space<vmem>>, vector<1x1x16xf32>,
    %get3A_1938 = vector.shape_cast %get3A_1937 : vector<1x1x16xf32> to vector<16xf32>
    %select_n3A_1939 = arith.select %eq3A_1931, %get3A_1938, %broadcast_in_dim3A_334 : vector<16xf32>
    %add3A_1940 = arith.addf %add3A_1929, %select_n3A_1939 : vector<16xf32>
    %eq3A_1941 = arith.constant 4 : i32
    %eq3A_1942 = arith.cmpi eq, %select_n3A_1896, %eq3A_1941 : i32
    %get3A_1943 = arith.constant 7 : i32
    %get3A_1944 = arith.constant 7 : i32
    %get3A_1945 = arith.index_cast %get3A_1943 : i32 to index
    %get3A_1946 = arith.index_cast %get3A_1944 : i32 to index
    %get3A_1947 = arith.constant 64 : index
    %get3A_1948 = tpu.vector_load %arg6[%get3A_1945, %get3A_1946, %get3A_1947] {strides = array<i32>} : memref<8x8x128xf32, #tpu.memory_space<vmem>>, vector<1x1x16xf32>,
    %get3A_1949 = vector.shape_cast %get3A_1948 : vector<1x1x16xf32> to vector<16xf32>
    %select_n3A_1950 = arith.select %eq3A_1942, %get3A_1949, %broadcast_in_dim3A_334 : vector<16xf32>
    %add3A_1951 = arith.addf %add3A_1940, %select_n3A_1950 : vector<16xf32>
    %eq3A_1952 = arith.constant 5 : i32
    %eq3A_1953 = arith.cmpi eq, %select_n3A_1896, %eq3A_1952 : i32
    %get3A_1954 = arith.constant 7 : i32
    %get3A_1955 = arith.constant 7 : i32
    %get3A_1956 = arith.index_cast %get3A_1954 : i32 to index
    %get3A_1957 = arith.index_cast %get3A_1955 : i32 to index
    %get3A_1958 = arith.constant 80 : index
    %get3A_1959 = tpu.vector_load %arg6[%get3A_1956, %get3A_1957, %get3A_1958] {strides = array<i32>} : memref<8x8x128xf32, #tpu.memory_space<vmem>>, vector<1x1x16xf32>,
    %get3A_1960 = vector.shape_cast %get3A_1959 : vector<1x1x16xf32> to vector<16xf32>
    %select_n3A_1961 = arith.select %eq3A_1953, %get3A_1960, %broadcast_in_dim3A_334 : vector<16xf32>
    %add3A_1962 = arith.addf %add3A_1951, %select_n3A_1961 : vector<16xf32>
    %eq3A_1963 = arith.constant 6 : i32
    %eq3A_1964 = arith.cmpi eq, %select_n3A_1896, %eq3A_1963 : i32
    %get3A_1965 = arith.constant 7 : i32
    %get3A_1966 = arith.constant 7 : i32
    %get3A_1967 = arith.index_cast %get3A_1965 : i32 to index
    %get3A_1968 = arith.index_cast %get3A_1966 : i32 to index
    %get3A_1969 = arith.constant 96 : index
    %get3A_1970 = tpu.vector_load %arg6[%get3A_1967, %get3A_1968, %get3A_1969] {strides = array<i32>} : memref<8x8x128xf32, #tpu.memory_space<vmem>>, vector<1x1x16xf32>,
    %get3A_1971 = vector.shape_cast %get3A_1970 : vector<1x1x16xf32> to vector<16xf32>
    %select_n3A_1972 = arith.select %eq3A_1964, %get3A_1971, %broadcast_in_dim3A_334 : vector<16xf32>
    %add3A_1973 = arith.addf %add3A_1962, %select_n3A_1972 : vector<16xf32>
    %eq3A_1974 = arith.constant 7 : i32
    %eq3A_1975 = arith.cmpi eq, %select_n3A_1896, %eq3A_1974 : i32
    %get3A_1976 = arith.constant 7 : i32
    %get3A_1977 = arith.constant 7 : i32
    %get3A_1978 = arith.index_cast %get3A_1976 : i32 to index
    %get3A_1979 = arith.index_cast %get3A_1977 : i32 to index
    %get3A_1980 = arith.constant 112 : index
    %get3A_1981 = tpu.vector_load %arg6[%get3A_1978, %get3A_1979, %get3A_1980] {strides = array<i32>} : memref<8x8x128xf32, #tpu.memory_space<vmem>>, vector<1x1x16xf32>,
    %get3A_1982 = vector.shape_cast %get3A_1981 : vector<1x1x16xf32> to vector<16xf32>
    %select_n3A_1983 = arith.select %eq3A_1975, %get3A_1982, %broadcast_in_dim3A_334 : vector<16xf32>
    %add3A_1984 = arith.addf %add3A_1973, %select_n3A_1983 : vector<16xf32>
    %slice3A_1985 = vector.extract_strided_slice %get3A_4 {offsets = [7], sizes = [1], strides = [1]} : vector<16xi32> to vector<1xi32>
    %squeeze3A_1986 = vector.extract %slice3A_1985[0] : i32 from vector<1xi32>
    %jit3A_1987 = arith.constant 16 : i32
    %eq3A_1988 = arith.constant 0 : i32
    %eq3A_1989 = arith.cmpi eq, %jit3A_1987, %eq3A_1988 : i32
    %jit3A_1990 = arith.constant 1 : i32
    %select_n3A_1991 = arith.select %eq3A_1989, %jit3A_1990, %jit3A_1987 : i32
    %rem3A_1992 = arith.remsi %squeeze3A_1986, %select_n3A_1991 : i32
    %ne3A_1993 = arith.constant 0 : i32
    %ne3A_1994 = arith.cmpi ne, %rem3A_1992, %ne3A_1993 : i32
    %lt3A_1995 = arith.constant 0 : i32
    %lt3A_1996 = arith.cmpi slt, %rem3A_1992, %lt3A_1995 : i32
    %lt3A_1997 = arith.constant 0 : i32
    %lt3A_1998 = arith.cmpi slt, %select_n3A_1991, %lt3A_1997 : i32
    %ne3A_1999 = arith.xori %lt3A_1996, %lt3A_1998 : i1
    %and3A_2000 = arith.andi %ne3A_1999, %ne3A_1994 : i1
    %add3A_2001 = arith.addi %rem3A_1992, %select_n3A_1991 : i32
    %select_n3A_2002 = arith.select %and3A_2000, %add3A_2001, %rem3A_1992 : i32
    %eq3A_2003 = vector.broadcast %select_n3A_2002 : i32 to vector<16xi32>
    %eq3A_2004 = arith.cmpi eq, %iota3A, %eq3A_2003 : vector<16xi32>
    %mul3A_2005 = arith.constant -8.999990e-01 : f32
    %mul3A_2006 = vector.broadcast %mul3A_2005 : f32 to vector<16xf32>
    %mul3A_2007 = arith.mulf %mul3A_2006, %add3A_1984 : vector<16xf32>
    %jit3A_2008 = arith.constant 0.000000e+00 : f32
    %broadcast_in_dim3A_2009 = vector.broadcast %jit3A_2008 : f32 to vector<16xf32>
    %select_n3A_2010 = arith.select %eq3A_2004, %mul3A_2007, %broadcast_in_dim3A_2009 : vector<16xi1>, vector<16xf32>
    %eq3A_2011 = arith.constant 0 : i32
    %eq3A_2012 = vector.broadcast %eq3A_2011 : i32 to vector<16xi32>
    %eq3A_2013 = arith.cmpi eq, %iota3A, %eq3A_2012 : vector<16xi32>
    %get3A_2014 = arith.constant 7 : i32
    %get3A_2015 = arith.index_cast %get3A_2014 : i32 to index
    %get3A_2016 = arith.constant 0 : index
    %get3A_2017 = tpu.vector_load %arg7[%get3A_2015, %get3A_2016] {strides = array<i32>} : memref<8x128xf32, #tpu.memory_space<vmem>>, vector<1x16xf32>,
    %get3A_2018 = vector.shape_cast %get3A_2017 : vector<1x16xf32> to vector<16xf32>
    %mul3A_2019 = arith.constant 1.000020e-06 : f32
    %mul3A_2020 = vector.broadcast %mul3A_2019 : f32 to vector<16xf32>
    %mul3A_2021 = arith.mulf %mul3A_2020, %get3A_2018 : vector<16xf32>
    %add3A_2022 = arith.constant -1.47637355 : f32
    %add3A_2023 = vector.broadcast %add3A_2022 : f32 to vector<16xf32>
    %add3A_2024 = arith.addf %mul3A_2021, %add3A_2023 : vector<16xf32>
    %jit3A_2025 = arith.constant 0.000000e+00 : f32
    %broadcast_in_dim3A_2026 = vector.broadcast %jit3A_2025 : f32 to vector<16xf32>
    %select_n3A_2027 = arith.select %eq3A_2013, %add3A_2024, %broadcast_in_dim3A_2026 : vector<16xi1>, vector<16xf32>
    %add3A_2028 = arith.addf %select_n3A_2010, %select_n3A_2027 : vector<16xf32>
    %mul3A_2029 = arith.constant 1.000020e-06 : f32
    %mul3A_2030 = vector.broadcast %mul3A_2029 : f32 to vector<16xf32>
    %mul3A_2031 = arith.mulf %mul3A_2030, %parallel_loop3A_472#7 : vector<16xf32>
    %sub3A_2032 = arith.subf %add3A_2028, %mul3A_2031 : vector<16xf32>
    %select_n3A_2033 = arith.select %ne3A_1854, %sub3A_2032, %broadcast_in_dim3A_334 : vector<16xf32>
    %add3A_2034 = arith.addf %add3A_1850, %select_n3A_2033 : vector<16xf32>
    %swap3A = arith.constant 0 : index
    %swap3A_2035 = tpu.vector_load %arg8[%swap3A] {strides = array<i32>} : memref<16xf32, #tpu.memory_space<vmem>>, vector<16xf32>,
    %swap3A_2036 = vector.shape_cast %swap3A_2035 : vector<16xf32> to vector<16xf32>
    %swap3A_2037 = vector.shape_cast %add3A_2034 : vector<16xf32> to vector<16xf32>
    tpu.vector_store %arg8[%swap3A], %swap3A_2037 {strides = array<i32>} : memref<16xf32, #tpu.memory_space<vmem>>, vector<16xf32>,
    "tpu.region"() ({
      %run_scoped3A = tpu.sem_alloc : memref<!tpu.dma_semaphore, #tpu.memory_space<semaphore_mem>>
      %dma_start3A_2038 = arith.constant 0 : i32
      %dma_start3A_2039 = tpu.memref_slice %arg4[%add3A, %dma_start3A_2038] : memref<32x16xf32, #tpu.memory_space<hbm>> -> memref<1x16xf32, #tpu.memory_space<hbm>>
      %dma_start3A_2040 = tpu.memref_squeeze %dma_start3A_2039 : memref<1x16xf32, #tpu.memory_space<hbm>> -> memref<16xf32, #tpu.memory_space<hbm>>
      %dma_start3A_2041 = arith.constant 0 : i32
      %dma_start3A_2042 = tpu.memref_slice %arg4[%add3A, %dma_start3A_2041] : memref<32x16xf32, #tpu.memory_space<hbm>> -> memref<1x16xf32, #tpu.memory_space<hbm>>
      %dma_start3A_2043 = tpu.memref_squeeze %dma_start3A_2042 : memref<1x16xf32, #tpu.memory_space<hbm>> -> memref<16xf32, #tpu.memory_space<hbm>>
      tpu.enqueue_dma source(%arg8 : memref<16xf32, #tpu.memory_space<vmem>>) target(%dma_start3A_2043 : memref<16xf32, #tpu.memory_space<hbm>>) target_semaphore(%run_scoped3A : memref<!tpu.dma_semaphore, #tpu.memory_space<semaphore_mem>>)
      %dma_wait3A_2044 = arith.constant 0 : i32
      %dma_wait3A_2045 = tpu.memref_slice %arg4[%add3A, %dma_wait3A_2044] : memref<32x16xf32, #tpu.memory_space<hbm>> -> memref<1x16xf32, #tpu.memory_space<hbm>>
      %dma_wait3A_2046 = tpu.memref_squeeze %dma_wait3A_2045 : memref<1x16xf32, #tpu.memory_space<hbm>> -> memref<16xf32, #tpu.memory_space<hbm>>
      %dma_wait3A_2047 = arith.constant 0 : i32
      %dma_wait3A_2048 = tpu.memref_slice %arg4[%add3A, %dma_wait3A_2047] : memref<32x16xf32, #tpu.memory_space<hbm>> -> memref<1x16xf32, #tpu.memory_space<hbm>>
      %dma_wait3A_2049 = tpu.memref_squeeze %dma_wait3A_2048 : memref<1x16xf32, #tpu.memory_space<hbm>> -> memref<16xf32, #tpu.memory_space<hbm>>
      tpu.wait_dma2 semaphore(%run_scoped3A : memref<!tpu.dma_semaphore, #tpu.memory_space<semaphore_mem>>) src(%arg8 : memref<16xf32, #tpu.memory_space<vmem>>) dst(%dma_wait3A_2049 : memref<16xf32, #tpu.memory_space<hbm>>)
      tpu.yield
    }) : () -> ()
    return
  }
}

module attributes {stable_mosaic.version = 14 : i64} {
  func.func @body(%arg0: memref<32x16xf32, #tpu.memory_space<vmem>>, %arg1: memref<120x128xf32, #tpu.memory_space<vmem>>, %arg2: memref<1x1xf32, #tpu.memory_space<smem>>) attributes {dimension_semantics = [], scalar_prefetch = 0 : i64, scratch_operands = 0 : i64, tpu.core_type = #tpu.core_type<tc>} {
    %get3A = arith.constant 0 : index
    %get3A_0 = arith.constant 0 : index
    %get3A_1 = vector.load %arg0[%get3A, %get3A_0] : memref<32x16xf32, #tpu.memory_space<vmem>>, vector<32x16xf32>
    %reduce_sum3A = vector.shape_cast %get3A_1 : vector<32x16xf32> to vector<1x32x16xf32>
    %reduce_sum3A_2 = arith.constant dense<0.000000e+00> : vector<1xf32>
    %reduce_sum3A_3 = vector.multi_reduction <add>, %reduce_sum3A, %reduce_sum3A_2 [1, 2] : vector<1x32x16xf32> to vector<1xf32>
    %reduce_sum3A_4 = vector.shape_cast %reduce_sum3A_3 : vector<1xf32> to vector<1x1x1xf32>
    %reduce_sum3A_5 = vector.extract %reduce_sum3A_4[0, 0, 0] : f32 from vector<1x1x1xf32>
    %get3A_6 = arith.constant 0 : index
    %get3A_7 = arith.constant 0 : index
    %get3A_8 = vector.load %arg1[%get3A_6, %get3A_7] : memref<120x128xf32, #tpu.memory_space<vmem>>, vector<120x128xf32>
    %reduce_sum3A_9 = vector.shape_cast %get3A_8 : vector<120x128xf32> to vector<1x120x128xf32>
    %reduce_sum3A_10 = arith.constant dense<0.000000e+00> : vector<1xf32>
    %reduce_sum3A_11 = vector.multi_reduction <add>, %reduce_sum3A_9, %reduce_sum3A_10 [1, 2] : vector<1x120x128xf32> to vector<1xf32>
    %reduce_sum3A_12 = vector.shape_cast %reduce_sum3A_11 : vector<1xf32> to vector<1x1x1xf32>
    %reduce_sum3A_13 = vector.extract %reduce_sum3A_12[0, 0, 0] : f32 from vector<1x1x1xf32>
    %add3A = arith.addf %reduce_sum3A_5, %reduce_sum3A_13 : f32
    %swap3A = arith.constant 0 : index
    %swap3A_14 = arith.constant 0 : index
    %swap3A_15 = memref.load %arg2[%swap3A, %swap3A_14] : memref<1x1xf32, #tpu.memory_space<smem>>
    memref.store %add3A, %arg2[%swap3A, %swap3A_14] : memref<1x1xf32, #tpu.memory_space<smem>>
    return
  }
}

module attributes {stable_mosaic.version = 14 : i64} {
  func.func @body(%arg0: i32, %arg1: memref<256x1xi32, #tpu.memory_space<vmem>>, %arg2: memref<256x3840xf32, #tpu.memory_space<vmem>>, %arg3: memref<256x32xf32, #tpu.memory_space<vmem>>, %arg4: memref<8x128xf32, #tpu.memory_space<vmem>>) attributes {dimension_semantics = [#tpu.dimension_semantics<parallel>], iteration_bounds = array<i64: 15>, scalar_prefetch = 0 : i64, scratch_operands = 0 : i64, tpu.core_type = #tpu.core_type<tc>, window_params = [{pipeline_mode = #tpu.pipeline_mode<synchronous>, transform_indices = @transform_0, window_bounds = array<i64: 256, 1>}, {transform_indices = @transform_1, window_bounds = array<i64: 256, 3840>}, {pipeline_mode = #tpu.pipeline_mode<synchronous>, transform_indices = @transform_2, window_bounds = array<i64: 256, 32>}, {transform_indices = @transform_3, window_bounds = array<i64: 8, 128>}]} {
    %get3A = arith.constant 0 : index
    %get3A_0 = arith.constant 0 : index
    %get3A_1 = vector.load %arg2[%get3A, %get3A_0] : memref<256x3840xf32, #tpu.memory_space<vmem>>, vector<256x3840xf32>
    %broadcast_in_dim3A = arith.constant 1.000000e+00 : f32
    %broadcast_in_dim3A_2 = vector.broadcast %broadcast_in_dim3A : f32 to vector<3840x1xf32>
    %dot_general3A = arith.constant dense<0.000000e+00> : vector<256x1xf32>
    %dot_general3A_3 = tpu.matmul %get3A_1, %broadcast_in_dim3A_2, %dot_general3A {dimension_numbers = #tpu.dot_dimension_numbers<[1], [0], [0], [1], [0, 0, 1, 1], [], []>, transpose_lhs_hint = false} : vector<256x3840xf32>, vector<3840x1xf32>, vector<256x1xf32> -> vector<256x1xf32>
    %get3A_4 = arith.constant 0 : index
    %get3A_5 = arith.constant 0 : index
    %get3A_6 = vector.load %arg1[%get3A_4, %get3A_5] : memref<256x1xi32, #tpu.memory_space<vmem>>, vector<256x1xi32>
    %ne3A = arith.constant 0 : i32
    %ne3A_7 = vector.broadcast %ne3A : i32 to vector<256x1xi32>
    %ne3A_8 = arith.cmpi ne, %get3A_6, %ne3A_7 : vector<256x1xi32>
    %jit3A = arith.constant 0.000000e+00 : f32
    %broadcast_in_dim3A_9 = vector.broadcast %jit3A : f32 to vector<256x1xf32>
    %select_n3A = arith.select %ne3A_8, %dot_general3A_3, %broadcast_in_dim3A_9 : vector<256x1xi1>, vector<256x1xf32>
    %reduce_sum3A = vector.shape_cast %select_n3A : vector<256x1xf32> to vector<1x256x1xf32>
    %reduce_sum3A_10 = arith.constant dense<0.000000e+00> : vector<1xf32>
    %reduce_sum3A_11 = vector.multi_reduction <add>, %reduce_sum3A, %reduce_sum3A_10 [1, 2] : vector<1x256x1xf32> to vector<1xf32>
    %reduce_sum3A_12 = vector.shape_cast %reduce_sum3A_11 : vector<1xf32> to vector<1x1x1xf32>
    %reduce_sum3A_13 = vector.extract %reduce_sum3A_12[0, 0, 0] : f32 from vector<1x1x1xf32>
    %mul3A = arith.constant -1.000020e-06 : f32
    %mul3A_14 = arith.mulf %mul3A, %reduce_sum3A_13 : f32
    %get3A_15 = arith.constant 0 : index
    %get3A_16 = arith.constant 0 : index
    %get3A_17 = vector.load %arg3[%get3A_15, %get3A_16] : memref<256x32xf32, #tpu.memory_space<vmem>>, vector<256x32xf32>
    %broadcast_in_dim3A_18 = arith.constant 1.000000e+00 : f32
    %broadcast_in_dim3A_19 = vector.broadcast %broadcast_in_dim3A_18 : f32 to vector<32x1xf32>
    %dot_general3A_20 = arith.constant dense<0.000000e+00> : vector<256x1xf32>
    %dot_general3A_21 = tpu.matmul %get3A_17, %broadcast_in_dim3A_19, %dot_general3A_20 {dimension_numbers = #tpu.dot_dimension_numbers<[1], [0], [0], [1], [0, 0, 1, 1], [], []>, transpose_lhs_hint = false} : vector<256x32xf32>, vector<32x1xf32>, vector<256x1xf32> -> vector<256x1xf32>
    %jit3A_22 = arith.constant 0.000000e+00 : f32
    %broadcast_in_dim3A_23 = vector.broadcast %jit3A_22 : f32 to vector<256x1xf32>
    %select_n3A_24 = arith.select %ne3A_8, %dot_general3A_21, %broadcast_in_dim3A_23 : vector<256x1xi1>, vector<256x1xf32>
    %reduce_sum3A_25 = vector.shape_cast %select_n3A_24 : vector<256x1xf32> to vector<1x256x1xf32>
    %reduce_sum3A_26 = arith.constant dense<0.000000e+00> : vector<1xf32>
    %reduce_sum3A_27 = vector.multi_reduction <add>, %reduce_sum3A_25, %reduce_sum3A_26 [1, 2] : vector<1x256x1xf32> to vector<1xf32>
    %reduce_sum3A_28 = vector.shape_cast %reduce_sum3A_27 : vector<1xf32> to vector<1x1x1xf32>
    %reduce_sum3A_29 = vector.extract %reduce_sum3A_28[0, 0, 0] : f32 from vector<1x1x1xf32>
    %mul3A_30 = arith.constant -1.000020e-06 : f32
    %mul3A_31 = arith.mulf %mul3A_30, %reduce_sum3A_29 : f32
    %eq3A = arith.constant 0 : i32
    %eq3A_32 = arith.cmpi eq, %arg0, %eq3A : i32
    %jit3A_33 = arith.constant 0.000000e+00 : f32
    %select_n3A_34 = arith.select %eq3A_32, %mul3A_31, %jit3A_33 : f32
    %add3A = arith.addf %mul3A_14, %select_n3A_34 : f32
    %iota3A = tpu.iota {dimensions = array<i32: 0>} : vector<8x128xi32>
    %eq3A_35 = arith.constant 0 : i32
    %eq3A_36 = vector.broadcast %eq3A_35 : i32 to vector<8x128xi32>
    %eq3A_37 = arith.cmpi eq, %iota3A, %eq3A_36 : vector<8x128xi32>
    %iota3A_38 = tpu.iota {dimensions = array<i32: 1>} : vector<8x128xi32>
    %eq3A_39 = arith.constant 0 : i32
    %eq3A_40 = vector.broadcast %eq3A_39 : i32 to vector<8x128xi32>
    %eq3A_41 = arith.cmpi eq, %iota3A_38, %eq3A_40 : vector<8x128xi32>
    %and3A = arith.andi %eq3A_37, %eq3A_41 : vector<8x128xi1>
    %jit3A_42 = arith.constant 0.000000e+00 : f32
    %broadcast_in_dim3A_43 = vector.broadcast %add3A : f32 to vector<8x128xf32>
    %broadcast_in_dim3A_44 = vector.broadcast %jit3A_42 : f32 to vector<8x128xf32>
    %select_n3A_45 = arith.select %and3A, %broadcast_in_dim3A_43, %broadcast_in_dim3A_44 : vector<8x128xi1>, vector<8x128xf32>
    %swap3A = arith.constant 0 : index
    %swap3A_46 = arith.constant 0 : index
    %swap3A_47 = vector.load %arg4[%swap3A, %swap3A_46] : memref<8x128xf32, #tpu.memory_space<vmem>>, vector<8x128xf32>
    tpu.vector_store %arg4[%swap3A, %swap3A_46], %select_n3A_45 {strides = array<i32>} : memref<8x128xf32, #tpu.memory_space<vmem>>, vector<8x128xf32>,
    return
  }
  func.func @transform_0(%arg0: i32) -> (i32, i32) {
    %c0_i32 = arith.constant 0 : i32
    %c0_i32_0 = arith.constant 0 : i32
    %c0_i32_1 = arith.constant 0 : i32
    return %c0_i32, %c0_i32_0 : i32, i32
  }
  func.func @transform_1(%arg0: i32) -> (i32, i32) {
    %c0_i32 = arith.constant 0 : i32
    %c0_i32_0 = arith.constant 0 : i32
    return %c0_i32, %arg0 : i32, i32
  }
  func.func @transform_2(%arg0: i32) -> (i32, i32) {
    %c0_i32 = arith.constant 0 : i32
    %c0_i32_0 = arith.constant 0 : i32
    %c0_i32_1 = arith.constant 0 : i32
    return %c0_i32, %c0_i32_0 : i32, i32
  }
  func.func @transform_3(%arg0: i32) -> (i32, i32) {
    %c0_i32 = arith.constant 0 : i32
    %c0_i32_0 = arith.constant 0 : i32
    return %arg0, %c0_i32 : i32, i32
  }
}

</mosaic_0001>

<sc_bundles>
// kernel: kernel.5.cloned.1.call-start
scs
__scs_entry_jumppad:
0x0: {  	(pc) =	sbr.rel $0x88, $3  }
0x1: {  	(tag) =	ssettag $0x0;
	lr =	simm.s32 $0x1  }
0x2: {  	[smem:$0x3F9F] =	sst lr;
	_ =	strace $0xD0000000  }
0x3: {  	_ = 	snop  }
0x4: {  	_ = 	snop  }
0x5: {  	_ = 	snop  }
0x6: {  	_ = 	snop  }
0x7: {  	_ = 	snop  }
__scs_overlays_trampoline_lowered:
0x8: {  	[smem:$0x3FAE] =	sst s0  }
0x9: {  	[smem:$0x3FAF] =	sst s1  }
0xa: {  	[smem:$0x3FB0] =	sst s2  }
0xb: {  	[smem:$0x3FB1] =	sst s3  }
0xc: {  	[smem:$0x3FB2] =	sst s4  }
0xd: {  	[smem:$0x3FB3] =	sst s5  }
0xe: {  	[smem:$0x3FB4] =	sst s6  }
0xf: {  	[smem:$0x3FB5] =	sst s7  }
0x10: {  	[smem:$0x3FB6] =	sst s8  }
0x11: {  	[smem:$0x3FB7] =	sst s9;
	s0 =	simm.s32 @!p0 $0x0  }
0x12: {  	s1 =	sld [smem:$0x3F9D];
	s0 =	simm.s32 @p0 $0x1  }
0x13: {  	[smem:$0x3FB8] =	sst s0;
	s0 =	simm.s32 @!p1 $0x0  }
0x14: {  	s2 =	sld [smem:$0x3F9C];
	s0 =	simm.s32 @p1 $0x1  }
0x15: {  	[smem:$0x3FB9] =	sst s0;
	s0 =	simm.s32 @!p2 $0x0  }
0x16: {  	s3 =	sld [smem:$0x3FDB];
	s0 =	simm.s32 @p2 $0x1  }
0x17: {  	s4 =	simm.s32 $0x1BF5;
	[smem:$0x3FBB] =	sst s0  }
0x18: {  	s0 =	sld [smem:$0x3F9E];
	_ =	swait.ge [sflag:s4], $0x0  }
0x19: {  	s7 =	sld [smem:$0x3F9F]  }
0x1a: {  	s8 =	sadd.s32 $0xFFFFE003, lr  }
0x1b: {  	s9 =	sadd.s32 $0xFFFFFEF7, lr;
	s5 =	simm.s32 $0xFFFFFFFF;
	p2 =	slt.u32 s8, $0xFFFFF086  }
0x1c: {  	p1 =	slt.u32 s9, $0xF7A;
	s5 =	simm.s32 @!p2 $0x0  }
0x1d: {  	s5 =	simm.s32 @p1 $0x1;
	p0 =	seq.s32 s7, s2  }
0x1e: {  	s7 =	smul.u32 @!p0 $0xF7A, s2;
	p2 =	seq.s32 @!p0 s5, $0x0  }
0x1f: {  	s9 =	smul.u32 $0xF7A, s1;
	s8 =	simm.s32 @!p0 $0x1BF5;
	p2 =	por !p2, p0  }
0x20: {  	[sflag:s8] =	ssyncset.s32 @!p0 $0xFFFFF086;
	s6 =	sadd.s32 @!p0 s3, s7;
	s7 =	simm.s32 @!p0 $0x108  }
0x21: {  	s3 =	sadd.s32 s3, s9;
	s6 =	sadd.s32 @!p0 $0x88, s6;
	s7 =	simm.s32 @p2 $0x1082  }
0x22: {  	[simem:s7], [sflag:s8] =	dma.local @!p0 [hbm:s6], $0xF7A  }
0x23: {  	s9 =	sor.u32 $0xD0000000, s2;
	s6 =	simm.s32 $0x108;
	_ =	swait.ge @!p0 [sflag:s8], $0x0  }
0x24: {  	s3 =	sadd.s32 $0x88, s3;
	s6 =	simm.s32 @!p1 $0x1082;
	[sflag:s4] =	ssyncset.s32 $0xFFFFF086  }
0x25: {  	[simem:s6], [sflag:s4] =	dma.local [hbm:s3], $0xF7A  }
0x26: {  	[smem:$0x3F9F] =	sst s1;
	(tag) =	ssettag s2;
	_ =	strace s9  }
0x27: {  	s1 =	sld [smem:$0x3FAF]  }
0x28: {  	s2 =	sld [smem:$0x3FB0]  }
0x29: {  	s4 =	sld [smem:$0x3FB2]  }
0x2a: {  	p0 =	seq.s32 s5, $0x0;
	s5 =	sld [smem:$0x3FB3]  }
0x2b: {  	s6 =	sld [smem:$0x3FB4]  }
0x2c: {  	s7 =	sld [smem:$0x3FB5]  }
0x2d: {  	s3 =	simm.s32 $0x108;
	s8 =	sld [smem:$0x3FB6]  }
0x2e: {  	s3 =	simm.s32 @!p0 $0x1082;
	s9 =	sld [smem:$0x3FB7]  }
0x2f: {  	lr =	sadd.s32 s0, s3;
	s0 =	sld [smem:$0x3FAE]  }
0x30: {  	s3 =	sld [smem:$0x3FB1]  }
0x31: {  	[smem:$0x3FBA] =	sst s10  }
0x32: {  	s10 =	sld [smem:$0x3FB8];
	_ =	sdelay $0x3  }
0x33: {  	p0 =	seq.s32 s10, $0x1;
	s10 =	sld [smem:$0x3FBA];
	_ =	sdelay $0x3  }
0x34: {  	[smem:$0x3FBA] =	sst s10  }
0x35: {  	s10 =	sld [smem:$0x3FB9];
	_ =	sdelay $0x3  }
0x36: {  	p1 =	seq.s32 s10, $0x1;
	s10 =	sld [smem:$0x3FBA];
	_ =	sdelay $0x3  }
0x37: {  	[smem:$0x3FBA] =	sst s10  }
0x38: {  	s10 =	sld [smem:$0x3FBB]  }
0x39: {  	_ = 	snop;
	(pc) =	sbr.ind lr, $3  }
0x3a: {  	_ = 	snop  }
0x3b: {  	_ = 	snop  }
0x3c: {  	p2 =	seq.s32 s10, $0x1;
	s10 =	sld [smem:$0x3FBA]  }
0x3d: {  	_ =	shalt  }
0x3e: {  	_ =	shalt  }
0x3f: {  	_ =	shalt  }
0x40: {  	_ =	shalt  }
0x41: {  	_ =	shalt  }
0x42: {  	_ =	shalt  }
0x43: {  	_ =	shalt  }
0x44: {  	_ =	shalt  }
0x45: {  	_ =	shalt  }
0x46: {  	_ =	shalt  }
0x47: {  	_ =	shalt  }
0x48: {  	_ =	shalt  }
0x49: {  	_ =	shalt  }
0x4a: {  	_ =	shalt  }
0x4b: {  	_ =	shalt  }
0x4c: {  	_ =	shalt  }
0x4d: {  	_ =	shalt  }
0x4e: {  	_ =	shalt  }
0x4f: {  	_ =	shalt  }
0x50: {  	_ =	shalt  }
0x51: {  	_ =	shalt  }
0x52: {  	_ =	shalt  }
0x53: {  	_ =	shalt  }
0x54: {  	_ =	shalt  }
0x55: {  	_ =	shalt  }
0x56: {  	_ =	shalt  }
0x57: {  	_ =	shalt  }
0x58: {  	_ =	shalt  }
0x59: {  	_ =	shalt  }
0x5a: {  	_ =	shalt  }
0x5b: {  	_ =	shalt  }
0x5c: {  	_ =	shalt  }
0x5d: {  	_ =	shalt  }
0x5e: {  	_ =	shalt  }
0x5f: {  	_ =	shalt  }
0x60: {  	_ =	shalt  }
0x61: {  	_ =	shalt  }
0x62: {  	_ =	shalt  }
0x63: {  	_ =	shalt  }
0x64: {  	_ =	shalt  }
0x65: {  	_ =	shalt  }
0x66: {  	_ =	shalt  }
0x67: {  	_ =	shalt  }
0x68: {  	_ =	shalt  }
0x69: {  	_ =	shalt  }
0x6a: {  	_ =	shalt  }
0x6b: {  	_ =	shalt  }
0x6c: {  	_ =	shalt  }
0x6d: {  	_ =	shalt  }
0x6e: {  	_ =	shalt  }
0x6f: {  	_ =	shalt  }
0x70: {  	_ =	shalt  }
0x71: {  	_ =	shalt  }
0x72: {  	_ =	shalt  }
0x73: {  	_ =	shalt  }
0x74: {  	_ =	shalt  }
0x75: {  	_ =	shalt  }
0x76: {  	_ =	shalt  }
0x77: {  	_ =	shalt  }
0x78: {  	_ =	shalt  }
0x79: {  	_ =	shalt  }
0x7a: {  	_ =	shalt  }
0x7b: {  	_ =	shalt  }
0x7c: {  	_ =	shalt  }
0x7d: {  	_ =	shalt  }
0x7e: {  	_ =	shalt  }
0x7f: {  	_ =	shalt  }
0x80: {  	_ =	shalt  }
0x81: {  	_ =	shalt  }
0x82: {  	_ =	shalt  }
0x83: {  	_ =	shalt  }
0x84: {  	_ =	shalt  }
0x85: {  	_ =	shalt  }
0x86: {  	_ =	shalt  }
0x87: {  	_ =	shalt  }
.Lfunc_end0:
.L_simem_size_0:
called_computation_lowered:
.L_overlay_start_0:
0x88: {  	s2 =	sld [smem:$0x3FD9]  }
0x89: {  	s3 =	sld [smem:$0x3FFE];
	_ =	sdelay $0x1  }
0x8a: {  	s1 =	srdreg.scid  }
0x8b: {  	s0 =	sand.u32 $0x1, s1  }
0x8c: {  	s17 =	sshll.u32 s0, $0xA;
	s2 =	sadd.s32 s3, s2  }
0x8d: {  	s2 =	sadd.s32 s2, s17  }
0x8e: {  	[smem:$0x3FC6] =	sst s2  }
0x8f: {  	_ = 	snop  }
0x90: {  	s2 =	sld [smem:$0x3FC9];
	(tm) =	ssettm $0x1  }
0x91: {  	s18 =	sld [smem:$0x3FFB];
	_ =	sdelay $0x3  }
0x92: {  	_ =	strace s18  }
0x93: {  	s3 =	sld [smem:$0x3FFC];
	_ =	sdelay $0x3  }
0x94: {  	_ =	strace s3  }
0x95: {  	s3 =	sld [smem:$0x3FFD];
	_ =	sdelay $0x3  }
0x96: {  	_ =	strace s3  }
0x97: {  	_ =	strace $0x8FFFFFFF  }
0x98: {  	s19 =	sld [smem:$0x3FDB];
	_ =	sdelay $0x1  }
0x99: {  	s4 =	simm.s32 $_scs_section_size  }
0x9a: {  	s5 =	simm.s32 $_size__tile_overlayer_lowered;
	s6 =	simm.s32 $_tile_overlayer_lowered  }
0x9b: {  	s22 =	simm.s32 $0x1BFF;
	s21 =	sshll.u32 s6, $0x1;
	s3 =	sadd.s32 s4, s19  }
0x9c: {  	s7 =	simm.s32 $0x0;
	s20 =	sshll.u32 s5, $0x1;
	s5 =	sadd.s32 s21, s3  }
0x9d: {  	[timem:s7], [sflag:s22] =	dma.local [hbm:s5], s20  }
0x9e: {  	_ =	swait.ge [sflag:s22], s20  }
0x9f: {  	s4 =	ssub.s32 $0x0, s20;
	[sflag:s22] =	ssyncset.done $0x0  }
0xa0: {  	[sflag:s22] =	ssyncadd.s32 s4;
	_ =	sdelay $0x1  }
0xa1: {  	s23 =	simm.s32 $0x1B8B  }
0xa2: {  	_ =	swait.ge [sflag:s23], $0x1  }
0xa3: {  	[sflag:s23] =	ssyncset.done $0x0  }
0xa4: {  	s25 =	simm.s32 $0x1B8E;
	s24 =	sld [smem:$0x3FFE];
	[sflag:s23] =	ssyncadd.s32 $0xFFFFFFFF  }
0xa5: {  	s26 =	simm.s32 $execute0_lowered;
	[smem:$0x3FD2] =	sst s25  }
0xa6: {  	s5 =	sshll.u32 s26, $0x1;
	_ =	strace $0x80000046;
	[dreg:$0x1] =	wrdreg $0xFFFFFFFF  }
0xa7: {  	s28 =	simm.s32 $_size_execute0_lowered;
	s3 =	sadd.s32 s3, s5;
	[dreg:$0x0] =	wrdreg $0x0  }
0xa8: {  	s5 =	sshll.u32 s28, $0x1;
	[dreg:$0x2] =	wrdreg s3  }
0xa9: {  	[dreg:$0x3] =	wrdreg s5  }
0xaa: {  	[dreg:$0x4] =	wrdreg $0xC0  }
0xab: {  	_ =	task [dreg:s7], $0x5FFFF  }
0xac: {  	[dreg:$0x1] =	wrdreg $0xFFFFFFFF  }
0xad: {  	[dreg:$0x0] =	wrdreg $0x60  }
0xae: {  	[dreg:$0x2] =	wrdreg s2  }
0xaf: {  	[dreg:$0x3] =	wrdreg s24  }
0xb0: {  	[dreg:$0x4] =	wrdreg $0x9  }
0xb1: {  	_ =	task.clear_ibuf [dreg:s7], $0x5FFFF;
	_ =	strace $0x90000046  }
0xb2: {  	s29 =	simm.s32 $0x9;
	_ =	strace $0x80000048  }
0xb3: {  	_ =	swait.ge [sflag:s29], $0x1  }
0xb4: {  	[sflag:s29] =	ssyncadd.s32 $0xFFFFFFFF  }
0xb5: {  	_ =	strace $0x90000048  }
0xb6: {  	_ =	sfence  }
0xb7: {  	s30 =	sld [smem:$0x0];
	_ =	sdelay $0x2  }
0xb8: {  	s31 =	sshll.u32 s1, $0xD;
	s1 =	sshrl.u32 s1, $0x2  }
0xb9: {  	s3 =	sand.u32 $0x4000, s31;
	s1 =	sadd.s32 s1, s30  }
0xba: {  	s0 =	sor.u32 s3, s0;
	s1 =	sshll.u32 s1, $0x11  }
0xbb: {  	s0 =	sor.u32 s1, s0  }
0xbc: {  	s0 =	sadd.s32 $0x8F2B, s0  }
0xbd: {  	[sflag:s0] =	ssyncadd.remote.s32 $0x1  }
0xbe: {  	_ =	sfence.sel $0xFFFF  }
0xbf: {  	[dreg:$0x0] =	wrdreg $0xFFFFFFFF;
	(pc) =	sbr.abs _section_cstart, $3  }
0xc0: {  	[dreg:$0x1] =	wrdreg $0xFFFFFFFF  }
0xc1: {  	_ =	task.clear_ibuf [dreg:s7], $0x2FFFF;
	_ =	strace $0x9FFFFFFF  }
0xc2: {  	(tm) =	ssettm $0x7FFFFFFF  }
0xc3: {  	_ =	shalt  }
tec
execute0_lowered:
.L_overlay_start_1:
0x0: {  	(tag) =	ssettag $0x1  }
0x1: {  	s2 =	rddreg [dreg:$0x0];
	s0 =	srdreg.scid  }
0x2: {  	s3 =	stileid.u32;
	s1 =	rddreg [dreg:$0x1]  }
0x3: {  	s0 =	sand.u32 $0x1, s0;
	s4 =	sshll.u32 s3, $0x1;
	s3 =	simm.s32 $0x0  }
0x4: {  	s5 =	sor.u32 s0, s4;
	[smem:$0x7FF] =	sst s3  }
0x5: {  	s0 =	ssub.s32 $0x2, s0;
	s4 =	smul.u32 $0xC3800, s5;
	_ =	strace $0x80000047  }
0x6: {  	s6 =	sadd.s32 s5, s1;
	s5 =	sshll.u32 s5, $0x4;
	s7 =	sshrl.u32 s0, $0x1  }
0x7: {  	s1 =	sadd.s32 s5, s1;
	s0 =	ssub.s32 s0, s7;
	s6 =	sadd.s32 $0x800, s6  }
0x8: {  	s8 =	sshrl.u32 s4, $0x3;
	[dreg:$0x3] =	wrdreg s6;
	s1 =	sadd.s32 $0xA00, s1  }
0x9: {  	s0 =	smax.u32 s0, $0x1;
	s5 =	sadd.s32 s2, s8;
	[dreg:$0x10] =	wrdreg s1  }
0xa: {  	[dreg:$0x11] =	wrdreg s0;
	s16 =	sadd.s32 $0xE100, s5  }
0xb: {  	s17 =	sadd.s32 $0xEF80, s5;
	[dreg:$0x4] =	wrdreg s16  }
0xc: {  	s18 =	sadd.s32 $0xFE00, s5;
	[dreg:$0x5] =	wrdreg s17  }
0xd: {  	s19 =	sadd.s32 $0x10C80, s5;
	[dreg:$0x6] =	wrdreg s18  }
0xe: {  	s20 =	sadd.s32 $0x11B00, s5;
	[dreg:$0x7] =	wrdreg s19  }
0xf: {  	s21 =	sadd.s32 $0x12980, s5;
	[dreg:$0x8] =	wrdreg s20  }
0x10: {  	s22 =	sadd.s32 $0x13800, s5;
	[dreg:$0x9] =	wrdreg s21  }
0x11: {  	s23 =	sadd.s32 $0x14680, s5;
	[dreg:$0xa] =	wrdreg s22  }
0x12: {  	s24 =	sadd.s32 $0x15500, s5;
	[dreg:$0xb] =	wrdreg s23  }
0x13: {  	s28 =	simm.s32 $0x3;
	s25 =	sadd.s32 $0x16380, s5;
	[dreg:$0xc] =	wrdreg s24  }
0x14: {  	s29 =	simm.s32 $0x4;
	s26 =	sadd.s32 $0x17200, s5;
	[dreg:$0xd] =	wrdreg s25  }
0x15: {  	s30 =	simm.s32 $0x5;
	s31 =	sadd.s32 $0x18080, s5;
	[dreg:$0xe] =	wrdreg s26  }
0x16: {  	s0 =	simm.s32 $0x2500;
	s1 =	simm.s32 $0x0;
	[dreg:$0xf] =	wrdreg s31  }
0x17: {  	s21 =	simm.s32 $0x6;
	s23 =	simm.s32 $0x1;
	s22 =	simm.s32 $0x9900  }
0x18: {  	v0 =	vlaneseq.u32;
	s24 =	simm.s32 $0x10D00;
	s25 =	simm.s32 $0x18100;
	s26 =	simm.s32 $0x2  }
.LBB2_1:
0x19: {  	s6 =	rddreg [dreg:$0x3]  }
0x1a: {  	[tilespmem:s3], [sflag:$0x6] =	stream.linear.gather [hbm4b:s6+s3], $0x8, $0x38;
	[tilespmem:$0x1F500] =	vst v63  }
0x1b: {  	_ =	swait.ge [sflag:s21], $0x8  }
0x1c: {  	[sflag:s21] =	ssyncset.done $0x0  }
0x1d: {  	[sflag:s21] =	ssyncadd.s32 $0xFFFFFFF8  }
0x1e: {  	v1 =	vld [tilespmem:$0x0];
	_ =	sdelay $0x4  }
0x1f: {  	(v2sf) =	vpush v1, $0x0;
	_ =	sdelay $0xc  }
0x20: {  	s18 =	simm.s32 $0x2080  }
0x21: {  	[tilespmem:s18], [sflag:$0x5] =	stream.linear.gather [hbm4b:s5+s3], $0x400, $0x38;
	[tilespmem:$0x1F500] =	vst v63  }
0x22: {  	s11 =	spop (v2sf);
	(v2sf) =	vpush v1, $0x1  }
0x23: {  	s19 =	sshra.s32 s11, $0x1F  }
0x24: {  	s6 =	sshrl.u32 s19, $0x19  }
0x25: {  	s6 =	sadd.s32 s6, s11  }
0x26: {  	s7 =	sand.u32 $0xFFFFFF80, s6  }
0x27: {  	p0 =	slt.s32 s11, $0x1;
	p1 =	sne.s32 s11, s7  }
0x28: {  	p0 =	por !p0, !p1  }
0x29: {  	s7 =	simm.s32 $0x1;
	p0 =	por !p0, !p0  }
0x2a: {  	s6 =	sshrl.u32 s6, $0x7;
	s7 =	simm.s32 @!p0 $0x0  }
0x2b: {  	s6 =	ssub.s32 s6, s7  }
0x2c: {  	s6 =	sshll.u32 s6, $0xA  }
0x2d: {  	s6 =	sadd.s32 s4, s6  }
0x2e: {  	s6 =	sshrl.u32 s6, $0x3  }
0x2f: {  	s20 =	simm.s32 $0x80;
	s6 =	sadd.s32 s2, s6  }
0x30: {  	[tilespmem:s20], [sflag:$0x5] =	stream.linear.gather [hbm4b:s6+s3], $0x400, $0x38;
	[tilespmem:$0x1F500] =	vst v63  }
0x31: {  	s12 =	spop (v2sf);
	(v2sf) =	vpush v1, $0x2  }
0x32: {  	s8 =	sshra.s32 s12, $0x1F  }
0x33: {  	s6 =	sshrl.u32 s8, $0x19  }
0x34: {  	s6 =	sadd.s32 s6, s12  }
0x35: {  	s9 =	sand.u32 $0xFFFFFF80, s6  }
0x36: {  	p5 =	slt.s32 s12, $0x1;
	p6 =	sne.s32 s12, s9  }
0x37: {  	p0 =	por !p5, !p6  }
0x38: {  	s7 =	simm.s32 $0x1;
	p0 =	por !p0, !p0  }
0x39: {  	s6 =	sshrl.u32 s6, $0x7;
	s7 =	simm.s32 @!p0 $0x0  }
0x3a: {  	s6 =	ssub.s32 s6, s7  }
0x3b: {  	s6 =	sshll.u32 s6, $0xA  }
0x3c: {  	s6 =	sadd.s32 s4, s6  }
0x3d: {  	s6 =	sshrl.u32 s6, $0x3  }
0x3e: {  	s10 =	simm.s32 $0x480;
	s6 =	sadd.s32 s2, s6  }
0x3f: {  	[tilespmem:s10], [sflag:$0x5] =	stream.linear.gather [hbm4b:s6+s3], $0x400, $0x38;
	[tilespmem:$0x1F500] =	vst v63  }
0x40: {  	s8 =	spop (v2sf);
	(v2sf) =	vpush v1, $0x3  }
0x41: {  	s13 =	sshra.s32 s8, $0x1F  }
0x42: {  	s6 =	sshrl.u32 s13, $0x19  }
0x43: {  	s6 =	sadd.s32 s6, s8  }
0x44: {  	s14 =	sand.u32 $0xFFFFFF80, s6  }
0x45: {  	p1 =	slt.s32 s8, $0x1;
	p2 =	sne.s32 s8, s14  }
0x46: {  	p0 =	por !p1, !p2  }
0x47: {  	s7 =	simm.s32 $0x1;
	p0 =	por !p0, !p0  }
0x48: {  	s6 =	sshrl.u32 s6, $0x7;
	s7 =	simm.s32 @!p0 $0x0  }
0x49: {  	s6 =	ssub.s32 s6, s7  }
0x4a: {  	s6 =	sshll.u32 s6, $0xA  }
0x4b: {  	s6 =	sadd.s32 s4, s6  }
0x4c: {  	s6 =	sshrl.u32 s6, $0x3  }
0x4d: {  	s15 =	simm.s32 $0x880;
	s6 =	sadd.s32 s2, s6  }
0x4e: {  	[tilespmem:s15], [sflag:$0x5] =	stream.linear.gather [hbm4b:s6+s3], $0x400, $0x38;
	[tilespmem:$0x1F500] =	vst v63  }
0x4f: {  	s9 =	spop (v2sf);
	(v2sf) =	vpush v1, $0x4  }
0x50: {  	s16 =	sshra.s32 s9, $0x1F  }
0x51: {  	s6 =	sshrl.u32 s16, $0x19  }
0x52: {  	s6 =	sadd.s32 s6, s9  }
0x53: {  	s17 =	sand.u32 $0xFFFFFF80, s6  }
0x54: {  	p3 =	slt.s32 s9, $0x1;
	p4 =	sne.s32 s9, s17  }
0x55: {  	p0 =	por !p3, !p4  }
0x56: {  	s7 =	simm.s32 $0x1;
	p0 =	por !p0, !p0  }
0x57: {  	s6 =	sshrl.u32 s6, $0x7;
	s7 =	simm.s32 @!p0 $0x0  }
0x58: {  	s6 =	ssub.s32 s6, s7  }
0x59: {  	s6 =	sshll.u32 s6, $0xA  }
0x5a: {  	s6 =	sadd.s32 s4, s6  }
0x5b: {  	s6 =	sshrl.u32 s6, $0x3  }
0x5c: {  	s18 =	simm.s32 $0xC80;
	s6 =	sadd.s32 s2, s6  }
0x5d: {  	[tilespmem:s18], [sflag:$0x5] =	stream.linear.gather [hbm4b:s6+s3], $0x400, $0x38;
	[tilespmem:$0x1F500] =	vst v63  }
0x5e: {  	s10 =	spop (v2sf);
	(v2sf) =	vpush v1, $0x5  }
0x5f: {  	s19 =	sshra.s32 s10, $0x1F  }
0x60: {  	s6 =	sshrl.u32 s19, $0x19  }
0x61: {  	s6 =	sadd.s32 s6, s10  }
0x62: {  	s20 =	sand.u32 $0xFFFFFF80, s6  }
0x63: {  	p5 =	slt.s32 s10, $0x1;
	p6 =	sne.s32 s10, s20  }
0x64: {  	p0 =	por !p5, !p6  }
0x65: {  	s7 =	simm.s32 $0x1;
	p0 =	por !p0, !p0  }
0x66: {  	s6 =	sshrl.u32 s6, $0x7;
	s7 =	simm.s32 @!p0 $0x0  }
0x67: {  	s6 =	ssub.s32 s6, s7  }
0x68: {  	s6 =	sshll.u32 s6, $0xA  }
0x69: {  	s6 =	sadd.s32 s4, s6  }
0x6a: {  	s6 =	sshrl.u32 s6, $0x3  }
0x6b: {  	s13 =	simm.s32 $0x1080;
	s6 =	sadd.s32 s2, s6  }
0x6c: {  	[tilespmem:s13], [sflag:$0x5] =	stream.linear.gather [hbm4b:s6+s3], $0x400, $0x38;
	[tilespmem:$0x1F500] =	vst v63  }
0x6d: {  	s31 =	spop (v2sf);
	(v2sf) =	vpush v1, $0x6  }
0x6e: {  	s14 =	sshra.s32 s31, $0x1F  }
0x6f: {  	s6 =	sshrl.u32 s14, $0x19  }
0x70: {  	s6 =	sadd.s32 s6, s31  }
0x71: {  	s15 =	sand.u32 $0xFFFFFF80, s6  }
0x72: {  	p1 =	slt.s32 s31, $0x1;
	p2 =	sne.s32 s31, s15  }
0x73: {  	p0 =	por !p1, !p2  }
0x74: {  	s7 =	simm.s32 $0x1;
	p0 =	por !p0, !p0  }
0x75: {  	s6 =	sshrl.u32 s6, $0x7;
	s7 =	simm.s32 @!p0 $0x0  }
0x76: {  	s6 =	ssub.s32 s6, s7  }
0x77: {  	s6 =	sshll.u32 s6, $0xA  }
0x78: {  	s6 =	sadd.s32 s4, s6  }
0x79: {  	s6 =	sshrl.u32 s6, $0x3  }
0x7a: {  	s16 =	simm.s32 $0x1480;
	s6 =	sadd.s32 s2, s6  }
0x7b: {  	[tilespmem:s16], [sflag:$0x5] =	stream.linear.gather [hbm4b:s6+s3], $0x400, $0x38;
	[tilespmem:$0x1F500] =	vst v63  }
0x7c: {  	s6 =	spop (v2sf);
	(v2sf) =	vpush v1, $0x7  }
0x7d: {  	s17 =	sshra.s32 s6, $0x1F  }
0x7e: {  	s7 =	sshrl.u32 s17, $0x19  }
0x7f: {  	s7 =	sadd.s32 s7, s6  }
0x80: {  	s13 =	sand.u32 $0xFFFFFF80, s7  }
0x81: {  	p3 =	slt.s32 s6, $0x1;
	p4 =	sne.s32 s6, s13  }
0x82: {  	p0 =	por !p3, !p4  }
0x83: {  	s13 =	simm.s32 $0x1;
	p0 =	por !p0, !p0  }
0x84: {  	s7 =	sshrl.u32 s7, $0x7;
	s13 =	simm.s32 @!p0 $0x0  }
0x85: {  	s7 =	ssub.s32 s7, s13  }
0x86: {  	s7 =	sshll.u32 s7, $0xA  }
0x87: {  	s7 =	sadd.s32 s4, s7  }
0x88: {  	s7 =	sshrl.u32 s7, $0x3  }
0x89: {  	s18 =	simm.s32 $0x1880;
	s7 =	sadd.s32 s2, s7  }
0x8a: {  	[tilespmem:s18], [sflag:$0x5] =	stream.linear.gather [hbm4b:s7+s3], $0x400, $0x38;
	[tilespmem:$0x1F500] =	vst v63  }
0x8b: {  	s7 =	spop (v2sf)  }
0x8c: {  	s19 =	sshra.s32 s7, $0x1F  }
0x8d: {  	s13 =	sshrl.u32 s19, $0x19  }
0x8e: {  	s13 =	sadd.s32 s13, s7  }
0x8f: {  	s14 =	sand.u32 $0xFFFFFF80, s13  }
0x90: {  	p5 =	slt.s32 s7, $0x1;
	p6 =	sne.s32 s7, s14  }
0x91: {  	p0 =	por !p5, !p6  }
0x92: {  	s14 =	simm.s32 $0x1;
	p0 =	por !p0, !p0  }
0x93: {  	s13 =	sshrl.u32 s13, $0x7;
	s14 =	simm.s32 @!p0 $0x0  }
0x94: {  	s13 =	ssub.s32 s13, s14  }
0x95: {  	s13 =	sshll.u32 s13, $0xA  }
0x96: {  	s13 =	sadd.s32 s4, s13  }
0x97: {  	s13 =	sshrl.u32 s13, $0x3  }
0x98: {  	s20 =	simm.s32 $0x1C80;
	s13 =	sadd.s32 s2, s13  }
0x99: {  	[tilespmem:s20], [sflag:$0x5] =	stream.linear.gather [hbm4b:s13+s3], $0x400, $0x38;
	[tilespmem:$0x1F500] =	vst v63  }
0x9a: {  	s15 =	rddreg [dreg:$0x4]  }
0x9b: {  	[tilespmem:s0], [sflag:$0x1] =	stream.linear.gather [hbm4b:s15+s3], $0x7400, $0x38;
	[tilespmem:$0x1F500] =	vst v63  }
0x9c: {  	s16 =	rddreg [dreg:$0x5]  }
0x9d: {  	[tilespmem:s22], [sflag:$0x2] =	stream.linear.gather [hbm4b:s16+s3], $0x7400, $0x38;
	[tilespmem:$0x1F500] =	vst v63  }
0x9e: {  	s17 =	rddreg [dreg:$0x6]  }
0x9f: {  	[tilespmem:s24], [sflag:$0x3] =	stream.linear.gather [hbm4b:s17+s3], $0x7400, $0x38;
	[tilespmem:$0x1F500] =	vst v63  }
0xa0: {  	s18 =	rddreg [dreg:$0x7];
	s19 =	sand.u32 $0x7, s3  }
0xa1: {  	[tilespmem:s25], [sflag:$0x4] =	stream.linear.gather [hbm4b:s18+s3], $0x7400, $0x38;
	[tilespmem:$0x1F500] =	vst v63  }
0xa2: {  	s13 =	sshll.u32 s19, $0x4;
	_ =	swait.ge [sflag:s23], $0x7400  }
0xa3: {  	s20 =	sand.u32 $0x70, s3;
	s13 =	sadd.s32 $0x0, s13;
	[sflag:s23] =	ssyncset.done $0x0  }
0xa4: {  	s15 =	sand.u32 $0x7C00, s3;
	s16 =	sor.u32 $0x380, s13;
	[sflag:s23] =	ssyncadd.s32 $0xFFFF8C00  }
0xa5: {  	s13 =	sor.u32 s20, s15;
	v12 =	vld [tilespmem:s16+$0x2500]  }
0xa6: {  	v11 =	vld [tilespmem:s13+$0x2500]  }
0xa7: {  	v3 =	vimm.f32 $0.0e+00;
	v6 =	vimm.f32 $0.0e+00;
	v10 =	vld [tilespmem:s13+$0x2580]  }
0xa8: {  	v7 =	vimm.f32 $0.0e+00;
	v2 =	vimm.f32 $0.0e+00;
	v8 =	vimm.f32 $0.0e+00;
	s14 =	simm.s32 $0x1;
	s15 =	simm.s32 $0x10;
	v9 =	vld [tilespmem:s13+$0x2600]  }
0xa9: {  	v4 =	vimm.f32 $0.0e+00;
	v5 =	vimm.f32 $0.0e+00;
	v1 =	vimm.f32 $0.0e+00;
	s17 =	simm.s32 $0x20;
	s18 =	sand.u32 $0x7, s14;
	v13 =	vld [tilespmem:s13+$0x2680];
	s16 =	simm.s32 $0x0  }
.LBB2_2:
0xaa: {  	p0 =	sne.s32 s17, $0xE70;
	s18 =	sshll.u32 s18, $0x4;
	v14 =	vld [tilespmem:s13+$0x2700];
	v1 =	vadd.f32 v12, v1;
	s16 =	sadd.s32 $0x80, s16  }
0xab: {  	s15 =	sand.u32 $0x70, s15;
	s18 =	sadd.s32 s18, s16;
	s19 =	sand.u32 $0x7C00, s16;
	v3 =	vadd.f32 v11, v3;
	v15 =	vld [tilespmem:s13+$0x2780]  }
0xac: {  	s18 =	sor.u32 $0x380, s18;
	v6 =	vadd.f32 v10, v6;
	v16 =	vld [tilespmem:s13+$0x2800];
	s13 =	sor.u32 s15, s19;
	s15 =	smov.u32 s17  }
.Ltmp0:
0xad: {  	v12 =	vld [tilespmem:s18+$0x2500];
	v7 =	vadd.f32 v9, v7;
	(pc) =	sbr.rel @p0 .LBB2_2-.Ltmp0, $4  }
0xae: {  	v11 =	vld [tilespmem:s13+$0x2500];
	v2 =	vadd.f32 v13, v2  }
0xaf: {  	v10 =	vld [tilespmem:s13+$0x2580];
	v8 =	vadd.f32 v14, v8  }
0xb0: {  	s14 =	sadd.s32 $0x1, s14;
	v9 =	vld [tilespmem:s13+$0x2600];
	v4 =	vadd.f32 v15, v4  }
0xb1: {  	s17 =	sadd.s32 $0x10, s17;
	s18 =	sand.u32 $0x7, s14;
	v13 =	vld [tilespmem:s13+$0x2680];
	v5 =	vadd.f32 v16, v5  }
0xb2: {  	s14 =	sshll.u32 s18, $0x4;
	v14 =	vld [tilespmem:s13+$0x2700];
	s16 =	sadd.s32 $0x80, s16  }
0xb3: {  	v15 =	vld [tilespmem:s13+$0x2780];
	s14 =	sadd.s32 s14, s16  }
0xb4: {  	s15 =	sand.u32 $0x70, s15;
	v16 =	vld [tilespmem:s13+$0x2800];
	s16 =	sand.u32 $0x7C00, s16;
	s14 =	sor.u32 $0x380, s14  }
0xb5: {  	s16 =	sor.u32 s15, s16;
	v17 =	vld [tilespmem:s14+$0x2500]  }
0xb6: {  	v18 =	vld [tilespmem:s16+$0x2500]  }
0xb7: {  	v19 =	vld [tilespmem:s16+$0x2580]  }
0xb8: {  	v20 =	vld [tilespmem:s16+$0x2600]  }
0xb9: {  	v21 =	vld [tilespmem:s16+$0x2680]  }
0xba: {  	s13 =	simm.s32 $0x0;
	v22 =	vld [tilespmem:s16+$0x2700]  }
0xbb: {  	s17 =	rddreg [dreg:$0x8];
	s18 =	sand.u32 $0x7, s13;
	v23 =	vld [tilespmem:s16+$0x2780]  }
0xbc: {  	v24 =	vld [tilespmem:s16+$0x2800];
	[tilespmem:s0], [sflag:$0x1] =	stream.linear.gather [hbm4b:s17+s13], $0x7400, $0x38  }
0xbd: {  	v1 =	vadd.f32 v12, v1;
	v3 =	vadd.f32 v11, v3;
	s14 =	sshll.u32 s18, $0x4;
	_ =	swait.ge [sflag:s26], $0x7400  }
0xbe: {  	s19 =	sand.u32 $0x70, s13;
	v6 =	vadd.f32 v10, v6;
	v9 =	vadd.f32 v9, v7;
	s14 =	sadd.s32 $0x0, s14;
	[sflag:s26] =	ssyncset.done $0x0  }
0xbf: {  	s20 =	sand.u32 $0x7C00, s13;
	v2 =	vadd.f32 v13, v2;
	v13 =	vadd.f32 v14, v8;
	s17 =	sor.u32 $0x380, s14;
	[sflag:s26] =	ssyncadd.s32 $0xFFFF8C00  }
0xc0: {  	v14 =	vadd.f32 v15, v4;
	v15 =	vadd.f32 v16, v5;
	s14 =	sor.u32 s19, s20;
	v12 =	vld [tilespmem:s17+$0x9900]  }
0xc1: {  	v11 =	vld [tilespmem:s14+$0x9900];
	v7 =	vadd.f32 v17, v1;
	v8 =	vadd.f32 v18, v3  }
0xc2: {  	v10 =	vld [tilespmem:s14+$0x9980];
	v5 =	vadd.f32 v19, v6;
	v6 =	vadd.f32 v20, v9  }
0xc3: {  	s15 =	simm.s32 $0x1;
	v3 =	vadd.f32 v21, v2;
	v4 =	vadd.f32 v22, v13;
	v9 =	vld [tilespmem:s14+$0x9A00]  }
0xc4: {  	s18 =	sand.u32 $0x7, s15;
	s16 =	simm.s32 $0x20;
	s17 =	simm.s32 $0x10;
	v1 =	vadd.f32 v23, v14;
	v2 =	vadd.f32 v24, v15;
	v13 =	vld [tilespmem:s14+$0x9A80]  }
.LBB2_4:
0xc5: {  	p0 =	sne.s32 s16, $0xE70;
	s18 =	sshll.u32 s18, $0x4;
	v14 =	vld [tilespmem:s14+$0x9B00];
	v7 =	vadd.f32 v12, v7;
	s13 =	sadd.s32 $0x80, s13  }
0xc6: {  	s17 =	sand.u32 $0x70, s17;
	s18 =	sadd.s32 s18, s13;
	s19 =	sand.u32 $0x7C00, s13;
	v8 =	vadd.f32 v11, v8;
	v15 =	vld [tilespmem:s14+$0x9B80]  }
0xc7: {  	s18 =	sor.u32 $0x380, s18;
	v5 =	vadd.f32 v10, v5;
	v16 =	vld [tilespmem:s14+$0x9C00];
	s14 =	sor.u32 s17, s19;
	s17 =	smov.u32 s16  }
.Ltmp1:
0xc8: {  	v12 =	vld [tilespmem:s18+$0x9900];
	v6 =	vadd.f32 v9, v6;
	(pc) =	sbr.rel @p0 .LBB2_4-.Ltmp1, $4  }
0xc9: {  	v11 =	vld [tilespmem:s14+$0x9900];
	v3 =	vadd.f32 v13, v3  }
0xca: {  	v10 =	vld [tilespmem:s14+$0x9980];
	v4 =	vadd.f32 v14, v4  }
0xcb: {  	s15 =	sadd.s32 $0x1, s15;
	v9 =	vld [tilespmem:s14+$0x9A00];
	v1 =	vadd.f32 v15, v1  }
0xcc: {  	s16 =	sadd.s32 $0x10, s16;
	s18 =	sand.u32 $0x7, s15;
	v13 =	vld [tilespmem:s14+$0x9A80];
	v2 =	vadd.f32 v16, v2  }
0xcd: {  	s15 =	sshll.u32 s18, $0x4;
	s13 =	sadd.s32 $0x80, s13  }
0xce: {  	v14 =	vld [tilespmem:s14+$0x9B00];
	s15 =	sadd.s32 s15, s13  }
0xcf: {  	v15 =	vld [tilespmem:s14+$0x9B80];
	s16 =	sand.u32 $0x70, s17;
	s13 =	sand.u32 $0x7C00, s13;
	s15 =	sor.u32 $0x380, s15  }
0xd0: {  	s13 =	sor.u32 s16, s13;
	v17 =	vld [tilespmem:s15+$0x9900]  }
0xd1: {  	v18 =	vld [tilespmem:s13+$0x9900]  }
0xd2: {  	v19 =	vld [tilespmem:s13+$0x9980]  }
0xd3: {  	v20 =	vld [tilespmem:s13+$0x9A00]  }
0xd4: {  	v21 =	vld [tilespmem:s13+$0x9A80]  }
0xd5: {  	v22 =	vld [tilespmem:s13+$0x9B00]  }
0xd6: {  	v23 =	vld [tilespmem:s13+$0x9B80]  }
0xd7: {  	v24 =	vld [tilespmem:s13+$0x9C00];
	s13 =	simm.s32 $0x0;
	s15 =	rddreg [dreg:$0x9]  }
0xd8: {  	v16 =	vld [tilespmem:s14+$0x9C00];
	[tilespmem:s22], [sflag:$0x2] =	stream.linear.gather [hbm4b:s15+s13], $0x7400, $0x38  }
0xd9: {  	s16 =	sand.u32 $0x7, s13  }
0xda: {  	v7 =	vadd.f32 v12, v7;
	v8 =	vadd.f32 v11, v8;
	s18 =	sand.u32 $0x70, s13;
	_ =	swait.ge [sflag:s28], $0x7400;
	s14 =	sshll.u32 s16, $0x4  }
0xdb: {  	v5 =	vadd.f32 v10, v5;
	v6 =	vadd.f32 v9, v6;
	s19 =	sand.u32 $0x7C00, s13;
	[sflag:s28] =	ssyncset.done $0x0;
	s17 =	sadd.s32 $0x0, s14  }
0xdc: {  	v3 =	vadd.f32 v13, v3;
	v10 =	vadd.f32 v14, v4;
	s14 =	sor.u32 s18, s19;
	[sflag:s28] =	ssyncadd.s32 $0xFFFF8C00;
	s20 =	sor.u32 $0x380, s17  }
0xdd: {  	v13 =	vadd.f32 v15, v1;
	v2 =	vadd.f32 v16, v2;
	s15 =	sadd.s32 $0x10D00, s14;
	v12 =	vld [tilespmem:s20+$0x10D00]  }
0xde: {  	v4 =	vadd.f32 v17, v7;
	v1 =	vadd.f32 v18, v8;
	v11 =	vld [tilespmem:s15+$0x80]  }
0xdf: {  	v8 =	vadd.f32 v19, v5;
	v5 =	vadd.f32 v20, v6;
	v9 =	vld [tilespmem:s15+$0x100]  }
0xe0: {  	s16 =	simm.s32 $0x1;
	v6 =	vadd.f32 v21, v3;
	v3 =	vadd.f32 v22, v10;
	v10 =	vld [tilespmem:s15+$0x180]  }
0xe1: {  	s18 =	simm.s32 $0x10;
	s19 =	sand.u32 $0x7, s16;
	s17 =	simm.s32 $0x20;
	v7 =	vadd.f32 v23, v13;
	v2 =	vadd.f32 v24, v2;
	v13 =	vld [tilespmem:s15+$0x200]  }
.LBB2_6:
0xe2: {  	p0 =	sne.s32 s17, $0xE70;
	s19 =	sshll.u32 s19, $0x4;
	v14 =	vld [tilespmem:s15+$0x280];
	v4 =	vadd.f32 v12, v4;
	s13 =	sadd.s32 $0x80, s13  }
0xe3: {  	s18 =	sand.u32 $0x70, s18;
	s19 =	sadd.s32 s19, s13;
	s20 =	sand.u32 $0x7C00, s13;
	v8 =	vadd.f32 v11, v8;
	v15 =	vld [tilespmem:s15+$0x300]  }
0xe4: {  	s19 =	sor.u32 $0x380, s19;
	v16 =	vld [tilespmem:s14+$0x10D00];
	s14 =	sor.u32 s18, s20;
	v5 =	vadd.f32 v9, v5;
	s18 =	smov.u32 s17  }
.Ltmp2:
0xe5: {  	s15 =	sadd.s32 $0x10D00, s14;
	v12 =	vld [tilespmem:s19+$0x10D00];
	v6 =	vadd.f32 v10, v6;
	(pc) =	sbr.rel @p0 .LBB2_6-.Ltmp2, $4  }
0xe6: {  	v11 =	vld [tilespmem:s15+$0x80];
	v3 =	vadd.f32 v13, v3  }
0xe7: {  	v9 =	vld [tilespmem:s15+$0x100];
	v7 =	vadd.f32 v14, v7  }
0xe8: {  	s16 =	sadd.s32 $0x1, s16;
	v10 =	vld [tilespmem:s15+$0x180];
	v2 =	vadd.f32 v15, v2  }
0xe9: {  	s17 =	sadd.s32 $0x10, s17;
	s19 =	sand.u32 $0x7, s16;
	v13 =	vld [tilespmem:s15+$0x200];
	v1 =	vadd.f32 v16, v1  }
0xea: {  	s16 =	sshll.u32 s19, $0x4;
	v14 =	vld [tilespmem:s15+$0x280];
	s13 =	sadd.s32 $0x80, s13  }
0xeb: {  	v15 =	vld [tilespmem:s15+$0x300];
	s16 =	sadd.s32 s16, s13  }
0xec: {  	s17 =	sand.u32 $0x70, s18;
	v16 =	vld [tilespmem:s14+$0x10D00];
	s13 =	sand.u32 $0x7C00, s13;
	s19 =	sor.u32 $0x380, s16  }
0xed: {  	s13 =	sor.u32 s17, s13;
	v17 =	vld [tilespmem:s19+$0x10D00]  }
0xee: {  	s20 =	sadd.s32 $0x10D00, s13;
	v24 =	vld [tilespmem:s13+$0x10D00]  }
0xef: {  	v18 =	vld [tilespmem:s20+$0x80]  }
0xf0: {  	v19 =	vld [tilespmem:s20+$0x100]  }
0xf1: {  	v20 =	vld [tilespmem:s20+$0x180]  }
0xf2: {  	v21 =	vld [tilespmem:s20+$0x200]  }
0xf3: {  	s16 =	rddreg [dreg:$0xa];
	s13 =	simm.s32 $0x0;
	v22 =	vld [tilespmem:s20+$0x280]  }
0xf4: {  	v23 =	vld [tilespmem:s20+$0x300];
	[tilespmem:s24], [sflag:$0x3] =	stream.linear.gather [hbm4b:s16+s13], $0x7400, $0x38  }
0xf5: {  	s17 =	sand.u32 $0x7, s13  }
0xf6: {  	v4 =	vadd.f32 v12, v4;
	v8 =	vadd.f32 v11, v8;
	_ =	swait.ge [sflag:s29], $0x7400;
	s14 =	sshll.u32 s17, $0x4  }
0xf7: {  	v5 =	vadd.f32 v9, v5;
	v9 =	vadd.f32 v10, v6;
	s18 =	sand.u32 $0x70, s13;
	[sflag:s29] =	ssyncset.done $0x0;
	s14 =	sadd.s32 $0x0, s14  }
0xf8: {  	v3 =	vadd.f32 v13, v3;
	s19 =	sand.u32 $0x7C00, s13;
	v13 =	vadd.f32 v14, v7;
	[sflag:s29] =	ssyncadd.s32 $0xFFFF8C00;
	s20 =	sor.u32 $0x380, s14  }
0xf9: {  	v14 =	vadd.f32 v15, v2;
	v15 =	vadd.f32 v16, v1;
	s14 =	sor.u32 s18, s19;
	v12 =	vld [tilespmem:s20+$0x18100]  }
0xfa: {  	v7 =	vadd.f32 v17, v4;
	v11 =	vld [tilespmem:s14+$0x18100];
	v4 =	vadd.f32 v18, v8  }
0xfb: {  	v10 =	vld [tilespmem:s14+$0x18180];
	v6 =	vadd.f32 v19, v5;
	v2 =	vadd.f32 v20, v9  }
0xfc: {  	s15 =	simm.s32 $0x1;
	v5 =	vadd.f32 v21, v3;
	v1 =	vadd.f32 v22, v13;
	v9 =	vld [tilespmem:s14+$0x18200]  }
0xfd: {  	s16 =	simm.s32 $0x20;
	s17 =	simm.s32 $0x10;
	s18 =	sand.u32 $0x7, s15;
	v3 =	vadd.f32 v23, v14;
	v8 =	vadd.f32 v24, v15;
	v13 =	vld [tilespmem:s14+$0x18280]  }
.LBB2_8:
0xfe: {  	p0 =	sne.s32 s16, $0xE70;
	s18 =	sshll.u32 s18, $0x4;
	v14 =	vld [tilespmem:s14+$0x18300];
	v7 =	vadd.f32 v12, v7;
	s13 =	sadd.s32 $0x80, s13  }
0xff: {  	s17 =	sand.u32 $0x70, s17;
	s18 =	sadd.s32 s18, s13;
	s19 =	sand.u32 $0x7C00, s13;
	v8 =	vadd.f32 v11, v8;
	v15 =	vld [tilespmem:s14+$0x18380]  }
0x100: {  	s18 =	sor.u32 $0x380, s18;
	v4 =	vadd.f32 v10, v4;
	v16 =	vld [tilespmem:s14+$0x18400];
	s14 =	sor.u32 s17, s19;
	s17 =	smov.u32 s16  }
.Ltmp3:
0x101: {  	v12 =	vld [tilespmem:s18+$0x18100];
	v6 =	vadd.f32 v9, v6;
	(pc) =	sbr.rel @p0 .LBB2_8-.Ltmp3, $4  }
0x102: {  	v11 =	vld [tilespmem:s14+$0x18100];
	v2 =	vadd.f32 v13, v2  }
0x103: {  	v10 =	vld [tilespmem:s14+$0x18180];
	v5 =	vadd.f32 v14, v5  }
0x104: {  	s15 =	sadd.s32 $0x1, s15;
	v9 =	vld [tilespmem:s14+$0x18200];
	v1 =	vadd.f32 v15, v1  }
0x105: {  	s16 =	sadd.s32 $0x10, s16;
	s18 =	sand.u32 $0x7, s15;
	v13 =	vld [tilespmem:s14+$0x18280];
	v3 =	vadd.f32 v16, v3  }
0x106: {  	s15 =	sshll.u32 s18, $0x4;
	v14 =	vld [tilespmem:s14+$0x18300];
	s13 =	sadd.s32 $0x80, s13  }
0x107: {  	v15 =	vld [tilespmem:s14+$0x18380];
	s16 =	sand.u32 $0x70, s17;
	s15 =	sadd.s32 s15, s13;
	s13 =	sand.u32 $0x7C00, s13  }
0x108: {  	v16 =	vld [tilespmem:s14+$0x18400];
	s13 =	sor.u32 s16, s13  }
0x109: {  	v18 =	vld [tilespmem:s13+$0x18100]  }
0x10a: {  	v19 =	vld [tilespmem:s13+$0x18180]  }
0x10b: {  	v20 =	vld [tilespmem:s13+$0x18200]  }
0x10c: {  	v21 =	vld [tilespmem:s13+$0x18280]  }
0x10d: {  	v22 =	vld [tilespmem:s13+$0x18300]  }
0x10e: {  	v23 =	vld [tilespmem:s13+$0x18380]  }
0x10f: {  	s15 =	sor.u32 $0x380, s15;
	s16 =	rddreg [dreg:$0xb];
	v24 =	vld [tilespmem:s13+$0x18400];
	s13 =	simm.s32 $0x0  }
0x110: {  	v17 =	vld [tilespmem:s15+$0x18100];
	[tilespmem:s25], [sflag:$0x4] =	stream.linear.gather [hbm4b:s16+s13], $0x7400, $0x38  }
0x111: {  	s17 =	sand.u32 $0x7, s13  }
0x112: {  	v7 =	vadd.f32 v12, v7;
	v8 =	vadd.f32 v11, v8;
	_ =	swait.ge [sflag:s23], $0x7400;
	s14 =	sshll.u32 s17, $0x4  }
0x113: {  	v4 =	vadd.f32 v10, v4;
	v6 =	vadd.f32 v9, v6;
	s18 =	sand.u32 $0x70, s13;
	[sflag:s23] =	ssyncset.done $0x0;
	s14 =	sadd.s32 $0x0, s14  }
0x114: {  	v2 =	vadd.f32 v13, v2;
	s19 =	sand.u32 $0x7C00, s13;
	v9 =	vadd.f32 v14, v5;
	[sflag:s23] =	ssyncadd.s32 $0xFFFF8C00;
	s20 =	sor.u32 $0x380, s14  }
0x115: {  	v1 =	vadd.f32 v15, v1;
	v13 =	vadd.f32 v16, v3;
	s14 =	sor.u32 s18, s19;
	v12 =	vld [tilespmem:s20+$0x2500]  }
0x116: {  	v7 =	vadd.f32 v17, v7;
	v8 =	vadd.f32 v18, v8;
	v11 =	vld [tilespmem:s14+$0x2500]  }
0x117: {  	v5 =	vadd.f32 v19, v4;
	v6 =	vadd.f32 v20, v6;
	v10 =	vld [tilespmem:s14+$0x2580]  }
0x118: {  	s15 =	simm.s32 $0x1;
	v3 =	vadd.f32 v21, v2;
	v4 =	vadd.f32 v22, v9;
	v9 =	vld [tilespmem:s14+$0x2600]  }
0x119: {  	s16 =	simm.s32 $0x20;
	s17 =	simm.s32 $0x10;
	s18 =	sand.u32 $0x7, s15;
	v1 =	vadd.f32 v23, v1;
	v2 =	vadd.f32 v24, v13;
	v13 =	vld [tilespmem:s14+$0x2680]  }
.LBB2_10:
0x11a: {  	p0 =	sne.s32 s16, $0xE70;
	s18 =	sshll.u32 s18, $0x4;
	v14 =	vld [tilespmem:s14+$0x2700];
	v7 =	vadd.f32 v12, v7;
	s13 =	sadd.s32 $0x80, s13  }
0x11b: {  	s17 =	sand.u32 $0x70, s17;
	s18 =	sadd.s32 s18, s13;
	s19 =	sand.u32 $0x7C00, s13;
	v8 =	vadd.f32 v11, v8;
	v15 =	vld [tilespmem:s14+$0x2780]  }
0x11c: {  	s18 =	sor.u32 $0x380, s18;
	v5 =	vadd.f32 v10, v5;
	v16 =	vld [tilespmem:s14+$0x2800];
	s14 =	sor.u32 s17, s19;
	s17 =	smov.u32 s16  }
.Ltmp4:
0x11d: {  	v12 =	vld [tilespmem:s18+$0x2500];
	v6 =	vadd.f32 v9, v6;
	(pc) =	sbr.rel @p0 .LBB2_10-.Ltmp4, $4  }
0x11e: {  	v11 =	vld [tilespmem:s14+$0x2500];
	v3 =	vadd.f32 v13, v3  }
0x11f: {  	v10 =	vld [tilespmem:s14+$0x2580];
	v4 =	vadd.f32 v14, v4  }
0x120: {  	s15 =	sadd.s32 $0x1, s15;
	v9 =	vld [tilespmem:s14+$0x2600];
	v1 =	vadd.f32 v15, v1  }
0x121: {  	s16 =	sadd.s32 $0x10, s16;
	s18 =	sand.u32 $0x7, s15;
	v13 =	vld [tilespmem:s14+$0x2680];
	v2 =	vadd.f32 v16, v2  }
0x122: {  	s15 =	sshll.u32 s18, $0x4;
	v14 =	vld [tilespmem:s14+$0x2700];
	s13 =	sadd.s32 $0x80, s13  }
0x123: {  	v15 =	vld [tilespmem:s14+$0x2780];
	s16 =	sand.u32 $0x70, s17;
	s15 =	sadd.s32 s15, s13;
	s13 =	sand.u32 $0x7C00, s13  }
0x124: {  	v16 =	vld [tilespmem:s14+$0x2800];
	s13 =	sor.u32 s16, s13  }
0x125: {  	v18 =	vld [tilespmem:s13+$0x2500]  }
0x126: {  	v19 =	vld [tilespmem:s13+$0x2580]  }
0x127: {  	v20 =	vld [tilespmem:s13+$0x2600]  }
0x128: {  	v21 =	vld [tilespmem:s13+$0x2680]  }
0x129: {  	v22 =	vld [tilespmem:s13+$0x2700]  }
0x12a: {  	v23 =	vld [tilespmem:s13+$0x2780]  }
0x12b: {  	s15 =	sor.u32 $0x380, s15;
	s16 =	rddreg [dreg:$0xc];
	v24 =	vld [tilespmem:s13+$0x2800];
	s13 =	simm.s32 $0x0  }
0x12c: {  	v17 =	vld [tilespmem:s15+$0x2500];
	[tilespmem:s0], [sflag:$0x1] =	stream.linear.gather [hbm4b:s16+s13], $0x7400, $0x38  }
0x12d: {  	s17 =	sand.u32 $0x7, s13  }
0x12e: {  	v7 =	vadd.f32 v12, v7;
	v8 =	vadd.f32 v11, v8;
	_ =	swait.ge [sflag:s26], $0x7400;
	s14 =	sshll.u32 s17, $0x4  }
0x12f: {  	v5 =	vadd.f32 v10, v5;
	v6 =	vadd.f32 v9, v6;
	s18 =	sand.u32 $0x70, s13;
	[sflag:s26] =	ssyncset.done $0x0;
	s14 =	sadd.s32 $0x0, s14  }
0x130: {  	v3 =	vadd.f32 v13, v3;
	s19 =	sand.u32 $0x7C00, s13;
	v4 =	vadd.f32 v14, v4;
	[sflag:s26] =	ssyncadd.s32 $0xFFFF8C00;
	s20 =	sor.u32 $0x380, s14  }
0x131: {  	v1 =	vadd.f32 v15, v1;
	v2 =	vadd.f32 v16, v2;
	s14 =	sor.u32 s18, s19;
	v12 =	vld [tilespmem:s20+$0x9900]  }
0x132: {  	v7 =	vadd.f32 v17, v7;
	v8 =	vadd.f32 v18, v8;
	v11 =	vld [tilespmem:s14+$0x9900]  }
0x133: {  	v5 =	vadd.f32 v19, v5;
	v6 =	vadd.f32 v20, v6;
	v10 =	vld [tilespmem:s14+$0x9980]  }
0x134: {  	s15 =	simm.s32 $0x1;
	v3 =	vadd.f32 v21, v3;
	v4 =	vadd.f32 v22, v4;
	v9 =	vld [tilespmem:s14+$0x9A00]  }
0x135: {  	s16 =	simm.s32 $0x20;
	s17 =	simm.s32 $0x10;
	s18 =	sand.u32 $0x7, s15;
	v1 =	vadd.f32 v23, v1;
	v2 =	vadd.f32 v24, v2;
	v13 =	vld [tilespmem:s14+$0x9A80]  }
.LBB2_12:
0x136: {  	p0 =	sne.s32 s16, $0xE70;
	s18 =	sshll.u32 s18, $0x4;
	v14 =	vld [tilespmem:s14+$0x9B00];
	v7 =	vadd.f32 v12, v7;
	s13 =	sadd.s32 $0x80, s13  }
0x137: {  	s17 =	sand.u32 $0x70, s17;
	s18 =	sadd.s32 s18, s13;
	s19 =	sand.u32 $0x7C00, s13;
	v8 =	vadd.f32 v11, v8;
	v15 =	vld [tilespmem:s14+$0x9B80]  }
0x138: {  	s18 =	sor.u32 $0x380, s18;
	v5 =	vadd.f32 v10, v5;
	v16 =	vld [tilespmem:s14+$0x9C00];
	s14 =	sor.u32 s17, s19;
	s17 =	smov.u32 s16  }
.Ltmp5:
0x139: {  	v12 =	vld [tilespmem:s18+$0x9900];
	v6 =	vadd.f32 v9, v6;
	(pc) =	sbr.rel @p0 .LBB2_12-.Ltmp5, $4  }
0x13a: {  	v11 =	vld [tilespmem:s14+$0x9900];
	v3 =	vadd.f32 v13, v3  }
0x13b: {  	v10 =	vld [tilespmem:s14+$0x9980];
	v4 =	vadd.f32 v14, v4  }
0x13c: {  	s15 =	sadd.s32 $0x1, s15;
	v9 =	vld [tilespmem:s14+$0x9A00];
	v1 =	vadd.f32 v15, v1  }
0x13d: {  	s16 =	sadd.s32 $0x10, s16;
	s18 =	sand.u32 $0x7, s15;
	v13 =	vld [tilespmem:s14+$0x9A80];
	v2 =	vadd.f32 v16, v2  }
0x13e: {  	s15 =	sshll.u32 s18, $0x4;
	s13 =	sadd.s32 $0x80, s13  }
0x13f: {  	v14 =	vld [tilespmem:s14+$0x9B00];
	s15 =	sadd.s32 s15, s13  }
0x140: {  	v15 =	vld [tilespmem:s14+$0x9B80];
	s16 =	sand.u32 $0x70, s17;
	s13 =	sand.u32 $0x7C00, s13;
	s15 =	sor.u32 $0x380, s15  }
0x141: {  	s13 =	sor.u32 s16, s13;
	v17 =	vld [tilespmem:s15+$0x9900]  }
0x142: {  	v18 =	vld [tilespmem:s13+$0x9900]  }
0x143: {  	v19 =	vld [tilespmem:s13+$0x9980]  }
0x144: {  	v20 =	vld [tilespmem:s13+$0x9A00]  }
0x145: {  	v21 =	vld [tilespmem:s13+$0x9A80]  }
0x146: {  	v22 =	vld [tilespmem:s13+$0x9B00]  }
0x147: {  	v23 =	vld [tilespmem:s13+$0x9B80]  }
0x148: {  	v24 =	vld [tilespmem:s13+$0x9C00];
	s13 =	simm.s32 $0x0;
	s15 =	rddreg [dreg:$0xd]  }
0x149: {  	v16 =	vld [tilespmem:s14+$0x9C00];
	[tilespmem:s22], [sflag:$0x2] =	stream.linear.gather [hbm4b:s15+s13], $0x7400, $0x38  }
0x14a: {  	s16 =	sand.u32 $0x7, s13  }
0x14b: {  	v7 =	vadd.f32 v12, v7;
	v8 =	vadd.f32 v11, v8;
	s18 =	sand.u32 $0x70, s13;
	_ =	swait.ge [sflag:s28], $0x7400;
	s14 =	sshll.u32 s16, $0x4  }
0x14c: {  	v5 =	vadd.f32 v10, v5;
	v6 =	vadd.f32 v9, v6;
	s19 =	sand.u32 $0x7C00, s13;
	[sflag:s28] =	ssyncset.done $0x0;
	s17 =	sadd.s32 $0x0, s14  }
0x14d: {  	v3 =	vadd.f32 v13, v3;
	v10 =	vadd.f32 v14, v4;
	s14 =	sor.u32 s18, s19;
	[sflag:s28] =	ssyncadd.s32 $0xFFFF8C00;
	s20 =	sor.u32 $0x380, s17  }
0x14e: {  	v13 =	vadd.f32 v15, v1;
	v2 =	vadd.f32 v16, v2;
	s15 =	sadd.s32 $0x10D00, s14;
	v12 =	vld [tilespmem:s20+$0x10D00]  }
0x14f: {  	v4 =	vadd.f32 v17, v7;
	v1 =	vadd.f32 v18, v8;
	v11 =	vld [tilespmem:s15+$0x80]  }
0x150: {  	v8 =	vadd.f32 v19, v5;
	v5 =	vadd.f32 v20, v6;
	v9 =	vld [tilespmem:s15+$0x100]  }
0x151: {  	s16 =	simm.s32 $0x1;
	v6 =	vadd.f32 v21, v3;
	v3 =	vadd.f32 v22, v10;
	v10 =	vld [tilespmem:s15+$0x180]  }
0x152: {  	s18 =	simm.s32 $0x10;
	s19 =	sand.u32 $0x7, s16;
	s17 =	simm.s32 $0x20;
	v7 =	vadd.f32 v23, v13;
	v2 =	vadd.f32 v24, v2;
	v13 =	vld [tilespmem:s15+$0x200]  }
.LBB2_14:
0x153: {  	p0 =	sne.s32 s17, $0xE70;
	s19 =	sshll.u32 s19, $0x4;
	v14 =	vld [tilespmem:s15+$0x280];
	v4 =	vadd.f32 v12, v4;
	s13 =	sadd.s32 $0x80, s13  }
0x154: {  	s18 =	sand.u32 $0x70, s18;
	s19 =	sadd.s32 s19, s13;
	s20 =	sand.u32 $0x7C00, s13;
	v8 =	vadd.f32 v11, v8;
	v15 =	vld [tilespmem:s15+$0x300]  }
0x155: {  	s19 =	sor.u32 $0x380, s19;
	v16 =	vld [tilespmem:s14+$0x10D00];
	s14 =	sor.u32 s18, s20;
	v5 =	vadd.f32 v9, v5;
	s18 =	smov.u32 s17  }
.Ltmp6:
0x156: {  	s15 =	sadd.s32 $0x10D00, s14;
	v12 =	vld [tilespmem:s19+$0x10D00];
	v6 =	vadd.f32 v10, v6;
	(pc) =	sbr.rel @p0 .LBB2_14-.Ltmp6, $4  }
0x157: {  	v11 =	vld [tilespmem:s15+$0x80];
	v3 =	vadd.f32 v13, v3  }
0x158: {  	v9 =	vld [tilespmem:s15+$0x100];
	v7 =	vadd.f32 v14, v7  }
0x159: {  	s16 =	sadd.s32 $0x1, s16;
	v10 =	vld [tilespmem:s15+$0x180];
	v2 =	vadd.f32 v15, v2  }
0x15a: {  	s17 =	sadd.s32 $0x10, s17;
	s19 =	sand.u32 $0x7, s16;
	v13 =	vld [tilespmem:s15+$0x200];
	v1 =	vadd.f32 v16, v1  }
0x15b: {  	s16 =	sshll.u32 s19, $0x4;
	v14 =	vld [tilespmem:s15+$0x280];
	s13 =	sadd.s32 $0x80, s13  }
0x15c: {  	v15 =	vld [tilespmem:s15+$0x300];
	s16 =	sadd.s32 s16, s13  }
0x15d: {  	s17 =	sand.u32 $0x70, s18;
	v16 =	vld [tilespmem:s14+$0x10D00];
	s13 =	sand.u32 $0x7C00, s13;
	s19 =	sor.u32 $0x380, s16  }
0x15e: {  	s13 =	sor.u32 s17, s13;
	v17 =	vld [tilespmem:s19+$0x10D00]  }
0x15f: {  	s20 =	sadd.s32 $0x10D00, s13;
	v24 =	vld [tilespmem:s13+$0x10D00]  }
0x160: {  	v18 =	vld [tilespmem:s20+$0x80]  }
0x161: {  	v19 =	vld [tilespmem:s20+$0x100]  }
0x162: {  	v20 =	vld [tilespmem:s20+$0x180]  }
0x163: {  	v21 =	vld [tilespmem:s20+$0x200]  }
0x164: {  	s16 =	rddreg [dreg:$0xe];
	s13 =	simm.s32 $0x0;
	v22 =	vld [tilespmem:s20+$0x280]  }
0x165: {  	v23 =	vld [tilespmem:s20+$0x300];
	[tilespmem:s24], [sflag:$0x3] =	stream.linear.gather [hbm4b:s16+s13], $0x7400, $0x38  }
0x166: {  	s17 =	sand.u32 $0x7, s13  }
0x167: {  	v4 =	vadd.f32 v12, v4;
	v8 =	vadd.f32 v11, v8;
	_ =	swait.ge [sflag:s29], $0x7400;
	s14 =	sshll.u32 s17, $0x4  }
0x168: {  	v5 =	vadd.f32 v9, v5;
	v9 =	vadd.f32 v10, v6;
	s18 =	sand.u32 $0x70, s13;
	[sflag:s29] =	ssyncset.done $0x0;
	s14 =	sadd.s32 $0x0, s14  }
0x169: {  	v3 =	vadd.f32 v13, v3;
	s19 =	sand.u32 $0x7C00, s13;
	v13 =	vadd.f32 v14, v7;
	[sflag:s29] =	ssyncadd.s32 $0xFFFF8C00;
	s20 =	sor.u32 $0x380, s14  }
0x16a: {  	v14 =	vadd.f32 v15, v2;
	v15 =	vadd.f32 v16, v1;
	s14 =	sor.u32 s18, s19;
	v12 =	vld [tilespmem:s20+$0x18100]  }
0x16b: {  	v7 =	vadd.f32 v17, v4;
	v11 =	vld [tilespmem:s14+$0x18100];
	v4 =	vadd.f32 v18, v8  }
0x16c: {  	v10 =	vld [tilespmem:s14+$0x18180];
	v6 =	vadd.f32 v19, v5;
	v2 =	vadd.f32 v20, v9  }
0x16d: {  	s15 =	simm.s32 $0x1;
	v5 =	vadd.f32 v21, v3;
	v1 =	vadd.f32 v22, v13;
	v9 =	vld [tilespmem:s14+$0x18200]  }
0x16e: {  	s16 =	simm.s32 $0x20;
	s17 =	simm.s32 $0x10;
	s18 =	sand.u32 $0x7, s15;
	v3 =	vadd.f32 v23, v14;
	v8 =	vadd.f32 v24, v15;
	v13 =	vld [tilespmem:s14+$0x18280]  }
.LBB2_16:
0x16f: {  	p0 =	sne.s32 s16, $0xE70;
	s18 =	sshll.u32 s18, $0x4;
	v14 =	vld [tilespmem:s14+$0x18300];
	v7 =	vadd.f32 v12, v7;
	s13 =	sadd.s32 $0x80, s13  }
0x170: {  	s17 =	sand.u32 $0x70, s17;
	s18 =	sadd.s32 s18, s13;
	s19 =	sand.u32 $0x7C00, s13;
	v8 =	vadd.f32 v11, v8;
	v15 =	vld [tilespmem:s14+$0x18380]  }
0x171: {  	s18 =	sor.u32 $0x380, s18;
	v4 =	vadd.f32 v10, v4;
	v16 =	vld [tilespmem:s14+$0x18400];
	s14 =	sor.u32 s17, s19;
	s17 =	smov.u32 s16  }
.Ltmp7:
0x172: {  	v12 =	vld [tilespmem:s18+$0x18100];
	v6 =	vadd.f32 v9, v6;
	(pc) =	sbr.rel @p0 .LBB2_16-.Ltmp7, $4  }
0x173: {  	v11 =	vld [tilespmem:s14+$0x18100];
	v2 =	vadd.f32 v13, v2  }
0x174: {  	v10 =	vld [tilespmem:s14+$0x18180];
	v5 =	vadd.f32 v14, v5  }
0x175: {  	s15 =	sadd.s32 $0x1, s15;
	v9 =	vld [tilespmem:s14+$0x18200];
	v1 =	vadd.f32 v15, v1  }
0x176: {  	s16 =	sadd.s32 $0x10, s16;
	s18 =	sand.u32 $0x7, s15;
	v13 =	vld [tilespmem:s14+$0x18280];
	v3 =	vadd.f32 v16, v3  }
0x177: {  	s15 =	sshll.u32 s18, $0x4;
	v14 =	vld [tilespmem:s14+$0x18300];
	s13 =	sadd.s32 $0x80, s13  }
0x178: {  	v15 =	vld [tilespmem:s14+$0x18380];
	s16 =	sand.u32 $0x70, s17;
	s15 =	sadd.s32 s15, s13;
	s13 =	sand.u32 $0x7C00, s13  }
0x179: {  	v16 =	vld [tilespmem:s14+$0x18400];
	s13 =	sor.u32 s16, s13  }
0x17a: {  	v18 =	vld [tilespmem:s13+$0x18100]  }
0x17b: {  	v19 =	vld [tilespmem:s13+$0x18180]  }
0x17c: {  	v20 =	vld [tilespmem:s13+$0x18200]  }
0x17d: {  	v21 =	vld [tilespmem:s13+$0x18280]  }
0x17e: {  	v22 =	vld [tilespmem:s13+$0x18300]  }
0x17f: {  	v23 =	vld [tilespmem:s13+$0x18380]  }
0x180: {  	s15 =	sor.u32 $0x380, s15;
	s16 =	rddreg [dreg:$0xf];
	v24 =	vld [tilespmem:s13+$0x18400];
	s13 =	simm.s32 $0x0  }
0x181: {  	v17 =	vld [tilespmem:s15+$0x18100];
	[tilespmem:s25], [sflag:$0x4] =	stream.linear.gather [hbm4b:s16+s13], $0x3000, $0x38  }
0x182: {  	s17 =	sand.u32 $0x7, s13  }
0x183: {  	v7 =	vadd.f32 v12, v7;
	v8 =	vadd.f32 v11, v8;
	_ =	swait.ge [sflag:s23], $0x7400;
	s14 =	sshll.u32 s17, $0x4  }
0x184: {  	v4 =	vadd.f32 v10, v4;
	v6 =	vadd.f32 v9, v6;
	s18 =	sand.u32 $0x70, s13;
	[sflag:s23] =	ssyncset.done $0x0;
	s14 =	sadd.s32 $0x0, s14  }
0x185: {  	v2 =	vadd.f32 v13, v2;
	s19 =	sand.u32 $0x7C00, s13;
	v9 =	vadd.f32 v14, v5;
	[sflag:s23] =	ssyncadd.s32 $0xFFFF8C00;
	s20 =	sor.u32 $0x380, s14  }
0x186: {  	v1 =	vadd.f32 v15, v1;
	v13 =	vadd.f32 v16, v3;
	s14 =	sor.u32 s18, s19;
	v12 =	vld [tilespmem:s20+$0x2500]  }
0x187: {  	v7 =	vadd.f32 v17, v7;
	v8 =	vadd.f32 v18, v8;
	v11 =	vld [tilespmem:s14+$0x2500]  }
0x188: {  	v5 =	vadd.f32 v19, v4;
	v6 =	vadd.f32 v20, v6;
	v10 =	vld [tilespmem:s14+$0x2580]  }
0x189: {  	s15 =	simm.s32 $0x1;
	v3 =	vadd.f32 v21, v2;
	v4 =	vadd.f32 v22, v9;
	v9 =	vld [tilespmem:s14+$0x2600]  }
0x18a: {  	s16 =	simm.s32 $0x20;
	s17 =	simm.s32 $0x10;
	s18 =	sand.u32 $0x7, s15;
	v1 =	vadd.f32 v23, v1;
	v2 =	vadd.f32 v24, v13;
	v13 =	vld [tilespmem:s14+$0x2680]  }
.LBB2_18:
0x18b: {  	p0 =	sne.s32 s16, $0xE70;
	s18 =	sshll.u32 s18, $0x4;
	v14 =	vld [tilespmem:s14+$0x2700];
	v7 =	vadd.f32 v12, v7;
	s13 =	sadd.s32 $0x80, s13  }
0x18c: {  	s17 =	sand.u32 $0x70, s17;
	s18 =	sadd.s32 s18, s13;
	s19 =	sand.u32 $0x7C00, s13;
	v8 =	vadd.f32 v11, v8;
	v15 =	vld [tilespmem:s14+$0x2780]  }
0x18d: {  	s18 =	sor.u32 $0x380, s18;
	v5 =	vadd.f32 v10, v5;
	v16 =	vld [tilespmem:s14+$0x2800];
	s14 =	sor.u32 s17, s19;
	s17 =	smov.u32 s16  }
.Ltmp8:
0x18e: {  	v12 =	vld [tilespmem:s18+$0x2500];
	v6 =	vadd.f32 v9, v6;
	(pc) =	sbr.rel @p0 .LBB2_18-.Ltmp8, $4  }
0x18f: {  	v11 =	vld [tilespmem:s14+$0x2500];
	v3 =	vadd.f32 v13, v3  }
0x190: {  	v10 =	vld [tilespmem:s14+$0x2580];
	v4 =	vadd.f32 v14, v4  }
0x191: {  	s15 =	sadd.s32 $0x1, s15;
	v9 =	vld [tilespmem:s14+$0x2600];
	v1 =	vadd.f32 v15, v1  }
0x192: {  	s16 =	sadd.s32 $0x10, s16;
	s18 =	sand.u32 $0x7, s15;
	v13 =	vld [tilespmem:s14+$0x2680];
	v2 =	vadd.f32 v16, v2  }
0x193: {  	s15 =	sshll.u32 s18, $0x4;
	v14 =	vld [tilespmem:s14+$0x2700];
	s13 =	sadd.s32 $0x80, s13  }
0x194: {  	v15 =	vld [tilespmem:s14+$0x2780];
	s16 =	sand.u32 $0x70, s17;
	s15 =	sadd.s32 s15, s13;
	s13 =	sand.u32 $0x7C00, s13  }
0x195: {  	v16 =	vld [tilespmem:s14+$0x2800];
	s13 =	sor.u32 s16, s13  }
0x196: {  	v18 =	vld [tilespmem:s13+$0x2500]  }
0x197: {  	v19 =	vld [tilespmem:s13+$0x2580]  }
0x198: {  	v20 =	vld [tilespmem:s13+$0x2600]  }
0x199: {  	v21 =	vld [tilespmem:s13+$0x2680]  }
0x19a: {  	v22 =	vld [tilespmem:s13+$0x2700]  }
0x19b: {  	v23 =	vld [tilespmem:s13+$0x2780]  }
0x19c: {  	s15 =	sor.u32 $0x380, s15;
	v24 =	vld [tilespmem:s13+$0x2800];
	s13 =	simm.s32 $0x0  }
0x19d: {  	v17 =	vld [tilespmem:s15+$0x2500];
	s17 =	sand.u32 $0x7, s13  }
0x19e: {  	v7 =	vadd.f32 v12, v7;
	v8 =	vadd.f32 v11, v8;
	_ =	swait.ge [sflag:s26], $0x7400;
	s14 =	sshll.u32 s17, $0x4  }
0x19f: {  	v5 =	vadd.f32 v10, v5;
	v6 =	vadd.f32 v9, v6;
	[sflag:s26] =	ssyncset.done $0x0;
	s18 =	sand.u32 $0x70, s13;
	s14 =	sadd.s32 $0x0, s14  }
0x1a0: {  	v3 =	vadd.f32 v13, v3;
	s19 =	sand.u32 $0x7C00, s13;
	[sflag:s26] =	ssyncadd.s32 $0xFFFF8C00;
	v4 =	vadd.f32 v14, v4;
	s20 =	sor.u32 $0x380, s14  }
0x1a1: {  	v1 =	vadd.f32 v15, v1;
	v2 =	vadd.f32 v16, v2;
	s14 =	sor.u32 s18, s19;
	v12 =	vld [tilespmem:s20+$0x9900]  }
0x1a2: {  	v7 =	vadd.f32 v17, v7;
	v8 =	vadd.f32 v18, v8;
	v11 =	vld [tilespmem:s14+$0x9900]  }
0x1a3: {  	v5 =	vadd.f32 v19, v5;
	v6 =	vadd.f32 v20, v6;
	v10 =	vld [tilespmem:s14+$0x9980]  }
0x1a4: {  	s15 =	simm.s32 $0x1;
	v3 =	vadd.f32 v21, v3;
	v4 =	vadd.f32 v22, v4;
	v9 =	vld [tilespmem:s14+$0x9A00]  }
0x1a5: {  	s16 =	simm.s32 $0x20;
	s17 =	simm.s32 $0x10;
	s18 =	sand.u32 $0x7, s15;
	v1 =	vadd.f32 v23, v1;
	v2 =	vadd.f32 v24, v2;
	v13 =	vld [tilespmem:s14+$0x9A80]  }
.LBB2_20:
0x1a6: {  	p0 =	sne.s32 s16, $0xE70;
	s18 =	sshll.u32 s18, $0x4;
	v14 =	vld [tilespmem:s14+$0x9B00];
	v7 =	vadd.f32 v12, v7;
	s13 =	sadd.s32 $0x80, s13  }
0x1a7: {  	s17 =	sand.u32 $0x70, s17;
	s18 =	sadd.s32 s18, s13;
	s19 =	sand.u32 $0x7C00, s13;
	v8 =	vadd.f32 v11, v8;
	v15 =	vld [tilespmem:s14+$0x9B80]  }
0x1a8: {  	s18 =	sor.u32 $0x380, s18;
	v5 =	vadd.f32 v10, v5;
	v16 =	vld [tilespmem:s14+$0x9C00];
	s14 =	sor.u32 s17, s19;
	s17 =	smov.u32 s16  }
.Ltmp9:
0x1a9: {  	v12 =	vld [tilespmem:s18+$0x9900];
	v6 =	vadd.f32 v9, v6;
	(pc) =	sbr.rel @p0 .LBB2_20-.Ltmp9, $4  }
0x1aa: {  	v11 =	vld [tilespmem:s14+$0x9900];
	v3 =	vadd.f32 v13, v3  }
0x1ab: {  	v10 =	vld [tilespmem:s14+$0x9980];
	v4 =	vadd.f32 v14, v4  }
0x1ac: {  	s15 =	sadd.s32 $0x1, s15;
	v9 =	vld [tilespmem:s14+$0x9A00];
	v1 =	vadd.f32 v15, v1  }
0x1ad: {  	s16 =	sadd.s32 $0x10, s16;
	s18 =	sand.u32 $0x7, s15;
	v13 =	vld [tilespmem:s14+$0x9A80];
	v2 =	vadd.f32 v16, v2  }
0x1ae: {  	s15 =	sshll.u32 s18, $0x4;
	v14 =	vld [tilespmem:s14+$0x9B00];
	s13 =	sadd.s32 $0x80, s13  }
0x1af: {  	v15 =	vld [tilespmem:s14+$0x9B80];
	s16 =	sand.u32 $0x70, s17;
	s15 =	sadd.s32 s15, s13;
	s13 =	sand.u32 $0x7C00, s13  }
0x1b0: {  	v16 =	vld [tilespmem:s14+$0x9C00];
	s13 =	sor.u32 s16, s13  }
0x1b1: {  	v18 =	vld [tilespmem:s13+$0x9900]  }
0x1b2: {  	v19 =	vld [tilespmem:s13+$0x9980]  }
0x1b3: {  	v20 =	vld [tilespmem:s13+$0x9A00]  }
0x1b4: {  	v21 =	vld [tilespmem:s13+$0x9A80]  }
0x1b5: {  	v22 =	vld [tilespmem:s13+$0x9B00]  }
0x1b6: {  	v23 =	vld [tilespmem:s13+$0x9B80]  }
0x1b7: {  	s15 =	sor.u32 $0x380, s15;
	v24 =	vld [tilespmem:s13+$0x9C00];
	s13 =	simm.s32 $0x0  }
0x1b8: {  	v17 =	vld [tilespmem:s15+$0x9900];
	_ =	swait.ge [sflag:s28], $0x7400;
	s16 =	sand.u32 $0x7, s13  }
0x1b9: {  	v7 =	vadd.f32 v12, v7;
	v8 =	vadd.f32 v11, v8;
	[sflag:s28] =	ssyncset.done $0x0;
	s14 =	sshll.u32 s16, $0x4  }
0x1ba: {  	v5 =	vadd.f32 v10, v5;
	v6 =	vadd.f32 v9, v6;
	s18 =	sand.u32 $0x70, s13;
	s19 =	sand.u32 $0x7C00, s13;
	s17 =	sadd.s32 $0x0, s14  }
0x1bb: {  	v3 =	vadd.f32 v13, v3;
	v10 =	vadd.f32 v14, v4;
	[sflag:s28] =	ssyncadd.s32 $0xFFFF8C00;
	s14 =	sor.u32 s18, s19;
	s20 =	sor.u32 $0x380, s17  }
0x1bc: {  	v13 =	vadd.f32 v15, v1;
	v2 =	vadd.f32 v16, v2;
	s15 =	sadd.s32 $0x10D00, s14;
	v12 =	vld [tilespmem:s20+$0x10D00]  }
0x1bd: {  	v4 =	vadd.f32 v17, v7;
	v1 =	vadd.f32 v18, v8;
	v11 =	vld [tilespmem:s15+$0x80]  }
0x1be: {  	v8 =	vadd.f32 v19, v5;
	v5 =	vadd.f32 v20, v6;
	v9 =	vld [tilespmem:s15+$0x100]  }
0x1bf: {  	s16 =	simm.s32 $0x1;
	v6 =	vadd.f32 v21, v3;
	v3 =	vadd.f32 v22, v10;
	v10 =	vld [tilespmem:s15+$0x180]  }
0x1c0: {  	s18 =	simm.s32 $0x10;
	s19 =	sand.u32 $0x7, s16;
	s17 =	simm.s32 $0x20;
	v7 =	vadd.f32 v23, v13;
	v2 =	vadd.f32 v24, v2;
	v13 =	vld [tilespmem:s15+$0x200]  }
.LBB2_22:
0x1c1: {  	p0 =	sne.s32 s17, $0xE70;
	s19 =	sshll.u32 s19, $0x4;
	v14 =	vld [tilespmem:s15+$0x280];
	v4 =	vadd.f32 v12, v4;
	s13 =	sadd.s32 $0x80, s13  }
0x1c2: {  	s18 =	sand.u32 $0x70, s18;
	s19 =	sadd.s32 s19, s13;
	s20 =	sand.u32 $0x7C00, s13;
	v8 =	vadd.f32 v11, v8;
	v15 =	vld [tilespmem:s15+$0x300]  }
0x1c3: {  	s19 =	sor.u32 $0x380, s19;
	v16 =	vld [tilespmem:s14+$0x10D00];
	s14 =	sor.u32 s18, s20;
	v5 =	vadd.f32 v9, v5;
	s18 =	smov.u32 s17  }
.Ltmp10:
0x1c4: {  	s15 =	sadd.s32 $0x10D00, s14;
	v12 =	vld [tilespmem:s19+$0x10D00];
	v6 =	vadd.f32 v10, v6;
	(pc) =	sbr.rel @p0 .LBB2_22-.Ltmp10, $4  }
0x1c5: {  	v11 =	vld [tilespmem:s15+$0x80];
	v3 =	vadd.f32 v13, v3  }
0x1c6: {  	v9 =	vld [tilespmem:s15+$0x100];
	v7 =	vadd.f32 v14, v7  }
0x1c7: {  	s16 =	sadd.s32 $0x1, s16;
	v10 =	vld [tilespmem:s15+$0x180];
	v2 =	vadd.f32 v15, v2  }
0x1c8: {  	s17 =	sadd.s32 $0x10, s17;
	s19 =	sand.u32 $0x7, s16;
	v13 =	vld [tilespmem:s15+$0x200];
	v1 =	vadd.f32 v16, v1  }
0x1c9: {  	s16 =	sshll.u32 s19, $0x4;
	v14 =	vld [tilespmem:s15+$0x280];
	s13 =	sadd.s32 $0x80, s13  }
0x1ca: {  	v15 =	vld [tilespmem:s15+$0x300];
	s16 =	sadd.s32 s16, s13  }
0x1cb: {  	s17 =	sand.u32 $0x70, s18;
	v16 =	vld [tilespmem:s14+$0x10D00];
	s13 =	sand.u32 $0x7C00, s13;
	s20 =	sor.u32 $0x380, s16  }
0x1cc: {  	s13 =	sor.u32 s17, s13;
	v17 =	vld [tilespmem:s20+$0x10D00]  }
0x1cd: {  	s16 =	sadd.s32 $0x10D00, s13;
	v24 =	vld [tilespmem:s13+$0x10D00]  }
0x1ce: {  	v18 =	vld [tilespmem:s16+$0x80]  }
0x1cf: {  	v19 =	vld [tilespmem:s16+$0x100]  }
0x1d0: {  	v20 =	vld [tilespmem:s16+$0x180]  }
0x1d1: {  	s13 =	simm.s32 $0x0;
	v21 =	vld [tilespmem:s16+$0x200]  }
0x1d2: {  	v22 =	vld [tilespmem:s16+$0x280];
	s17 =	sand.u32 $0x7, s13  }
0x1d3: {  	v4 =	vadd.f32 v12, v4;
	v8 =	vadd.f32 v11, v8;
	v23 =	vld [tilespmem:s16+$0x300];
	_ =	swait.ge [sflag:s29], $0x3000;
	s14 =	sshll.u32 s17, $0x4  }
0x1d4: {  	v5 =	vadd.f32 v9, v5;
	v6 =	vadd.f32 v10, v6;
	s18 =	sand.u32 $0x70, s13;
	[sflag:s29] =	ssyncset.done $0x0;
	s14 =	sadd.s32 $0x0, s14  }
0x1d5: {  	v3 =	vadd.f32 v13, v3;
	s19 =	sand.u32 $0x3C00, s13;
	v11 =	vadd.f32 v14, v7;
	[sflag:s29] =	ssyncadd.s32 $0xFFFFD000;
	s20 =	sor.u32 $0x380, s14  }
0x1d6: {  	v2 =	vadd.f32 v15, v2;
	v1 =	vadd.f32 v16, v1;
	s14 =	sor.u32 s18, s19;
	v15 =	vld [tilespmem:s20+$0x18100]  }
0x1d7: {  	v4 =	vadd.f32 v17, v4;
	v14 =	vld [tilespmem:s14+$0x18100];
	v9 =	vadd.f32 v18, v8  }
0x1d8: {  	v13 =	vld [tilespmem:s14+$0x18180];
	v10 =	vadd.f32 v19, v5;
	v8 =	vadd.f32 v20, v6  }
0x1d9: {  	s15 =	simm.s32 $0x1;
	v12 =	vld [tilespmem:s14+$0x18200];
	v7 =	vadd.f32 v21, v3;
	v6 =	vadd.f32 v22, v11  }
0x1da: {  	s16 =	simm.s32 $0x20;
	s17 =	simm.s32 $0x10;
	s18 =	sand.u32 $0x7, s15;
	v16 =	vld [tilespmem:s14+$0x18280];
	v5 =	vadd.f32 v23, v2;
	v11 =	vadd.f32 v24, v1  }
.LBB2_24:
0x1db: {  	p0 =	sne.s32 s16, $0x5F0;
	s18 =	sshll.u32 s18, $0x4;
	v1 =	vld [tilespmem:s14+$0x18300];
	v4 =	vadd.f32 v15, v4;
	s13 =	sadd.s32 $0x80, s13  }
0x1dc: {  	s17 =	sand.u32 $0x70, s17;
	s18 =	sadd.s32 s18, s13;
	s19 =	sand.u32 $0x3C00, s13;
	v11 =	vadd.f32 v14, v11;
	v2 =	vld [tilespmem:s14+$0x18380]  }
0x1dd: {  	s18 =	sor.u32 $0x380, s18;
	v9 =	vadd.f32 v13, v9;
	v3 =	vld [tilespmem:s14+$0x18400];
	s14 =	sor.u32 s17, s19;
	s17 =	smov.u32 s16  }
.Ltmp11:
0x1de: {  	v15 =	vld [tilespmem:s18+$0x18100];
	v10 =	vadd.f32 v12, v10;
	(pc) =	sbr.rel @p0 .LBB2_24-.Ltmp11, $4  }
0x1df: {  	v14 =	vld [tilespmem:s14+$0x18100];
	v8 =	vadd.f32 v16, v8  }
0x1e0: {  	v13 =	vld [tilespmem:s14+$0x18180];
	v7 =	vadd.f32 v1, v7  }
0x1e1: {  	s15 =	sadd.s32 $0x1, s15;
	v12 =	vld [tilespmem:s14+$0x18200];
	v6 =	vadd.f32 v2, v6  }
0x1e2: {  	s16 =	sadd.s32 $0x10, s16;
	s18 =	sand.u32 $0x7, s15;
	v16 =	vld [tilespmem:s14+$0x18280];
	v5 =	vadd.f32 v3, v5  }
0x1e3: {  	s15 =	sshll.u32 s18, $0x4;
	v17 =	vld [tilespmem:s14+$0x18300];
	s13 =	sadd.s32 $0x80, s13  }
0x1e4: {  	v18 =	vld [tilespmem:s14+$0x18380];
	s15 =	sadd.s32 s15, s13  }
0x1e5: {  	s16 =	sand.u32 $0x70, s17;
	v19 =	vld [tilespmem:s14+$0x18400];
	s13 =	sand.u32 $0x3C00, s13;
	s15 =	sor.u32 $0x380, s15  }
0x1e6: {  	s13 =	sor.u32 s16, s13;
	v3 =	vld [tilespmem:s15+$0x18100]  }
0x1e7: {  	v20 =	vld [tilespmem:s13+$0x18100]  }
0x1e8: {  	v21 =	vld [tilespmem:s13+$0x18180]  }
0x1e9: {  	v22 =	vld [tilespmem:s13+$0x18200]  }
0x1ea: {  	v23 =	vld [tilespmem:s13+$0x18280]  }
0x1eb: {  	v24 =	vld [tilespmem:s13+$0x18300]  }
0x1ec: {  	v2 =	vld [tilespmem:s13+$0x18380]  }
0x1ed: {  	v1 =	vld [tilespmem:s13+$0x18400];
	_ =	swait.ge [sflag:s30], $0x400  }
0x1ee: {  	[sflag:s30] =	ssyncset.done $0x0  }
0x1ef: {  	[sflag:s30] =	ssyncadd.s32 $0xFFFFFC00  }
0x1f0: {  	_ =	swait.ge [sflag:s30], $0x400  }
0x1f1: {  	[sflag:s30] =	ssyncset.done $0x0  }
0x1f2: {  	[sflag:s30] =	ssyncadd.s32 $0xFFFFFC00  }
0x1f3: {  	_ =	swait.ge [sflag:s30], $0x400  }
0x1f4: {  	[sflag:s30] =	ssyncset.done $0x0  }
0x1f5: {  	[sflag:s30] =	ssyncadd.s32 $0xFFFFFC00  }
0x1f6: {  	_ =	swait.ge [sflag:s30], $0x400  }
0x1f7: {  	[sflag:s30] =	ssyncset.done $0x0  }
0x1f8: {  	[sflag:s30] =	ssyncadd.s32 $0xFFFFFC00  }
0x1f9: {  	_ =	swait.ge [sflag:s30], $0x400  }
0x1fa: {  	[sflag:s30] =	ssyncset.done $0x0  }
0x1fb: {  	[sflag:s30] =	ssyncadd.s32 $0xFFFFFC00  }
0x1fc: {  	_ =	swait.ge [sflag:s30], $0x400  }
0x1fd: {  	[sflag:s30] =	ssyncset.done $0x0  }
0x1fe: {  	[sflag:s30] =	ssyncadd.s32 $0xFFFFFC00  }
0x1ff: {  	_ =	swait.ge [sflag:s30], $0x400  }
0x200: {  	[sflag:s30] =	ssyncset.done $0x0  }
0x201: {  	[sflag:s30] =	ssyncadd.s32 $0xFFFFFC00  }
0x202: {  	_ =	swait.ge [sflag:s30], $0x400  }
0x203: {  	[sflag:s30] =	ssyncset.done $0x0  }
0x204: {  	[sflag:s30] =	ssyncadd.s32 $0xFFFFFC00  }
0x205: {  	_ =	swait.ge [sflag:s30], $0x400  }
0x206: {  	[sflag:s30] =	ssyncset.done $0x0  }
0x207: {  	[sflag:s30] =	ssyncadd.s32 $0xFFFFFC00  }
0x208: {  	v25 =	vld [tilespmem:$0x80]  }
0x209: {  	v26 =	vld [tilespmem:$0x90]  }
0x20a: {  	v27 =	vld [tilespmem:$0xA0]  }
0x20b: {  	v28 =	vld [tilespmem:$0xB0]  }
0x20c: {  	v4 =	vadd.f32 v15, v4;
	v29 =	vld [tilespmem:$0x500]  }
0x20d: {  	v11 =	vadd.f32 v14, v11;
	v9 =	vadd.f32 v13, v9;
	v55 =	vld [tilespmem:$0xC0]  }
0x20e: {  	v10 =	vadd.f32 v12, v10;
	v8 =	vadd.f32 v16, v8;
	v57 =	vld [tilespmem:$0x510]  }
0x20f: {  	v7 =	vadd.f32 v17, v7;
	v6 =	vadd.f32 v18, v6;
	v59 =	vld [tilespmem:$0xD0]  }
0x210: {  	s17 =	sshrl.u32 s11, $0x4;
	v5 =	vadd.f32 v19, v5;
	v11 =	vadd.f32 v20, v11;
	v60 =	vld [tilespmem:$0x520]  }
0x211: {  	s19 =	sand.u32 $0xF, s11;
	vm9 =	vmmov $0x1;
	s13 =	sand.u32 $0x7, s17;
	v34 =	vadd.f32 v21, v9;
	v62 =	vld [tilespmem:$0xE0];
	v25 =	vadd.f32 $0.0e+00, v25  }
0x212: {  	v43 =	vmov s19;
	p0 =	seq.s32 s13, $0x0;
	p1 =	seq.s32 s13, $0x1;
	v9 =	vadd.f32 v22, v10;
	v8 =	vadd.f32 v23, v8;
	v30 =	vld [tilespmem:$0xF0]  }
0x213: {  	v7 =	vadd.f32 v24, v7;
	v31 =	vld [tilespmem:$0x540];
	v54 =	vpsel !p1, $0x0, v26;
	v53 =	vpsel !p0, $0x0, v25  }
0x214: {  	s18 =	sshrl.u32 s12, $0x4;
	vm0 =	veq.s32 v43, v0;
	p4 =	seq.s32 s13, $0x2;
	v3 =	vadd.f32 v3, v4;
	v33 =	vld [tilespmem:$0x550];
	v56 =	vadd.f32 v54, v53  }
0x215: {  	s14 =	sand.u32 $0x7, s18;
	s16 =	sand.u32 $0xF, s12;
	v2 =	vadd.f32 v2, v6;
	v36 =	vld [tilespmem:$0x2080];
	v58 =	vpsel !p4, $0x0, v27;
	v63 =	vadd.f32 $0.0e+00, v29  }
0x216: {  	p2 =	seq.s32 s14, $0x1;
	v51 =	vmov s16;
	p5 =	seq.s32 s13, $0x3;
	v1 =	vadd.f32 v1, v5;
	p1 =	seq.s32 s14, $0x0;
	v29 =	vld [tilespmem:$0x530];
	v12 =	vadd.f32 v58, v56  }
0x217: {  	v37 =	vld [tilespmem:$0x560];
	v61 =	vpsel !p5, $0x0, v28;
	v15 =	vpsel !p2, $0x0, v57;
	v25 =	vpsel !p1, $0x0, v63  }
0x218: {  	p6 =	seq.s32 s13, $0x4;
	vm1 =	veq.s32 v51, v0;
	v39 =	vld [tilespmem:$0x980];
	p4 =	seq.s32 s14, $0x2;
	v15 =	vadd.f32 v15, v25;
	v12 =	vadd.f32 v61, v12  }
0x219: {  	v11 =	vmul.f32 $1.000020010e-06, v11;
	v41 =	vld [tilespmem:$0x570];
	v28 =	vpsel !p6, $0x0, v55;
	v14 =	vpsel !p4, $0x0, v60  }
0x21a: {  	p3 =	seq.s32 s13, $0x5;
	v9 =	vmul.f32 $1.000020010e-06, v9;
	v42 =	vld [tilespmem:$0x990];
	p6 =	seq.s32 s14, $0x3;
	v32 =	vadd.f32 v14, v15;
	v12 =	vadd.f32 v28, v12  }
0x21b: {  	v8 =	vmul.f32 $1.000020010e-06, v8;
	v44 =	vld [tilespmem:$0x2100];
	v13 =	vpsel !p3, $0x0, v59;
	v18 =	vpsel !p6, $0x0, v29  }
0x21c: {  	v45 =	vld [tilespmem:$0x9A0];
	p5 =	seq.s32 s13, $0x6;
	p3 =	seq.s32 s14, $0x4;
	v17 =	vmul.f32 $1.000020010e-06, v36;
	v12 =	vadd.f32 v13, v12;
	v13 =	vadd.f32 v18, v32  }
0x21d: {  	v47 =	vld [tilespmem:$0x9B0];
	v46 =	vadd.f32 $0.0e+00, v39;
	v35 =	vpsel !p5, $0x0, v62;
	v16 =	vpsel !p3, $0x0, v31  }
0x21e: {  	s20 =	sshrl.u32 s8, $0x4;
	v7 =	vmul.f32 $1.000020010e-06, v7;
	v48 =	vld [tilespmem:$0x9C0];
	p2 =	seq.s32 s13, $0x7;
	p4 =	seq.s32 s14, $0x5;
	v12 =	vadd.f32 v35, v12;
	v40 =	vadd.f32 v16, v13  }
0x21f: {  	s15 =	sand.u32 $0x7, s20;
	v50 =	vld [tilespmem:$0x9D0];
	v38 =	vpsel !p2, $0x0, v30;
	v17 =	vadd.f32 $-1.476373550e+00, v17;
	v14 =	vpsel !p4, $0x0, v33  }
0x220: {  	v2 =	vmul.f32 $1.000020010e-06, v2;
	p5 =	seq.s32 s14, $0x6;
	p3 =	seq.s32 s15, $0x2;
	v53 =	vld [tilespmem:$0xE00];
	v10 =	vadd.f32 v38, v12;
	v12 =	vadd.f32 v14, v40  }
0x221: {  	v1 =	vmul.f32 $1.000020010e-06, v1;
	v62 =	vld [tilespmem:$0x1280];
	p1 =	seq.s32 s15, $0x0;
	v20 =	vpsel !p3, $0x0, v45;
	v18 =	vpsel !p5, $0x0, v37  }
0x222: {  	v52 =	vld [tilespmem:$0x9E0];
	p2 =	seq.s32 s15, $0x1;
	v49 =	vpsel !p1, $0x0, v46;
	v17 =	vnsel vm9, $0x0, v17;
	p6 =	seq.s32 s14, $0x7;
	v12 =	vadd.f32 v18, v12  }
0x223: {  	v24 =	vld [tilespmem:$0xE30];
	p4 =	seq.s32 s15, $0x3;
	v58 =	vmul.f32 $1.000020010e-06, v34;
	v13 =	vpsel !p6, $0x0, v41;
	v16 =	vpsel !p2, $0x0, v42  }
0x224: {  	s17 =	sshrl.u32 s9, $0x4;
	s20 =	sand.u32 $0xF, s9;
	v43 =	vld [tilespmem:$0x12F0];
	v55 =	vpsel !p4, $0x0, v47;
	v12 =	vadd.f32 v13, v12;
	v13 =	vadd.f32 v16, v49  }
0x225: {  	s13 =	sand.u32 $0x7, s17;
	v60 =	vld [tilespmem:$0xE20];
	v47 =	vmov s20;
	v61 =	vadd.f32 $0.0e+00, v53;
	v14 =	vmul.f32 $1.000020010e-06, v44  }
0x226: {  	p1 =	seq.s32 s13, $0x0;
	v56 =	vld [tilespmem:$0xE10];
	v31 =	vadd.f32 $0.0e+00, v62;
	vm11 =	veq.s32 v47, v0;
	v13 =	vadd.f32 v20, v13  }
0x227: {  	v57 =	vld [tilespmem:$0x2180];
	v15 =	vpsel !p1, $0x0, v61;
	p5 =	seq.s32 s15, $0x4;
	v14 =	vadd.f32 $-1.476373550e+00, v14;
	v12 =	vmul.f32 $-8.999990220e-01, v12  }
0x228: {  	v26 =	vld [tilespmem:$0x1290];
	v59 =	vpsel !p5, $0x0, v48;
	p6 =	seq.s32 s15, $0x5;
	v10 =	vmul.f32 $-8.999990220e-01, v10;
	v13 =	vadd.f32 v55, v13  }
0x229: {  	v54 =	vld [tilespmem:$0x9F0];
	v23 =	vpsel !p6, $0x0, v50;
	v14 =	vnsel vm9, $0x0, v14;
	v12 =	vnsel vm1, $0x0, v12  }
0x22a: {  	s18 =	sshrl.u32 s10, $0x4;
	v27 =	vld [tilespmem:$0xE40];
	p2 =	seq.s32 s13, $0x1;
	p6 =	seq.s32 s13, $0x2;
	v10 =	vnsel vm0, $0x0, v10;
	v12 =	vadd.f32 v14, v12;
	v13 =	vadd.f32 v59, v13  }
0x22b: {  	v36 =	vld [tilespmem:$0xE60];
	p3 =	seq.s32 s11, $0x0;
	s11 =	sand.u32 $0x7, s18;
	p4 =	seq.s32 s15, $0x6;
	v25 =	vpsel !p2, $0x0, v56;
	v28 =	vpsel !p6, $0x0, v60;
	v10 =	vadd.f32 v17, v10  }
0x22c: {  	v45 =	vld [tilespmem:$0x2280];
	v16 =	vpsel !p4, $0x0, v52;
	p4 =	seq.s32 s11, $0x0;
	v63 =	vsub.f32 v12, v58;
	v12 =	vadd.f32 v23, v13  }
0x22d: {  	v29 =	vld [tilespmem:$0x12A0];
	p2 =	seq.s32 s15, $0x7;
	v35 =	vpsel !p4, $0x0, v31;
	v10 =	vsub.f32 v10, v11;
	v13 =	vadd.f32 v25, v15  }
0x22e: {  	v30 =	vld [tilespmem:$0xE50];
	p5 =	seq.s32 s12, $0x0;
	v17 =	vmul.f32 $1.000020010e-06, v57;
	v20 =	vpsel !p2, $0x0, v54;
	v12 =	vadd.f32 v16, v12  }
0x22f: {  	v34 =	vld [tilespmem:$0x12B0];
	v10 =	vpsel p3, $0x0, v10;
	p3 =	seq.s32 s13, $0x3;
	v11 =	vpsel p5, $0x0, v63;
	p5 =	seq.s32 s11, $0x1;
	v13 =	vadd.f32 v28, v13  }
0x230: {  	v39 =	vld [tilespmem:$0xE70];
	v33 =	vpsel !p3, $0x0, v24;
	v18 =	vpsel !p5, $0x0, v26;
	v32 =	vadd.f32 v20, v12  }
0x231: {  	v53 =	vmul.f32 $1.000020010e-06, v45;
	p1 =	seq.s32 s11, $0x2;
	p6 =	seq.s32 s13, $0x4;
	v38 =	vld [tilespmem:$0x12C0];
	v12 =	vadd.f32 v33, v13;
	v13 =	vadd.f32 v18, v35  }
0x232: {  	s19 =	sand.u32 $0xF, s8;
	v46 =	vld [tilespmem:$0x1700];
	v19 =	vpsel !p1, $0x0, v29;
	v17 =	vadd.f32 $-1.476373550e+00, v17;
	v15 =	vpsel !p6, $0x0, v27  }
0x233: {  	v37 =	vmov s19;
	v40 =	vld [tilespmem:$0x12D0];
	p2 =	seq.s32 s13, $0x5;
	p3 =	seq.s32 s11, $0x3;
	v12 =	vadd.f32 v15, v12;
	v13 =	vadd.f32 v19, v13  }
0x234: {  	vm10 =	veq.s32 v37, v0;
	v48 =	vld [tilespmem:$0x1710];
	v14 =	vpsel !p3, $0x0, v34;
	v16 =	vpsel !p2, $0x0, v30  }
0x235: {  	v42 =	vld [tilespmem:$0x12E0];
	p4 =	seq.s32 s13, $0x6;
	v17 =	vnsel vm9, $0x0, v17;
	p5 =	seq.s32 s11, $0x4;
	v12 =	vadd.f32 v16, v12;
	v13 =	vadd.f32 v14, v13  }
0x236: {  	v49 =	vld [tilespmem:$0x1720];
	p6 =	seq.s32 s13, $0x7;
	s13 =	sand.u32 $0xF, s10;
	v10 =	vadd.f32 v11, v10;
	v20 =	vpsel !p4, $0x0, v36;
	v18 =	vpsel !p5, $0x0, v38  }
0x237: {  	v56 =	vmov s13;
	v63 =	vld [tilespmem:$0x1B80];
	p2 =	seq.s32 s11, $0x5;
	v12 =	vadd.f32 v20, v12;
	v13 =	vadd.f32 v18, v13  }
0x238: {  	s12 =	sshrl.u32 s31, $0x4;
	v41 =	vld [tilespmem:$0x2200];
	vm12 =	veq.s32 v56, v0;
	v44 =	vpsel !p2, $0x0, v40;
	p4 =	seq.s32 s11, $0x7;
	v15 =	vpsel !p6, $0x0, v39  }
0x239: {  	s16 =	sand.u32 $0xF, s31;
	v55 =	vld [tilespmem:$0x1750];
	p3 =	seq.s32 s11, $0x6;
	s11 =	sand.u32 $0x7, s12;
	v51 =	vpsel !p4, $0x0, v43;
	v12 =	vadd.f32 v15, v12;
	v13 =	vadd.f32 v44, v13  }
0x23a: {  	p1 =	seq.s32 s11, $0x2;
	v43 =	vmov s16;
	v11 =	vmul.f32 $-8.999990220e-01, v32;
	v14 =	vpsel !p3, $0x0, v42  }
0x23b: {  	v52 =	vld [tilespmem:$0x1730];
	p6 =	seq.s32 s11, $0x1;
	v62 =	vpsel !p1, $0x0, v49;
	v12 =	vmul.f32 $-8.999990220e-01, v12;
	v13 =	vadd.f32 v14, v13  }
0x23c: {  	v22 =	vld [tilespmem:$0x1B90];
	v29 =	vadd.f32 $0.0e+00, v63;
	v58 =	vpsel !p6, $0x0, v48;
	v11 =	vnsel vm10, $0x0, v11  }
0x23d: {  	v45 =	vld [tilespmem:$0x2050];
	p1 =	seq.s32 s11, $0x5;
	v15 =	vadd.f32 $0.0e+00, v46;
	v50 =	vnsel vm11, $0x0, v12;
	v12 =	vadd.f32 v51, v13  }
0x23e: {  	v60 =	vld [tilespmem:$0x2300];
	p5 =	seq.s32 s11, $0x0;
	v31 =	vpsel !p1, $0x0, v55;
	v16 =	vmul.f32 $1.000020010e-06, v41;
	v11 =	vadd.f32 v17, v11  }
0x23f: {  	v57 =	vld [tilespmem:$0x1760];
	p3 =	seq.s32 s11, $0x3;
	v15 =	vpsel !p5, $0x0, v15;
	v13 =	vadd.f32 $-1.476373550e+00, v53;
	v12 =	vmul.f32 $-8.999990220e-01, v12  }
0x240: {  	v54 =	vld [tilespmem:$0x1740];
	v24 =	vpsel !p3, $0x0, v52;
	v16 =	vadd.f32 $-1.476373550e+00, v16;
	v15 =	vadd.f32 v58, v15  }
0x241: {  	s14 =	sshrl.u32 s6, $0x4;
	v59 =	vld [tilespmem:$0x1770];
	v9 =	vsub.f32 v11, v9;
	v13 =	vnsel vm9, $0x0, v13;
	v12 =	vnsel vm12, $0x0, v12  }
0x242: {  	v26 =	vld [tilespmem:$0x2000];
	p2 =	seq.s32 s8, $0x0;
	s8 =	sand.u32 $0x7, s14;
	v16 =	vnsel vm9, $0x0, v16;
	v61 =	vadd.f32 v13, v12;
	v12 =	vadd.f32 v62, v15  }
0x243: {  	v25 =	vld [tilespmem:$0x1BA0];
	p3 =	seq.s32 s8, $0x1;
	v46 =	vmul.f32 $1.000020010e-06, v60;
	v9 =	vpsel p2, $0x0, v9;
	v11 =	vadd.f32 v16, v50  }
0x244: {  	v30 =	vld [tilespmem:$0x2010];
	v34 =	vpsel !p3, $0x0, v22;
	v23 =	vadd.f32 v9, v10;
	p5 =	seq.s32 s11, $0x4;
	v9 =	vadd.f32 v24, v12  }
0x245: {  	v28 =	vld [tilespmem:$0x1BB0];
	p2 =	seq.s32 s8, $0x0;
	v49 =	vadd.f32 $-1.476373550e+00, v46;
	v27 =	vpsel !p5, $0x0, v54;
	v8 =	vsub.f32 v11, v8  }
0x246: {  	s15 =	sshrl.u32 s7, $0x4;
	v35 =	vld [tilespmem:$0x2020];
	p4 =	seq.s32 s9, $0x0;
	v33 =	vpsel !p2, $0x0, v29;
	p5 =	seq.s32 s11, $0x7;
	v7 =	vsub.f32 v61, v7;
	v6 =	vadd.f32 v27, v9  }
0x247: {  	s9 =	sand.u32 $0x7, s15;
	v32 =	vld [tilespmem:$0x1BC0];
	p6 =	seq.s32 s10, $0x0;
	v38 =	vpsel !p5, $0x0, v59;
	v11 =	vadd.f32 $0.0e+00, v26;
	v8 =	vpsel p4, $0x0, v8  }
0x248: {  	v39 =	vld [tilespmem:$0x2030];
	p3 =	seq.s32 s9, $0x1;
	p2 =	seq.s32 s9, $0x0;
	v7 =	vpsel p6, $0x0, v7;
	p6 =	seq.s32 s8, $0x2;
	v5 =	vadd.f32 v31, v6;
	v6 =	vadd.f32 v34, v33  }
0x249: {  	v37 =	vld [tilespmem:$0x1BD0];
	p4 =	seq.s32 s11, $0x6;
	v40 =	vpsel !p2, $0x0, v11;
	v12 =	vpsel !p3, $0x0, v30;
	v10 =	vpsel !p6, $0x0, v25  }
0x24a: {  	v42 =	vld [tilespmem:$0x2040];
	p5 =	seq.s32 s9, $0x2;
	v36 =	vpsel !p4, $0x0, v57;
	p4 =	seq.s32 s8, $0x3;
	v6 =	vadd.f32 v10, v6;
	v10 =	vadd.f32 v12, v40  }
0x24b: {  	v48 =	vld [tilespmem:$0x2060];
	v13 =	vpsel !p5, $0x0, v35;
	v4 =	vadd.f32 v8, v23;
	v8 =	vpsel !p4, $0x0, v28  }
0x24c: {  	vm13 =	veq.s32 v43, v0;
	p1 =	seq.s32 s9, $0x3;
	v41 =	vld [tilespmem:$0x1BE0];
	p6 =	seq.s32 s8, $0x4;
	v6 =	vadd.f32 v8, v6;
	v10 =	vadd.f32 v13, v10  }
0x24d: {  	s17 =	sand.u32 $0xF, s6;
	v52 =	vld [tilespmem:$0x2400];
	v15 =	vpsel !p1, $0x0, v39;
	v4 =	vadd.f32 v7, v4;
	v7 =	vpsel !p6, $0x0, v32  }
0x24e: {  	v55 =	vmov s17;
	v44 =	vld [tilespmem:$0x1BF0];
	p2 =	seq.s32 s8, $0x5;
	p3 =	seq.s32 s9, $0x4;
	v6 =	vadd.f32 v7, v6;
	v10 =	vadd.f32 v15, v10  }
0x24f: {  	v47 =	vld [tilespmem:$0x2380];
	v9 =	vpsel !p2, $0x0, v37;
	v5 =	vadd.f32 v36, v5;
	v12 =	vpsel !p3, $0x0, v42  }
0x250: {  	vm14 =	veq.s32 v55, v0;
	v50 =	vld [tilespmem:$0x2070];
	p5 =	seq.s32 s9, $0x5;
	p4 =	seq.s32 s8, $0x6;
	v6 =	vadd.f32 v9, v6;
	v10 =	vadd.f32 v12, v10  }
0x251: {  	v51 =	vpsel !p5, $0x0, v45;
	v11 =	vpsel !p4, $0x0, v41;
	v5 =	vadd.f32 v38, v5  }
0x252: {  	v57 =	vmul.f32 $1.000020010e-06, v52;
	p2 =	seq.s32 s9, $0x6;
	p6 =	seq.s32 s8, $0x7;
	v6 =	vadd.f32 v11, v6;
	v53 =	vadd.f32 v51, v10  }
0x253: {  	v54 =	vpsel !p2, $0x0, v48;
	v8 =	vpsel !p6, $0x0, v44;
	v5 =	vmul.f32 $-8.999990220e-01, v5  }
0x254: {  	p3 =	seq.s32 s9, $0x7;
	v7 =	vmul.f32 $1.000020010e-06, v47;
	v6 =	vadd.f32 v8, v6;
	v8 =	vadd.f32 v54, v53  }
0x255: {  	v56 =	vpsel !p3, $0x0, v50;
	v5 =	vnsel vm13, $0x0, v5;
	v9 =	vnsel vm9, $0x0, v49  }
0x256: {  	s18 =	sand.u32 $0xF, s7;
	v7 =	vadd.f32 $-1.476373550e+00, v7;
	v6 =	vmul.f32 $-8.999990220e-01, v6;
	v8 =	vadd.f32 v56, v8  }
0x257: {  	v60 =	vmov s18;
	v5 =	vadd.f32 v9, v5;
	v9 =	vadd.f32 $-1.476373550e+00, v57  }
0x258: {  	v59 =	vnsel vm9, $0x0, v7;
	v58 =	vnsel vm14, $0x0, v6;
	v8 =	vmul.f32 $-8.999990220e-01, v8  }
0x259: {  	vm15 =	veq.s32 v60, v0;
	v2 =	vsub.f32 v5, v2;
	v5 =	vadd.f32 v59, v58  }
0x25a: {  	v3 =	vmul.f32 $1.000020010e-06, v3;
	p4 =	seq.s32 s31, $0x0;
	v62 =	vnsel vm9, $0x0, v9;
	v61 =	vnsel vm15, $0x0, v8  }
0x25b: {  	v2 =	vpsel p4, $0x0, v2;
	v1 =	vsub.f32 v5, v1;
	v63 =	vadd.f32 v62, v61  }
0x25c: {  	p5 =	seq.s32 s6, $0x0;
	v2 =	vadd.f32 v2, v4  }
0x25d: {  	v1 =	vpsel p5, $0x0, v1;
	v3 =	vsub.f32 v63, v3  }
0x25e: {  	p6 =	seq.s32 s7, $0x0;
	v1 =	vadd.f32 v1, v2  }
0x25f: {  	v2 =	vpsel p6, $0x0, v3  }
0x260: {  	v1 =	vadd.f32 v2, v1;
	_ =	sdelay $0x1  }
0x261: {  	s20 =	simm.s32 $0x2480;
	s19 =	rddreg [dreg:$0x10];
	[tilespmem:$0x2480] =	vst v1  }
0x262: {  	[hbm4b:s19+s3] =	stream.linear.scatter [tilespmem:s20], [sflag:$0x6], $0x80, $0x38;
	[tilespmem:$0x1F500] =	vst v63  }
0x263: {  	_ =	swait.ge [sflag:s21], $0x80  }
0x264: {  	s1 =	sadd.s32 $0x1, s1;
	s31 =	rddreg [dreg:$0x11]  }
0x265: {  	p0 =	sne.s32 s1, s31  }
.Ltmp12:
0x266: {  	_ = 	snop;
	(pc) =	sbr.rel @p0 .LBB2_1-.Ltmp12, $3  }
0x267: {  	_ =	sdelay $0x1  }
0x268: {  	[sflag:s21] =	ssyncset.done $0x0  }
0x269: {  	[sflag:s21] =	ssyncadd.s32 $0xFFFFFF80  }
0x26a: {  	_ =	sfence.sel $0x180000  }
0x26b: {  	[bflag:$0x0] =	sbarrier.arrive $0xFFFF  }
0x26c: {  	_ =	strace $0x90000047  }
0x26d: {  	s0 =	stileid.u32;
	[bflag:$0x2] =	sbarrier.arrive $0xFFFF  }
0x26e: {  	p0 =	sne.s32 s0, $0x0;
	s0 =	rddreg [dreg:$0x2]  }
0x26f: {  	s0 =	sadd.s32 @!p0 $0x100000, s0  }
0x270: {  	[sflag:s0] =	ssyncadd.tile.s32 @!p0 $0x1;
	_ =	shalt  }
.Lfunc_end2:
_tile_overlayer_lowered:
.L_overlay_start_2:
0x271: {  	(tag) =	ssettag $0x2  }
0x272: {  	s0 =	rddreg [dreg:$0x0];
	s2 =	stileid.u32  }
0x273: {  	s1 =	rddreg [dreg:$0x1];
	p0 =	sne.s32 s2, $0x0  }
0x274: {  	s3 =	rddreg [dreg:$0x2];
	[bflag:$0x3] =	sbarrier.arrive $0xFFFF;
	s2 =	simm.s32 @!p0 $0x1C06  }
0x275: {  	[timem:s3], [sflag:s2] =	dma.local @!p0 [hbm:s0], s1  }
0x276: {  	s0 =	simm.s32 @!p0 $0x6  }
0x277: {  	_ =	swait.ge @!p0 [sflag:s0], s1  }
0x278: {  	s1 =	ssub.s32 @!p0 $0x0, s1;
	[sflag:s0] =	ssyncset.done @!p0 $0x0  }
0x279: {  	[sflag:s0] =	ssyncadd.s32 @!p0 s1  }
0x27a: {  	[bflag:$0x3] =	sbarrier.arrive $0xFFFF  }
0x27b: {  	_ =	shalt  }

</sc_bundles>
